<compile_context>
chip_gen: v7x
topology: tpu7x:2x2x1
jax: 0.10.2.dev20260603
libtpu: 0.0.44.dev20260713+nightly
codegen_flags: <defaults>
</compile_context>

<pallas_src>
import jax
import jax.numpy as jnp
from jax import lax
from jax.experimental import pallas as pl
from jax.experimental.pallas import tpu as pltpu
from jax.experimental.pallas import tpu_sc as plsc

B, L, H, OUT, V = 4096, 50, 64, 6, 100000
HP = H
LP = 56
NC, NS = 2, 16
NW = NC * NS
BPW = B // NW
NB = 4
NG = BPW // NB
HC2 = H // 32
KF = 10


def _sc_body(abs_hbm, tab_hbm, w_hbm, bias_hbm, out_hbm,
             idx_v, w_v, rows_v, out_v, bias_v, tbuf_v, sems):
    wid = lax.axis_index("s") * NC + lax.axis_index("c")
    base = wid * BPW
    pltpu.sync_copy(abs_hbm.at[pl.ds(base * LP, BPW * LP)], idx_v)
    pltpu.sync_copy(w_hbm, w_v)
    pltpu.sync_copy(bias_hbm.at[pl.ds(0, 16)], bias_v)
    lane = lax.iota(jnp.int32, 16)
    col_idx = [lane * 16 + o for o in range(OUT)]

    def fire(g, phase):
        for b in range(NB):
            pltpu.async_copy(
                tab_hbm.at[idx_v.at[pl.ds((g * NB + b) * LP, L)]],
                rows_v.at[phase * NB + b], sems.at[phase])

    def drain(g, phase):
        for b in range(NB):
            pltpu.make_async_copy(
                tab_hbm.at[idx_v.at[pl.ds((g * NB + b) * LP, L)]],
                rows_v.at[phase * NB + b], sems.at[phase]).wait()

    fire(0, 0)
    fire(1, 1)

    def group_body(g, carry):
        phase = lax.rem(g, 2)
        pb = phase * NB

        @pl.when(phase == 0)
        def _():
            drain(g, 0)

        @pl.when(phase == 1)
        def _():
            drain(g, 1)

        def step_body(s, faccs):
            accs = [jnp.zeros((32,), jnp.bfloat16)
                    for _ in range(NB * OUT)]
            for dl in range(KF):
                l = s * KF + dl
                rows = []
                for b in range(NB):
                    for c in range(HC2):
                        lo = rows_v[pb + b, l, pl.ds(c * 32, 16)]
                        hi = rows_v[pb + b, l, pl.ds(c * 32 + 16, 16)]
                        rows.append(plsc.pack(
                            lo, hi, format=plsc.PackFormat.INTERLEAVED))
                for o in range(OUT):
                    w = [plsc.bitcast(
                            w_v[pl.ds((l * OUT + o) * 32 + c * 16, 16)],
                            jnp.bfloat16)
                         for c in range(HC2)]
                    for b in range(NB):
                        a = accs[b * OUT + o]
                        for c in range(HC2):
                            a = a + w[c] * rows[b * HC2 + c]
                        accs[b * OUT + o] = a
            new = list(faccs)
            for k in range(NB * OUT):
                p0, p1 = plsc.unpack(
                    accs[k], format=plsc.PackFormat.INTERLEAVED,
                    preferred_element_type=jnp.float32)
                new[k] = new[k] + (p0 + p1)
            return tuple(new)

        fzeros = tuple(jnp.zeros((16,), jnp.float32)
                       for _ in range(NB * OUT))
        faccs = lax.fori_loop(0, L // KF, step_body, fzeros)

        @pl.when(jnp.logical_and(g + 2 < NG, phase == 0))
        def _():
            fire(g + 2, 0)

        @pl.when(jnp.logical_and(g + 2 < NG, phase == 1))
        def _():
            fire(g + 2, 1)

        bias = bias_v[:]
        for b in range(NB):
            for o in range(OUT):
                plsc.store_scatter(tbuf_v, [col_idx[o]],
                                   faccs[b * OUT + o])
            row = bias
            for h in range(16):
                row = row + tbuf_v[pl.ds(h * 16, 16)]
            out_v[pl.ds((g * NB + b) * 16, 16)] = row
        return carry

    lax.fori_loop(0, NG, group_body, 0)
    pltpu.sync_copy(out_v, out_hbm.at[pl.ds(base * 16, BPW * 16)])


@jax.jit
def kernel(abstract, emb_table, W, b):
    tabp = emb_table
    wt = (W.reshape(OUT, L, H).transpose(1, 0, 2)
          .reshape(L, OUT, HC2, 2, 16).transpose(0, 1, 2, 4, 3)
          .astype(jnp.bfloat16).reshape(L * OUT * H // 2, 2))
    w_pk = jax.lax.bitcast_convert_type(wt, jnp.float32)
    ab_flat = jnp.pad(abstract, ((0, 0), (0, LP - L))).reshape(B * LP)
    bias128 = jnp.zeros((128,), jnp.float32).at[:OUT].set(b)
    mesh = plsc.VectorSubcoreMesh(
        core_axis_name="c", subcore_axis_name="s",
        num_cores=NC, num_subcores=NS)
    f = pl.kernel(
        _sc_body,
        out_type=jax.ShapeDtypeStruct((B * 16,), jnp.float32),
        mesh=mesh,
        compiler_params=pltpu.CompilerParams(
            needs_layout_passes=False, use_tc_tiling_on_sc=False),
        scratch_types=[
            pltpu.VMEM((BPW * LP,), jnp.int32),
            pltpu.VMEM((L * OUT * H // 2,), jnp.float32),
            pltpu.VMEM((2 * NB, L, HP), jnp.float32),
            pltpu.VMEM((BPW * 16,), jnp.float32),
            pltpu.VMEM((16,), jnp.float32),
            pltpu.VMEM((256,), jnp.float32),
            pltpu.SemaphoreType.DMA((2,)),
        ],
    )
    out = f(ab_flat, tabp, w_pk, bias128)
    return out.reshape(B, 16)[:, :OUT]

# --- scband reference (transcript-rebuilt; emitter-appended) ---
"""Pipeline reference for scband-logistic-regression-14680198218103 (READ-ONLY COPY).

The authoritative reference and input builder live on the scoring server;
editing this copy changes nothing except your own understanding.
"""

import jax, jax.numpy as jnp
import numpy as np

VOCAB = 100000
HIDDEN = 64
MAX_LEN = 50
BATCH = 4096
OUT = 6


def setup_inputs(seed: int = 0) -> dict:
    key = jax.random.key(seed)
    k1, k2, k3, k4 = jax.random.split(key, 4)
    abstract = jax.random.randint(k1, (BATCH, MAX_LEN), 0, VOCAB, dtype=jnp.int64 if jax.config.jax_enable_x64 else jnp.int32).astype(jnp.int32)
    # embedding table, initialized like nn.Embedding (N(0,1))
    emb_table = jax.random.normal(k2, (VOCAB, HIDDEN), dtype=jnp.float32)
    # linear layer params, kaiming-uniform-ish like nn.Linear
    fan_in = HIDDEN * MAX_LEN
    bound = 1.0 / np.sqrt(fan_in)
    W = jax.random.uniform(k3, (OUT, fan_in), minval=-bound, maxval=bound, dtype=jnp.float32)
    b = jax.random.uniform(k4, (OUT,), minval=-bound, maxval=bound, dtype=jnp.float32)
    return {"abstract": abstract, "emb_table": emb_table, "W": W, "b": b}


def reference(abstract, emb_table, W, b):
    # embedding lookup: [B, L] -> [B, L, H]
    e = jnp.take(emb_table, abstract, axis=0)
    # flatten from dim 1: [B, L*H]
    flat = e.reshape(e.shape[0], -1)
    # linear: x @ W^T + b
    out = flat @ W.T + b
    return out

if __name__ == "__main__":
    import jax
    _d = setup_inputs()
    print(jax.jit(kernel)(*tuple(_d.values())))

</pallas_src>

<mosaic_0001>
#map = affine_map<(d0, d1) -> (0)>
#map1 = affine_map<(d0, d1) -> (0, 0)>
module attributes {stable_mosaic.version = 14 : i64} {
  func.func @_sc_body(%arg0: i32, %arg1: i32, %arg2: memref<229376xi32, #tpu.memory_space<hbm>>, %arg3: memref<100000x64xf32, #tpu.memory_space<hbm>>, %arg4: memref<9600xf32, #tpu.memory_space<hbm>>, %arg5: memref<128xf32, #tpu.memory_space<hbm>>, %arg6: memref<65536xf32, #tpu.memory_space<hbm>>, %arg7: memref<7168xi32, #tpu.memory_space<vmem>>, %arg8: memref<9600xf32, #tpu.memory_space<vmem>>, %arg9: memref<8x50x64xf32, #tpu.memory_space<vmem>>, %arg10: memref<2048xf32, #tpu.memory_space<vmem>>, %arg11: memref<16xf32, #tpu.memory_space<vmem>>, %arg12: memref<256xf32, #tpu.memory_space<vmem>>, %arg13: memref<2x!tpu.dma_semaphore, #tpu.memory_space<semaphore_mem>>) attributes {dimension_semantics = [#tpu.dimension_semantics<core_parallel>, #tpu.dimension_semantics<subcore_parallel>], iteration_bounds = array<i64: 2, 16>, scalar_prefetch = 0 : i64, scratch_operands = 7 : i64, tpu.core_type = #tpu.core_type<sc_vector_subcore>, window_params = [{transform_indices = #map}, {transform_indices = #map1}, {transform_indices = #map}, {transform_indices = #map}, {transform_indices = #map}]} {
    %mul3A = arith.constant 2 : i32
    %mul3A_0 = arith.muli %arg1, %mul3A : i32
    %add3A = arith.addi %mul3A_0, %arg0 : i32
    %mul3A_1 = arith.constant 128 : i32
    %mul3A_2 = arith.muli %add3A, %mul3A_1 : i32
    %mul3A_3 = arith.constant 56 : i32
    %mul3A_4 = arith.muli %mul3A_2, %mul3A_3 : i32
    "tpu.region"() ({
      %run_scoped3A = tpu.sem_alloc : memref<!tpu.dma_semaphore, #tpu.memory_space<semaphore_mem>>
      %dma_start3A_151 = tpu.memref_slice %arg2[%mul3A_4] : memref<229376xi32, #tpu.memory_space<hbm>> -> memref<7168xi32, #tpu.memory_space<hbm>>
      %dma_start3A_152 = tpu.memref_slice %arg2[%mul3A_4] : memref<229376xi32, #tpu.memory_space<hbm>> -> memref<7168xi32, #tpu.memory_space<hbm>>
      tpu.enqueue_dma source(%dma_start3A_152 : memref<7168xi32, #tpu.memory_space<hbm>>) target(%arg7 : memref<7168xi32, #tpu.memory_space<vmem>>) target_semaphore(%run_scoped3A : memref<!tpu.dma_semaphore, #tpu.memory_space<semaphore_mem>>)
      %dma_wait3A = tpu.memref_slice %arg2[%mul3A_4] : memref<229376xi32, #tpu.memory_space<hbm>> -> memref<7168xi32, #tpu.memory_space<hbm>>
      %dma_wait3A_153 = tpu.memref_slice %arg2[%mul3A_4] : memref<229376xi32, #tpu.memory_space<hbm>> -> memref<7168xi32, #tpu.memory_space<hbm>>
      tpu.wait_dma2 semaphore(%run_scoped3A : memref<!tpu.dma_semaphore, #tpu.memory_space<semaphore_mem>>) src(%dma_wait3A_153 : memref<7168xi32, #tpu.memory_space<hbm>>) dst(%arg7 : memref<7168xi32, #tpu.memory_space<vmem>>)
      tpu.yield
    }) : () -> ()
    "tpu.region"() ({
      %run_scoped3A = tpu.sem_alloc : memref<!tpu.dma_semaphore, #tpu.memory_space<semaphore_mem>>
      tpu.enqueue_dma source(%arg4 : memref<9600xf32, #tpu.memory_space<hbm>>) target(%arg8 : memref<9600xf32, #tpu.memory_space<vmem>>) target_semaphore(%run_scoped3A : memref<!tpu.dma_semaphore, #tpu.memory_space<semaphore_mem>>)
      tpu.wait_dma2 semaphore(%run_scoped3A : memref<!tpu.dma_semaphore, #tpu.memory_space<semaphore_mem>>) src(%arg4 : memref<9600xf32, #tpu.memory_space<hbm>>) dst(%arg8 : memref<9600xf32, #tpu.memory_space<vmem>>)
      tpu.yield
    }) : () -> ()
    "tpu.region"() ({
      %run_scoped3A = tpu.sem_alloc : memref<!tpu.dma_semaphore, #tpu.memory_space<semaphore_mem>>
      %dma_start3A_151 = arith.constant 0 : i32
      %dma_start3A_152 = tpu.memref_slice %arg5[%dma_start3A_151] : memref<128xf32, #tpu.memory_space<hbm>> -> memref<16xf32, #tpu.memory_space<hbm>>
      %dma_start3A_153 = arith.constant 0 : i32
      %dma_start3A_154 = tpu.memref_slice %arg5[%dma_start3A_153] : memref<128xf32, #tpu.memory_space<hbm>> -> memref<16xf32, #tpu.memory_space<hbm>>
      tpu.enqueue_dma source(%dma_start3A_154 : memref<16xf32, #tpu.memory_space<hbm>>) target(%arg11 : memref<16xf32, #tpu.memory_space<vmem>>) target_semaphore(%run_scoped3A : memref<!tpu.dma_semaphore, #tpu.memory_space<semaphore_mem>>)
      %dma_wait3A = arith.constant 0 : i32
      %dma_wait3A_155 = tpu.memref_slice %arg5[%dma_wait3A] : memref<128xf32, #tpu.memory_space<hbm>> -> memref<16xf32, #tpu.memory_space<hbm>>
      %dma_wait3A_156 = arith.constant 0 : i32
      %dma_wait3A_157 = tpu.memref_slice %arg5[%dma_wait3A_156] : memref<128xf32, #tpu.memory_space<hbm>> -> memref<16xf32, #tpu.memory_space<hbm>>
      tpu.wait_dma2 semaphore(%run_scoped3A : memref<!tpu.dma_semaphore, #tpu.memory_space<semaphore_mem>>) src(%dma_wait3A_157 : memref<16xf32, #tpu.memory_space<hbm>>) dst(%arg11 : memref<16xf32, #tpu.memory_space<vmem>>)
      tpu.yield
    }) : () -> ()
    %iota3A = tpu.iota {dimensions = array<i32: 0>} : vector<16xi32>
    %mul3A_5 = arith.constant 16 : i32
    %mul3A_6 = vector.broadcast %mul3A_5 : i32 to vector<16xi32>
    %mul3A_7 = arith.muli %iota3A, %mul3A_6 : vector<16xi32>
    %add3A_8 = arith.constant 0 : i32
    %add3A_9 = vector.broadcast %add3A_8 : i32 to vector<16xi32>
    %add3A_10 = arith.addi %mul3A_7, %add3A_9 : vector<16xi32>
    %mul3A_11 = arith.constant 16 : i32
    %mul3A_12 = vector.broadcast %mul3A_11 : i32 to vector<16xi32>
    %mul3A_13 = arith.muli %iota3A, %mul3A_12 : vector<16xi32>
    %add3A_14 = arith.constant 1 : i32
    %add3A_15 = vector.broadcast %add3A_14 : i32 to vector<16xi32>
    %add3A_16 = arith.addi %mul3A_13, %add3A_15 : vector<16xi32>
    %mul3A_17 = arith.constant 16 : i32
    %mul3A_18 = vector.broadcast %mul3A_17 : i32 to vector<16xi32>
    %mul3A_19 = arith.muli %iota3A, %mul3A_18 : vector<16xi32>
    %add3A_20 = arith.constant 2 : i32
    %add3A_21 = vector.broadcast %add3A_20 : i32 to vector<16xi32>
    %add3A_22 = arith.addi %mul3A_19, %add3A_21 : vector<16xi32>
    %mul3A_23 = arith.constant 16 : i32
    %mul3A_24 = vector.broadcast %mul3A_23 : i32 to vector<16xi32>
    %mul3A_25 = arith.muli %iota3A, %mul3A_24 : vector<16xi32>
    %add3A_26 = arith.constant 3 : i32
    %add3A_27 = vector.broadcast %add3A_26 : i32 to vector<16xi32>
    %add3A_28 = arith.addi %mul3A_25, %add3A_27 : vector<16xi32>
    %mul3A_29 = arith.constant 16 : i32
    %mul3A_30 = vector.broadcast %mul3A_29 : i32 to vector<16xi32>
    %mul3A_31 = arith.muli %iota3A, %mul3A_30 : vector<16xi32>
    %add3A_32 = arith.constant 4 : i32
    %add3A_33 = vector.broadcast %add3A_32 : i32 to vector<16xi32>
    %add3A_34 = arith.addi %mul3A_31, %add3A_33 : vector<16xi32>
    %mul3A_35 = arith.constant 16 : i32
    %mul3A_36 = vector.broadcast %mul3A_35 : i32 to vector<16xi32>
    %mul3A_37 = arith.muli %iota3A, %mul3A_36 : vector<16xi32>
    %add3A_38 = arith.constant 5 : i32
    %add3A_39 = vector.broadcast %add3A_38 : i32 to vector<16xi32>
    %add3A_40 = arith.addi %mul3A_37, %add3A_39 : vector<16xi32>
    %dma_start3A = arith.constant 0 : i32
    %dma_start3A_41 = arith.constant 0 : i32
    %dma_start3A_42 = arith.constant 0 : i32
    %dma_start3A_43 = arith.constant 0 : i32
    %dma_start3A_44 = tpu.memref_slice %arg9[%dma_start3A, %dma_start3A_42, %dma_start3A_43] : memref<8x50x64xf32, #tpu.memory_space<vmem>> -> memref<1x50x64xf32, #tpu.memory_space<vmem>>
    %dma_start3A_45 = tpu.memref_squeeze %dma_start3A_44 : memref<1x50x64xf32, #tpu.memory_space<vmem>> -> memref<50x64xf32, #tpu.memory_space<vmem>>
    %dma_start3A_46 = arith.constant 0 : i32
    %dma_start3A_47 = tpu.memref_slice %arg7[%dma_start3A_46] : memref<7168xi32, #tpu.memory_space<vmem>> -> memref<50xi32, #tpu.memory_space<vmem>>
    %dma_start3A_48 = arith.constant 0 : i32
    %dma_start3A_49 = arith.constant 0 : i32
    %dma_start3A_50 = tpu.memref_slice %arg3[%dma_start3A_48, %dma_start3A_49] : memref<100000x64xf32, #tpu.memory_space<hbm>> -> memref<100000x64xf32, #tpu.memory_space<hbm>>
    %dma_start3A_51 = tpu.memref_slice %arg13[%dma_start3A_41] : memref<2x!tpu.dma_semaphore, #tpu.memory_space<semaphore_mem>> -> memref<1x!tpu.dma_semaphore, #tpu.memory_space<semaphore_mem>>
    %dma_start3A_52 = tpu.memref_squeeze %dma_start3A_51 : memref<1x!tpu.dma_semaphore, #tpu.memory_space<semaphore_mem>> -> memref<!tpu.dma_semaphore, #tpu.memory_space<semaphore_mem>>
    tpu.enqueue_indirect_dma source(%dma_start3A_50 : memref<100000x64xf32, #tpu.memory_space<hbm>>) target(%dma_start3A_45 : memref<50x64xf32, #tpu.memory_space<vmem>>) offsets(%dma_start3A_47 : memref<50xi32, #tpu.memory_space<vmem>>) semaphore(%dma_start3A_52 : memref<!tpu.dma_semaphore, #tpu.memory_space<semaphore_mem>>)
    %dma_start3A_53 = arith.constant 1 : i32
    %dma_start3A_54 = arith.constant 0 : i32
    %dma_start3A_55 = arith.constant 0 : i32
    %dma_start3A_56 = arith.constant 0 : i32
    %dma_start3A_57 = tpu.memref_slice %arg9[%dma_start3A_53, %dma_start3A_55, %dma_start3A_56] : memref<8x50x64xf32, #tpu.memory_space<vmem>> -> memref<1x50x64xf32, #tpu.memory_space<vmem>>
    %dma_start3A_58 = tpu.memref_squeeze %dma_start3A_57 : memref<1x50x64xf32, #tpu.memory_space<vmem>> -> memref<50x64xf32, #tpu.memory_space<vmem>>
    %dma_start3A_59 = arith.constant 56 : i32
    %dma_start3A_60 = tpu.memref_slice %arg7[%dma_start3A_59] : memref<7168xi32, #tpu.memory_space<vmem>> -> memref<50xi32, #tpu.memory_space<vmem>>
    %dma_start3A_61 = arith.constant 0 : i32
    %dma_start3A_62 = arith.constant 0 : i32
    %dma_start3A_63 = tpu.memref_slice %arg3[%dma_start3A_61, %dma_start3A_62] : memref<100000x64xf32, #tpu.memory_space<hbm>> -> memref<100000x64xf32, #tpu.memory_space<hbm>>
    %dma_start3A_64 = tpu.memref_slice %arg13[%dma_start3A_54] : memref<2x!tpu.dma_semaphore, #tpu.memory_space<semaphore_mem>> -> memref<1x!tpu.dma_semaphore, #tpu.memory_space<semaphore_mem>>
    %dma_start3A_65 = tpu.memref_squeeze %dma_start3A_64 : memref<1x!tpu.dma_semaphore, #tpu.memory_space<semaphore_mem>> -> memref<!tpu.dma_semaphore, #tpu.memory_space<semaphore_mem>>
    tpu.enqueue_indirect_dma source(%dma_start3A_63 : memref<100000x64xf32, #tpu.memory_space<hbm>>) target(%dma_start3A_58 : memref<50x64xf32, #tpu.memory_space<vmem>>) offsets(%dma_start3A_60 : memref<50xi32, #tpu.memory_space<vmem>>) semaphore(%dma_start3A_65 : memref<!tpu.dma_semaphore, #tpu.memory_space<semaphore_mem>>)
    %dma_start3A_66 = arith.constant 2 : i32
    %dma_start3A_67 = arith.constant 0 : i32
    %dma_start3A_68 = arith.constant 0 : i32
    %dma_start3A_69 = arith.constant 0 : i32
    %dma_start3A_70 = tpu.memref_slice %arg9[%dma_start3A_66, %dma_start3A_68, %dma_start3A_69] : memref<8x50x64xf32, #tpu.memory_space<vmem>> -> memref<1x50x64xf32, #tpu.memory_space<vmem>>
    %dma_start3A_71 = tpu.memref_squeeze %dma_start3A_70 : memref<1x50x64xf32, #tpu.memory_space<vmem>> -> memref<50x64xf32, #tpu.memory_space<vmem>>
    %dma_start3A_72 = arith.constant 112 : i32
    %dma_start3A_73 = tpu.memref_slice %arg7[%dma_start3A_72] : memref<7168xi32, #tpu.memory_space<vmem>> -> memref<50xi32, #tpu.memory_space<vmem>>
    %dma_start3A_74 = arith.constant 0 : i32
    %dma_start3A_75 = arith.constant 0 : i32
    %dma_start3A_76 = tpu.memref_slice %arg3[%dma_start3A_74, %dma_start3A_75] : memref<100000x64xf32, #tpu.memory_space<hbm>> -> memref<100000x64xf32, #tpu.memory_space<hbm>>
    %dma_start3A_77 = tpu.memref_slice %arg13[%dma_start3A_67] : memref<2x!tpu.dma_semaphore, #tpu.memory_space<semaphore_mem>> -> memref<1x!tpu.dma_semaphore, #tpu.memory_space<semaphore_mem>>
    %dma_start3A_78 = tpu.memref_squeeze %dma_start3A_77 : memref<1x!tpu.dma_semaphore, #tpu.memory_space<semaphore_mem>> -> memref<!tpu.dma_semaphore, #tpu.memory_space<semaphore_mem>>
    tpu.enqueue_indirect_dma source(%dma_start3A_76 : memref<100000x64xf32, #tpu.memory_space<hbm>>) target(%dma_start3A_71 : memref<50x64xf32, #tpu.memory_space<vmem>>) offsets(%dma_start3A_73 : memref<50xi32, #tpu.memory_space<vmem>>) semaphore(%dma_start3A_78 : memref<!tpu.dma_semaphore, #tpu.memory_space<semaphore_mem>>)
    %dma_start3A_79 = arith.constant 3 : i32
    %dma_start3A_80 = arith.constant 0 : i32
    %dma_start3A_81 = arith.constant 0 : i32
    %dma_start3A_82 = arith.constant 0 : i32
    %dma_start3A_83 = tpu.memref_slice %arg9[%dma_start3A_79, %dma_start3A_81, %dma_start3A_82] : memref<8x50x64xf32, #tpu.memory_space<vmem>> -> memref<1x50x64xf32, #tpu.memory_space<vmem>>
    %dma_start3A_84 = tpu.memref_squeeze %dma_start3A_83 : memref<1x50x64xf32, #tpu.memory_space<vmem>> -> memref<50x64xf32, #tpu.memory_space<vmem>>
    %dma_start3A_85 = arith.constant 168 : i32
    %dma_start3A_86 = tpu.memref_slice %arg7[%dma_start3A_85] : memref<7168xi32, #tpu.memory_space<vmem>> -> memref<50xi32, #tpu.memory_space<vmem>>
    %dma_start3A_87 = arith.constant 0 : i32
    %dma_start3A_88 = arith.constant 0 : i32
    %dma_start3A_89 = tpu.memref_slice %arg3[%dma_start3A_87, %dma_start3A_88] : memref<100000x64xf32, #tpu.memory_space<hbm>> -> memref<100000x64xf32, #tpu.memory_space<hbm>>
    %dma_start3A_90 = tpu.memref_slice %arg13[%dma_start3A_80] : memref<2x!tpu.dma_semaphore, #tpu.memory_space<semaphore_mem>> -> memref<1x!tpu.dma_semaphore, #tpu.memory_space<semaphore_mem>>
    %dma_start3A_91 = tpu.memref_squeeze %dma_start3A_90 : memref<1x!tpu.dma_semaphore, #tpu.memory_space<semaphore_mem>> -> memref<!tpu.dma_semaphore, #tpu.memory_space<semaphore_mem>>
    tpu.enqueue_indirect_dma source(%dma_start3A_89 : memref<100000x64xf32, #tpu.memory_space<hbm>>) target(%dma_start3A_84 : memref<50x64xf32, #tpu.memory_space<vmem>>) offsets(%dma_start3A_86 : memref<50xi32, #tpu.memory_space<vmem>>) semaphore(%dma_start3A_91 : memref<!tpu.dma_semaphore, #tpu.memory_space<semaphore_mem>>)
    %dma_start3A_92 = arith.constant 4 : i32
    %dma_start3A_93 = arith.constant 1 : i32
    %dma_start3A_94 = arith.constant 0 : i32
    %dma_start3A_95 = arith.constant 0 : i32
    %dma_start3A_96 = tpu.memref_slice %arg9[%dma_start3A_92, %dma_start3A_94, %dma_start3A_95] : memref<8x50x64xf32, #tpu.memory_space<vmem>> -> memref<1x50x64xf32, #tpu.memory_space<vmem>>
    %dma_start3A_97 = tpu.memref_squeeze %dma_start3A_96 : memref<1x50x64xf32, #tpu.memory_space<vmem>> -> memref<50x64xf32, #tpu.memory_space<vmem>>
    %dma_start3A_98 = arith.constant 224 : i32
    %dma_start3A_99 = tpu.memref_slice %arg7[%dma_start3A_98] : memref<7168xi32, #tpu.memory_space<vmem>> -> memref<50xi32, #tpu.memory_space<vmem>>
    %dma_start3A_100 = arith.constant 0 : i32
    %dma_start3A_101 = arith.constant 0 : i32
    %dma_start3A_102 = tpu.memref_slice %arg3[%dma_start3A_100, %dma_start3A_101] : memref<100000x64xf32, #tpu.memory_space<hbm>> -> memref<100000x64xf32, #tpu.memory_space<hbm>>
    %dma_start3A_103 = tpu.memref_slice %arg13[%dma_start3A_93] : memref<2x!tpu.dma_semaphore, #tpu.memory_space<semaphore_mem>> -> memref<1x!tpu.dma_semaphore, #tpu.memory_space<semaphore_mem>>
    %dma_start3A_104 = tpu.memref_squeeze %dma_start3A_103 : memref<1x!tpu.dma_semaphore, #tpu.memory_space<semaphore_mem>> -> memref<!tpu.dma_semaphore, #tpu.memory_space<semaphore_mem>>
    tpu.enqueue_indirect_dma source(%dma_start3A_102 : memref<100000x64xf32, #tpu.memory_space<hbm>>) target(%dma_start3A_97 : memref<50x64xf32, #tpu.memory_space<vmem>>) offsets(%dma_start3A_99 : memref<50xi32, #tpu.memory_space<vmem>>) semaphore(%dma_start3A_104 : memref<!tpu.dma_semaphore, #tpu.memory_space<semaphore_mem>>)
    %dma_start3A_105 = arith.constant 5 : i32
    %dma_start3A_106 = arith.constant 1 : i32
    %dma_start3A_107 = arith.constant 0 : i32
    %dma_start3A_108 = arith.constant 0 : i32
    %dma_start3A_109 = tpu.memref_slice %arg9[%dma_start3A_105, %dma_start3A_107, %dma_start3A_108] : memref<8x50x64xf32, #tpu.memory_space<vmem>> -> memref<1x50x64xf32, #tpu.memory_space<vmem>>
    %dma_start3A_110 = tpu.memref_squeeze %dma_start3A_109 : memref<1x50x64xf32, #tpu.memory_space<vmem>> -> memref<50x64xf32, #tpu.memory_space<vmem>>
    %dma_start3A_111 = arith.constant 280 : i32
    %dma_start3A_112 = tpu.memref_slice %arg7[%dma_start3A_111] : memref<7168xi32, #tpu.memory_space<vmem>> -> memref<50xi32, #tpu.memory_space<vmem>>
    %dma_start3A_113 = arith.constant 0 : i32
    %dma_start3A_114 = arith.constant 0 : i32
    %dma_start3A_115 = tpu.memref_slice %arg3[%dma_start3A_113, %dma_start3A_114] : memref<100000x64xf32, #tpu.memory_space<hbm>> -> memref<100000x64xf32, #tpu.memory_space<hbm>>
    %dma_start3A_116 = tpu.memref_slice %arg13[%dma_start3A_106] : memref<2x!tpu.dma_semaphore, #tpu.memory_space<semaphore_mem>> -> memref<1x!tpu.dma_semaphore, #tpu.memory_space<semaphore_mem>>
    %dma_start3A_117 = tpu.memref_squeeze %dma_start3A_116 : memref<1x!tpu.dma_semaphore, #tpu.memory_space<semaphore_mem>> -> memref<!tpu.dma_semaphore, #tpu.memory_space<semaphore_mem>>
    tpu.enqueue_indirect_dma source(%dma_start3A_115 : memref<100000x64xf32, #tpu.memory_space<hbm>>) target(%dma_start3A_110 : memref<50x64xf32, #tpu.memory_space<vmem>>) offsets(%dma_start3A_112 : memref<50xi32, #tpu.memory_space<vmem>>) semaphore(%dma_start3A_117 : memref<!tpu.dma_semaphore, #tpu.memory_space<semaphore_mem>>)
    %dma_start3A_118 = arith.constant 6 : i32
    %dma_start3A_119 = arith.constant 1 : i32
    %dma_start3A_120 = arith.constant 0 : i32
    %dma_start3A_121 = arith.constant 0 : i32
    %dma_start3A_122 = tpu.memref_slice %arg9[%dma_start3A_118, %dma_start3A_120, %dma_start3A_121] : memref<8x50x64xf32, #tpu.memory_space<vmem>> -> memref<1x50x64xf32, #tpu.memory_space<vmem>>
    %dma_start3A_123 = tpu.memref_squeeze %dma_start3A_122 : memref<1x50x64xf32, #tpu.memory_space<vmem>> -> memref<50x64xf32, #tpu.memory_space<vmem>>
    %dma_start3A_124 = arith.constant 336 : i32
    %dma_start3A_125 = tpu.memref_slice %arg7[%dma_start3A_124] : memref<7168xi32, #tpu.memory_space<vmem>> -> memref<50xi32, #tpu.memory_space<vmem>>
    %dma_start3A_126 = arith.constant 0 : i32
    %dma_start3A_127 = arith.constant 0 : i32
    %dma_start3A_128 = tpu.memref_slice %arg3[%dma_start3A_126, %dma_start3A_127] : memref<100000x64xf32, #tpu.memory_space<hbm>> -> memref<100000x64xf32, #tpu.memory_space<hbm>>
    %dma_start3A_129 = tpu.memref_slice %arg13[%dma_start3A_119] : memref<2x!tpu.dma_semaphore, #tpu.memory_space<semaphore_mem>> -> memref<1x!tpu.dma_semaphore, #tpu.memory_space<semaphore_mem>>
    %dma_start3A_130 = tpu.memref_squeeze %dma_start3A_129 : memref<1x!tpu.dma_semaphore, #tpu.memory_space<semaphore_mem>> -> memref<!tpu.dma_semaphore, #tpu.memory_space<semaphore_mem>>
    tpu.enqueue_indirect_dma source(%dma_start3A_128 : memref<100000x64xf32, #tpu.memory_space<hbm>>) target(%dma_start3A_123 : memref<50x64xf32, #tpu.memory_space<vmem>>) offsets(%dma_start3A_125 : memref<50xi32, #tpu.memory_space<vmem>>) semaphore(%dma_start3A_130 : memref<!tpu.dma_semaphore, #tpu.memory_space<semaphore_mem>>)
    %dma_start3A_131 = arith.constant 7 : i32
    %dma_start3A_132 = arith.constant 1 : i32
    %dma_start3A_133 = arith.constant 0 : i32
    %dma_start3A_134 = arith.constant 0 : i32
    %dma_start3A_135 = tpu.memref_slice %arg9[%dma_start3A_131, %dma_start3A_133, %dma_start3A_134] : memref<8x50x64xf32, #tpu.memory_space<vmem>> -> memref<1x50x64xf32, #tpu.memory_space<vmem>>
    %dma_start3A_136 = tpu.memref_squeeze %dma_start3A_135 : memref<1x50x64xf32, #tpu.memory_space<vmem>> -> memref<50x64xf32, #tpu.memory_space<vmem>>
    %dma_start3A_137 = arith.constant 392 : i32
    %dma_start3A_138 = tpu.memref_slice %arg7[%dma_start3A_137] : memref<7168xi32, #tpu.memory_space<vmem>> -> memref<50xi32, #tpu.memory_space<vmem>>
    %dma_start3A_139 = arith.constant 0 : i32
    %dma_start3A_140 = arith.constant 0 : i32
    %dma_start3A_141 = tpu.memref_slice %arg3[%dma_start3A_139, %dma_start3A_140] : memref<100000x64xf32, #tpu.memory_space<hbm>> -> memref<100000x64xf32, #tpu.memory_space<hbm>>
    %dma_start3A_142 = tpu.memref_slice %arg13[%dma_start3A_132] : memref<2x!tpu.dma_semaphore, #tpu.memory_space<semaphore_mem>> -> memref<1x!tpu.dma_semaphore, #tpu.memory_space<semaphore_mem>>
    %dma_start3A_143 = tpu.memref_squeeze %dma_start3A_142 : memref<1x!tpu.dma_semaphore, #tpu.memory_space<semaphore_mem>> -> memref<!tpu.dma_semaphore, #tpu.memory_space<semaphore_mem>>
    tpu.enqueue_indirect_dma source(%dma_start3A_141 : memref<100000x64xf32, #tpu.memory_space<hbm>>) target(%dma_start3A_136 : memref<50x64xf32, #tpu.memory_space<vmem>>) offsets(%dma_start3A_138 : memref<50xi32, #tpu.memory_space<vmem>>) semaphore(%dma_start3A_143 : memref<!tpu.dma_semaphore, #tpu.memory_space<semaphore_mem>>)
    %scan3A = arith.constant 0 : i32
    %scan3A_144 = arith.constant 0 : i32
    %scan3A_145 = arith.constant 32 : i32
    %scan3A_146 = arith.addi %scan3A_144, %scan3A_145 : i32
    %scan3A_147 = arith.constant 1 : i32
    scf.for %scan3A_151 = %scan3A_144 to %scan3A_146 step %scan3A_147  : i32 {
      %rem3A = arith.constant 2 : i32
      %rem3A_152 = arith.remsi %scan3A_151, %rem3A : i32
      %mul3A_153 = arith.constant 4 : i32
      %mul3A_154 = arith.muli %rem3A_152, %mul3A_153 : i32
      %eq3A = arith.constant 0 : i32
      %eq3A_155 = arith.cmpi eq, %rem3A_152, %eq3A : i32
      %convert_element_type3A = arith.extui %eq3A_155 : i1 to i32
      %cond3A = arith.constant 0 : i32
      %cond3A_156 = arith.cmpi ne, %convert_element_type3A, %cond3A : i32
      scf.if %cond3A_156 {
        %mul3A_457 = arith.constant 4 : i32
        %mul3A_458 = arith.muli %scan3A_151, %mul3A_457 : i32
        %add3A_459 = arith.constant 0 : i32
        %add3A_460 = arith.addi %mul3A_458, %add3A_459 : i32
        %mul3A_461 = arith.constant 56 : i32
        %mul3A_462 = arith.muli %add3A_460, %mul3A_461 : i32
        %dma_wait3A = arith.constant 0 : i32
        %dma_wait3A_463 = arith.constant 0 : i32
        %dma_wait3A_464 = arith.constant 0 : i32
        %dma_wait3A_465 = arith.constant 0 : i32
        %dma_wait3A_466 = tpu.memref_slice %arg9[%dma_wait3A, %dma_wait3A_464, %dma_wait3A_465] : memref<8x50x64xf32, #tpu.memory_space<vmem>> -> memref<1x50x64xf32, #tpu.memory_space<vmem>>
        %dma_wait3A_467 = tpu.memref_squeeze %dma_wait3A_466 : memref<1x50x64xf32, #tpu.memory_space<vmem>> -> memref<50x64xf32, #tpu.memory_space<vmem>>
        %dma_wait3A_468 = tpu.memref_slice %arg7[%mul3A_462] : memref<7168xi32, #tpu.memory_space<vmem>> -> memref<50xi32, #tpu.memory_space<vmem>>
        %dma_wait3A_469 = arith.constant 0 : i32
        %dma_wait3A_470 = arith.constant 0 : i32
        %dma_wait3A_471 = tpu.memref_slice %arg3[%dma_wait3A_469, %dma_wait3A_470] : memref<100000x64xf32, #tpu.memory_space<hbm>> -> memref<100000x64xf32, #tpu.memory_space<hbm>>
        %dma_wait3A_472 = tpu.memref_slice %arg13[%dma_wait3A_463] : memref<2x!tpu.dma_semaphore, #tpu.memory_space<semaphore_mem>> -> memref<1x!tpu.dma_semaphore, #tpu.memory_space<semaphore_mem>>
        %dma_wait3A_473 = tpu.memref_squeeze %dma_wait3A_472 : memref<1x!tpu.dma_semaphore, #tpu.memory_space<semaphore_mem>> -> memref<!tpu.dma_semaphore, #tpu.memory_space<semaphore_mem>>
        tpu.wait_indirect_dma semaphore(%dma_wait3A_473 : memref<!tpu.dma_semaphore, #tpu.memory_space<semaphore_mem>>) src(%dma_wait3A_471 : memref<100000x64xf32, #tpu.memory_space<hbm>>) dst(%dma_wait3A_467 : memref<50x64xf32, #tpu.memory_space<vmem>>)
        %mul3A_474 = arith.constant 4 : i32
        %mul3A_475 = arith.muli %scan3A_151, %mul3A_474 : i32
        %add3A_476 = arith.constant 1 : i32
        %add3A_477 = arith.addi %mul3A_475, %add3A_476 : i32
        %mul3A_478 = arith.constant 56 : i32
        %mul3A_479 = arith.muli %add3A_477, %mul3A_478 : i32
        %dma_wait3A_480 = arith.constant 1 : i32
        %dma_wait3A_481 = arith.constant 0 : i32
        %dma_wait3A_482 = arith.constant 0 : i32
        %dma_wait3A_483 = arith.constant 0 : i32
        %dma_wait3A_484 = tpu.memref_slice %arg9[%dma_wait3A_480, %dma_wait3A_482, %dma_wait3A_483] : memref<8x50x64xf32, #tpu.memory_space<vmem>> -> memref<1x50x64xf32, #tpu.memory_space<vmem>>
        %dma_wait3A_485 = tpu.memref_squeeze %dma_wait3A_484 : memref<1x50x64xf32, #tpu.memory_space<vmem>> -> memref<50x64xf32, #tpu.memory_space<vmem>>
        %dma_wait3A_486 = tpu.memref_slice %arg7[%mul3A_479] : memref<7168xi32, #tpu.memory_space<vmem>> -> memref<50xi32, #tpu.memory_space<vmem>>
        %dma_wait3A_487 = arith.constant 0 : i32
        %dma_wait3A_488 = arith.constant 0 : i32
        %dma_wait3A_489 = tpu.memref_slice %arg3[%dma_wait3A_487, %dma_wait3A_488] : memref<100000x64xf32, #tpu.memory_space<hbm>> -> memref<100000x64xf32, #tpu.memory_space<hbm>>
        %dma_wait3A_490 = tpu.memref_slice %arg13[%dma_wait3A_481] : memref<2x!tpu.dma_semaphore, #tpu.memory_space<semaphore_mem>> -> memref<1x!tpu.dma_semaphore, #tpu.memory_space<semaphore_mem>>
        %dma_wait3A_491 = tpu.memref_squeeze %dma_wait3A_490 : memref<1x!tpu.dma_semaphore, #tpu.memory_space<semaphore_mem>> -> memref<!tpu.dma_semaphore, #tpu.memory_space<semaphore_mem>>
        tpu.wait_indirect_dma semaphore(%dma_wait3A_491 : memref<!tpu.dma_semaphore, #tpu.memory_space<semaphore_mem>>) src(%dma_wait3A_489 : memref<100000x64xf32, #tpu.memory_space<hbm>>) dst(%dma_wait3A_485 : memref<50x64xf32, #tpu.memory_space<vmem>>)
        %mul3A_492 = arith.constant 4 : i32
        %mul3A_493 = arith.muli %scan3A_151, %mul3A_492 : i32
        %add3A_494 = arith.constant 2 : i32
        %add3A_495 = arith.addi %mul3A_493, %add3A_494 : i32
        %mul3A_496 = arith.constant 56 : i32
        %mul3A_497 = arith.muli %add3A_495, %mul3A_496 : i32
        %dma_wait3A_498 = arith.constant 2 : i32
        %dma_wait3A_499 = arith.constant 0 : i32
        %dma_wait3A_500 = arith.constant 0 : i32
        %dma_wait3A_501 = arith.constant 0 : i32
        %dma_wait3A_502 = tpu.memref_slice %arg9[%dma_wait3A_498, %dma_wait3A_500, %dma_wait3A_501] : memref<8x50x64xf32, #tpu.memory_space<vmem>> -> memref<1x50x64xf32, #tpu.memory_space<vmem>>
        %dma_wait3A_503 = tpu.memref_squeeze %dma_wait3A_502 : memref<1x50x64xf32, #tpu.memory_space<vmem>> -> memref<50x64xf32, #tpu.memory_space<vmem>>
        %dma_wait3A_504 = tpu.memref_slice %arg7[%mul3A_497] : memref<7168xi32, #tpu.memory_space<vmem>> -> memref<50xi32, #tpu.memory_space<vmem>>
        %dma_wait3A_505 = arith.constant 0 : i32
        %dma_wait3A_506 = arith.constant 0 : i32
        %dma_wait3A_507 = tpu.memref_slice %arg3[%dma_wait3A_505, %dma_wait3A_506] : memref<100000x64xf32, #tpu.memory_space<hbm>> -> memref<100000x64xf32, #tpu.memory_space<hbm>>
        %dma_wait3A_508 = tpu.memref_slice %arg13[%dma_wait3A_499] : memref<2x!tpu.dma_semaphore, #tpu.memory_space<semaphore_mem>> -> memref<1x!tpu.dma_semaphore, #tpu.memory_space<semaphore_mem>>
        %dma_wait3A_509 = tpu.memref_squeeze %dma_wait3A_508 : memref<1x!tpu.dma_semaphore, #tpu.memory_space<semaphore_mem>> -> memref<!tpu.dma_semaphore, #tpu.memory_space<semaphore_mem>>
        tpu.wait_indirect_dma semaphore(%dma_wait3A_509 : memref<!tpu.dma_semaphore, #tpu.memory_space<semaphore_mem>>) src(%dma_wait3A_507 : memref<100000x64xf32, #tpu.memory_space<hbm>>) dst(%dma_wait3A_503 : memref<50x64xf32, #tpu.memory_space<vmem>>)
        %mul3A_510 = arith.constant 4 : i32
        %mul3A_511 = arith.muli %scan3A_151, %mul3A_510 : i32
        %add3A_512 = arith.constant 3 : i32
        %add3A_513 = arith.addi %mul3A_511, %add3A_512 : i32
        %mul3A_514 = arith.constant 56 : i32
        %mul3A_515 = arith.muli %add3A_513, %mul3A_514 : i32
        %dma_wait3A_516 = arith.constant 3 : i32
        %dma_wait3A_517 = arith.constant 0 : i32
        %dma_wait3A_518 = arith.constant 0 : i32
        %dma_wait3A_519 = arith.constant 0 : i32
        %dma_wait3A_520 = tpu.memref_slice %arg9[%dma_wait3A_516, %dma_wait3A_518, %dma_wait3A_519] : memref<8x50x64xf32, #tpu.memory_space<vmem>> -> memref<1x50x64xf32, #tpu.memory_space<vmem>>
        %dma_wait3A_521 = tpu.memref_squeeze %dma_wait3A_520 : memref<1x50x64xf32, #tpu.memory_space<vmem>> -> memref<50x64xf32, #tpu.memory_space<vmem>>
        %dma_wait3A_522 = tpu.memref_slice %arg7[%mul3A_515] : memref<7168xi32, #tpu.memory_space<vmem>> -> memref<50xi32, #tpu.memory_space<vmem>>
        %dma_wait3A_523 = arith.constant 0 : i32
        %dma_wait3A_524 = arith.constant 0 : i32
        %dma_wait3A_525 = tpu.memref_slice %arg3[%dma_wait3A_523, %dma_wait3A_524] : memref<100000x64xf32, #tpu.memory_space<hbm>> -> memref<100000x64xf32, #tpu.memory_space<hbm>>
        %dma_wait3A_526 = tpu.memref_slice %arg13[%dma_wait3A_517] : memref<2x!tpu.dma_semaphore, #tpu.memory_space<semaphore_mem>> -> memref<1x!tpu.dma_semaphore, #tpu.memory_space<semaphore_mem>>
        %dma_wait3A_527 = tpu.memref_squeeze %dma_wait3A_526 : memref<1x!tpu.dma_semaphore, #tpu.memory_space<semaphore_mem>> -> memref<!tpu.dma_semaphore, #tpu.memory_space<semaphore_mem>>
        tpu.wait_indirect_dma semaphore(%dma_wait3A_527 : memref<!tpu.dma_semaphore, #tpu.memory_space<semaphore_mem>>) src(%dma_wait3A_525 : memref<100000x64xf32, #tpu.memory_space<hbm>>) dst(%dma_wait3A_521 : memref<50x64xf32, #tpu.memory_space<vmem>>)
      } else {
      }
      %eq3A_157 = arith.constant 1 : i32
      %eq3A_158 = arith.cmpi eq, %rem3A_152, %eq3A_157 : i32
      %convert_element_type3A_159 = arith.extui %eq3A_158 : i1 to i32
      %cond3A_160 = arith.constant 0 : i32
      %cond3A_161 = arith.cmpi ne, %convert_element_type3A_159, %cond3A_160 : i32
      scf.if %cond3A_161 {
        %mul3A_457 = arith.constant 4 : i32
        %mul3A_458 = arith.muli %scan3A_151, %mul3A_457 : i32
        %add3A_459 = arith.constant 0 : i32
        %add3A_460 = arith.addi %mul3A_458, %add3A_459 : i32
        %mul3A_461 = arith.constant 56 : i32
        %mul3A_462 = arith.muli %add3A_460, %mul3A_461 : i32
        %dma_wait3A = arith.constant 4 : i32
        %dma_wait3A_463 = arith.constant 1 : i32
        %dma_wait3A_464 = arith.constant 0 : i32
        %dma_wait3A_465 = arith.constant 0 : i32
        %dma_wait3A_466 = tpu.memref_slice %arg9[%dma_wait3A, %dma_wait3A_464, %dma_wait3A_465] : memref<8x50x64xf32, #tpu.memory_space<vmem>> -> memref<1x50x64xf32, #tpu.memory_space<vmem>>
        %dma_wait3A_467 = tpu.memref_squeeze %dma_wait3A_466 : memref<1x50x64xf32, #tpu.memory_space<vmem>> -> memref<50x64xf32, #tpu.memory_space<vmem>>
        %dma_wait3A_468 = tpu.memref_slice %arg7[%mul3A_462] : memref<7168xi32, #tpu.memory_space<vmem>> -> memref<50xi32, #tpu.memory_space<vmem>>
        %dma_wait3A_469 = arith.constant 0 : i32
        %dma_wait3A_470 = arith.constant 0 : i32
        %dma_wait3A_471 = tpu.memref_slice %arg3[%dma_wait3A_469, %dma_wait3A_470] : memref<100000x64xf32, #tpu.memory_space<hbm>> -> memref<100000x64xf32, #tpu.memory_space<hbm>>
        %dma_wait3A_472 = tpu.memref_slice %arg13[%dma_wait3A_463] : memref<2x!tpu.dma_semaphore, #tpu.memory_space<semaphore_mem>> -> memref<1x!tpu.dma_semaphore, #tpu.memory_space<semaphore_mem>>
        %dma_wait3A_473 = tpu.memref_squeeze %dma_wait3A_472 : memref<1x!tpu.dma_semaphore, #tpu.memory_space<semaphore_mem>> -> memref<!tpu.dma_semaphore, #tpu.memory_space<semaphore_mem>>
        tpu.wait_indirect_dma semaphore(%dma_wait3A_473 : memref<!tpu.dma_semaphore, #tpu.memory_space<semaphore_mem>>) src(%dma_wait3A_471 : memref<100000x64xf32, #tpu.memory_space<hbm>>) dst(%dma_wait3A_467 : memref<50x64xf32, #tpu.memory_space<vmem>>)
        %mul3A_474 = arith.constant 4 : i32
        %mul3A_475 = arith.muli %scan3A_151, %mul3A_474 : i32
        %add3A_476 = arith.constant 1 : i32
        %add3A_477 = arith.addi %mul3A_475, %add3A_476 : i32
        %mul3A_478 = arith.constant 56 : i32
        %mul3A_479 = arith.muli %add3A_477, %mul3A_478 : i32
        %dma_wait3A_480 = arith.constant 5 : i32
        %dma_wait3A_481 = arith.constant 1 : i32
        %dma_wait3A_482 = arith.constant 0 : i32
        %dma_wait3A_483 = arith.constant 0 : i32
        %dma_wait3A_484 = tpu.memref_slice %arg9[%dma_wait3A_480, %dma_wait3A_482, %dma_wait3A_483] : memref<8x50x64xf32, #tpu.memory_space<vmem>> -> memref<1x50x64xf32, #tpu.memory_space<vmem>>
        %dma_wait3A_485 = tpu.memref_squeeze %dma_wait3A_484 : memref<1x50x64xf32, #tpu.memory_space<vmem>> -> memref<50x64xf32, #tpu.memory_space<vmem>>
        %dma_wait3A_486 = tpu.memref_slice %arg7[%mul3A_479] : memref<7168xi32, #tpu.memory_space<vmem>> -> memref<50xi32, #tpu.memory_space<vmem>>
        %dma_wait3A_487 = arith.constant 0 : i32
        %dma_wait3A_488 = arith.constant 0 : i32
        %dma_wait3A_489 = tpu.memref_slice %arg3[%dma_wait3A_487, %dma_wait3A_488] : memref<100000x64xf32, #tpu.memory_space<hbm>> -> memref<100000x64xf32, #tpu.memory_space<hbm>>
        %dma_wait3A_490 = tpu.memref_slice %arg13[%dma_wait3A_481] : memref<2x!tpu.dma_semaphore, #tpu.memory_space<semaphore_mem>> -> memref<1x!tpu.dma_semaphore, #tpu.memory_space<semaphore_mem>>
        %dma_wait3A_491 = tpu.memref_squeeze %dma_wait3A_490 : memref<1x!tpu.dma_semaphore, #tpu.memory_space<semaphore_mem>> -> memref<!tpu.dma_semaphore, #tpu.memory_space<semaphore_mem>>
        tpu.wait_indirect_dma semaphore(%dma_wait3A_491 : memref<!tpu.dma_semaphore, #tpu.memory_space<semaphore_mem>>) src(%dma_wait3A_489 : memref<100000x64xf32, #tpu.memory_space<hbm>>) dst(%dma_wait3A_485 : memref<50x64xf32, #tpu.memory_space<vmem>>)
        %mul3A_492 = arith.constant 4 : i32
        %mul3A_493 = arith.muli %scan3A_151, %mul3A_492 : i32
        %add3A_494 = arith.constant 2 : i32
        %add3A_495 = arith.addi %mul3A_493, %add3A_494 : i32
        %mul3A_496 = arith.constant 56 : i32
        %mul3A_497 = arith.muli %add3A_495, %mul3A_496 : i32
        %dma_wait3A_498 = arith.constant 6 : i32
        %dma_wait3A_499 = arith.constant 1 : i32
        %dma_wait3A_500 = arith.constant 0 : i32
        %dma_wait3A_501 = arith.constant 0 : i32
        %dma_wait3A_502 = tpu.memref_slice %arg9[%dma_wait3A_498, %dma_wait3A_500, %dma_wait3A_501] : memref<8x50x64xf32, #tpu.memory_space<vmem>> -> memref<1x50x64xf32, #tpu.memory_space<vmem>>
        %dma_wait3A_503 = tpu.memref_squeeze %dma_wait3A_502 : memref<1x50x64xf32, #tpu.memory_space<vmem>> -> memref<50x64xf32, #tpu.memory_space<vmem>>
        %dma_wait3A_504 = tpu.memref_slice %arg7[%mul3A_497] : memref<7168xi32, #tpu.memory_space<vmem>> -> memref<50xi32, #tpu.memory_space<vmem>>
        %dma_wait3A_505 = arith.constant 0 : i32
        %dma_wait3A_506 = arith.constant 0 : i32
        %dma_wait3A_507 = tpu.memref_slice %arg3[%dma_wait3A_505, %dma_wait3A_506] : memref<100000x64xf32, #tpu.memory_space<hbm>> -> memref<100000x64xf32, #tpu.memory_space<hbm>>
        %dma_wait3A_508 = tpu.memref_slice %arg13[%dma_wait3A_499] : memref<2x!tpu.dma_semaphore, #tpu.memory_space<semaphore_mem>> -> memref<1x!tpu.dma_semaphore, #tpu.memory_space<semaphore_mem>>
        %dma_wait3A_509 = tpu.memref_squeeze %dma_wait3A_508 : memref<1x!tpu.dma_semaphore, #tpu.memory_space<semaphore_mem>> -> memref<!tpu.dma_semaphore, #tpu.memory_space<semaphore_mem>>
        tpu.wait_indirect_dma semaphore(%dma_wait3A_509 : memref<!tpu.dma_semaphore, #tpu.memory_space<semaphore_mem>>) src(%dma_wait3A_507 : memref<100000x64xf32, #tpu.memory_space<hbm>>) dst(%dma_wait3A_503 : memref<50x64xf32, #tpu.memory_space<vmem>>)
        %mul3A_510 = arith.constant 4 : i32
        %mul3A_511 = arith.muli %scan3A_151, %mul3A_510 : i32
        %add3A_512 = arith.constant 3 : i32
        %add3A_513 = arith.addi %mul3A_511, %add3A_512 : i32
        %mul3A_514 = arith.constant 56 : i32
        %mul3A_515 = arith.muli %add3A_513, %mul3A_514 : i32
        %dma_wait3A_516 = arith.constant 7 : i32
        %dma_wait3A_517 = arith.constant 1 : i32
        %dma_wait3A_518 = arith.constant 0 : i32
        %dma_wait3A_519 = arith.constant 0 : i32
        %dma_wait3A_520 = tpu.memref_slice %arg9[%dma_wait3A_516, %dma_wait3A_518, %dma_wait3A_519] : memref<8x50x64xf32, #tpu.memory_space<vmem>> -> memref<1x50x64xf32, #tpu.memory_space<vmem>>
        %dma_wait3A_521 = tpu.memref_squeeze %dma_wait3A_520 : memref<1x50x64xf32, #tpu.memory_space<vmem>> -> memref<50x64xf32, #tpu.memory_space<vmem>>
        %dma_wait3A_522 = tpu.memref_slice %arg7[%mul3A_515] : memref<7168xi32, #tpu.memory_space<vmem>> -> memref<50xi32, #tpu.memory_space<vmem>>
        %dma_wait3A_523 = arith.constant 0 : i32
        %dma_wait3A_524 = arith.constant 0 : i32
        %dma_wait3A_525 = tpu.memref_slice %arg3[%dma_wait3A_523, %dma_wait3A_524] : memref<100000x64xf32, #tpu.memory_space<hbm>> -> memref<100000x64xf32, #tpu.memory_space<hbm>>
        %dma_wait3A_526 = tpu.memref_slice %arg13[%dma_wait3A_517] : memref<2x!tpu.dma_semaphore, #tpu.memory_space<semaphore_mem>> -> memref<1x!tpu.dma_semaphore, #tpu.memory_space<semaphore_mem>>
        %dma_wait3A_527 = tpu.memref_squeeze %dma_wait3A_526 : memref<1x!tpu.dma_semaphore, #tpu.memory_space<semaphore_mem>> -> memref<!tpu.dma_semaphore, #tpu.memory_space<semaphore_mem>>
        tpu.wait_indirect_dma semaphore(%dma_wait3A_527 : memref<!tpu.dma_semaphore, #tpu.memory_space<semaphore_mem>>) src(%dma_wait3A_525 : memref<100000x64xf32, #tpu.memory_space<hbm>>) dst(%dma_wait3A_521 : memref<50x64xf32, #tpu.memory_space<vmem>>)
      } else {
      }
      %broadcast_in_dim3A = arith.constant 0.000000e+00 : f32
      %broadcast_in_dim3A_162 = vector.broadcast %broadcast_in_dim3A : f32 to vector<16xf32>
      %broadcast_in_dim3A_163 = arith.constant 0.000000e+00 : f32
      %broadcast_in_dim3A_164 = vector.broadcast %broadcast_in_dim3A_163 : f32 to vector<16xf32>
      %broadcast_in_dim3A_165 = arith.constant 0.000000e+00 : f32
      %broadcast_in_dim3A_166 = vector.broadcast %broadcast_in_dim3A_165 : f32 to vector<16xf32>
      %broadcast_in_dim3A_167 = arith.constant 0.000000e+00 : f32
      %broadcast_in_dim3A_168 = vector.broadcast %broadcast_in_dim3A_167 : f32 to vector<16xf32>
      %broadcast_in_dim3A_169 = arith.constant 0.000000e+00 : f32
      %broadcast_in_dim3A_170 = vector.broadcast %broadcast_in_dim3A_169 : f32 to vector<16xf32>
      %broadcast_in_dim3A_171 = arith.constant 0.000000e+00 : f32
      %broadcast_in_dim3A_172 = vector.broadcast %broadcast_in_dim3A_171 : f32 to vector<16xf32>
      %broadcast_in_dim3A_173 = arith.constant 0.000000e+00 : f32
      %broadcast_in_dim3A_174 = vector.broadcast %broadcast_in_dim3A_173 : f32 to vector<16xf32>
      %broadcast_in_dim3A_175 = arith.constant 0.000000e+00 : f32
      %broadcast_in_dim3A_176 = vector.broadcast %broadcast_in_dim3A_175 : f32 to vector<16xf32>
      %broadcast_in_dim3A_177 = arith.constant 0.000000e+00 : f32
      %broadcast_in_dim3A_178 = vector.broadcast %broadcast_in_dim3A_177 : f32 to vector<16xf32>
      %broadcast_in_dim3A_179 = arith.constant 0.000000e+00 : f32
      %broadcast_in_dim3A_180 = vector.broadcast %broadcast_in_dim3A_179 : f32 to vector<16xf32>
      %broadcast_in_dim3A_181 = arith.constant 0.000000e+00 : f32
      %broadcast_in_dim3A_182 = vector.broadcast %broadcast_in_dim3A_181 : f32 to vector<16xf32>
      %broadcast_in_dim3A_183 = arith.constant 0.000000e+00 : f32
      %broadcast_in_dim3A_184 = vector.broadcast %broadcast_in_dim3A_183 : f32 to vector<16xf32>
      %broadcast_in_dim3A_185 = arith.constant 0.000000e+00 : f32
      %broadcast_in_dim3A_186 = vector.broadcast %broadcast_in_dim3A_185 : f32 to vector<16xf32>
      %broadcast_in_dim3A_187 = arith.constant 0.000000e+00 : f32
      %broadcast_in_dim3A_188 = vector.broadcast %broadcast_in_dim3A_187 : f32 to vector<16xf32>
      %broadcast_in_dim3A_189 = arith.constant 0.000000e+00 : f32
      %broadcast_in_dim3A_190 = vector.broadcast %broadcast_in_dim3A_189 : f32 to vector<16xf32>
      %broadcast_in_dim3A_191 = arith.constant 0.000000e+00 : f32
      %broadcast_in_dim3A_192 = vector.broadcast %broadcast_in_dim3A_191 : f32 to vector<16xf32>
      %broadcast_in_dim3A_193 = arith.constant 0.000000e+00 : f32
      %broadcast_in_dim3A_194 = vector.broadcast %broadcast_in_dim3A_193 : f32 to vector<16xf32>
      %broadcast_in_dim3A_195 = arith.constant 0.000000e+00 : f32
      %broadcast_in_dim3A_196 = vector.broadcast %broadcast_in_dim3A_195 : f32 to vector<16xf32>
      %broadcast_in_dim3A_197 = arith.constant 0.000000e+00 : f32
      %broadcast_in_dim3A_198 = vector.broadcast %broadcast_in_dim3A_197 : f32 to vector<16xf32>
      %broadcast_in_dim3A_199 = arith.constant 0.000000e+00 : f32
      %broadcast_in_dim3A_200 = vector.broadcast %broadcast_in_dim3A_199 : f32 to vector<16xf32>
      %broadcast_in_dim3A_201 = arith.constant 0.000000e+00 : f32
      %broadcast_in_dim3A_202 = vector.broadcast %broadcast_in_dim3A_201 : f32 to vector<16xf32>
      %broadcast_in_dim3A_203 = arith.constant 0.000000e+00 : f32
      %broadcast_in_dim3A_204 = vector.broadcast %broadcast_in_dim3A_203 : f32 to vector<16xf32>
      %broadcast_in_dim3A_205 = arith.constant 0.000000e+00 : f32
      %broadcast_in_dim3A_206 = vector.broadcast %broadcast_in_dim3A_205 : f32 to vector<16xf32>
      %broadcast_in_dim3A_207 = arith.constant 0.000000e+00 : f32
      %broadcast_in_dim3A_208 = vector.broadcast %broadcast_in_dim3A_207 : f32 to vector<16xf32>
      %scan3A_209 = arith.constant 0 : i32
      %scan3A_210 = arith.constant 5 : i32
      %scan3A_211 = arith.addi %scan3A_209, %scan3A_210 : i32
      %scan3A_212 = arith.constant 1 : i32
      %scan3A_213:24 = scf.for %scan3A_457 = %scan3A_209 to %scan3A_211 step %scan3A_212 iter_args(%scan3A_458 = %broadcast_in_dim3A_162, %scan3A_459 = %broadcast_in_dim3A_164, %scan3A_460 = %broadcast_in_dim3A_166, %scan3A_461 = %broadcast_in_dim3A_168, %scan3A_462 = %broadcast_in_dim3A_170, %scan3A_463 = %broadcast_in_dim3A_172, %scan3A_464 = %broadcast_in_dim3A_174, %scan3A_465 = %broadcast_in_dim3A_176, %scan3A_466 = %broadcast_in_dim3A_178, %scan3A_467 = %broadcast_in_dim3A_180, %scan3A_468 = %broadcast_in_dim3A_182, %scan3A_469 = %broadcast_in_dim3A_184, %scan3A_470 = %broadcast_in_dim3A_186, %scan3A_471 = %broadcast_in_dim3A_188, %scan3A_472 = %broadcast_in_dim3A_190, %scan3A_473 = %broadcast_in_dim3A_192, %scan3A_474 = %broadcast_in_dim3A_194, %scan3A_475 = %broadcast_in_dim3A_196, %scan3A_476 = %broadcast_in_dim3A_198, %scan3A_477 = %broadcast_in_dim3A_200, %scan3A_478 = %broadcast_in_dim3A_202, %scan3A_479 = %broadcast_in_dim3A_204, %scan3A_480 = %broadcast_in_dim3A_206, %scan3A_481 = %broadcast_in_dim3A_208) -> (vector<16xf32>, vector<16xf32>, vector<16xf32>, vector<16xf32>, vector<16xf32>, vector<16xf32>, vector<16xf32>, vector<16xf32>, vector<16xf32>, vector<16xf32>, vector<16xf32>, vector<16xf32>, vector<16xf32>, vector<16xf32>, vector<16xf32>, vector<16xf32>, vector<16xf32>, vector<16xf32>, vector<16xf32>, vector<16xf32>, vector<16xf32>, vector<16xf32>, vector<16xf32>, vector<16xf32>)  : i32 {
        %broadcast_in_dim3A_482 = arith.constant 0.000000e+00 : bf16
        %broadcast_in_dim3A_483 = vector.broadcast %broadcast_in_dim3A_482 : bf16 to vector<32xbf16>
        %broadcast_in_dim3A_484 = arith.constant 0.000000e+00 : bf16
        %broadcast_in_dim3A_485 = vector.broadcast %broadcast_in_dim3A_484 : bf16 to vector<32xbf16>
        %broadcast_in_dim3A_486 = arith.constant 0.000000e+00 : bf16
        %broadcast_in_dim3A_487 = vector.broadcast %broadcast_in_dim3A_486 : bf16 to vector<32xbf16>
        %broadcast_in_dim3A_488 = arith.constant 0.000000e+00 : bf16
        %broadcast_in_dim3A_489 = vector.broadcast %broadcast_in_dim3A_488 : bf16 to vector<32xbf16>
        %broadcast_in_dim3A_490 = arith.constant 0.000000e+00 : bf16
        %broadcast_in_dim3A_491 = vector.broadcast %broadcast_in_dim3A_490 : bf16 to vector<32xbf16>
        %broadcast_in_dim3A_492 = arith.constant 0.000000e+00 : bf16
        %broadcast_in_dim3A_493 = vector.broadcast %broadcast_in_dim3A_492 : bf16 to vector<32xbf16>
        %broadcast_in_dim3A_494 = arith.constant 0.000000e+00 : bf16
        %broadcast_in_dim3A_495 = vector.broadcast %broadcast_in_dim3A_494 : bf16 to vector<32xbf16>
        %broadcast_in_dim3A_496 = arith.constant 0.000000e+00 : bf16
        %broadcast_in_dim3A_497 = vector.broadcast %broadcast_in_dim3A_496 : bf16 to vector<32xbf16>
        %broadcast_in_dim3A_498 = arith.constant 0.000000e+00 : bf16
        %broadcast_in_dim3A_499 = vector.broadcast %broadcast_in_dim3A_498 : bf16 to vector<32xbf16>
        %broadcast_in_dim3A_500 = arith.constant 0.000000e+00 : bf16
        %broadcast_in_dim3A_501 = vector.broadcast %broadcast_in_dim3A_500 : bf16 to vector<32xbf16>
        %broadcast_in_dim3A_502 = arith.constant 0.000000e+00 : bf16
        %broadcast_in_dim3A_503 = vector.broadcast %broadcast_in_dim3A_502 : bf16 to vector<32xbf16>
        %broadcast_in_dim3A_504 = arith.constant 0.000000e+00 : bf16
        %broadcast_in_dim3A_505 = vector.broadcast %broadcast_in_dim3A_504 : bf16 to vector<32xbf16>
        %broadcast_in_dim3A_506 = arith.constant 0.000000e+00 : bf16
        %broadcast_in_dim3A_507 = vector.broadcast %broadcast_in_dim3A_506 : bf16 to vector<32xbf16>
        %broadcast_in_dim3A_508 = arith.constant 0.000000e+00 : bf16
        %broadcast_in_dim3A_509 = vector.broadcast %broadcast_in_dim3A_508 : bf16 to vector<32xbf16>
        %broadcast_in_dim3A_510 = arith.constant 0.000000e+00 : bf16
        %broadcast_in_dim3A_511 = vector.broadcast %broadcast_in_dim3A_510 : bf16 to vector<32xbf16>
        %broadcast_in_dim3A_512 = arith.constant 0.000000e+00 : bf16
        %broadcast_in_dim3A_513 = vector.broadcast %broadcast_in_dim3A_512 : bf16 to vector<32xbf16>
        %broadcast_in_dim3A_514 = arith.constant 0.000000e+00 : bf16
        %broadcast_in_dim3A_515 = vector.broadcast %broadcast_in_dim3A_514 : bf16 to vector<32xbf16>
        %broadcast_in_dim3A_516 = arith.constant 0.000000e+00 : bf16
        %broadcast_in_dim3A_517 = vector.broadcast %broadcast_in_dim3A_516 : bf16 to vector<32xbf16>
        %broadcast_in_dim3A_518 = arith.constant 0.000000e+00 : bf16
        %broadcast_in_dim3A_519 = vector.broadcast %broadcast_in_dim3A_518 : bf16 to vector<32xbf16>
        %broadcast_in_dim3A_520 = arith.constant 0.000000e+00 : bf16
        %broadcast_in_dim3A_521 = vector.broadcast %broadcast_in_dim3A_520 : bf16 to vector<32xbf16>
        %broadcast_in_dim3A_522 = arith.constant 0.000000e+00 : bf16
        %broadcast_in_dim3A_523 = vector.broadcast %broadcast_in_dim3A_522 : bf16 to vector<32xbf16>
        %broadcast_in_dim3A_524 = arith.constant 0.000000e+00 : bf16
        %broadcast_in_dim3A_525 = vector.broadcast %broadcast_in_dim3A_524 : bf16 to vector<32xbf16>
        %broadcast_in_dim3A_526 = arith.constant 0.000000e+00 : bf16
        %broadcast_in_dim3A_527 = vector.broadcast %broadcast_in_dim3A_526 : bf16 to vector<32xbf16>
        %broadcast_in_dim3A_528 = arith.constant 0.000000e+00 : bf16
        %broadcast_in_dim3A_529 = vector.broadcast %broadcast_in_dim3A_528 : bf16 to vector<32xbf16>
        %mul3A_530 = arith.constant 10 : i32
        %mul3A_531 = arith.muli %scan3A_457, %mul3A_530 : i32
        %add3A_532 = arith.constant 0 : i32
        %add3A_533 = arith.addi %mul3A_531, %add3A_532 : i32
        %add3A_534 = arith.constant 0 : i32
        %add3A_535 = arith.addi %mul3A_154, %add3A_534 : i32
        %get3A_536 = arith.index_cast %add3A_535 : i32 to index
        %get3A_537 = arith.index_cast %add3A_533 : i32 to index
        %get3A_538 = arith.constant 0 : index
        %get3A_539 = tpu.vector_load %arg9[%get3A_536, %get3A_537, %get3A_538] {strides = array<i32>} : memref<8x50x64xf32, #tpu.memory_space<vmem>>, vector<16xf32>,
        %add3A_540 = arith.constant 0 : i32
        %add3A_541 = arith.addi %mul3A_154, %add3A_540 : i32
        %get3A_542 = arith.index_cast %add3A_541 : i32 to index
        %get3A_543 = arith.index_cast %add3A_533 : i32 to index
        %get3A_544 = arith.constant 16 : index
        %get3A_545 = tpu.vector_load %arg9[%get3A_542, %get3A_543, %get3A_544] {strides = array<i32>} : memref<8x50x64xf32, #tpu.memory_space<vmem>>, vector<16xf32>,
        %pack3A = tpu.pack_subelements %get3A_539, %get3A_545 {pack_format = #tpu.pack_format<interleaved>, positions = array<i32: 0, 1>} : vector<16xf32>, vector<16xf32> -> vector<32xbf16>
        %add3A_546 = arith.constant 0 : i32
        %add3A_547 = arith.addi %mul3A_154, %add3A_546 : i32
        %get3A_548 = arith.index_cast %add3A_547 : i32 to index
        %get3A_549 = arith.index_cast %add3A_533 : i32 to index
        %get3A_550 = arith.constant 32 : index
        %get3A_551 = tpu.vector_load %arg9[%get3A_548, %get3A_549, %get3A_550] {strides = array<i32>} : memref<8x50x64xf32, #tpu.memory_space<vmem>>, vector<16xf32>,
        %add3A_552 = arith.constant 0 : i32
        %add3A_553 = arith.addi %mul3A_154, %add3A_552 : i32
        %get3A_554 = arith.index_cast %add3A_553 : i32 to index
        %get3A_555 = arith.index_cast %add3A_533 : i32 to index
        %get3A_556 = arith.constant 48 : index
        %get3A_557 = tpu.vector_load %arg9[%get3A_554, %get3A_555, %get3A_556] {strides = array<i32>} : memref<8x50x64xf32, #tpu.memory_space<vmem>>, vector<16xf32>,
        %pack3A_558 = tpu.pack_subelements %get3A_551, %get3A_557 {pack_format = #tpu.pack_format<interleaved>, positions = array<i32: 0, 1>} : vector<16xf32>, vector<16xf32> -> vector<32xbf16>
        %add3A_559 = arith.constant 1 : i32
        %add3A_560 = arith.addi %mul3A_154, %add3A_559 : i32
        %get3A_561 = arith.index_cast %add3A_560 : i32 to index
        %get3A_562 = arith.index_cast %add3A_533 : i32 to index
        %get3A_563 = arith.constant 0 : index
        %get3A_564 = tpu.vector_load %arg9[%get3A_561, %get3A_562, %get3A_563] {strides = array<i32>} : memref<8x50x64xf32, #tpu.memory_space<vmem>>, vector<16xf32>,
        %add3A_565 = arith.constant 1 : i32
        %add3A_566 = arith.addi %mul3A_154, %add3A_565 : i32
        %get3A_567 = arith.index_cast %add3A_566 : i32 to index
        %get3A_568 = arith.index_cast %add3A_533 : i32 to index
        %get3A_569 = arith.constant 16 : index
        %get3A_570 = tpu.vector_load %arg9[%get3A_567, %get3A_568, %get3A_569] {strides = array<i32>} : memref<8x50x64xf32, #tpu.memory_space<vmem>>, vector<16xf32>,
        %pack3A_571 = tpu.pack_subelements %get3A_564, %get3A_570 {pack_format = #tpu.pack_format<interleaved>, positions = array<i32: 0, 1>} : vector<16xf32>, vector<16xf32> -> vector<32xbf16>
        %add3A_572 = arith.constant 1 : i32
        %add3A_573 = arith.addi %mul3A_154, %add3A_572 : i32
        %get3A_574 = arith.index_cast %add3A_573 : i32 to index
        %get3A_575 = arith.index_cast %add3A_533 : i32 to index
        %get3A_576 = arith.constant 32 : index
        %get3A_577 = tpu.vector_load %arg9[%get3A_574, %get3A_575, %get3A_576] {strides = array<i32>} : memref<8x50x64xf32, #tpu.memory_space<vmem>>, vector<16xf32>,
        %add3A_578 = arith.constant 1 : i32
        %add3A_579 = arith.addi %mul3A_154, %add3A_578 : i32
        %get3A_580 = arith.index_cast %add3A_579 : i32 to index
        %get3A_581 = arith.index_cast %add3A_533 : i32 to index
        %get3A_582 = arith.constant 48 : index
        %get3A_583 = tpu.vector_load %arg9[%get3A_580, %get3A_581, %get3A_582] {strides = array<i32>} : memref<8x50x64xf32, #tpu.memory_space<vmem>>, vector<16xf32>,
        %pack3A_584 = tpu.pack_subelements %get3A_577, %get3A_583 {pack_format = #tpu.pack_format<interleaved>, positions = array<i32: 0, 1>} : vector<16xf32>, vector<16xf32> -> vector<32xbf16>
        %add3A_585 = arith.constant 2 : i32
        %add3A_586 = arith.addi %mul3A_154, %add3A_585 : i32
        %get3A_587 = arith.index_cast %add3A_586 : i32 to index
        %get3A_588 = arith.index_cast %add3A_533 : i32 to index
        %get3A_589 = arith.constant 0 : index
        %get3A_590 = tpu.vector_load %arg9[%get3A_587, %get3A_588, %get3A_589] {strides = array<i32>} : memref<8x50x64xf32, #tpu.memory_space<vmem>>, vector<16xf32>,
        %add3A_591 = arith.constant 2 : i32
        %add3A_592 = arith.addi %mul3A_154, %add3A_591 : i32
        %get3A_593 = arith.index_cast %add3A_592 : i32 to index
        %get3A_594 = arith.index_cast %add3A_533 : i32 to index
        %get3A_595 = arith.constant 16 : index
        %get3A_596 = tpu.vector_load %arg9[%get3A_593, %get3A_594, %get3A_595] {strides = array<i32>} : memref<8x50x64xf32, #tpu.memory_space<vmem>>, vector<16xf32>,
        %pack3A_597 = tpu.pack_subelements %get3A_590, %get3A_596 {pack_format = #tpu.pack_format<interleaved>, positions = array<i32: 0, 1>} : vector<16xf32>, vector<16xf32> -> vector<32xbf16>
        %add3A_598 = arith.constant 2 : i32
        %add3A_599 = arith.addi %mul3A_154, %add3A_598 : i32
        %get3A_600 = arith.index_cast %add3A_599 : i32 to index
        %get3A_601 = arith.index_cast %add3A_533 : i32 to index
        %get3A_602 = arith.constant 32 : index
        %get3A_603 = tpu.vector_load %arg9[%get3A_600, %get3A_601, %get3A_602] {strides = array<i32>} : memref<8x50x64xf32, #tpu.memory_space<vmem>>, vector<16xf32>,
        %add3A_604 = arith.constant 2 : i32
        %add3A_605 = arith.addi %mul3A_154, %add3A_604 : i32
        %get3A_606 = arith.index_cast %add3A_605 : i32 to index
        %get3A_607 = arith.index_cast %add3A_533 : i32 to index
        %get3A_608 = arith.constant 48 : index
        %get3A_609 = tpu.vector_load %arg9[%get3A_606, %get3A_607, %get3A_608] {strides = array<i32>} : memref<8x50x64xf32, #tpu.memory_space<vmem>>, vector<16xf32>,
        %pack3A_610 = tpu.pack_subelements %get3A_603, %get3A_609 {pack_format = #tpu.pack_format<interleaved>, positions = array<i32: 0, 1>} : vector<16xf32>, vector<16xf32> -> vector<32xbf16>
        %add3A_611 = arith.constant 3 : i32
        %add3A_612 = arith.addi %mul3A_154, %add3A_611 : i32
        %get3A_613 = arith.index_cast %add3A_612 : i32 to index
        %get3A_614 = arith.index_cast %add3A_533 : i32 to index
        %get3A_615 = arith.constant 0 : index
        %get3A_616 = tpu.vector_load %arg9[%get3A_613, %get3A_614, %get3A_615] {strides = array<i32>} : memref<8x50x64xf32, #tpu.memory_space<vmem>>, vector<16xf32>,
        %add3A_617 = arith.constant 3 : i32
        %add3A_618 = arith.addi %mul3A_154, %add3A_617 : i32
        %get3A_619 = arith.index_cast %add3A_618 : i32 to index
        %get3A_620 = arith.index_cast %add3A_533 : i32 to index
        %get3A_621 = arith.constant 16 : index
        %get3A_622 = tpu.vector_load %arg9[%get3A_619, %get3A_620, %get3A_621] {strides = array<i32>} : memref<8x50x64xf32, #tpu.memory_space<vmem>>, vector<16xf32>,
        %pack3A_623 = tpu.pack_subelements %get3A_616, %get3A_622 {pack_format = #tpu.pack_format<interleaved>, positions = array<i32: 0, 1>} : vector<16xf32>, vector<16xf32> -> vector<32xbf16>
        %add3A_624 = arith.constant 3 : i32
        %add3A_625 = arith.addi %mul3A_154, %add3A_624 : i32
        %get3A_626 = arith.index_cast %add3A_625 : i32 to index
        %get3A_627 = arith.index_cast %add3A_533 : i32 to index
        %get3A_628 = arith.constant 32 : index
        %get3A_629 = tpu.vector_load %arg9[%get3A_626, %get3A_627, %get3A_628] {strides = array<i32>} : memref<8x50x64xf32, #tpu.memory_space<vmem>>, vector<16xf32>,
        %add3A_630 = arith.constant 3 : i32
        %add3A_631 = arith.addi %mul3A_154, %add3A_630 : i32
        %get3A_632 = arith.index_cast %add3A_631 : i32 to index
        %get3A_633 = arith.index_cast %add3A_533 : i32 to index
        %get3A_634 = arith.constant 48 : index
        %get3A_635 = tpu.vector_load %arg9[%get3A_632, %get3A_633, %get3A_634] {strides = array<i32>} : memref<8x50x64xf32, #tpu.memory_space<vmem>>, vector<16xf32>,
        %pack3A_636 = tpu.pack_subelements %get3A_629, %get3A_635 {pack_format = #tpu.pack_format<interleaved>, positions = array<i32: 0, 1>} : vector<16xf32>, vector<16xf32> -> vector<32xbf16>
        %mul3A_637 = arith.constant 6 : i32
        %mul3A_638 = arith.muli %add3A_533, %mul3A_637 : i32
        %add3A_639 = arith.constant 0 : i32
        %add3A_640 = arith.addi %mul3A_638, %add3A_639 : i32
        %mul3A_641 = arith.constant 32 : i32
        %mul3A_642 = arith.muli %add3A_640, %mul3A_641 : i32
        %add3A_643 = arith.constant 0 : i32
        %add3A_644 = arith.addi %mul3A_642, %add3A_643 : i32
        %get3A_645 = arith.index_cast %add3A_644 : i32 to index
        %get3A_646 = tpu.vector_load %arg8[%get3A_645] {strides = array<i32>} : memref<9600xf32, #tpu.memory_space<vmem>>, vector<16xf32>,
        %bitcast3A = vector.bitcast %get3A_646 : vector<16xf32> to vector<32xbf16>
        %mul3A_647 = arith.constant 6 : i32
        %mul3A_648 = arith.muli %add3A_533, %mul3A_647 : i32
        %add3A_649 = arith.constant 0 : i32
        %add3A_650 = arith.addi %mul3A_648, %add3A_649 : i32
        %mul3A_651 = arith.constant 32 : i32
        %mul3A_652 = arith.muli %add3A_650, %mul3A_651 : i32
        %add3A_653 = arith.constant 16 : i32
        %add3A_654 = arith.addi %mul3A_652, %add3A_653 : i32
        %get3A_655 = arith.index_cast %add3A_654 : i32 to index
        %get3A_656 = tpu.vector_load %arg8[%get3A_655] {strides = array<i32>} : memref<9600xf32, #tpu.memory_space<vmem>>, vector<16xf32>,
        %bitcast3A_657 = vector.bitcast %get3A_656 : vector<16xf32> to vector<32xbf16>
        %mul3A_658 = arith.mulf %bitcast3A, %pack3A : vector<32xbf16>
        %add3A_659 = arith.addf %broadcast_in_dim3A_483, %mul3A_658 : vector<32xbf16>
        %mul3A_660 = arith.mulf %bitcast3A_657, %pack3A_558 : vector<32xbf16>
        %add3A_661 = arith.addf %add3A_659, %mul3A_660 : vector<32xbf16>
        %mul3A_662 = arith.mulf %bitcast3A, %pack3A_571 : vector<32xbf16>
        %add3A_663 = arith.addf %broadcast_in_dim3A_495, %mul3A_662 : vector<32xbf16>
        %mul3A_664 = arith.mulf %bitcast3A_657, %pack3A_584 : vector<32xbf16>
        %add3A_665 = arith.addf %add3A_663, %mul3A_664 : vector<32xbf16>
        %mul3A_666 = arith.mulf %bitcast3A, %pack3A_597 : vector<32xbf16>
        %add3A_667 = arith.addf %broadcast_in_dim3A_507, %mul3A_666 : vector<32xbf16>
        %mul3A_668 = arith.mulf %bitcast3A_657, %pack3A_610 : vector<32xbf16>
        %add3A_669 = arith.addf %add3A_667, %mul3A_668 : vector<32xbf16>
        %mul3A_670 = arith.mulf %bitcast3A, %pack3A_623 : vector<32xbf16>
        %add3A_671 = arith.addf %broadcast_in_dim3A_519, %mul3A_670 : vector<32xbf16>
        %mul3A_672 = arith.mulf %bitcast3A_657, %pack3A_636 : vector<32xbf16>
        %add3A_673 = arith.addf %add3A_671, %mul3A_672 : vector<32xbf16>
        %mul3A_674 = arith.constant 6 : i32
        %mul3A_675 = arith.muli %add3A_533, %mul3A_674 : i32
        %add3A_676 = arith.constant 1 : i32
        %add3A_677 = arith.addi %mul3A_675, %add3A_676 : i32
        %mul3A_678 = arith.constant 32 : i32
        %mul3A_679 = arith.muli %add3A_677, %mul3A_678 : i32
        %add3A_680 = arith.constant 0 : i32
        %add3A_681 = arith.addi %mul3A_679, %add3A_680 : i32
        %get3A_682 = arith.index_cast %add3A_681 : i32 to index
        %get3A_683 = tpu.vector_load %arg8[%get3A_682] {strides = array<i32>} : memref<9600xf32, #tpu.memory_space<vmem>>, vector<16xf32>,
        %bitcast3A_684 = vector.bitcast %get3A_683 : vector<16xf32> to vector<32xbf16>
        %mul3A_685 = arith.constant 6 : i32
        %mul3A_686 = arith.muli %add3A_533, %mul3A_685 : i32
        %add3A_687 = arith.constant 1 : i32
        %add3A_688 = arith.addi %mul3A_686, %add3A_687 : i32
        %mul3A_689 = arith.constant 32 : i32
        %mul3A_690 = arith.muli %add3A_688, %mul3A_689 : i32
        %add3A_691 = arith.constant 16 : i32
        %add3A_692 = arith.addi %mul3A_690, %add3A_691 : i32
        %get3A_693 = arith.index_cast %add3A_692 : i32 to index
        %get3A_694 = tpu.vector_load %arg8[%get3A_693] {strides = array<i32>} : memref<9600xf32, #tpu.memory_space<vmem>>, vector<16xf32>,
        %bitcast3A_695 = vector.bitcast %get3A_694 : vector<16xf32> to vector<32xbf16>
        %mul3A_696 = arith.mulf %bitcast3A_684, %pack3A : vector<32xbf16>
        %add3A_697 = arith.addf %broadcast_in_dim3A_485, %mul3A_696 : vector<32xbf16>
        %mul3A_698 = arith.mulf %bitcast3A_695, %pack3A_558 : vector<32xbf16>
        %add3A_699 = arith.addf %add3A_697, %mul3A_698 : vector<32xbf16>
        %mul3A_700 = arith.mulf %bitcast3A_684, %pack3A_571 : vector<32xbf16>
        %add3A_701 = arith.addf %broadcast_in_dim3A_497, %mul3A_700 : vector<32xbf16>
        %mul3A_702 = arith.mulf %bitcast3A_695, %pack3A_584 : vector<32xbf16>
        %add3A_703 = arith.addf %add3A_701, %mul3A_702 : vector<32xbf16>
        %mul3A_704 = arith.mulf %bitcast3A_684, %pack3A_597 : vector<32xbf16>
        %add3A_705 = arith.addf %broadcast_in_dim3A_509, %mul3A_704 : vector<32xbf16>
        %mul3A_706 = arith.mulf %bitcast3A_695, %pack3A_610 : vector<32xbf16>
        %add3A_707 = arith.addf %add3A_705, %mul3A_706 : vector<32xbf16>
        %mul3A_708 = arith.mulf %bitcast3A_684, %pack3A_623 : vector<32xbf16>
        %add3A_709 = arith.addf %broadcast_in_dim3A_521, %mul3A_708 : vector<32xbf16>
        %mul3A_710 = arith.mulf %bitcast3A_695, %pack3A_636 : vector<32xbf16>
        %add3A_711 = arith.addf %add3A_709, %mul3A_710 : vector<32xbf16>
        %mul3A_712 = arith.constant 6 : i32
        %mul3A_713 = arith.muli %add3A_533, %mul3A_712 : i32
        %add3A_714 = arith.constant 2 : i32
        %add3A_715 = arith.addi %mul3A_713, %add3A_714 : i32
        %mul3A_716 = arith.constant 32 : i32
        %mul3A_717 = arith.muli %add3A_715, %mul3A_716 : i32
        %add3A_718 = arith.constant 0 : i32
        %add3A_719 = arith.addi %mul3A_717, %add3A_718 : i32
        %get3A_720 = arith.index_cast %add3A_719 : i32 to index
        %get3A_721 = tpu.vector_load %arg8[%get3A_720] {strides = array<i32>} : memref<9600xf32, #tpu.memory_space<vmem>>, vector<16xf32>,
        %bitcast3A_722 = vector.bitcast %get3A_721 : vector<16xf32> to vector<32xbf16>
        %mul3A_723 = arith.constant 6 : i32
        %mul3A_724 = arith.muli %add3A_533, %mul3A_723 : i32
        %add3A_725 = arith.constant 2 : i32
        %add3A_726 = arith.addi %mul3A_724, %add3A_725 : i32
        %mul3A_727 = arith.constant 32 : i32
        %mul3A_728 = arith.muli %add3A_726, %mul3A_727 : i32
        %add3A_729 = arith.constant 16 : i32
        %add3A_730 = arith.addi %mul3A_728, %add3A_729 : i32
        %get3A_731 = arith.index_cast %add3A_730 : i32 to index
        %get3A_732 = tpu.vector_load %arg8[%get3A_731] {strides = array<i32>} : memref<9600xf32, #tpu.memory_space<vmem>>, vector<16xf32>,
        %bitcast3A_733 = vector.bitcast %get3A_732 : vector<16xf32> to vector<32xbf16>
        %mul3A_734 = arith.mulf %bitcast3A_722, %pack3A : vector<32xbf16>
        %add3A_735 = arith.addf %broadcast_in_dim3A_487, %mul3A_734 : vector<32xbf16>
        %mul3A_736 = arith.mulf %bitcast3A_733, %pack3A_558 : vector<32xbf16>
        %add3A_737 = arith.addf %add3A_735, %mul3A_736 : vector<32xbf16>
        %mul3A_738 = arith.mulf %bitcast3A_722, %pack3A_571 : vector<32xbf16>
        %add3A_739 = arith.addf %broadcast_in_dim3A_499, %mul3A_738 : vector<32xbf16>
        %mul3A_740 = arith.mulf %bitcast3A_733, %pack3A_584 : vector<32xbf16>
        %add3A_741 = arith.addf %add3A_739, %mul3A_740 : vector<32xbf16>
        %mul3A_742 = arith.mulf %bitcast3A_722, %pack3A_597 : vector<32xbf16>
        %add3A_743 = arith.addf %broadcast_in_dim3A_511, %mul3A_742 : vector<32xbf16>
        %mul3A_744 = arith.mulf %bitcast3A_733, %pack3A_610 : vector<32xbf16>
        %add3A_745 = arith.addf %add3A_743, %mul3A_744 : vector<32xbf16>
        %mul3A_746 = arith.mulf %bitcast3A_722, %pack3A_623 : vector<32xbf16>
        %add3A_747 = arith.addf %broadcast_in_dim3A_523, %mul3A_746 : vector<32xbf16>
        %mul3A_748 = arith.mulf %bitcast3A_733, %pack3A_636 : vector<32xbf16>
        %add3A_749 = arith.addf %add3A_747, %mul3A_748 : vector<32xbf16>
        %mul3A_750 = arith.constant 6 : i32
        %mul3A_751 = arith.muli %add3A_533, %mul3A_750 : i32
        %add3A_752 = arith.constant 3 : i32
        %add3A_753 = arith.addi %mul3A_751, %add3A_752 : i32
        %mul3A_754 = arith.constant 32 : i32
        %mul3A_755 = arith.muli %add3A_753, %mul3A_754 : i32
        %add3A_756 = arith.constant 0 : i32
        %add3A_757 = arith.addi %mul3A_755, %add3A_756 : i32
        %get3A_758 = arith.index_cast %add3A_757 : i32 to index
        %get3A_759 = tpu.vector_load %arg8[%get3A_758] {strides = array<i32>} : memref<9600xf32, #tpu.memory_space<vmem>>, vector<16xf32>,
        %bitcast3A_760 = vector.bitcast %get3A_759 : vector<16xf32> to vector<32xbf16>
        %mul3A_761 = arith.constant 6 : i32
        %mul3A_762 = arith.muli %add3A_533, %mul3A_761 : i32
        %add3A_763 = arith.constant 3 : i32
        %add3A_764 = arith.addi %mul3A_762, %add3A_763 : i32
        %mul3A_765 = arith.constant 32 : i32
        %mul3A_766 = arith.muli %add3A_764, %mul3A_765 : i32
        %add3A_767 = arith.constant 16 : i32
        %add3A_768 = arith.addi %mul3A_766, %add3A_767 : i32
        %get3A_769 = arith.index_cast %add3A_768 : i32 to index
        %get3A_770 = tpu.vector_load %arg8[%get3A_769] {strides = array<i32>} : memref<9600xf32, #tpu.memory_space<vmem>>, vector<16xf32>,
        %bitcast3A_771 = vector.bitcast %get3A_770 : vector<16xf32> to vector<32xbf16>
        %mul3A_772 = arith.mulf %bitcast3A_760, %pack3A : vector<32xbf16>
        %add3A_773 = arith.addf %broadcast_in_dim3A_489, %mul3A_772 : vector<32xbf16>
        %mul3A_774 = arith.mulf %bitcast3A_771, %pack3A_558 : vector<32xbf16>
        %add3A_775 = arith.addf %add3A_773, %mul3A_774 : vector<32xbf16>
        %mul3A_776 = arith.mulf %bitcast3A_760, %pack3A_571 : vector<32xbf16>
        %add3A_777 = arith.addf %broadcast_in_dim3A_501, %mul3A_776 : vector<32xbf16>
        %mul3A_778 = arith.mulf %bitcast3A_771, %pack3A_584 : vector<32xbf16>
        %add3A_779 = arith.addf %add3A_777, %mul3A_778 : vector<32xbf16>
        %mul3A_780 = arith.mulf %bitcast3A_760, %pack3A_597 : vector<32xbf16>
        %add3A_781 = arith.addf %broadcast_in_dim3A_513, %mul3A_780 : vector<32xbf16>
        %mul3A_782 = arith.mulf %bitcast3A_771, %pack3A_610 : vector<32xbf16>
        %add3A_783 = arith.addf %add3A_781, %mul3A_782 : vector<32xbf16>
        %mul3A_784 = arith.mulf %bitcast3A_760, %pack3A_623 : vector<32xbf16>
        %add3A_785 = arith.addf %broadcast_in_dim3A_525, %mul3A_784 : vector<32xbf16>
        %mul3A_786 = arith.mulf %bitcast3A_771, %pack3A_636 : vector<32xbf16>
        %add3A_787 = arith.addf %add3A_785, %mul3A_786 : vector<32xbf16>
        %mul3A_788 = arith.constant 6 : i32
        %mul3A_789 = arith.muli %add3A_533, %mul3A_788 : i32
        %add3A_790 = arith.constant 4 : i32
        %add3A_791 = arith.addi %mul3A_789, %add3A_790 : i32
        %mul3A_792 = arith.constant 32 : i32
        %mul3A_793 = arith.muli %add3A_791, %mul3A_792 : i32
        %add3A_794 = arith.constant 0 : i32
        %add3A_795 = arith.addi %mul3A_793, %add3A_794 : i32
        %get3A_796 = arith.index_cast %add3A_795 : i32 to index
        %get3A_797 = tpu.vector_load %arg8[%get3A_796] {strides = array<i32>} : memref<9600xf32, #tpu.memory_space<vmem>>, vector<16xf32>,
        %bitcast3A_798 = vector.bitcast %get3A_797 : vector<16xf32> to vector<32xbf16>
        %mul3A_799 = arith.constant 6 : i32
        %mul3A_800 = arith.muli %add3A_533, %mul3A_799 : i32
        %add3A_801 = arith.constant 4 : i32
        %add3A_802 = arith.addi %mul3A_800, %add3A_801 : i32
        %mul3A_803 = arith.constant 32 : i32
        %mul3A_804 = arith.muli %add3A_802, %mul3A_803 : i32
        %add3A_805 = arith.constant 16 : i32
        %add3A_806 = arith.addi %mul3A_804, %add3A_805 : i32
        %get3A_807 = arith.index_cast %add3A_806 : i32 to index
        %get3A_808 = tpu.vector_load %arg8[%get3A_807] {strides = array<i32>} : memref<9600xf32, #tpu.memory_space<vmem>>, vector<16xf32>,
        %bitcast3A_809 = vector.bitcast %get3A_808 : vector<16xf32> to vector<32xbf16>
        %mul3A_810 = arith.mulf %bitcast3A_798, %pack3A : vector<32xbf16>
        %add3A_811 = arith.addf %broadcast_in_dim3A_491, %mul3A_810 : vector<32xbf16>
        %mul3A_812 = arith.mulf %bitcast3A_809, %pack3A_558 : vector<32xbf16>
        %add3A_813 = arith.addf %add3A_811, %mul3A_812 : vector<32xbf16>
        %mul3A_814 = arith.mulf %bitcast3A_798, %pack3A_571 : vector<32xbf16>
        %add3A_815 = arith.addf %broadcast_in_dim3A_503, %mul3A_814 : vector<32xbf16>
        %mul3A_816 = arith.mulf %bitcast3A_809, %pack3A_584 : vector<32xbf16>
        %add3A_817 = arith.addf %add3A_815, %mul3A_816 : vector<32xbf16>
        %mul3A_818 = arith.mulf %bitcast3A_798, %pack3A_597 : vector<32xbf16>
        %add3A_819 = arith.addf %broadcast_in_dim3A_515, %mul3A_818 : vector<32xbf16>
        %mul3A_820 = arith.mulf %bitcast3A_809, %pack3A_610 : vector<32xbf16>
        %add3A_821 = arith.addf %add3A_819, %mul3A_820 : vector<32xbf16>
        %mul3A_822 = arith.mulf %bitcast3A_798, %pack3A_623 : vector<32xbf16>
        %add3A_823 = arith.addf %broadcast_in_dim3A_527, %mul3A_822 : vector<32xbf16>
        %mul3A_824 = arith.mulf %bitcast3A_809, %pack3A_636 : vector<32xbf16>
        %add3A_825 = arith.addf %add3A_823, %mul3A_824 : vector<32xbf16>
        %mul3A_826 = arith.constant 6 : i32
        %mul3A_827 = arith.muli %add3A_533, %mul3A_826 : i32
        %add3A_828 = arith.constant 5 : i32
        %add3A_829 = arith.addi %mul3A_827, %add3A_828 : i32
        %mul3A_830 = arith.constant 32 : i32
        %mul3A_831 = arith.muli %add3A_829, %mul3A_830 : i32
        %add3A_832 = arith.constant 0 : i32
        %add3A_833 = arith.addi %mul3A_831, %add3A_832 : i32
        %get3A_834 = arith.index_cast %add3A_833 : i32 to index
        %get3A_835 = tpu.vector_load %arg8[%get3A_834] {strides = array<i32>} : memref<9600xf32, #tpu.memory_space<vmem>>, vector<16xf32>,
        %bitcast3A_836 = vector.bitcast %get3A_835 : vector<16xf32> to vector<32xbf16>
        %mul3A_837 = arith.constant 6 : i32
        %mul3A_838 = arith.muli %add3A_533, %mul3A_837 : i32
        %add3A_839 = arith.constant 5 : i32
        %add3A_840 = arith.addi %mul3A_838, %add3A_839 : i32
        %mul3A_841 = arith.constant 32 : i32
        %mul3A_842 = arith.muli %add3A_840, %mul3A_841 : i32
        %add3A_843 = arith.constant 16 : i32
        %add3A_844 = arith.addi %mul3A_842, %add3A_843 : i32
        %get3A_845 = arith.index_cast %add3A_844 : i32 to index
        %get3A_846 = tpu.vector_load %arg8[%get3A_845] {strides = array<i32>} : memref<9600xf32, #tpu.memory_space<vmem>>, vector<16xf32>,
        %bitcast3A_847 = vector.bitcast %get3A_846 : vector<16xf32> to vector<32xbf16>
        %mul3A_848 = arith.mulf %bitcast3A_836, %pack3A : vector<32xbf16>
        %add3A_849 = arith.addf %broadcast_in_dim3A_493, %mul3A_848 : vector<32xbf16>
        %mul3A_850 = arith.mulf %bitcast3A_847, %pack3A_558 : vector<32xbf16>
        %add3A_851 = arith.addf %add3A_849, %mul3A_850 : vector<32xbf16>
        %mul3A_852 = arith.mulf %bitcast3A_836, %pack3A_571 : vector<32xbf16>
        %add3A_853 = arith.addf %broadcast_in_dim3A_505, %mul3A_852 : vector<32xbf16>
        %mul3A_854 = arith.mulf %bitcast3A_847, %pack3A_584 : vector<32xbf16>
        %add3A_855 = arith.addf %add3A_853, %mul3A_854 : vector<32xbf16>
        %mul3A_856 = arith.mulf %bitcast3A_836, %pack3A_597 : vector<32xbf16>
        %add3A_857 = arith.addf %broadcast_in_dim3A_517, %mul3A_856 : vector<32xbf16>
        %mul3A_858 = arith.mulf %bitcast3A_847, %pack3A_610 : vector<32xbf16>
        %add3A_859 = arith.addf %add3A_857, %mul3A_858 : vector<32xbf16>
        %mul3A_860 = arith.mulf %bitcast3A_836, %pack3A_623 : vector<32xbf16>
        %add3A_861 = arith.addf %broadcast_in_dim3A_529, %mul3A_860 : vector<32xbf16>
        %mul3A_862 = arith.mulf %bitcast3A_847, %pack3A_636 : vector<32xbf16>
        %add3A_863 = arith.addf %add3A_861, %mul3A_862 : vector<32xbf16>
        %mul3A_864 = arith.constant 10 : i32
        %mul3A_865 = arith.muli %scan3A_457, %mul3A_864 : i32
        %add3A_866 = arith.constant 1 : i32
        %add3A_867 = arith.addi %mul3A_865, %add3A_866 : i32
        %add3A_868 = arith.constant 0 : i32
        %add3A_869 = arith.addi %mul3A_154, %add3A_868 : i32
        %get3A_870 = arith.index_cast %add3A_869 : i32 to index
        %get3A_871 = arith.index_cast %add3A_867 : i32 to index
        %get3A_872 = arith.constant 0 : index
        %get3A_873 = tpu.vector_load %arg9[%get3A_870, %get3A_871, %get3A_872] {strides = array<i32>} : memref<8x50x64xf32, #tpu.memory_space<vmem>>, vector<16xf32>,
        %add3A_874 = arith.constant 0 : i32
        %add3A_875 = arith.addi %mul3A_154, %add3A_874 : i32
        %get3A_876 = arith.index_cast %add3A_875 : i32 to index
        %get3A_877 = arith.index_cast %add3A_867 : i32 to index
        %get3A_878 = arith.constant 16 : index
        %get3A_879 = tpu.vector_load %arg9[%get3A_876, %get3A_877, %get3A_878] {strides = array<i32>} : memref<8x50x64xf32, #tpu.memory_space<vmem>>, vector<16xf32>,
        %pack3A_880 = tpu.pack_subelements %get3A_873, %get3A_879 {pack_format = #tpu.pack_format<interleaved>, positions = array<i32: 0, 1>} : vector<16xf32>, vector<16xf32> -> vector<32xbf16>
        %add3A_881 = arith.constant 0 : i32
        %add3A_882 = arith.addi %mul3A_154, %add3A_881 : i32
        %get3A_883 = arith.index_cast %add3A_882 : i32 to index
        %get3A_884 = arith.index_cast %add3A_867 : i32 to index
        %get3A_885 = arith.constant 32 : index
        %get3A_886 = tpu.vector_load %arg9[%get3A_883, %get3A_884, %get3A_885] {strides = array<i32>} : memref<8x50x64xf32, #tpu.memory_space<vmem>>, vector<16xf32>,
        %add3A_887 = arith.constant 0 : i32
        %add3A_888 = arith.addi %mul3A_154, %add3A_887 : i32
        %get3A_889 = arith.index_cast %add3A_888 : i32 to index
        %get3A_890 = arith.index_cast %add3A_867 : i32 to index
        %get3A_891 = arith.constant 48 : index
        %get3A_892 = tpu.vector_load %arg9[%get3A_889, %get3A_890, %get3A_891] {strides = array<i32>} : memref<8x50x64xf32, #tpu.memory_space<vmem>>, vector<16xf32>,
        %pack3A_893 = tpu.pack_subelements %get3A_886, %get3A_892 {pack_format = #tpu.pack_format<interleaved>, positions = array<i32: 0, 1>} : vector<16xf32>, vector<16xf32> -> vector<32xbf16>
        %add3A_894 = arith.constant 1 : i32
        %add3A_895 = arith.addi %mul3A_154, %add3A_894 : i32
        %get3A_896 = arith.index_cast %add3A_895 : i32 to index
        %get3A_897 = arith.index_cast %add3A_867 : i32 to index
        %get3A_898 = arith.constant 0 : index
        %get3A_899 = tpu.vector_load %arg9[%get3A_896, %get3A_897, %get3A_898] {strides = array<i32>} : memref<8x50x64xf32, #tpu.memory_space<vmem>>, vector<16xf32>,
        %add3A_900 = arith.constant 1 : i32
        %add3A_901 = arith.addi %mul3A_154, %add3A_900 : i32
        %get3A_902 = arith.index_cast %add3A_901 : i32 to index
        %get3A_903 = arith.index_cast %add3A_867 : i32 to index
        %get3A_904 = arith.constant 16 : index
        %get3A_905 = tpu.vector_load %arg9[%get3A_902, %get3A_903, %get3A_904] {strides = array<i32>} : memref<8x50x64xf32, #tpu.memory_space<vmem>>, vector<16xf32>,
        %pack3A_906 = tpu.pack_subelements %get3A_899, %get3A_905 {pack_format = #tpu.pack_format<interleaved>, positions = array<i32: 0, 1>} : vector<16xf32>, vector<16xf32> -> vector<32xbf16>
        %add3A_907 = arith.constant 1 : i32
        %add3A_908 = arith.addi %mul3A_154, %add3A_907 : i32
        %get3A_909 = arith.index_cast %add3A_908 : i32 to index
        %get3A_910 = arith.index_cast %add3A_867 : i32 to index
        %get3A_911 = arith.constant 32 : index
        %get3A_912 = tpu.vector_load %arg9[%get3A_909, %get3A_910, %get3A_911] {strides = array<i32>} : memref<8x50x64xf32, #tpu.memory_space<vmem>>, vector<16xf32>,
        %add3A_913 = arith.constant 1 : i32
        %add3A_914 = arith.addi %mul3A_154, %add3A_913 : i32
        %get3A_915 = arith.index_cast %add3A_914 : i32 to index
        %get3A_916 = arith.index_cast %add3A_867 : i32 to index
        %get3A_917 = arith.constant 48 : index
        %get3A_918 = tpu.vector_load %arg9[%get3A_915, %get3A_916, %get3A_917] {strides = array<i32>} : memref<8x50x64xf32, #tpu.memory_space<vmem>>, vector<16xf32>,
        %pack3A_919 = tpu.pack_subelements %get3A_912, %get3A_918 {pack_format = #tpu.pack_format<interleaved>, positions = array<i32: 0, 1>} : vector<16xf32>, vector<16xf32> -> vector<32xbf16>
        %add3A_920 = arith.constant 2 : i32
        %add3A_921 = arith.addi %mul3A_154, %add3A_920 : i32
        %get3A_922 = arith.index_cast %add3A_921 : i32 to index
        %get3A_923 = arith.index_cast %add3A_867 : i32 to index
        %get3A_924 = arith.constant 0 : index
        %get3A_925 = tpu.vector_load %arg9[%get3A_922, %get3A_923, %get3A_924] {strides = array<i32>} : memref<8x50x64xf32, #tpu.memory_space<vmem>>, vector<16xf32>,
        %add3A_926 = arith.constant 2 : i32
        %add3A_927 = arith.addi %mul3A_154, %add3A_926 : i32
        %get3A_928 = arith.index_cast %add3A_927 : i32 to index
        %get3A_929 = arith.index_cast %add3A_867 : i32 to index
        %get3A_930 = arith.constant 16 : index
        %get3A_931 = tpu.vector_load %arg9[%get3A_928, %get3A_929, %get3A_930] {strides = array<i32>} : memref<8x50x64xf32, #tpu.memory_space<vmem>>, vector<16xf32>,
        %pack3A_932 = tpu.pack_subelements %get3A_925, %get3A_931 {pack_format = #tpu.pack_format<interleaved>, positions = array<i32: 0, 1>} : vector<16xf32>, vector<16xf32> -> vector<32xbf16>
        %add3A_933 = arith.constant 2 : i32
        %add3A_934 = arith.addi %mul3A_154, %add3A_933 : i32
        %get3A_935 = arith.index_cast %add3A_934 : i32 to index
        %get3A_936 = arith.index_cast %add3A_867 : i32 to index
        %get3A_937 = arith.constant 32 : index
        %get3A_938 = tpu.vector_load %arg9[%get3A_935, %get3A_936, %get3A_937] {strides = array<i32>} : memref<8x50x64xf32, #tpu.memory_space<vmem>>, vector<16xf32>,
        %add3A_939 = arith.constant 2 : i32
        %add3A_940 = arith.addi %mul3A_154, %add3A_939 : i32
        %get3A_941 = arith.index_cast %add3A_940 : i32 to index
        %get3A_942 = arith.index_cast %add3A_867 : i32 to index
        %get3A_943 = arith.constant 48 : index
        %get3A_944 = tpu.vector_load %arg9[%get3A_941, %get3A_942, %get3A_943] {strides = array<i32>} : memref<8x50x64xf32, #tpu.memory_space<vmem>>, vector<16xf32>,
        %pack3A_945 = tpu.pack_subelements %get3A_938, %get3A_944 {pack_format = #tpu.pack_format<interleaved>, positions = array<i32: 0, 1>} : vector<16xf32>, vector<16xf32> -> vector<32xbf16>
        %add3A_946 = arith.constant 3 : i32
        %add3A_947 = arith.addi %mul3A_154, %add3A_946 : i32
        %get3A_948 = arith.index_cast %add3A_947 : i32 to index
        %get3A_949 = arith.index_cast %add3A_867 : i32 to index
        %get3A_950 = arith.constant 0 : index
        %get3A_951 = tpu.vector_load %arg9[%get3A_948, %get3A_949, %get3A_950] {strides = array<i32>} : memref<8x50x64xf32, #tpu.memory_space<vmem>>, vector<16xf32>,
        %add3A_952 = arith.constant 3 : i32
        %add3A_953 = arith.addi %mul3A_154, %add3A_952 : i32
        %get3A_954 = arith.index_cast %add3A_953 : i32 to index
        %get3A_955 = arith.index_cast %add3A_867 : i32 to index
        %get3A_956 = arith.constant 16 : index
        %get3A_957 = tpu.vector_load %arg9[%get3A_954, %get3A_955, %get3A_956] {strides = array<i32>} : memref<8x50x64xf32, #tpu.memory_space<vmem>>, vector<16xf32>,
        %pack3A_958 = tpu.pack_subelements %get3A_951, %get3A_957 {pack_format = #tpu.pack_format<interleaved>, positions = array<i32: 0, 1>} : vector<16xf32>, vector<16xf32> -> vector<32xbf16>
        %add3A_959 = arith.constant 3 : i32
        %add3A_960 = arith.addi %mul3A_154, %add3A_959 : i32
        %get3A_961 = arith.index_cast %add3A_960 : i32 to index
        %get3A_962 = arith.index_cast %add3A_867 : i32 to index
        %get3A_963 = arith.constant 32 : index
        %get3A_964 = tpu.vector_load %arg9[%get3A_961, %get3A_962, %get3A_963] {strides = array<i32>} : memref<8x50x64xf32, #tpu.memory_space<vmem>>, vector<16xf32>,
        %add3A_965 = arith.constant 3 : i32
        %add3A_966 = arith.addi %mul3A_154, %add3A_965 : i32
        %get3A_967 = arith.index_cast %add3A_966 : i32 to index
        %get3A_968 = arith.index_cast %add3A_867 : i32 to index
        %get3A_969 = arith.constant 48 : index
        %get3A_970 = tpu.vector_load %arg9[%get3A_967, %get3A_968, %get3A_969] {strides = array<i32>} : memref<8x50x64xf32, #tpu.memory_space<vmem>>, vector<16xf32>,
        %pack3A_971 = tpu.pack_subelements %get3A_964, %get3A_970 {pack_format = #tpu.pack_format<interleaved>, positions = array<i32: 0, 1>} : vector<16xf32>, vector<16xf32> -> vector<32xbf16>
        %mul3A_972 = arith.constant 6 : i32
        %mul3A_973 = arith.muli %add3A_867, %mul3A_972 : i32
        %add3A_974 = arith.constant 0 : i32
        %add3A_975 = arith.addi %mul3A_973, %add3A_974 : i32
        %mul3A_976 = arith.constant 32 : i32
        %mul3A_977 = arith.muli %add3A_975, %mul3A_976 : i32
        %add3A_978 = arith.constant 0 : i32
        %add3A_979 = arith.addi %mul3A_977, %add3A_978 : i32
        %get3A_980 = arith.index_cast %add3A_979 : i32 to index
        %get3A_981 = tpu.vector_load %arg8[%get3A_980] {strides = array<i32>} : memref<9600xf32, #tpu.memory_space<vmem>>, vector<16xf32>,
        %bitcast3A_982 = vector.bitcast %get3A_981 : vector<16xf32> to vector<32xbf16>
        %mul3A_983 = arith.constant 6 : i32
        %mul3A_984 = arith.muli %add3A_867, %mul3A_983 : i32
        %add3A_985 = arith.constant 0 : i32
        %add3A_986 = arith.addi %mul3A_984, %add3A_985 : i32
        %mul3A_987 = arith.constant 32 : i32
        %mul3A_988 = arith.muli %add3A_986, %mul3A_987 : i32
        %add3A_989 = arith.constant 16 : i32
        %add3A_990 = arith.addi %mul3A_988, %add3A_989 : i32
        %get3A_991 = arith.index_cast %add3A_990 : i32 to index
        %get3A_992 = tpu.vector_load %arg8[%get3A_991] {strides = array<i32>} : memref<9600xf32, #tpu.memory_space<vmem>>, vector<16xf32>,
        %bitcast3A_993 = vector.bitcast %get3A_992 : vector<16xf32> to vector<32xbf16>
        %mul3A_994 = arith.mulf %bitcast3A_982, %pack3A_880 : vector<32xbf16>
        %add3A_995 = arith.addf %add3A_661, %mul3A_994 : vector<32xbf16>
        %mul3A_996 = arith.mulf %bitcast3A_993, %pack3A_893 : vector<32xbf16>
        %add3A_997 = arith.addf %add3A_995, %mul3A_996 : vector<32xbf16>
        %mul3A_998 = arith.mulf %bitcast3A_982, %pack3A_906 : vector<32xbf16>
        %add3A_999 = arith.addf %add3A_665, %mul3A_998 : vector<32xbf16>
        %mul3A_1000 = arith.mulf %bitcast3A_993, %pack3A_919 : vector<32xbf16>
        %add3A_1001 = arith.addf %add3A_999, %mul3A_1000 : vector<32xbf16>
        %mul3A_1002 = arith.mulf %bitcast3A_982, %pack3A_932 : vector<32xbf16>
        %add3A_1003 = arith.addf %add3A_669, %mul3A_1002 : vector<32xbf16>
        %mul3A_1004 = arith.mulf %bitcast3A_993, %pack3A_945 : vector<32xbf16>
        %add3A_1005 = arith.addf %add3A_1003, %mul3A_1004 : vector<32xbf16>
        %mul3A_1006 = arith.mulf %bitcast3A_982, %pack3A_958 : vector<32xbf16>
        %add3A_1007 = arith.addf %add3A_673, %mul3A_1006 : vector<32xbf16>
        %mul3A_1008 = arith.mulf %bitcast3A_993, %pack3A_971 : vector<32xbf16>
        %add3A_1009 = arith.addf %add3A_1007, %mul3A_1008 : vector<32xbf16>
        %mul3A_1010 = arith.constant 6 : i32
        %mul3A_1011 = arith.muli %add3A_867, %mul3A_1010 : i32
        %add3A_1012 = arith.constant 1 : i32
        %add3A_1013 = arith.addi %mul3A_1011, %add3A_1012 : i32
        %mul3A_1014 = arith.constant 32 : i32
        %mul3A_1015 = arith.muli %add3A_1013, %mul3A_1014 : i32
        %add3A_1016 = arith.constant 0 : i32
        %add3A_1017 = arith.addi %mul3A_1015, %add3A_1016 : i32
        %get3A_1018 = arith.index_cast %add3A_1017 : i32 to index
        %get3A_1019 = tpu.vector_load %arg8[%get3A_1018] {strides = array<i32>} : memref<9600xf32, #tpu.memory_space<vmem>>, vector<16xf32>,
        %bitcast3A_1020 = vector.bitcast %get3A_1019 : vector<16xf32> to vector<32xbf16>
        %mul3A_1021 = arith.constant 6 : i32
        %mul3A_1022 = arith.muli %add3A_867, %mul3A_1021 : i32
        %add3A_1023 = arith.constant 1 : i32
        %add3A_1024 = arith.addi %mul3A_1022, %add3A_1023 : i32
        %mul3A_1025 = arith.constant 32 : i32
        %mul3A_1026 = arith.muli %add3A_1024, %mul3A_1025 : i32
        %add3A_1027 = arith.constant 16 : i32
        %add3A_1028 = arith.addi %mul3A_1026, %add3A_1027 : i32
        %get3A_1029 = arith.index_cast %add3A_1028 : i32 to index
        %get3A_1030 = tpu.vector_load %arg8[%get3A_1029] {strides = array<i32>} : memref<9600xf32, #tpu.memory_space<vmem>>, vector<16xf32>,
        %bitcast3A_1031 = vector.bitcast %get3A_1030 : vector<16xf32> to vector<32xbf16>
        %mul3A_1032 = arith.mulf %bitcast3A_1020, %pack3A_880 : vector<32xbf16>
        %add3A_1033 = arith.addf %add3A_699, %mul3A_1032 : vector<32xbf16>
        %mul3A_1034 = arith.mulf %bitcast3A_1031, %pack3A_893 : vector<32xbf16>
        %add3A_1035 = arith.addf %add3A_1033, %mul3A_1034 : vector<32xbf16>
        %mul3A_1036 = arith.mulf %bitcast3A_1020, %pack3A_906 : vector<32xbf16>
        %add3A_1037 = arith.addf %add3A_703, %mul3A_1036 : vector<32xbf16>
        %mul3A_1038 = arith.mulf %bitcast3A_1031, %pack3A_919 : vector<32xbf16>
        %add3A_1039 = arith.addf %add3A_1037, %mul3A_1038 : vector<32xbf16>
        %mul3A_1040 = arith.mulf %bitcast3A_1020, %pack3A_932 : vector<32xbf16>
        %add3A_1041 = arith.addf %add3A_707, %mul3A_1040 : vector<32xbf16>
        %mul3A_1042 = arith.mulf %bitcast3A_1031, %pack3A_945 : vector<32xbf16>
        %add3A_1043 = arith.addf %add3A_1041, %mul3A_1042 : vector<32xbf16>
        %mul3A_1044 = arith.mulf %bitcast3A_1020, %pack3A_958 : vector<32xbf16>
        %add3A_1045 = arith.addf %add3A_711, %mul3A_1044 : vector<32xbf16>
        %mul3A_1046 = arith.mulf %bitcast3A_1031, %pack3A_971 : vector<32xbf16>
        %add3A_1047 = arith.addf %add3A_1045, %mul3A_1046 : vector<32xbf16>
        %mul3A_1048 = arith.constant 6 : i32
        %mul3A_1049 = arith.muli %add3A_867, %mul3A_1048 : i32
        %add3A_1050 = arith.constant 2 : i32
        %add3A_1051 = arith.addi %mul3A_1049, %add3A_1050 : i32
        %mul3A_1052 = arith.constant 32 : i32
        %mul3A_1053 = arith.muli %add3A_1051, %mul3A_1052 : i32
        %add3A_1054 = arith.constant 0 : i32
        %add3A_1055 = arith.addi %mul3A_1053, %add3A_1054 : i32
        %get3A_1056 = arith.index_cast %add3A_1055 : i32 to index
        %get3A_1057 = tpu.vector_load %arg8[%get3A_1056] {strides = array<i32>} : memref<9600xf32, #tpu.memory_space<vmem>>, vector<16xf32>,
        %bitcast3A_1058 = vector.bitcast %get3A_1057 : vector<16xf32> to vector<32xbf16>
        %mul3A_1059 = arith.constant 6 : i32
        %mul3A_1060 = arith.muli %add3A_867, %mul3A_1059 : i32
        %add3A_1061 = arith.constant 2 : i32
        %add3A_1062 = arith.addi %mul3A_1060, %add3A_1061 : i32
        %mul3A_1063 = arith.constant 32 : i32
        %mul3A_1064 = arith.muli %add3A_1062, %mul3A_1063 : i32
        %add3A_1065 = arith.constant 16 : i32
        %add3A_1066 = arith.addi %mul3A_1064, %add3A_1065 : i32
        %get3A_1067 = arith.index_cast %add3A_1066 : i32 to index
        %get3A_1068 = tpu.vector_load %arg8[%get3A_1067] {strides = array<i32>} : memref<9600xf32, #tpu.memory_space<vmem>>, vector<16xf32>,
        %bitcast3A_1069 = vector.bitcast %get3A_1068 : vector<16xf32> to vector<32xbf16>
        %mul3A_1070 = arith.mulf %bitcast3A_1058, %pack3A_880 : vector<32xbf16>
        %add3A_1071 = arith.addf %add3A_737, %mul3A_1070 : vector<32xbf16>
        %mul3A_1072 = arith.mulf %bitcast3A_1069, %pack3A_893 : vector<32xbf16>
        %add3A_1073 = arith.addf %add3A_1071, %mul3A_1072 : vector<32xbf16>
        %mul3A_1074 = arith.mulf %bitcast3A_1058, %pack3A_906 : vector<32xbf16>
        %add3A_1075 = arith.addf %add3A_741, %mul3A_1074 : vector<32xbf16>
        %mul3A_1076 = arith.mulf %bitcast3A_1069, %pack3A_919 : vector<32xbf16>
        %add3A_1077 = arith.addf %add3A_1075, %mul3A_1076 : vector<32xbf16>
        %mul3A_1078 = arith.mulf %bitcast3A_1058, %pack3A_932 : vector<32xbf16>
        %add3A_1079 = arith.addf %add3A_745, %mul3A_1078 : vector<32xbf16>
        %mul3A_1080 = arith.mulf %bitcast3A_1069, %pack3A_945 : vector<32xbf16>
        %add3A_1081 = arith.addf %add3A_1079, %mul3A_1080 : vector<32xbf16>
        %mul3A_1082 = arith.mulf %bitcast3A_1058, %pack3A_958 : vector<32xbf16>
        %add3A_1083 = arith.addf %add3A_749, %mul3A_1082 : vector<32xbf16>
        %mul3A_1084 = arith.mulf %bitcast3A_1069, %pack3A_971 : vector<32xbf16>
        %add3A_1085 = arith.addf %add3A_1083, %mul3A_1084 : vector<32xbf16>
        %mul3A_1086 = arith.constant 6 : i32
        %mul3A_1087 = arith.muli %add3A_867, %mul3A_1086 : i32
        %add3A_1088 = arith.constant 3 : i32
        %add3A_1089 = arith.addi %mul3A_1087, %add3A_1088 : i32
        %mul3A_1090 = arith.constant 32 : i32
        %mul3A_1091 = arith.muli %add3A_1089, %mul3A_1090 : i32
        %add3A_1092 = arith.constant 0 : i32
        %add3A_1093 = arith.addi %mul3A_1091, %add3A_1092 : i32
        %get3A_1094 = arith.index_cast %add3A_1093 : i32 to index
        %get3A_1095 = tpu.vector_load %arg8[%get3A_1094] {strides = array<i32>} : memref<9600xf32, #tpu.memory_space<vmem>>, vector<16xf32>,
        %bitcast3A_1096 = vector.bitcast %get3A_1095 : vector<16xf32> to vector<32xbf16>
        %mul3A_1097 = arith.constant 6 : i32
        %mul3A_1098 = arith.muli %add3A_867, %mul3A_1097 : i32
        %add3A_1099 = arith.constant 3 : i32
        %add3A_1100 = arith.addi %mul3A_1098, %add3A_1099 : i32
        %mul3A_1101 = arith.constant 32 : i32
        %mul3A_1102 = arith.muli %add3A_1100, %mul3A_1101 : i32
        %add3A_1103 = arith.constant 16 : i32
        %add3A_1104 = arith.addi %mul3A_1102, %add3A_1103 : i32
        %get3A_1105 = arith.index_cast %add3A_1104 : i32 to index
        %get3A_1106 = tpu.vector_load %arg8[%get3A_1105] {strides = array<i32>} : memref<9600xf32, #tpu.memory_space<vmem>>, vector<16xf32>,
        %bitcast3A_1107 = vector.bitcast %get3A_1106 : vector<16xf32> to vector<32xbf16>
        %mul3A_1108 = arith.mulf %bitcast3A_1096, %pack3A_880 : vector<32xbf16>
        %add3A_1109 = arith.addf %add3A_775, %mul3A_1108 : vector<32xbf16>
        %mul3A_1110 = arith.mulf %bitcast3A_1107, %pack3A_893 : vector<32xbf16>
        %add3A_1111 = arith.addf %add3A_1109, %mul3A_1110 : vector<32xbf16>
        %mul3A_1112 = arith.mulf %bitcast3A_1096, %pack3A_906 : vector<32xbf16>
        %add3A_1113 = arith.addf %add3A_779, %mul3A_1112 : vector<32xbf16>
        %mul3A_1114 = arith.mulf %bitcast3A_1107, %pack3A_919 : vector<32xbf16>
        %add3A_1115 = arith.addf %add3A_1113, %mul3A_1114 : vector<32xbf16>
        %mul3A_1116 = arith.mulf %bitcast3A_1096, %pack3A_932 : vector<32xbf16>
        %add3A_1117 = arith.addf %add3A_783, %mul3A_1116 : vector<32xbf16>
        %mul3A_1118 = arith.mulf %bitcast3A_1107, %pack3A_945 : vector<32xbf16>
        %add3A_1119 = arith.addf %add3A_1117, %mul3A_1118 : vector<32xbf16>
        %mul3A_1120 = arith.mulf %bitcast3A_1096, %pack3A_958 : vector<32xbf16>
        %add3A_1121 = arith.addf %add3A_787, %mul3A_1120 : vector<32xbf16>
        %mul3A_1122 = arith.mulf %bitcast3A_1107, %pack3A_971 : vector<32xbf16>
        %add3A_1123 = arith.addf %add3A_1121, %mul3A_1122 : vector<32xbf16>
        %mul3A_1124 = arith.constant 6 : i32
        %mul3A_1125 = arith.muli %add3A_867, %mul3A_1124 : i32
        %add3A_1126 = arith.constant 4 : i32
        %add3A_1127 = arith.addi %mul3A_1125, %add3A_1126 : i32
        %mul3A_1128 = arith.constant 32 : i32
        %mul3A_1129 = arith.muli %add3A_1127, %mul3A_1128 : i32
        %add3A_1130 = arith.constant 0 : i32
        %add3A_1131 = arith.addi %mul3A_1129, %add3A_1130 : i32
        %get3A_1132 = arith.index_cast %add3A_1131 : i32 to index
        %get3A_1133 = tpu.vector_load %arg8[%get3A_1132] {strides = array<i32>} : memref<9600xf32, #tpu.memory_space<vmem>>, vector<16xf32>,
        %bitcast3A_1134 = vector.bitcast %get3A_1133 : vector<16xf32> to vector<32xbf16>
        %mul3A_1135 = arith.constant 6 : i32
        %mul3A_1136 = arith.muli %add3A_867, %mul3A_1135 : i32
        %add3A_1137 = arith.constant 4 : i32
        %add3A_1138 = arith.addi %mul3A_1136, %add3A_1137 : i32
        %mul3A_1139 = arith.constant 32 : i32
        %mul3A_1140 = arith.muli %add3A_1138, %mul3A_1139 : i32
        %add3A_1141 = arith.constant 16 : i32
        %add3A_1142 = arith.addi %mul3A_1140, %add3A_1141 : i32
        %get3A_1143 = arith.index_cast %add3A_1142 : i32 to index
        %get3A_1144 = tpu.vector_load %arg8[%get3A_1143] {strides = array<i32>} : memref<9600xf32, #tpu.memory_space<vmem>>, vector<16xf32>,
        %bitcast3A_1145 = vector.bitcast %get3A_1144 : vector<16xf32> to vector<32xbf16>
        %mul3A_1146 = arith.mulf %bitcast3A_1134, %pack3A_880 : vector<32xbf16>
        %add3A_1147 = arith.addf %add3A_813, %mul3A_1146 : vector<32xbf16>
        %mul3A_1148 = arith.mulf %bitcast3A_1145, %pack3A_893 : vector<32xbf16>
        %add3A_1149 = arith.addf %add3A_1147, %mul3A_1148 : vector<32xbf16>
        %mul3A_1150 = arith.mulf %bitcast3A_1134, %pack3A_906 : vector<32xbf16>
        %add3A_1151 = arith.addf %add3A_817, %mul3A_1150 : vector<32xbf16>
        %mul3A_1152 = arith.mulf %bitcast3A_1145, %pack3A_919 : vector<32xbf16>
        %add3A_1153 = arith.addf %add3A_1151, %mul3A_1152 : vector<32xbf16>
        %mul3A_1154 = arith.mulf %bitcast3A_1134, %pack3A_932 : vector<32xbf16>
        %add3A_1155 = arith.addf %add3A_821, %mul3A_1154 : vector<32xbf16>
        %mul3A_1156 = arith.mulf %bitcast3A_1145, %pack3A_945 : vector<32xbf16>
        %add3A_1157 = arith.addf %add3A_1155, %mul3A_1156 : vector<32xbf16>
        %mul3A_1158 = arith.mulf %bitcast3A_1134, %pack3A_958 : vector<32xbf16>
        %add3A_1159 = arith.addf %add3A_825, %mul3A_1158 : vector<32xbf16>
        %mul3A_1160 = arith.mulf %bitcast3A_1145, %pack3A_971 : vector<32xbf16>
        %add3A_1161 = arith.addf %add3A_1159, %mul3A_1160 : vector<32xbf16>
        %mul3A_1162 = arith.constant 6 : i32
        %mul3A_1163 = arith.muli %add3A_867, %mul3A_1162 : i32
        %add3A_1164 = arith.constant 5 : i32
        %add3A_1165 = arith.addi %mul3A_1163, %add3A_1164 : i32
        %mul3A_1166 = arith.constant 32 : i32
        %mul3A_1167 = arith.muli %add3A_1165, %mul3A_1166 : i32
        %add3A_1168 = arith.constant 0 : i32
        %add3A_1169 = arith.addi %mul3A_1167, %add3A_1168 : i32
        %get3A_1170 = arith.index_cast %add3A_1169 : i32 to index
        %get3A_1171 = tpu.vector_load %arg8[%get3A_1170] {strides = array<i32>} : memref<9600xf32, #tpu.memory_space<vmem>>, vector<16xf32>,
        %bitcast3A_1172 = vector.bitcast %get3A_1171 : vector<16xf32> to vector<32xbf16>
        %mul3A_1173 = arith.constant 6 : i32
        %mul3A_1174 = arith.muli %add3A_867, %mul3A_1173 : i32
        %add3A_1175 = arith.constant 5 : i32
        %add3A_1176 = arith.addi %mul3A_1174, %add3A_1175 : i32
        %mul3A_1177 = arith.constant 32 : i32
        %mul3A_1178 = arith.muli %add3A_1176, %mul3A_1177 : i32
        %add3A_1179 = arith.constant 16 : i32
        %add3A_1180 = arith.addi %mul3A_1178, %add3A_1179 : i32
        %get3A_1181 = arith.index_cast %add3A_1180 : i32 to index
        %get3A_1182 = tpu.vector_load %arg8[%get3A_1181] {strides = array<i32>} : memref<9600xf32, #tpu.memory_space<vmem>>, vector<16xf32>,
        %bitcast3A_1183 = vector.bitcast %get3A_1182 : vector<16xf32> to vector<32xbf16>
        %mul3A_1184 = arith.mulf %bitcast3A_1172, %pack3A_880 : vector<32xbf16>
        %add3A_1185 = arith.addf %add3A_851, %mul3A_1184 : vector<32xbf16>
        %mul3A_1186 = arith.mulf %bitcast3A_1183, %pack3A_893 : vector<32xbf16>
        %add3A_1187 = arith.addf %add3A_1185, %mul3A_1186 : vector<32xbf16>
        %mul3A_1188 = arith.mulf %bitcast3A_1172, %pack3A_906 : vector<32xbf16>
        %add3A_1189 = arith.addf %add3A_855, %mul3A_1188 : vector<32xbf16>
        %mul3A_1190 = arith.mulf %bitcast3A_1183, %pack3A_919 : vector<32xbf16>
        %add3A_1191 = arith.addf %add3A_1189, %mul3A_1190 : vector<32xbf16>
        %mul3A_1192 = arith.mulf %bitcast3A_1172, %pack3A_932 : vector<32xbf16>
        %add3A_1193 = arith.addf %add3A_859, %mul3A_1192 : vector<32xbf16>
        %mul3A_1194 = arith.mulf %bitcast3A_1183, %pack3A_945 : vector<32xbf16>
        %add3A_1195 = arith.addf %add3A_1193, %mul3A_1194 : vector<32xbf16>
        %mul3A_1196 = arith.mulf %bitcast3A_1172, %pack3A_958 : vector<32xbf16>
        %add3A_1197 = arith.addf %add3A_863, %mul3A_1196 : vector<32xbf16>
        %mul3A_1198 = arith.mulf %bitcast3A_1183, %pack3A_971 : vector<32xbf16>
        %add3A_1199 = arith.addf %add3A_1197, %mul3A_1198 : vector<32xbf16>
        %mul3A_1200 = arith.constant 10 : i32
        %mul3A_1201 = arith.muli %scan3A_457, %mul3A_1200 : i32
        %add3A_1202 = arith.constant 2 : i32
        %add3A_1203 = arith.addi %mul3A_1201, %add3A_1202 : i32
        %add3A_1204 = arith.constant 0 : i32
        %add3A_1205 = arith.addi %mul3A_154, %add3A_1204 : i32
        %get3A_1206 = arith.index_cast %add3A_1205 : i32 to index
        %get3A_1207 = arith.index_cast %add3A_1203 : i32 to index
        %get3A_1208 = arith.constant 0 : index
        %get3A_1209 = tpu.vector_load %arg9[%get3A_1206, %get3A_1207, %get3A_1208] {strides = array<i32>} : memref<8x50x64xf32, #tpu.memory_space<vmem>>, vector<16xf32>,
        %add3A_1210 = arith.constant 0 : i32
        %add3A_1211 = arith.addi %mul3A_154, %add3A_1210 : i32
        %get3A_1212 = arith.index_cast %add3A_1211 : i32 to index
        %get3A_1213 = arith.index_cast %add3A_1203 : i32 to index
        %get3A_1214 = arith.constant 16 : index
        %get3A_1215 = tpu.vector_load %arg9[%get3A_1212, %get3A_1213, %get3A_1214] {strides = array<i32>} : memref<8x50x64xf32, #tpu.memory_space<vmem>>, vector<16xf32>,
        %pack3A_1216 = tpu.pack_subelements %get3A_1209, %get3A_1215 {pack_format = #tpu.pack_format<interleaved>, positions = array<i32: 0, 1>} : vector<16xf32>, vector<16xf32> -> vector<32xbf16>
        %add3A_1217 = arith.constant 0 : i32
        %add3A_1218 = arith.addi %mul3A_154, %add3A_1217 : i32
        %get3A_1219 = arith.index_cast %add3A_1218 : i32 to index
        %get3A_1220 = arith.index_cast %add3A_1203 : i32 to index
        %get3A_1221 = arith.constant 32 : index
        %get3A_1222 = tpu.vector_load %arg9[%get3A_1219, %get3A_1220, %get3A_1221] {strides = array<i32>} : memref<8x50x64xf32, #tpu.memory_space<vmem>>, vector<16xf32>,
        %add3A_1223 = arith.constant 0 : i32
        %add3A_1224 = arith.addi %mul3A_154, %add3A_1223 : i32
        %get3A_1225 = arith.index_cast %add3A_1224 : i32 to index
        %get3A_1226 = arith.index_cast %add3A_1203 : i32 to index
        %get3A_1227 = arith.constant 48 : index
        %get3A_1228 = tpu.vector_load %arg9[%get3A_1225, %get3A_1226, %get3A_1227] {strides = array<i32>} : memref<8x50x64xf32, #tpu.memory_space<vmem>>, vector<16xf32>,
        %pack3A_1229 = tpu.pack_subelements %get3A_1222, %get3A_1228 {pack_format = #tpu.pack_format<interleaved>, positions = array<i32: 0, 1>} : vector<16xf32>, vector<16xf32> -> vector<32xbf16>
        %add3A_1230 = arith.constant 1 : i32
        %add3A_1231 = arith.addi %mul3A_154, %add3A_1230 : i32
        %get3A_1232 = arith.index_cast %add3A_1231 : i32 to index
        %get3A_1233 = arith.index_cast %add3A_1203 : i32 to index
        %get3A_1234 = arith.constant 0 : index
        %get3A_1235 = tpu.vector_load %arg9[%get3A_1232, %get3A_1233, %get3A_1234] {strides = array<i32>} : memref<8x50x64xf32, #tpu.memory_space<vmem>>, vector<16xf32>,
        %add3A_1236 = arith.constant 1 : i32
        %add3A_1237 = arith.addi %mul3A_154, %add3A_1236 : i32
        %get3A_1238 = arith.index_cast %add3A_1237 : i32 to index
        %get3A_1239 = arith.index_cast %add3A_1203 : i32 to index
        %get3A_1240 = arith.constant 16 : index
        %get3A_1241 = tpu.vector_load %arg9[%get3A_1238, %get3A_1239, %get3A_1240] {strides = array<i32>} : memref<8x50x64xf32, #tpu.memory_space<vmem>>, vector<16xf32>,
        %pack3A_1242 = tpu.pack_subelements %get3A_1235, %get3A_1241 {pack_format = #tpu.pack_format<interleaved>, positions = array<i32: 0, 1>} : vector<16xf32>, vector<16xf32> -> vector<32xbf16>
        %add3A_1243 = arith.constant 1 : i32
        %add3A_1244 = arith.addi %mul3A_154, %add3A_1243 : i32
        %get3A_1245 = arith.index_cast %add3A_1244 : i32 to index
        %get3A_1246 = arith.index_cast %add3A_1203 : i32 to index
        %get3A_1247 = arith.constant 32 : index
        %get3A_1248 = tpu.vector_load %arg9[%get3A_1245, %get3A_1246, %get3A_1247] {strides = array<i32>} : memref<8x50x64xf32, #tpu.memory_space<vmem>>, vector<16xf32>,
        %add3A_1249 = arith.constant 1 : i32
        %add3A_1250 = arith.addi %mul3A_154, %add3A_1249 : i32
        %get3A_1251 = arith.index_cast %add3A_1250 : i32 to index
        %get3A_1252 = arith.index_cast %add3A_1203 : i32 to index
        %get3A_1253 = arith.constant 48 : index
        %get3A_1254 = tpu.vector_load %arg9[%get3A_1251, %get3A_1252, %get3A_1253] {strides = array<i32>} : memref<8x50x64xf32, #tpu.memory_space<vmem>>, vector<16xf32>,
        %pack3A_1255 = tpu.pack_subelements %get3A_1248, %get3A_1254 {pack_format = #tpu.pack_format<interleaved>, positions = array<i32: 0, 1>} : vector<16xf32>, vector<16xf32> -> vector<32xbf16>
        %add3A_1256 = arith.constant 2 : i32
        %add3A_1257 = arith.addi %mul3A_154, %add3A_1256 : i32
        %get3A_1258 = arith.index_cast %add3A_1257 : i32 to index
        %get3A_1259 = arith.index_cast %add3A_1203 : i32 to index
        %get3A_1260 = arith.constant 0 : index
        %get3A_1261 = tpu.vector_load %arg9[%get3A_1258, %get3A_1259, %get3A_1260] {strides = array<i32>} : memref<8x50x64xf32, #tpu.memory_space<vmem>>, vector<16xf32>,
        %add3A_1262 = arith.constant 2 : i32
        %add3A_1263 = arith.addi %mul3A_154, %add3A_1262 : i32
        %get3A_1264 = arith.index_cast %add3A_1263 : i32 to index
        %get3A_1265 = arith.index_cast %add3A_1203 : i32 to index
        %get3A_1266 = arith.constant 16 : index
        %get3A_1267 = tpu.vector_load %arg9[%get3A_1264, %get3A_1265, %get3A_1266] {strides = array<i32>} : memref<8x50x64xf32, #tpu.memory_space<vmem>>, vector<16xf32>,
        %pack3A_1268 = tpu.pack_subelements %get3A_1261, %get3A_1267 {pack_format = #tpu.pack_format<interleaved>, positions = array<i32: 0, 1>} : vector<16xf32>, vector<16xf32> -> vector<32xbf16>
        %add3A_1269 = arith.constant 2 : i32
        %add3A_1270 = arith.addi %mul3A_154, %add3A_1269 : i32
        %get3A_1271 = arith.index_cast %add3A_1270 : i32 to index
        %get3A_1272 = arith.index_cast %add3A_1203 : i32 to index
        %get3A_1273 = arith.constant 32 : index
        %get3A_1274 = tpu.vector_load %arg9[%get3A_1271, %get3A_1272, %get3A_1273] {strides = array<i32>} : memref<8x50x64xf32, #tpu.memory_space<vmem>>, vector<16xf32>,
        %add3A_1275 = arith.constant 2 : i32
        %add3A_1276 = arith.addi %mul3A_154, %add3A_1275 : i32
        %get3A_1277 = arith.index_cast %add3A_1276 : i32 to index
        %get3A_1278 = arith.index_cast %add3A_1203 : i32 to index
        %get3A_1279 = arith.constant 48 : index
        %get3A_1280 = tpu.vector_load %arg9[%get3A_1277, %get3A_1278, %get3A_1279] {strides = array<i32>} : memref<8x50x64xf32, #tpu.memory_space<vmem>>, vector<16xf32>,
        %pack3A_1281 = tpu.pack_subelements %get3A_1274, %get3A_1280 {pack_format = #tpu.pack_format<interleaved>, positions = array<i32: 0, 1>} : vector<16xf32>, vector<16xf32> -> vector<32xbf16>
        %add3A_1282 = arith.constant 3 : i32
        %add3A_1283 = arith.addi %mul3A_154, %add3A_1282 : i32
        %get3A_1284 = arith.index_cast %add3A_1283 : i32 to index
        %get3A_1285 = arith.index_cast %add3A_1203 : i32 to index
        %get3A_1286 = arith.constant 0 : index
        %get3A_1287 = tpu.vector_load %arg9[%get3A_1284, %get3A_1285, %get3A_1286] {strides = array<i32>} : memref<8x50x64xf32, #tpu.memory_space<vmem>>, vector<16xf32>,
        %add3A_1288 = arith.constant 3 : i32
        %add3A_1289 = arith.addi %mul3A_154, %add3A_1288 : i32
        %get3A_1290 = arith.index_cast %add3A_1289 : i32 to index
        %get3A_1291 = arith.index_cast %add3A_1203 : i32 to index
        %get3A_1292 = arith.constant 16 : index
        %get3A_1293 = tpu.vector_load %arg9[%get3A_1290, %get3A_1291, %get3A_1292] {strides = array<i32>} : memref<8x50x64xf32, #tpu.memory_space<vmem>>, vector<16xf32>,
        %pack3A_1294 = tpu.pack_subelements %get3A_1287, %get3A_1293 {pack_format = #tpu.pack_format<interleaved>, positions = array<i32: 0, 1>} : vector<16xf32>, vector<16xf32> -> vector<32xbf16>
        %add3A_1295 = arith.constant 3 : i32
        %add3A_1296 = arith.addi %mul3A_154, %add3A_1295 : i32
        %get3A_1297 = arith.index_cast %add3A_1296 : i32 to index
        %get3A_1298 = arith.index_cast %add3A_1203 : i32 to index
        %get3A_1299 = arith.constant 32 : index
        %get3A_1300 = tpu.vector_load %arg9[%get3A_1297, %get3A_1298, %get3A_1299] {strides = array<i32>} : memref<8x50x64xf32, #tpu.memory_space<vmem>>, vector<16xf32>,
        %add3A_1301 = arith.constant 3 : i32
        %add3A_1302 = arith.addi %mul3A_154, %add3A_1301 : i32
        %get3A_1303 = arith.index_cast %add3A_1302 : i32 to index
        %get3A_1304 = arith.index_cast %add3A_1203 : i32 to index
        %get3A_1305 = arith.constant 48 : index
        %get3A_1306 = tpu.vector_load %arg9[%get3A_1303, %get3A_1304, %get3A_1305] {strides = array<i32>} : memref<8x50x64xf32, #tpu.memory_space<vmem>>, vector<16xf32>,
        %pack3A_1307 = tpu.pack_subelements %get3A_1300, %get3A_1306 {pack_format = #tpu.pack_format<interleaved>, positions = array<i32: 0, 1>} : vector<16xf32>, vector<16xf32> -> vector<32xbf16>
        %mul3A_1308 = arith.constant 6 : i32
        %mul3A_1309 = arith.muli %add3A_1203, %mul3A_1308 : i32
        %add3A_1310 = arith.constant 0 : i32
        %add3A_1311 = arith.addi %mul3A_1309, %add3A_1310 : i32
        %mul3A_1312 = arith.constant 32 : i32
        %mul3A_1313 = arith.muli %add3A_1311, %mul3A_1312 : i32
        %add3A_1314 = arith.constant 0 : i32
        %add3A_1315 = arith.addi %mul3A_1313, %add3A_1314 : i32
        %get3A_1316 = arith.index_cast %add3A_1315 : i32 to index
        %get3A_1317 = tpu.vector_load %arg8[%get3A_1316] {strides = array<i32>} : memref<9600xf32, #tpu.memory_space<vmem>>, vector<16xf32>,
        %bitcast3A_1318 = vector.bitcast %get3A_1317 : vector<16xf32> to vector<32xbf16>
        %mul3A_1319 = arith.constant 6 : i32
        %mul3A_1320 = arith.muli %add3A_1203, %mul3A_1319 : i32
        %add3A_1321 = arith.constant 0 : i32
        %add3A_1322 = arith.addi %mul3A_1320, %add3A_1321 : i32
        %mul3A_1323 = arith.constant 32 : i32
        %mul3A_1324 = arith.muli %add3A_1322, %mul3A_1323 : i32
        %add3A_1325 = arith.constant 16 : i32
        %add3A_1326 = arith.addi %mul3A_1324, %add3A_1325 : i32
        %get3A_1327 = arith.index_cast %add3A_1326 : i32 to index
        %get3A_1328 = tpu.vector_load %arg8[%get3A_1327] {strides = array<i32>} : memref<9600xf32, #tpu.memory_space<vmem>>, vector<16xf32>,
        %bitcast3A_1329 = vector.bitcast %get3A_1328 : vector<16xf32> to vector<32xbf16>
        %mul3A_1330 = arith.mulf %bitcast3A_1318, %pack3A_1216 : vector<32xbf16>
        %add3A_1331 = arith.addf %add3A_997, %mul3A_1330 : vector<32xbf16>
        %mul3A_1332 = arith.mulf %bitcast3A_1329, %pack3A_1229 : vector<32xbf16>
        %add3A_1333 = arith.addf %add3A_1331, %mul3A_1332 : vector<32xbf16>
        %mul3A_1334 = arith.mulf %bitcast3A_1318, %pack3A_1242 : vector<32xbf16>
        %add3A_1335 = arith.addf %add3A_1001, %mul3A_1334 : vector<32xbf16>
        %mul3A_1336 = arith.mulf %bitcast3A_1329, %pack3A_1255 : vector<32xbf16>
        %add3A_1337 = arith.addf %add3A_1335, %mul3A_1336 : vector<32xbf16>
        %mul3A_1338 = arith.mulf %bitcast3A_1318, %pack3A_1268 : vector<32xbf16>
        %add3A_1339 = arith.addf %add3A_1005, %mul3A_1338 : vector<32xbf16>
        %mul3A_1340 = arith.mulf %bitcast3A_1329, %pack3A_1281 : vector<32xbf16>
        %add3A_1341 = arith.addf %add3A_1339, %mul3A_1340 : vector<32xbf16>
        %mul3A_1342 = arith.mulf %bitcast3A_1318, %pack3A_1294 : vector<32xbf16>
        %add3A_1343 = arith.addf %add3A_1009, %mul3A_1342 : vector<32xbf16>
        %mul3A_1344 = arith.mulf %bitcast3A_1329, %pack3A_1307 : vector<32xbf16>
        %add3A_1345 = arith.addf %add3A_1343, %mul3A_1344 : vector<32xbf16>
        %mul3A_1346 = arith.constant 6 : i32
        %mul3A_1347 = arith.muli %add3A_1203, %mul3A_1346 : i32
        %add3A_1348 = arith.constant 1 : i32
        %add3A_1349 = arith.addi %mul3A_1347, %add3A_1348 : i32
        %mul3A_1350 = arith.constant 32 : i32
        %mul3A_1351 = arith.muli %add3A_1349, %mul3A_1350 : i32
        %add3A_1352 = arith.constant 0 : i32
        %add3A_1353 = arith.addi %mul3A_1351, %add3A_1352 : i32
        %get3A_1354 = arith.index_cast %add3A_1353 : i32 to index
        %get3A_1355 = tpu.vector_load %arg8[%get3A_1354] {strides = array<i32>} : memref<9600xf32, #tpu.memory_space<vmem>>, vector<16xf32>,
        %bitcast3A_1356 = vector.bitcast %get3A_1355 : vector<16xf32> to vector<32xbf16>
        %mul3A_1357 = arith.constant 6 : i32
        %mul3A_1358 = arith.muli %add3A_1203, %mul3A_1357 : i32
        %add3A_1359 = arith.constant 1 : i32
        %add3A_1360 = arith.addi %mul3A_1358, %add3A_1359 : i32
        %mul3A_1361 = arith.constant 32 : i32
        %mul3A_1362 = arith.muli %add3A_1360, %mul3A_1361 : i32
        %add3A_1363 = arith.constant 16 : i32
        %add3A_1364 = arith.addi %mul3A_1362, %add3A_1363 : i32
        %get3A_1365 = arith.index_cast %add3A_1364 : i32 to index
        %get3A_1366 = tpu.vector_load %arg8[%get3A_1365] {strides = array<i32>} : memref<9600xf32, #tpu.memory_space<vmem>>, vector<16xf32>,
        %bitcast3A_1367 = vector.bitcast %get3A_1366 : vector<16xf32> to vector<32xbf16>
        %mul3A_1368 = arith.mulf %bitcast3A_1356, %pack3A_1216 : vector<32xbf16>
        %add3A_1369 = arith.addf %add3A_1035, %mul3A_1368 : vector<32xbf16>
        %mul3A_1370 = arith.mulf %bitcast3A_1367, %pack3A_1229 : vector<32xbf16>
        %add3A_1371 = arith.addf %add3A_1369, %mul3A_1370 : vector<32xbf16>
        %mul3A_1372 = arith.mulf %bitcast3A_1356, %pack3A_1242 : vector<32xbf16>
        %add3A_1373 = arith.addf %add3A_1039, %mul3A_1372 : vector<32xbf16>
        %mul3A_1374 = arith.mulf %bitcast3A_1367, %pack3A_1255 : vector<32xbf16>
        %add3A_1375 = arith.addf %add3A_1373, %mul3A_1374 : vector<32xbf16>
        %mul3A_1376 = arith.mulf %bitcast3A_1356, %pack3A_1268 : vector<32xbf16>
        %add3A_1377 = arith.addf %add3A_1043, %mul3A_1376 : vector<32xbf16>
        %mul3A_1378 = arith.mulf %bitcast3A_1367, %pack3A_1281 : vector<32xbf16>
        %add3A_1379 = arith.addf %add3A_1377, %mul3A_1378 : vector<32xbf16>
        %mul3A_1380 = arith.mulf %bitcast3A_1356, %pack3A_1294 : vector<32xbf16>
        %add3A_1381 = arith.addf %add3A_1047, %mul3A_1380 : vector<32xbf16>
        %mul3A_1382 = arith.mulf %bitcast3A_1367, %pack3A_1307 : vector<32xbf16>
        %add3A_1383 = arith.addf %add3A_1381, %mul3A_1382 : vector<32xbf16>
        %mul3A_1384 = arith.constant 6 : i32
        %mul3A_1385 = arith.muli %add3A_1203, %mul3A_1384 : i32
        %add3A_1386 = arith.constant 2 : i32
        %add3A_1387 = arith.addi %mul3A_1385, %add3A_1386 : i32
        %mul3A_1388 = arith.constant 32 : i32
        %mul3A_1389 = arith.muli %add3A_1387, %mul3A_1388 : i32
        %add3A_1390 = arith.constant 0 : i32
        %add3A_1391 = arith.addi %mul3A_1389, %add3A_1390 : i32
        %get3A_1392 = arith.index_cast %add3A_1391 : i32 to index
        %get3A_1393 = tpu.vector_load %arg8[%get3A_1392] {strides = array<i32>} : memref<9600xf32, #tpu.memory_space<vmem>>, vector<16xf32>,
        %bitcast3A_1394 = vector.bitcast %get3A_1393 : vector<16xf32> to vector<32xbf16>
        %mul3A_1395 = arith.constant 6 : i32
        %mul3A_1396 = arith.muli %add3A_1203, %mul3A_1395 : i32
        %add3A_1397 = arith.constant 2 : i32
        %add3A_1398 = arith.addi %mul3A_1396, %add3A_1397 : i32
        %mul3A_1399 = arith.constant 32 : i32
        %mul3A_1400 = arith.muli %add3A_1398, %mul3A_1399 : i32
        %add3A_1401 = arith.constant 16 : i32
        %add3A_1402 = arith.addi %mul3A_1400, %add3A_1401 : i32
        %get3A_1403 = arith.index_cast %add3A_1402 : i32 to index
        %get3A_1404 = tpu.vector_load %arg8[%get3A_1403] {strides = array<i32>} : memref<9600xf32, #tpu.memory_space<vmem>>, vector<16xf32>,
        %bitcast3A_1405 = vector.bitcast %get3A_1404 : vector<16xf32> to vector<32xbf16>
        %mul3A_1406 = arith.mulf %bitcast3A_1394, %pack3A_1216 : vector<32xbf16>
        %add3A_1407 = arith.addf %add3A_1073, %mul3A_1406 : vector<32xbf16>
        %mul3A_1408 = arith.mulf %bitcast3A_1405, %pack3A_1229 : vector<32xbf16>
        %add3A_1409 = arith.addf %add3A_1407, %mul3A_1408 : vector<32xbf16>
        %mul3A_1410 = arith.mulf %bitcast3A_1394, %pack3A_1242 : vector<32xbf16>
        %add3A_1411 = arith.addf %add3A_1077, %mul3A_1410 : vector<32xbf16>
        %mul3A_1412 = arith.mulf %bitcast3A_1405, %pack3A_1255 : vector<32xbf16>
        %add3A_1413 = arith.addf %add3A_1411, %mul3A_1412 : vector<32xbf16>
        %mul3A_1414 = arith.mulf %bitcast3A_1394, %pack3A_1268 : vector<32xbf16>
        %add3A_1415 = arith.addf %add3A_1081, %mul3A_1414 : vector<32xbf16>
        %mul3A_1416 = arith.mulf %bitcast3A_1405, %pack3A_1281 : vector<32xbf16>
        %add3A_1417 = arith.addf %add3A_1415, %mul3A_1416 : vector<32xbf16>
        %mul3A_1418 = arith.mulf %bitcast3A_1394, %pack3A_1294 : vector<32xbf16>
        %add3A_1419 = arith.addf %add3A_1085, %mul3A_1418 : vector<32xbf16>
        %mul3A_1420 = arith.mulf %bitcast3A_1405, %pack3A_1307 : vector<32xbf16>
        %add3A_1421 = arith.addf %add3A_1419, %mul3A_1420 : vector<32xbf16>
        %mul3A_1422 = arith.constant 6 : i32
        %mul3A_1423 = arith.muli %add3A_1203, %mul3A_1422 : i32
        %add3A_1424 = arith.constant 3 : i32
        %add3A_1425 = arith.addi %mul3A_1423, %add3A_1424 : i32
        %mul3A_1426 = arith.constant 32 : i32
        %mul3A_1427 = arith.muli %add3A_1425, %mul3A_1426 : i32
        %add3A_1428 = arith.constant 0 : i32
        %add3A_1429 = arith.addi %mul3A_1427, %add3A_1428 : i32
        %get3A_1430 = arith.index_cast %add3A_1429 : i32 to index
        %get3A_1431 = tpu.vector_load %arg8[%get3A_1430] {strides = array<i32>} : memref<9600xf32, #tpu.memory_space<vmem>>, vector<16xf32>,
        %bitcast3A_1432 = vector.bitcast %get3A_1431 : vector<16xf32> to vector<32xbf16>
        %mul3A_1433 = arith.constant 6 : i32
        %mul3A_1434 = arith.muli %add3A_1203, %mul3A_1433 : i32
        %add3A_1435 = arith.constant 3 : i32
        %add3A_1436 = arith.addi %mul3A_1434, %add3A_1435 : i32
        %mul3A_1437 = arith.constant 32 : i32
        %mul3A_1438 = arith.muli %add3A_1436, %mul3A_1437 : i32
        %add3A_1439 = arith.constant 16 : i32
        %add3A_1440 = arith.addi %mul3A_1438, %add3A_1439 : i32
        %get3A_1441 = arith.index_cast %add3A_1440 : i32 to index
        %get3A_1442 = tpu.vector_load %arg8[%get3A_1441] {strides = array<i32>} : memref<9600xf32, #tpu.memory_space<vmem>>, vector<16xf32>,
        %bitcast3A_1443 = vector.bitcast %get3A_1442 : vector<16xf32> to vector<32xbf16>
        %mul3A_1444 = arith.mulf %bitcast3A_1432, %pack3A_1216 : vector<32xbf16>
        %add3A_1445 = arith.addf %add3A_1111, %mul3A_1444 : vector<32xbf16>
        %mul3A_1446 = arith.mulf %bitcast3A_1443, %pack3A_1229 : vector<32xbf16>
        %add3A_1447 = arith.addf %add3A_1445, %mul3A_1446 : vector<32xbf16>
        %mul3A_1448 = arith.mulf %bitcast3A_1432, %pack3A_1242 : vector<32xbf16>
        %add3A_1449 = arith.addf %add3A_1115, %mul3A_1448 : vector<32xbf16>
        %mul3A_1450 = arith.mulf %bitcast3A_1443, %pack3A_1255 : vector<32xbf16>
        %add3A_1451 = arith.addf %add3A_1449, %mul3A_1450 : vector<32xbf16>
        %mul3A_1452 = arith.mulf %bitcast3A_1432, %pack3A_1268 : vector<32xbf16>
        %add3A_1453 = arith.addf %add3A_1119, %mul3A_1452 : vector<32xbf16>
        %mul3A_1454 = arith.mulf %bitcast3A_1443, %pack3A_1281 : vector<32xbf16>
        %add3A_1455 = arith.addf %add3A_1453, %mul3A_1454 : vector<32xbf16>
        %mul3A_1456 = arith.mulf %bitcast3A_1432, %pack3A_1294 : vector<32xbf16>
        %add3A_1457 = arith.addf %add3A_1123, %mul3A_1456 : vector<32xbf16>
        %mul3A_1458 = arith.mulf %bitcast3A_1443, %pack3A_1307 : vector<32xbf16>
        %add3A_1459 = arith.addf %add3A_1457, %mul3A_1458 : vector<32xbf16>
        %mul3A_1460 = arith.constant 6 : i32
        %mul3A_1461 = arith.muli %add3A_1203, %mul3A_1460 : i32
        %add3A_1462 = arith.constant 4 : i32
        %add3A_1463 = arith.addi %mul3A_1461, %add3A_1462 : i32
        %mul3A_1464 = arith.constant 32 : i32
        %mul3A_1465 = arith.muli %add3A_1463, %mul3A_1464 : i32
        %add3A_1466 = arith.constant 0 : i32
        %add3A_1467 = arith.addi %mul3A_1465, %add3A_1466 : i32
        %get3A_1468 = arith.index_cast %add3A_1467 : i32 to index
        %get3A_1469 = tpu.vector_load %arg8[%get3A_1468] {strides = array<i32>} : memref<9600xf32, #tpu.memory_space<vmem>>, vector<16xf32>,
        %bitcast3A_1470 = vector.bitcast %get3A_1469 : vector<16xf32> to vector<32xbf16>
        %mul3A_1471 = arith.constant 6 : i32
        %mul3A_1472 = arith.muli %add3A_1203, %mul3A_1471 : i32
        %add3A_1473 = arith.constant 4 : i32
        %add3A_1474 = arith.addi %mul3A_1472, %add3A_1473 : i32
        %mul3A_1475 = arith.constant 32 : i32
        %mul3A_1476 = arith.muli %add3A_1474, %mul3A_1475 : i32
        %add3A_1477 = arith.constant 16 : i32
        %add3A_1478 = arith.addi %mul3A_1476, %add3A_1477 : i32
        %get3A_1479 = arith.index_cast %add3A_1478 : i32 to index
        %get3A_1480 = tpu.vector_load %arg8[%get3A_1479] {strides = array<i32>} : memref<9600xf32, #tpu.memory_space<vmem>>, vector<16xf32>,
        %bitcast3A_1481 = vector.bitcast %get3A_1480 : vector<16xf32> to vector<32xbf16>
        %mul3A_1482 = arith.mulf %bitcast3A_1470, %pack3A_1216 : vector<32xbf16>
        %add3A_1483 = arith.addf %add3A_1149, %mul3A_1482 : vector<32xbf16>
        %mul3A_1484 = arith.mulf %bitcast3A_1481, %pack3A_1229 : vector<32xbf16>
        %add3A_1485 = arith.addf %add3A_1483, %mul3A_1484 : vector<32xbf16>
        %mul3A_1486 = arith.mulf %bitcast3A_1470, %pack3A_1242 : vector<32xbf16>
        %add3A_1487 = arith.addf %add3A_1153, %mul3A_1486 : vector<32xbf16>
        %mul3A_1488 = arith.mulf %bitcast3A_1481, %pack3A_1255 : vector<32xbf16>
        %add3A_1489 = arith.addf %add3A_1487, %mul3A_1488 : vector<32xbf16>
        %mul3A_1490 = arith.mulf %bitcast3A_1470, %pack3A_1268 : vector<32xbf16>
        %add3A_1491 = arith.addf %add3A_1157, %mul3A_1490 : vector<32xbf16>
        %mul3A_1492 = arith.mulf %bitcast3A_1481, %pack3A_1281 : vector<32xbf16>
        %add3A_1493 = arith.addf %add3A_1491, %mul3A_1492 : vector<32xbf16>
        %mul3A_1494 = arith.mulf %bitcast3A_1470, %pack3A_1294 : vector<32xbf16>
        %add3A_1495 = arith.addf %add3A_1161, %mul3A_1494 : vector<32xbf16>
        %mul3A_1496 = arith.mulf %bitcast3A_1481, %pack3A_1307 : vector<32xbf16>
        %add3A_1497 = arith.addf %add3A_1495, %mul3A_1496 : vector<32xbf16>
        %mul3A_1498 = arith.constant 6 : i32
        %mul3A_1499 = arith.muli %add3A_1203, %mul3A_1498 : i32
        %add3A_1500 = arith.constant 5 : i32
        %add3A_1501 = arith.addi %mul3A_1499, %add3A_1500 : i32
        %mul3A_1502 = arith.constant 32 : i32
        %mul3A_1503 = arith.muli %add3A_1501, %mul3A_1502 : i32
        %add3A_1504 = arith.constant 0 : i32
        %add3A_1505 = arith.addi %mul3A_1503, %add3A_1504 : i32
        %get3A_1506 = arith.index_cast %add3A_1505 : i32 to index
        %get3A_1507 = tpu.vector_load %arg8[%get3A_1506] {strides = array<i32>} : memref<9600xf32, #tpu.memory_space<vmem>>, vector<16xf32>,
        %bitcast3A_1508 = vector.bitcast %get3A_1507 : vector<16xf32> to vector<32xbf16>
        %mul3A_1509 = arith.constant 6 : i32
        %mul3A_1510 = arith.muli %add3A_1203, %mul3A_1509 : i32
        %add3A_1511 = arith.constant 5 : i32
        %add3A_1512 = arith.addi %mul3A_1510, %add3A_1511 : i32
        %mul3A_1513 = arith.constant 32 : i32
        %mul3A_1514 = arith.muli %add3A_1512, %mul3A_1513 : i32
        %add3A_1515 = arith.constant 16 : i32
        %add3A_1516 = arith.addi %mul3A_1514, %add3A_1515 : i32
        %get3A_1517 = arith.index_cast %add3A_1516 : i32 to index
        %get3A_1518 = tpu.vector_load %arg8[%get3A_1517] {strides = array<i32>} : memref<9600xf32, #tpu.memory_space<vmem>>, vector<16xf32>,
        %bitcast3A_1519 = vector.bitcast %get3A_1518 : vector<16xf32> to vector<32xbf16>
        %mul3A_1520 = arith.mulf %bitcast3A_1508, %pack3A_1216 : vector<32xbf16>
        %add3A_1521 = arith.addf %add3A_1187, %mul3A_1520 : vector<32xbf16>
        %mul3A_1522 = arith.mulf %bitcast3A_1519, %pack3A_1229 : vector<32xbf16>
        %add3A_1523 = arith.addf %add3A_1521, %mul3A_1522 : vector<32xbf16>
        %mul3A_1524 = arith.mulf %bitcast3A_1508, %pack3A_1242 : vector<32xbf16>
        %add3A_1525 = arith.addf %add3A_1191, %mul3A_1524 : vector<32xbf16>
        %mul3A_1526 = arith.mulf %bitcast3A_1519, %pack3A_1255 : vector<32xbf16>
        %add3A_1527 = arith.addf %add3A_1525, %mul3A_1526 : vector<32xbf16>
        %mul3A_1528 = arith.mulf %bitcast3A_1508, %pack3A_1268 : vector<32xbf16>
        %add3A_1529 = arith.addf %add3A_1195, %mul3A_1528 : vector<32xbf16>
        %mul3A_1530 = arith.mulf %bitcast3A_1519, %pack3A_1281 : vector<32xbf16>
        %add3A_1531 = arith.addf %add3A_1529, %mul3A_1530 : vector<32xbf16>
        %mul3A_1532 = arith.mulf %bitcast3A_1508, %pack3A_1294 : vector<32xbf16>
        %add3A_1533 = arith.addf %add3A_1199, %mul3A_1532 : vector<32xbf16>
        %mul3A_1534 = arith.mulf %bitcast3A_1519, %pack3A_1307 : vector<32xbf16>
        %add3A_1535 = arith.addf %add3A_1533, %mul3A_1534 : vector<32xbf16>
        %mul3A_1536 = arith.constant 10 : i32
        %mul3A_1537 = arith.muli %scan3A_457, %mul3A_1536 : i32
        %add3A_1538 = arith.constant 3 : i32
        %add3A_1539 = arith.addi %mul3A_1537, %add3A_1538 : i32
        %add3A_1540 = arith.constant 0 : i32
        %add3A_1541 = arith.addi %mul3A_154, %add3A_1540 : i32
        %get3A_1542 = arith.index_cast %add3A_1541 : i32 to index
        %get3A_1543 = arith.index_cast %add3A_1539 : i32 to index
        %get3A_1544 = arith.constant 0 : index
        %get3A_1545 = tpu.vector_load %arg9[%get3A_1542, %get3A_1543, %get3A_1544] {strides = array<i32>} : memref<8x50x64xf32, #tpu.memory_space<vmem>>, vector<16xf32>,
        %add3A_1546 = arith.constant 0 : i32
        %add3A_1547 = arith.addi %mul3A_154, %add3A_1546 : i32
        %get3A_1548 = arith.index_cast %add3A_1547 : i32 to index
        %get3A_1549 = arith.index_cast %add3A_1539 : i32 to index
        %get3A_1550 = arith.constant 16 : index
        %get3A_1551 = tpu.vector_load %arg9[%get3A_1548, %get3A_1549, %get3A_1550] {strides = array<i32>} : memref<8x50x64xf32, #tpu.memory_space<vmem>>, vector<16xf32>,
        %pack3A_1552 = tpu.pack_subelements %get3A_1545, %get3A_1551 {pack_format = #tpu.pack_format<interleaved>, positions = array<i32: 0, 1>} : vector<16xf32>, vector<16xf32> -> vector<32xbf16>
        %add3A_1553 = arith.constant 0 : i32
        %add3A_1554 = arith.addi %mul3A_154, %add3A_1553 : i32
        %get3A_1555 = arith.index_cast %add3A_1554 : i32 to index
        %get3A_1556 = arith.index_cast %add3A_1539 : i32 to index
        %get3A_1557 = arith.constant 32 : index
        %get3A_1558 = tpu.vector_load %arg9[%get3A_1555, %get3A_1556, %get3A_1557] {strides = array<i32>} : memref<8x50x64xf32, #tpu.memory_space<vmem>>, vector<16xf32>,
        %add3A_1559 = arith.constant 0 : i32
        %add3A_1560 = arith.addi %mul3A_154, %add3A_1559 : i32
        %get3A_1561 = arith.index_cast %add3A_1560 : i32 to index
        %get3A_1562 = arith.index_cast %add3A_1539 : i32 to index
        %get3A_1563 = arith.constant 48 : index
        %get3A_1564 = tpu.vector_load %arg9[%get3A_1561, %get3A_1562, %get3A_1563] {strides = array<i32>} : memref<8x50x64xf32, #tpu.memory_space<vmem>>, vector<16xf32>,
        %pack3A_1565 = tpu.pack_subelements %get3A_1558, %get3A_1564 {pack_format = #tpu.pack_format<interleaved>, positions = array<i32: 0, 1>} : vector<16xf32>, vector<16xf32> -> vector<32xbf16>
        %add3A_1566 = arith.constant 1 : i32
        %add3A_1567 = arith.addi %mul3A_154, %add3A_1566 : i32
        %get3A_1568 = arith.index_cast %add3A_1567 : i32 to index
        %get3A_1569 = arith.index_cast %add3A_1539 : i32 to index
        %get3A_1570 = arith.constant 0 : index
        %get3A_1571 = tpu.vector_load %arg9[%get3A_1568, %get3A_1569, %get3A_1570] {strides = array<i32>} : memref<8x50x64xf32, #tpu.memory_space<vmem>>, vector<16xf32>,
        %add3A_1572 = arith.constant 1 : i32
        %add3A_1573 = arith.addi %mul3A_154, %add3A_1572 : i32
        %get3A_1574 = arith.index_cast %add3A_1573 : i32 to index
        %get3A_1575 = arith.index_cast %add3A_1539 : i32 to index
        %get3A_1576 = arith.constant 16 : index
        %get3A_1577 = tpu.vector_load %arg9[%get3A_1574, %get3A_1575, %get3A_1576] {strides = array<i32>} : memref<8x50x64xf32, #tpu.memory_space<vmem>>, vector<16xf32>,
        %pack3A_1578 = tpu.pack_subelements %get3A_1571, %get3A_1577 {pack_format = #tpu.pack_format<interleaved>, positions = array<i32: 0, 1>} : vector<16xf32>, vector<16xf32> -> vector<32xbf16>
        %add3A_1579 = arith.constant 1 : i32
        %add3A_1580 = arith.addi %mul3A_154, %add3A_1579 : i32
        %get3A_1581 = arith.index_cast %add3A_1580 : i32 to index
        %get3A_1582 = arith.index_cast %add3A_1539 : i32 to index
        %get3A_1583 = arith.constant 32 : index
        %get3A_1584 = tpu.vector_load %arg9[%get3A_1581, %get3A_1582, %get3A_1583] {strides = array<i32>} : memref<8x50x64xf32, #tpu.memory_space<vmem>>, vector<16xf32>,
        %add3A_1585 = arith.constant 1 : i32
        %add3A_1586 = arith.addi %mul3A_154, %add3A_1585 : i32
        %get3A_1587 = arith.index_cast %add3A_1586 : i32 to index
        %get3A_1588 = arith.index_cast %add3A_1539 : i32 to index
        %get3A_1589 = arith.constant 48 : index
        %get3A_1590 = tpu.vector_load %arg9[%get3A_1587, %get3A_1588, %get3A_1589] {strides = array<i32>} : memref<8x50x64xf32, #tpu.memory_space<vmem>>, vector<16xf32>,
        %pack3A_1591 = tpu.pack_subelements %get3A_1584, %get3A_1590 {pack_format = #tpu.pack_format<interleaved>, positions = array<i32: 0, 1>} : vector<16xf32>, vector<16xf32> -> vector<32xbf16>
        %add3A_1592 = arith.constant 2 : i32
        %add3A_1593 = arith.addi %mul3A_154, %add3A_1592 : i32
        %get3A_1594 = arith.index_cast %add3A_1593 : i32 to index
        %get3A_1595 = arith.index_cast %add3A_1539 : i32 to index
        %get3A_1596 = arith.constant 0 : index
        %get3A_1597 = tpu.vector_load %arg9[%get3A_1594, %get3A_1595, %get3A_1596] {strides = array<i32>} : memref<8x50x64xf32, #tpu.memory_space<vmem>>, vector<16xf32>,
        %add3A_1598 = arith.constant 2 : i32
        %add3A_1599 = arith.addi %mul3A_154, %add3A_1598 : i32
        %get3A_1600 = arith.index_cast %add3A_1599 : i32 to index
        %get3A_1601 = arith.index_cast %add3A_1539 : i32 to index
        %get3A_1602 = arith.constant 16 : index
        %get3A_1603 = tpu.vector_load %arg9[%get3A_1600, %get3A_1601, %get3A_1602] {strides = array<i32>} : memref<8x50x64xf32, #tpu.memory_space<vmem>>, vector<16xf32>,
        %pack3A_1604 = tpu.pack_subelements %get3A_1597, %get3A_1603 {pack_format = #tpu.pack_format<interleaved>, positions = array<i32: 0, 1>} : vector<16xf32>, vector<16xf32> -> vector<32xbf16>
        %add3A_1605 = arith.constant 2 : i32
        %add3A_1606 = arith.addi %mul3A_154, %add3A_1605 : i32
        %get3A_1607 = arith.index_cast %add3A_1606 : i32 to index
        %get3A_1608 = arith.index_cast %add3A_1539 : i32 to index
        %get3A_1609 = arith.constant 32 : index
        %get3A_1610 = tpu.vector_load %arg9[%get3A_1607, %get3A_1608, %get3A_1609] {strides = array<i32>} : memref<8x50x64xf32, #tpu.memory_space<vmem>>, vector<16xf32>,
        %add3A_1611 = arith.constant 2 : i32
        %add3A_1612 = arith.addi %mul3A_154, %add3A_1611 : i32
        %get3A_1613 = arith.index_cast %add3A_1612 : i32 to index
        %get3A_1614 = arith.index_cast %add3A_1539 : i32 to index
        %get3A_1615 = arith.constant 48 : index
        %get3A_1616 = tpu.vector_load %arg9[%get3A_1613, %get3A_1614, %get3A_1615] {strides = array<i32>} : memref<8x50x64xf32, #tpu.memory_space<vmem>>, vector<16xf32>,
        %pack3A_1617 = tpu.pack_subelements %get3A_1610, %get3A_1616 {pack_format = #tpu.pack_format<interleaved>, positions = array<i32: 0, 1>} : vector<16xf32>, vector<16xf32> -> vector<32xbf16>
        %add3A_1618 = arith.constant 3 : i32
        %add3A_1619 = arith.addi %mul3A_154, %add3A_1618 : i32
        %get3A_1620 = arith.index_cast %add3A_1619 : i32 to index
        %get3A_1621 = arith.index_cast %add3A_1539 : i32 to index
        %get3A_1622 = arith.constant 0 : index
        %get3A_1623 = tpu.vector_load %arg9[%get3A_1620, %get3A_1621, %get3A_1622] {strides = array<i32>} : memref<8x50x64xf32, #tpu.memory_space<vmem>>, vector<16xf32>,
        %add3A_1624 = arith.constant 3 : i32
        %add3A_1625 = arith.addi %mul3A_154, %add3A_1624 : i32
        %get3A_1626 = arith.index_cast %add3A_1625 : i32 to index
        %get3A_1627 = arith.index_cast %add3A_1539 : i32 to index
        %get3A_1628 = arith.constant 16 : index
        %get3A_1629 = tpu.vector_load %arg9[%get3A_1626, %get3A_1627, %get3A_1628] {strides = array<i32>} : memref<8x50x64xf32, #tpu.memory_space<vmem>>, vector<16xf32>,
        %pack3A_1630 = tpu.pack_subelements %get3A_1623, %get3A_1629 {pack_format = #tpu.pack_format<interleaved>, positions = array<i32: 0, 1>} : vector<16xf32>, vector<16xf32> -> vector<32xbf16>
        %add3A_1631 = arith.constant 3 : i32
        %add3A_1632 = arith.addi %mul3A_154, %add3A_1631 : i32
        %get3A_1633 = arith.index_cast %add3A_1632 : i32 to index
        %get3A_1634 = arith.index_cast %add3A_1539 : i32 to index
        %get3A_1635 = arith.constant 32 : index
        %get3A_1636 = tpu.vector_load %arg9[%get3A_1633, %get3A_1634, %get3A_1635] {strides = array<i32>} : memref<8x50x64xf32, #tpu.memory_space<vmem>>, vector<16xf32>,
        %add3A_1637 = arith.constant 3 : i32
        %add3A_1638 = arith.addi %mul3A_154, %add3A_1637 : i32
        %get3A_1639 = arith.index_cast %add3A_1638 : i32 to index
        %get3A_1640 = arith.index_cast %add3A_1539 : i32 to index
        %get3A_1641 = arith.constant 48 : index
        %get3A_1642 = tpu.vector_load %arg9[%get3A_1639, %get3A_1640, %get3A_1641] {strides = array<i32>} : memref<8x50x64xf32, #tpu.memory_space<vmem>>, vector<16xf32>,
        %pack3A_1643 = tpu.pack_subelements %get3A_1636, %get3A_1642 {pack_format = #tpu.pack_format<interleaved>, positions = array<i32: 0, 1>} : vector<16xf32>, vector<16xf32> -> vector<32xbf16>
        %mul3A_1644 = arith.constant 6 : i32
        %mul3A_1645 = arith.muli %add3A_1539, %mul3A_1644 : i32
        %add3A_1646 = arith.constant 0 : i32
        %add3A_1647 = arith.addi %mul3A_1645, %add3A_1646 : i32
        %mul3A_1648 = arith.constant 32 : i32
        %mul3A_1649 = arith.muli %add3A_1647, %mul3A_1648 : i32
        %add3A_1650 = arith.constant 0 : i32
        %add3A_1651 = arith.addi %mul3A_1649, %add3A_1650 : i32
        %get3A_1652 = arith.index_cast %add3A_1651 : i32 to index
        %get3A_1653 = tpu.vector_load %arg8[%get3A_1652] {strides = array<i32>} : memref<9600xf32, #tpu.memory_space<vmem>>, vector<16xf32>,
        %bitcast3A_1654 = vector.bitcast %get3A_1653 : vector<16xf32> to vector<32xbf16>
        %mul3A_1655 = arith.constant 6 : i32
        %mul3A_1656 = arith.muli %add3A_1539, %mul3A_1655 : i32
        %add3A_1657 = arith.constant 0 : i32
        %add3A_1658 = arith.addi %mul3A_1656, %add3A_1657 : i32
        %mul3A_1659 = arith.constant 32 : i32
        %mul3A_1660 = arith.muli %add3A_1658, %mul3A_1659 : i32
        %add3A_1661 = arith.constant 16 : i32
        %add3A_1662 = arith.addi %mul3A_1660, %add3A_1661 : i32
        %get3A_1663 = arith.index_cast %add3A_1662 : i32 to index
        %get3A_1664 = tpu.vector_load %arg8[%get3A_1663] {strides = array<i32>} : memref<9600xf32, #tpu.memory_space<vmem>>, vector<16xf32>,
        %bitcast3A_1665 = vector.bitcast %get3A_1664 : vector<16xf32> to vector<32xbf16>
        %mul3A_1666 = arith.mulf %bitcast3A_1654, %pack3A_1552 : vector<32xbf16>
        %add3A_1667 = arith.addf %add3A_1333, %mul3A_1666 : vector<32xbf16>
        %mul3A_1668 = arith.mulf %bitcast3A_1665, %pack3A_1565 : vector<32xbf16>
        %add3A_1669 = arith.addf %add3A_1667, %mul3A_1668 : vector<32xbf16>
        %mul3A_1670 = arith.mulf %bitcast3A_1654, %pack3A_1578 : vector<32xbf16>
        %add3A_1671 = arith.addf %add3A_1337, %mul3A_1670 : vector<32xbf16>
        %mul3A_1672 = arith.mulf %bitcast3A_1665, %pack3A_1591 : vector<32xbf16>
        %add3A_1673 = arith.addf %add3A_1671, %mul3A_1672 : vector<32xbf16>
        %mul3A_1674 = arith.mulf %bitcast3A_1654, %pack3A_1604 : vector<32xbf16>
        %add3A_1675 = arith.addf %add3A_1341, %mul3A_1674 : vector<32xbf16>
        %mul3A_1676 = arith.mulf %bitcast3A_1665, %pack3A_1617 : vector<32xbf16>
        %add3A_1677 = arith.addf %add3A_1675, %mul3A_1676 : vector<32xbf16>
        %mul3A_1678 = arith.mulf %bitcast3A_1654, %pack3A_1630 : vector<32xbf16>
        %add3A_1679 = arith.addf %add3A_1345, %mul3A_1678 : vector<32xbf16>
        %mul3A_1680 = arith.mulf %bitcast3A_1665, %pack3A_1643 : vector<32xbf16>
        %add3A_1681 = arith.addf %add3A_1679, %mul3A_1680 : vector<32xbf16>
        %mul3A_1682 = arith.constant 6 : i32
        %mul3A_1683 = arith.muli %add3A_1539, %mul3A_1682 : i32
        %add3A_1684 = arith.constant 1 : i32
        %add3A_1685 = arith.addi %mul3A_1683, %add3A_1684 : i32
        %mul3A_1686 = arith.constant 32 : i32
        %mul3A_1687 = arith.muli %add3A_1685, %mul3A_1686 : i32
        %add3A_1688 = arith.constant 0 : i32
        %add3A_1689 = arith.addi %mul3A_1687, %add3A_1688 : i32
        %get3A_1690 = arith.index_cast %add3A_1689 : i32 to index
        %get3A_1691 = tpu.vector_load %arg8[%get3A_1690] {strides = array<i32>} : memref<9600xf32, #tpu.memory_space<vmem>>, vector<16xf32>,
        %bitcast3A_1692 = vector.bitcast %get3A_1691 : vector<16xf32> to vector<32xbf16>
        %mul3A_1693 = arith.constant 6 : i32
        %mul3A_1694 = arith.muli %add3A_1539, %mul3A_1693 : i32
        %add3A_1695 = arith.constant 1 : i32
        %add3A_1696 = arith.addi %mul3A_1694, %add3A_1695 : i32
        %mul3A_1697 = arith.constant 32 : i32
        %mul3A_1698 = arith.muli %add3A_1696, %mul3A_1697 : i32
        %add3A_1699 = arith.constant 16 : i32
        %add3A_1700 = arith.addi %mul3A_1698, %add3A_1699 : i32
        %get3A_1701 = arith.index_cast %add3A_1700 : i32 to index
        %get3A_1702 = tpu.vector_load %arg8[%get3A_1701] {strides = array<i32>} : memref<9600xf32, #tpu.memory_space<vmem>>, vector<16xf32>,
        %bitcast3A_1703 = vector.bitcast %get3A_1702 : vector<16xf32> to vector<32xbf16>
        %mul3A_1704 = arith.mulf %bitcast3A_1692, %pack3A_1552 : vector<32xbf16>
        %add3A_1705 = arith.addf %add3A_1371, %mul3A_1704 : vector<32xbf16>
        %mul3A_1706 = arith.mulf %bitcast3A_1703, %pack3A_1565 : vector<32xbf16>
        %add3A_1707 = arith.addf %add3A_1705, %mul3A_1706 : vector<32xbf16>
        %mul3A_1708 = arith.mulf %bitcast3A_1692, %pack3A_1578 : vector<32xbf16>
        %add3A_1709 = arith.addf %add3A_1375, %mul3A_1708 : vector<32xbf16>
        %mul3A_1710 = arith.mulf %bitcast3A_1703, %pack3A_1591 : vector<32xbf16>
        %add3A_1711 = arith.addf %add3A_1709, %mul3A_1710 : vector<32xbf16>
        %mul3A_1712 = arith.mulf %bitcast3A_1692, %pack3A_1604 : vector<32xbf16>
        %add3A_1713 = arith.addf %add3A_1379, %mul3A_1712 : vector<32xbf16>
        %mul3A_1714 = arith.mulf %bitcast3A_1703, %pack3A_1617 : vector<32xbf16>
        %add3A_1715 = arith.addf %add3A_1713, %mul3A_1714 : vector<32xbf16>
        %mul3A_1716 = arith.mulf %bitcast3A_1692, %pack3A_1630 : vector<32xbf16>
        %add3A_1717 = arith.addf %add3A_1383, %mul3A_1716 : vector<32xbf16>
        %mul3A_1718 = arith.mulf %bitcast3A_1703, %pack3A_1643 : vector<32xbf16>
        %add3A_1719 = arith.addf %add3A_1717, %mul3A_1718 : vector<32xbf16>
        %mul3A_1720 = arith.constant 6 : i32
        %mul3A_1721 = arith.muli %add3A_1539, %mul3A_1720 : i32
        %add3A_1722 = arith.constant 2 : i32
        %add3A_1723 = arith.addi %mul3A_1721, %add3A_1722 : i32
        %mul3A_1724 = arith.constant 32 : i32
        %mul3A_1725 = arith.muli %add3A_1723, %mul3A_1724 : i32
        %add3A_1726 = arith.constant 0 : i32
        %add3A_1727 = arith.addi %mul3A_1725, %add3A_1726 : i32
        %get3A_1728 = arith.index_cast %add3A_1727 : i32 to index
        %get3A_1729 = tpu.vector_load %arg8[%get3A_1728] {strides = array<i32>} : memref<9600xf32, #tpu.memory_space<vmem>>, vector<16xf32>,
        %bitcast3A_1730 = vector.bitcast %get3A_1729 : vector<16xf32> to vector<32xbf16>
        %mul3A_1731 = arith.constant 6 : i32
        %mul3A_1732 = arith.muli %add3A_1539, %mul3A_1731 : i32
        %add3A_1733 = arith.constant 2 : i32
        %add3A_1734 = arith.addi %mul3A_1732, %add3A_1733 : i32
        %mul3A_1735 = arith.constant 32 : i32
        %mul3A_1736 = arith.muli %add3A_1734, %mul3A_1735 : i32
        %add3A_1737 = arith.constant 16 : i32
        %add3A_1738 = arith.addi %mul3A_1736, %add3A_1737 : i32
        %get3A_1739 = arith.index_cast %add3A_1738 : i32 to index
        %get3A_1740 = tpu.vector_load %arg8[%get3A_1739] {strides = array<i32>} : memref<9600xf32, #tpu.memory_space<vmem>>, vector<16xf32>,
        %bitcast3A_1741 = vector.bitcast %get3A_1740 : vector<16xf32> to vector<32xbf16>
        %mul3A_1742 = arith.mulf %bitcast3A_1730, %pack3A_1552 : vector<32xbf16>
        %add3A_1743 = arith.addf %add3A_1409, %mul3A_1742 : vector<32xbf16>
        %mul3A_1744 = arith.mulf %bitcast3A_1741, %pack3A_1565 : vector<32xbf16>
        %add3A_1745 = arith.addf %add3A_1743, %mul3A_1744 : vector<32xbf16>
        %mul3A_1746 = arith.mulf %bitcast3A_1730, %pack3A_1578 : vector<32xbf16>
        %add3A_1747 = arith.addf %add3A_1413, %mul3A_1746 : vector<32xbf16>
        %mul3A_1748 = arith.mulf %bitcast3A_1741, %pack3A_1591 : vector<32xbf16>
        %add3A_1749 = arith.addf %add3A_1747, %mul3A_1748 : vector<32xbf16>
        %mul3A_1750 = arith.mulf %bitcast3A_1730, %pack3A_1604 : vector<32xbf16>
        %add3A_1751 = arith.addf %add3A_1417, %mul3A_1750 : vector<32xbf16>
        %mul3A_1752 = arith.mulf %bitcast3A_1741, %pack3A_1617 : vector<32xbf16>
        %add3A_1753 = arith.addf %add3A_1751, %mul3A_1752 : vector<32xbf16>
        %mul3A_1754 = arith.mulf %bitcast3A_1730, %pack3A_1630 : vector<32xbf16>
        %add3A_1755 = arith.addf %add3A_1421, %mul3A_1754 : vector<32xbf16>
        %mul3A_1756 = arith.mulf %bitcast3A_1741, %pack3A_1643 : vector<32xbf16>
        %add3A_1757 = arith.addf %add3A_1755, %mul3A_1756 : vector<32xbf16>
        %mul3A_1758 = arith.constant 6 : i32
        %mul3A_1759 = arith.muli %add3A_1539, %mul3A_1758 : i32
        %add3A_1760 = arith.constant 3 : i32
        %add3A_1761 = arith.addi %mul3A_1759, %add3A_1760 : i32
        %mul3A_1762 = arith.constant 32 : i32
        %mul3A_1763 = arith.muli %add3A_1761, %mul3A_1762 : i32
        %add3A_1764 = arith.constant 0 : i32
        %add3A_1765 = arith.addi %mul3A_1763, %add3A_1764 : i32
        %get3A_1766 = arith.index_cast %add3A_1765 : i32 to index
        %get3A_1767 = tpu.vector_load %arg8[%get3A_1766] {strides = array<i32>} : memref<9600xf32, #tpu.memory_space<vmem>>, vector<16xf32>,
        %bitcast3A_1768 = vector.bitcast %get3A_1767 : vector<16xf32> to vector<32xbf16>
        %mul3A_1769 = arith.constant 6 : i32
        %mul3A_1770 = arith.muli %add3A_1539, %mul3A_1769 : i32
        %add3A_1771 = arith.constant 3 : i32
        %add3A_1772 = arith.addi %mul3A_1770, %add3A_1771 : i32
        %mul3A_1773 = arith.constant 32 : i32
        %mul3A_1774 = arith.muli %add3A_1772, %mul3A_1773 : i32
        %add3A_1775 = arith.constant 16 : i32
        %add3A_1776 = arith.addi %mul3A_1774, %add3A_1775 : i32
        %get3A_1777 = arith.index_cast %add3A_1776 : i32 to index
        %get3A_1778 = tpu.vector_load %arg8[%get3A_1777] {strides = array<i32>} : memref<9600xf32, #tpu.memory_space<vmem>>, vector<16xf32>,
        %bitcast3A_1779 = vector.bitcast %get3A_1778 : vector<16xf32> to vector<32xbf16>
        %mul3A_1780 = arith.mulf %bitcast3A_1768, %pack3A_1552 : vector<32xbf16>
        %add3A_1781 = arith.addf %add3A_1447, %mul3A_1780 : vector<32xbf16>
        %mul3A_1782 = arith.mulf %bitcast3A_1779, %pack3A_1565 : vector<32xbf16>
        %add3A_1783 = arith.addf %add3A_1781, %mul3A_1782 : vector<32xbf16>
        %mul3A_1784 = arith.mulf %bitcast3A_1768, %pack3A_1578 : vector<32xbf16>
        %add3A_1785 = arith.addf %add3A_1451, %mul3A_1784 : vector<32xbf16>
        %mul3A_1786 = arith.mulf %bitcast3A_1779, %pack3A_1591 : vector<32xbf16>
        %add3A_1787 = arith.addf %add3A_1785, %mul3A_1786 : vector<32xbf16>
        %mul3A_1788 = arith.mulf %bitcast3A_1768, %pack3A_1604 : vector<32xbf16>
        %add3A_1789 = arith.addf %add3A_1455, %mul3A_1788 : vector<32xbf16>
        %mul3A_1790 = arith.mulf %bitcast3A_1779, %pack3A_1617 : vector<32xbf16>
        %add3A_1791 = arith.addf %add3A_1789, %mul3A_1790 : vector<32xbf16>
        %mul3A_1792 = arith.mulf %bitcast3A_1768, %pack3A_1630 : vector<32xbf16>
        %add3A_1793 = arith.addf %add3A_1459, %mul3A_1792 : vector<32xbf16>
        %mul3A_1794 = arith.mulf %bitcast3A_1779, %pack3A_1643 : vector<32xbf16>
        %add3A_1795 = arith.addf %add3A_1793, %mul3A_1794 : vector<32xbf16>
        %mul3A_1796 = arith.constant 6 : i32
        %mul3A_1797 = arith.muli %add3A_1539, %mul3A_1796 : i32
        %add3A_1798 = arith.constant 4 : i32
        %add3A_1799 = arith.addi %mul3A_1797, %add3A_1798 : i32
        %mul3A_1800 = arith.constant 32 : i32
        %mul3A_1801 = arith.muli %add3A_1799, %mul3A_1800 : i32
        %add3A_1802 = arith.constant 0 : i32
        %add3A_1803 = arith.addi %mul3A_1801, %add3A_1802 : i32
        %get3A_1804 = arith.index_cast %add3A_1803 : i32 to index
        %get3A_1805 = tpu.vector_load %arg8[%get3A_1804] {strides = array<i32>} : memref<9600xf32, #tpu.memory_space<vmem>>, vector<16xf32>,
        %bitcast3A_1806 = vector.bitcast %get3A_1805 : vector<16xf32> to vector<32xbf16>
        %mul3A_1807 = arith.constant 6 : i32
        %mul3A_1808 = arith.muli %add3A_1539, %mul3A_1807 : i32
        %add3A_1809 = arith.constant 4 : i32
        %add3A_1810 = arith.addi %mul3A_1808, %add3A_1809 : i32
        %mul3A_1811 = arith.constant 32 : i32
        %mul3A_1812 = arith.muli %add3A_1810, %mul3A_1811 : i32
        %add3A_1813 = arith.constant 16 : i32
        %add3A_1814 = arith.addi %mul3A_1812, %add3A_1813 : i32
        %get3A_1815 = arith.index_cast %add3A_1814 : i32 to index
        %get3A_1816 = tpu.vector_load %arg8[%get3A_1815] {strides = array<i32>} : memref<9600xf32, #tpu.memory_space<vmem>>, vector<16xf32>,
        %bitcast3A_1817 = vector.bitcast %get3A_1816 : vector<16xf32> to vector<32xbf16>
        %mul3A_1818 = arith.mulf %bitcast3A_1806, %pack3A_1552 : vector<32xbf16>
        %add3A_1819 = arith.addf %add3A_1485, %mul3A_1818 : vector<32xbf16>
        %mul3A_1820 = arith.mulf %bitcast3A_1817, %pack3A_1565 : vector<32xbf16>
        %add3A_1821 = arith.addf %add3A_1819, %mul3A_1820 : vector<32xbf16>
        %mul3A_1822 = arith.mulf %bitcast3A_1806, %pack3A_1578 : vector<32xbf16>
        %add3A_1823 = arith.addf %add3A_1489, %mul3A_1822 : vector<32xbf16>
        %mul3A_1824 = arith.mulf %bitcast3A_1817, %pack3A_1591 : vector<32xbf16>
        %add3A_1825 = arith.addf %add3A_1823, %mul3A_1824 : vector<32xbf16>
        %mul3A_1826 = arith.mulf %bitcast3A_1806, %pack3A_1604 : vector<32xbf16>
        %add3A_1827 = arith.addf %add3A_1493, %mul3A_1826 : vector<32xbf16>
        %mul3A_1828 = arith.mulf %bitcast3A_1817, %pack3A_1617 : vector<32xbf16>
        %add3A_1829 = arith.addf %add3A_1827, %mul3A_1828 : vector<32xbf16>
        %mul3A_1830 = arith.mulf %bitcast3A_1806, %pack3A_1630 : vector<32xbf16>
        %add3A_1831 = arith.addf %add3A_1497, %mul3A_1830 : vector<32xbf16>
        %mul3A_1832 = arith.mulf %bitcast3A_1817, %pack3A_1643 : vector<32xbf16>
        %add3A_1833 = arith.addf %add3A_1831, %mul3A_1832 : vector<32xbf16>
        %mul3A_1834 = arith.constant 6 : i32
        %mul3A_1835 = arith.muli %add3A_1539, %mul3A_1834 : i32
        %add3A_1836 = arith.constant 5 : i32
        %add3A_1837 = arith.addi %mul3A_1835, %add3A_1836 : i32
        %mul3A_1838 = arith.constant 32 : i32
        %mul3A_1839 = arith.muli %add3A_1837, %mul3A_1838 : i32
        %add3A_1840 = arith.constant 0 : i32
        %add3A_1841 = arith.addi %mul3A_1839, %add3A_1840 : i32
        %get3A_1842 = arith.index_cast %add3A_1841 : i32 to index
        %get3A_1843 = tpu.vector_load %arg8[%get3A_1842] {strides = array<i32>} : memref<9600xf32, #tpu.memory_space<vmem>>, vector<16xf32>,
        %bitcast3A_1844 = vector.bitcast %get3A_1843 : vector<16xf32> to vector<32xbf16>
        %mul3A_1845 = arith.constant 6 : i32
        %mul3A_1846 = arith.muli %add3A_1539, %mul3A_1845 : i32
        %add3A_1847 = arith.constant 5 : i32
        %add3A_1848 = arith.addi %mul3A_1846, %add3A_1847 : i32
        %mul3A_1849 = arith.constant 32 : i32
        %mul3A_1850 = arith.muli %add3A_1848, %mul3A_1849 : i32
        %add3A_1851 = arith.constant 16 : i32
        %add3A_1852 = arith.addi %mul3A_1850, %add3A_1851 : i32
        %get3A_1853 = arith.index_cast %add3A_1852 : i32 to index
        %get3A_1854 = tpu.vector_load %arg8[%get3A_1853] {strides = array<i32>} : memref<9600xf32, #tpu.memory_space<vmem>>, vector<16xf32>,
        %bitcast3A_1855 = vector.bitcast %get3A_1854 : vector<16xf32> to vector<32xbf16>
        %mul3A_1856 = arith.mulf %bitcast3A_1844, %pack3A_1552 : vector<32xbf16>
        %add3A_1857 = arith.addf %add3A_1523, %mul3A_1856 : vector<32xbf16>
        %mul3A_1858 = arith.mulf %bitcast3A_1855, %pack3A_1565 : vector<32xbf16>
        %add3A_1859 = arith.addf %add3A_1857, %mul3A_1858 : vector<32xbf16>
        %mul3A_1860 = arith.mulf %bitcast3A_1844, %pack3A_1578 : vector<32xbf16>
        %add3A_1861 = arith.addf %add3A_1527, %mul3A_1860 : vector<32xbf16>
        %mul3A_1862 = arith.mulf %bitcast3A_1855, %pack3A_1591 : vector<32xbf16>
        %add3A_1863 = arith.addf %add3A_1861, %mul3A_1862 : vector<32xbf16>
        %mul3A_1864 = arith.mulf %bitcast3A_1844, %pack3A_1604 : vector<32xbf16>
        %add3A_1865 = arith.addf %add3A_1531, %mul3A_1864 : vector<32xbf16>
        %mul3A_1866 = arith.mulf %bitcast3A_1855, %pack3A_1617 : vector<32xbf16>
        %add3A_1867 = arith.addf %add3A_1865, %mul3A_1866 : vector<32xbf16>
        %mul3A_1868 = arith.mulf %bitcast3A_1844, %pack3A_1630 : vector<32xbf16>
        %add3A_1869 = arith.addf %add3A_1535, %mul3A_1868 : vector<32xbf16>
        %mul3A_1870 = arith.mulf %bitcast3A_1855, %pack3A_1643 : vector<32xbf16>
        %add3A_1871 = arith.addf %add3A_1869, %mul3A_1870 : vector<32xbf16>
        %mul3A_1872 = arith.constant 10 : i32
        %mul3A_1873 = arith.muli %scan3A_457, %mul3A_1872 : i32
        %add3A_1874 = arith.constant 4 : i32
        %add3A_1875 = arith.addi %mul3A_1873, %add3A_1874 : i32
        %add3A_1876 = arith.constant 0 : i32
        %add3A_1877 = arith.addi %mul3A_154, %add3A_1876 : i32
        %get3A_1878 = arith.index_cast %add3A_1877 : i32 to index
        %get3A_1879 = arith.index_cast %add3A_1875 : i32 to index
        %get3A_1880 = arith.constant 0 : index
        %get3A_1881 = tpu.vector_load %arg9[%get3A_1878, %get3A_1879, %get3A_1880] {strides = array<i32>} : memref<8x50x64xf32, #tpu.memory_space<vmem>>, vector<16xf32>,
        %add3A_1882 = arith.constant 0 : i32
        %add3A_1883 = arith.addi %mul3A_154, %add3A_1882 : i32
        %get3A_1884 = arith.index_cast %add3A_1883 : i32 to index
        %get3A_1885 = arith.index_cast %add3A_1875 : i32 to index
        %get3A_1886 = arith.constant 16 : index
        %get3A_1887 = tpu.vector_load %arg9[%get3A_1884, %get3A_1885, %get3A_1886] {strides = array<i32>} : memref<8x50x64xf32, #tpu.memory_space<vmem>>, vector<16xf32>,
        %pack3A_1888 = tpu.pack_subelements %get3A_1881, %get3A_1887 {pack_format = #tpu.pack_format<interleaved>, positions = array<i32: 0, 1>} : vector<16xf32>, vector<16xf32> -> vector<32xbf16>
        %add3A_1889 = arith.constant 0 : i32
        %add3A_1890 = arith.addi %mul3A_154, %add3A_1889 : i32
        %get3A_1891 = arith.index_cast %add3A_1890 : i32 to index
        %get3A_1892 = arith.index_cast %add3A_1875 : i32 to index
        %get3A_1893 = arith.constant 32 : index
        %get3A_1894 = tpu.vector_load %arg9[%get3A_1891, %get3A_1892, %get3A_1893] {strides = array<i32>} : memref<8x50x64xf32, #tpu.memory_space<vmem>>, vector<16xf32>,
        %add3A_1895 = arith.constant 0 : i32
        %add3A_1896 = arith.addi %mul3A_154, %add3A_1895 : i32
        %get3A_1897 = arith.index_cast %add3A_1896 : i32 to index
        %get3A_1898 = arith.index_cast %add3A_1875 : i32 to index
        %get3A_1899 = arith.constant 48 : index
        %get3A_1900 = tpu.vector_load %arg9[%get3A_1897, %get3A_1898, %get3A_1899] {strides = array<i32>} : memref<8x50x64xf32, #tpu.memory_space<vmem>>, vector<16xf32>,
        %pack3A_1901 = tpu.pack_subelements %get3A_1894, %get3A_1900 {pack_format = #tpu.pack_format<interleaved>, positions = array<i32: 0, 1>} : vector<16xf32>, vector<16xf32> -> vector<32xbf16>
        %add3A_1902 = arith.constant 1 : i32
        %add3A_1903 = arith.addi %mul3A_154, %add3A_1902 : i32
        %get3A_1904 = arith.index_cast %add3A_1903 : i32 to index
        %get3A_1905 = arith.index_cast %add3A_1875 : i32 to index
        %get3A_1906 = arith.constant 0 : index
        %get3A_1907 = tpu.vector_load %arg9[%get3A_1904, %get3A_1905, %get3A_1906] {strides = array<i32>} : memref<8x50x64xf32, #tpu.memory_space<vmem>>, vector<16xf32>,
        %add3A_1908 = arith.constant 1 : i32
        %add3A_1909 = arith.addi %mul3A_154, %add3A_1908 : i32
        %get3A_1910 = arith.index_cast %add3A_1909 : i32 to index
        %get3A_1911 = arith.index_cast %add3A_1875 : i32 to index
        %get3A_1912 = arith.constant 16 : index
        %get3A_1913 = tpu.vector_load %arg9[%get3A_1910, %get3A_1911, %get3A_1912] {strides = array<i32>} : memref<8x50x64xf32, #tpu.memory_space<vmem>>, vector<16xf32>,
        %pack3A_1914 = tpu.pack_subelements %get3A_1907, %get3A_1913 {pack_format = #tpu.pack_format<interleaved>, positions = array<i32: 0, 1>} : vector<16xf32>, vector<16xf32> -> vector<32xbf16>
        %add3A_1915 = arith.constant 1 : i32
        %add3A_1916 = arith.addi %mul3A_154, %add3A_1915 : i32
        %get3A_1917 = arith.index_cast %add3A_1916 : i32 to index
        %get3A_1918 = arith.index_cast %add3A_1875 : i32 to index
        %get3A_1919 = arith.constant 32 : index
        %get3A_1920 = tpu.vector_load %arg9[%get3A_1917, %get3A_1918, %get3A_1919] {strides = array<i32>} : memref<8x50x64xf32, #tpu.memory_space<vmem>>, vector<16xf32>,
        %add3A_1921 = arith.constant 1 : i32
        %add3A_1922 = arith.addi %mul3A_154, %add3A_1921 : i32
        %get3A_1923 = arith.index_cast %add3A_1922 : i32 to index
        %get3A_1924 = arith.index_cast %add3A_1875 : i32 to index
        %get3A_1925 = arith.constant 48 : index
        %get3A_1926 = tpu.vector_load %arg9[%get3A_1923, %get3A_1924, %get3A_1925] {strides = array<i32>} : memref<8x50x64xf32, #tpu.memory_space<vmem>>, vector<16xf32>,
        %pack3A_1927 = tpu.pack_subelements %get3A_1920, %get3A_1926 {pack_format = #tpu.pack_format<interleaved>, positions = array<i32: 0, 1>} : vector<16xf32>, vector<16xf32> -> vector<32xbf16>
        %add3A_1928 = arith.constant 2 : i32
        %add3A_1929 = arith.addi %mul3A_154, %add3A_1928 : i32
        %get3A_1930 = arith.index_cast %add3A_1929 : i32 to index
        %get3A_1931 = arith.index_cast %add3A_1875 : i32 to index
        %get3A_1932 = arith.constant 0 : index
        %get3A_1933 = tpu.vector_load %arg9[%get3A_1930, %get3A_1931, %get3A_1932] {strides = array<i32>} : memref<8x50x64xf32, #tpu.memory_space<vmem>>, vector<16xf32>,
        %add3A_1934 = arith.constant 2 : i32
        %add3A_1935 = arith.addi %mul3A_154, %add3A_1934 : i32
        %get3A_1936 = arith.index_cast %add3A_1935 : i32 to index
        %get3A_1937 = arith.index_cast %add3A_1875 : i32 to index
        %get3A_1938 = arith.constant 16 : index
        %get3A_1939 = tpu.vector_load %arg9[%get3A_1936, %get3A_1937, %get3A_1938] {strides = array<i32>} : memref<8x50x64xf32, #tpu.memory_space<vmem>>, vector<16xf32>,
        %pack3A_1940 = tpu.pack_subelements %get3A_1933, %get3A_1939 {pack_format = #tpu.pack_format<interleaved>, positions = array<i32: 0, 1>} : vector<16xf32>, vector<16xf32> -> vector<32xbf16>
        %add3A_1941 = arith.constant 2 : i32
        %add3A_1942 = arith.addi %mul3A_154, %add3A_1941 : i32
        %get3A_1943 = arith.index_cast %add3A_1942 : i32 to index
        %get3A_1944 = arith.index_cast %add3A_1875 : i32 to index
        %get3A_1945 = arith.constant 32 : index
        %get3A_1946 = tpu.vector_load %arg9[%get3A_1943, %get3A_1944, %get3A_1945] {strides = array<i32>} : memref<8x50x64xf32, #tpu.memory_space<vmem>>, vector<16xf32>,
        %add3A_1947 = arith.constant 2 : i32
        %add3A_1948 = arith.addi %mul3A_154, %add3A_1947 : i32
        %get3A_1949 = arith.index_cast %add3A_1948 : i32 to index
        %get3A_1950 = arith.index_cast %add3A_1875 : i32 to index
        %get3A_1951 = arith.constant 48 : index
        %get3A_1952 = tpu.vector_load %arg9[%get3A_1949, %get3A_1950, %get3A_1951] {strides = array<i32>} : memref<8x50x64xf32, #tpu.memory_space<vmem>>, vector<16xf32>,
        %pack3A_1953 = tpu.pack_subelements %get3A_1946, %get3A_1952 {pack_format = #tpu.pack_format<interleaved>, positions = array<i32: 0, 1>} : vector<16xf32>, vector<16xf32> -> vector<32xbf16>
        %add3A_1954 = arith.constant 3 : i32
        %add3A_1955 = arith.addi %mul3A_154, %add3A_1954 : i32
        %get3A_1956 = arith.index_cast %add3A_1955 : i32 to index
        %get3A_1957 = arith.index_cast %add3A_1875 : i32 to index
        %get3A_1958 = arith.constant 0 : index
        %get3A_1959 = tpu.vector_load %arg9[%get3A_1956, %get3A_1957, %get3A_1958] {strides = array<i32>} : memref<8x50x64xf32, #tpu.memory_space<vmem>>, vector<16xf32>,
        %add3A_1960 = arith.constant 3 : i32
        %add3A_1961 = arith.addi %mul3A_154, %add3A_1960 : i32
        %get3A_1962 = arith.index_cast %add3A_1961 : i32 to index
        %get3A_1963 = arith.index_cast %add3A_1875 : i32 to index
        %get3A_1964 = arith.constant 16 : index
        %get3A_1965 = tpu.vector_load %arg9[%get3A_1962, %get3A_1963, %get3A_1964] {strides = array<i32>} : memref<8x50x64xf32, #tpu.memory_space<vmem>>, vector<16xf32>,
        %pack3A_1966 = tpu.pack_subelements %get3A_1959, %get3A_1965 {pack_format = #tpu.pack_format<interleaved>, positions = array<i32: 0, 1>} : vector<16xf32>, vector<16xf32> -> vector<32xbf16>
        %add3A_1967 = arith.constant 3 : i32
        %add3A_1968 = arith.addi %mul3A_154, %add3A_1967 : i32
        %get3A_1969 = arith.index_cast %add3A_1968 : i32 to index
        %get3A_1970 = arith.index_cast %add3A_1875 : i32 to index
        %get3A_1971 = arith.constant 32 : index
        %get3A_1972 = tpu.vector_load %arg9[%get3A_1969, %get3A_1970, %get3A_1971] {strides = array<i32>} : memref<8x50x64xf32, #tpu.memory_space<vmem>>, vector<16xf32>,
        %add3A_1973 = arith.constant 3 : i32
        %add3A_1974 = arith.addi %mul3A_154, %add3A_1973 : i32
        %get3A_1975 = arith.index_cast %add3A_1974 : i32 to index
        %get3A_1976 = arith.index_cast %add3A_1875 : i32 to index
        %get3A_1977 = arith.constant 48 : index
        %get3A_1978 = tpu.vector_load %arg9[%get3A_1975, %get3A_1976, %get3A_1977] {strides = array<i32>} : memref<8x50x64xf32, #tpu.memory_space<vmem>>, vector<16xf32>,
        %pack3A_1979 = tpu.pack_subelements %get3A_1972, %get3A_1978 {pack_format = #tpu.pack_format<interleaved>, positions = array<i32: 0, 1>} : vector<16xf32>, vector<16xf32> -> vector<32xbf16>
        %mul3A_1980 = arith.constant 6 : i32
        %mul3A_1981 = arith.muli %add3A_1875, %mul3A_1980 : i32
        %add3A_1982 = arith.constant 0 : i32
        %add3A_1983 = arith.addi %mul3A_1981, %add3A_1982 : i32
        %mul3A_1984 = arith.constant 32 : i32
        %mul3A_1985 = arith.muli %add3A_1983, %mul3A_1984 : i32
        %add3A_1986 = arith.constant 0 : i32
        %add3A_1987 = arith.addi %mul3A_1985, %add3A_1986 : i32
        %get3A_1988 = arith.index_cast %add3A_1987 : i32 to index
        %get3A_1989 = tpu.vector_load %arg8[%get3A_1988] {strides = array<i32>} : memref<9600xf32, #tpu.memory_space<vmem>>, vector<16xf32>,
        %bitcast3A_1990 = vector.bitcast %get3A_1989 : vector<16xf32> to vector<32xbf16>
        %mul3A_1991 = arith.constant 6 : i32
        %mul3A_1992 = arith.muli %add3A_1875, %mul3A_1991 : i32
        %add3A_1993 = arith.constant 0 : i32
        %add3A_1994 = arith.addi %mul3A_1992, %add3A_1993 : i32
        %mul3A_1995 = arith.constant 32 : i32
        %mul3A_1996 = arith.muli %add3A_1994, %mul3A_1995 : i32
        %add3A_1997 = arith.constant 16 : i32
        %add3A_1998 = arith.addi %mul3A_1996, %add3A_1997 : i32
        %get3A_1999 = arith.index_cast %add3A_1998 : i32 to index
        %get3A_2000 = tpu.vector_load %arg8[%get3A_1999] {strides = array<i32>} : memref<9600xf32, #tpu.memory_space<vmem>>, vector<16xf32>,
        %bitcast3A_2001 = vector.bitcast %get3A_2000 : vector<16xf32> to vector<32xbf16>
        %mul3A_2002 = arith.mulf %bitcast3A_1990, %pack3A_1888 : vector<32xbf16>
        %add3A_2003 = arith.addf %add3A_1669, %mul3A_2002 : vector<32xbf16>
        %mul3A_2004 = arith.mulf %bitcast3A_2001, %pack3A_1901 : vector<32xbf16>
        %add3A_2005 = arith.addf %add3A_2003, %mul3A_2004 : vector<32xbf16>
        %mul3A_2006 = arith.mulf %bitcast3A_1990, %pack3A_1914 : vector<32xbf16>
        %add3A_2007 = arith.addf %add3A_1673, %mul3A_2006 : vector<32xbf16>
        %mul3A_2008 = arith.mulf %bitcast3A_2001, %pack3A_1927 : vector<32xbf16>
        %add3A_2009 = arith.addf %add3A_2007, %mul3A_2008 : vector<32xbf16>
        %mul3A_2010 = arith.mulf %bitcast3A_1990, %pack3A_1940 : vector<32xbf16>
        %add3A_2011 = arith.addf %add3A_1677, %mul3A_2010 : vector<32xbf16>
        %mul3A_2012 = arith.mulf %bitcast3A_2001, %pack3A_1953 : vector<32xbf16>
        %add3A_2013 = arith.addf %add3A_2011, %mul3A_2012 : vector<32xbf16>
        %mul3A_2014 = arith.mulf %bitcast3A_1990, %pack3A_1966 : vector<32xbf16>
        %add3A_2015 = arith.addf %add3A_1681, %mul3A_2014 : vector<32xbf16>
        %mul3A_2016 = arith.mulf %bitcast3A_2001, %pack3A_1979 : vector<32xbf16>
        %add3A_2017 = arith.addf %add3A_2015, %mul3A_2016 : vector<32xbf16>
        %mul3A_2018 = arith.constant 6 : i32
        %mul3A_2019 = arith.muli %add3A_1875, %mul3A_2018 : i32
        %add3A_2020 = arith.constant 1 : i32
        %add3A_2021 = arith.addi %mul3A_2019, %add3A_2020 : i32
        %mul3A_2022 = arith.constant 32 : i32
        %mul3A_2023 = arith.muli %add3A_2021, %mul3A_2022 : i32
        %add3A_2024 = arith.constant 0 : i32
        %add3A_2025 = arith.addi %mul3A_2023, %add3A_2024 : i32
        %get3A_2026 = arith.index_cast %add3A_2025 : i32 to index
        %get3A_2027 = tpu.vector_load %arg8[%get3A_2026] {strides = array<i32>} : memref<9600xf32, #tpu.memory_space<vmem>>, vector<16xf32>,
        %bitcast3A_2028 = vector.bitcast %get3A_2027 : vector<16xf32> to vector<32xbf16>
        %mul3A_2029 = arith.constant 6 : i32
        %mul3A_2030 = arith.muli %add3A_1875, %mul3A_2029 : i32
        %add3A_2031 = arith.constant 1 : i32
        %add3A_2032 = arith.addi %mul3A_2030, %add3A_2031 : i32
        %mul3A_2033 = arith.constant 32 : i32
        %mul3A_2034 = arith.muli %add3A_2032, %mul3A_2033 : i32
        %add3A_2035 = arith.constant 16 : i32
        %add3A_2036 = arith.addi %mul3A_2034, %add3A_2035 : i32
        %get3A_2037 = arith.index_cast %add3A_2036 : i32 to index
        %get3A_2038 = tpu.vector_load %arg8[%get3A_2037] {strides = array<i32>} : memref<9600xf32, #tpu.memory_space<vmem>>, vector<16xf32>,
        %bitcast3A_2039 = vector.bitcast %get3A_2038 : vector<16xf32> to vector<32xbf16>
        %mul3A_2040 = arith.mulf %bitcast3A_2028, %pack3A_1888 : vector<32xbf16>
        %add3A_2041 = arith.addf %add3A_1707, %mul3A_2040 : vector<32xbf16>
        %mul3A_2042 = arith.mulf %bitcast3A_2039, %pack3A_1901 : vector<32xbf16>
        %add3A_2043 = arith.addf %add3A_2041, %mul3A_2042 : vector<32xbf16>
        %mul3A_2044 = arith.mulf %bitcast3A_2028, %pack3A_1914 : vector<32xbf16>
        %add3A_2045 = arith.addf %add3A_1711, %mul3A_2044 : vector<32xbf16>
        %mul3A_2046 = arith.mulf %bitcast3A_2039, %pack3A_1927 : vector<32xbf16>
        %add3A_2047 = arith.addf %add3A_2045, %mul3A_2046 : vector<32xbf16>
        %mul3A_2048 = arith.mulf %bitcast3A_2028, %pack3A_1940 : vector<32xbf16>
        %add3A_2049 = arith.addf %add3A_1715, %mul3A_2048 : vector<32xbf16>
        %mul3A_2050 = arith.mulf %bitcast3A_2039, %pack3A_1953 : vector<32xbf16>
        %add3A_2051 = arith.addf %add3A_2049, %mul3A_2050 : vector<32xbf16>
        %mul3A_2052 = arith.mulf %bitcast3A_2028, %pack3A_1966 : vector<32xbf16>
        %add3A_2053 = arith.addf %add3A_1719, %mul3A_2052 : vector<32xbf16>
        %mul3A_2054 = arith.mulf %bitcast3A_2039, %pack3A_1979 : vector<32xbf16>
        %add3A_2055 = arith.addf %add3A_2053, %mul3A_2054 : vector<32xbf16>
        %mul3A_2056 = arith.constant 6 : i32
        %mul3A_2057 = arith.muli %add3A_1875, %mul3A_2056 : i32
        %add3A_2058 = arith.constant 2 : i32
        %add3A_2059 = arith.addi %mul3A_2057, %add3A_2058 : i32
        %mul3A_2060 = arith.constant 32 : i32
        %mul3A_2061 = arith.muli %add3A_2059, %mul3A_2060 : i32
        %add3A_2062 = arith.constant 0 : i32
        %add3A_2063 = arith.addi %mul3A_2061, %add3A_2062 : i32
        %get3A_2064 = arith.index_cast %add3A_2063 : i32 to index
        %get3A_2065 = tpu.vector_load %arg8[%get3A_2064] {strides = array<i32>} : memref<9600xf32, #tpu.memory_space<vmem>>, vector<16xf32>,
        %bitcast3A_2066 = vector.bitcast %get3A_2065 : vector<16xf32> to vector<32xbf16>
        %mul3A_2067 = arith.constant 6 : i32
        %mul3A_2068 = arith.muli %add3A_1875, %mul3A_2067 : i32
        %add3A_2069 = arith.constant 2 : i32
        %add3A_2070 = arith.addi %mul3A_2068, %add3A_2069 : i32
        %mul3A_2071 = arith.constant 32 : i32
        %mul3A_2072 = arith.muli %add3A_2070, %mul3A_2071 : i32
        %add3A_2073 = arith.constant 16 : i32
        %add3A_2074 = arith.addi %mul3A_2072, %add3A_2073 : i32
        %get3A_2075 = arith.index_cast %add3A_2074 : i32 to index
        %get3A_2076 = tpu.vector_load %arg8[%get3A_2075] {strides = array<i32>} : memref<9600xf32, #tpu.memory_space<vmem>>, vector<16xf32>,
        %bitcast3A_2077 = vector.bitcast %get3A_2076 : vector<16xf32> to vector<32xbf16>
        %mul3A_2078 = arith.mulf %bitcast3A_2066, %pack3A_1888 : vector<32xbf16>
        %add3A_2079 = arith.addf %add3A_1745, %mul3A_2078 : vector<32xbf16>
        %mul3A_2080 = arith.mulf %bitcast3A_2077, %pack3A_1901 : vector<32xbf16>
        %add3A_2081 = arith.addf %add3A_2079, %mul3A_2080 : vector<32xbf16>
        %mul3A_2082 = arith.mulf %bitcast3A_2066, %pack3A_1914 : vector<32xbf16>
        %add3A_2083 = arith.addf %add3A_1749, %mul3A_2082 : vector<32xbf16>
        %mul3A_2084 = arith.mulf %bitcast3A_2077, %pack3A_1927 : vector<32xbf16>
        %add3A_2085 = arith.addf %add3A_2083, %mul3A_2084 : vector<32xbf16>
        %mul3A_2086 = arith.mulf %bitcast3A_2066, %pack3A_1940 : vector<32xbf16>
        %add3A_2087 = arith.addf %add3A_1753, %mul3A_2086 : vector<32xbf16>
        %mul3A_2088 = arith.mulf %bitcast3A_2077, %pack3A_1953 : vector<32xbf16>
        %add3A_2089 = arith.addf %add3A_2087, %mul3A_2088 : vector<32xbf16>
        %mul3A_2090 = arith.mulf %bitcast3A_2066, %pack3A_1966 : vector<32xbf16>
        %add3A_2091 = arith.addf %add3A_1757, %mul3A_2090 : vector<32xbf16>
        %mul3A_2092 = arith.mulf %bitcast3A_2077, %pack3A_1979 : vector<32xbf16>
        %add3A_2093 = arith.addf %add3A_2091, %mul3A_2092 : vector<32xbf16>
        %mul3A_2094 = arith.constant 6 : i32
        %mul3A_2095 = arith.muli %add3A_1875, %mul3A_2094 : i32
        %add3A_2096 = arith.constant 3 : i32
        %add3A_2097 = arith.addi %mul3A_2095, %add3A_2096 : i32
        %mul3A_2098 = arith.constant 32 : i32
        %mul3A_2099 = arith.muli %add3A_2097, %mul3A_2098 : i32
        %add3A_2100 = arith.constant 0 : i32
        %add3A_2101 = arith.addi %mul3A_2099, %add3A_2100 : i32
        %get3A_2102 = arith.index_cast %add3A_2101 : i32 to index
        %get3A_2103 = tpu.vector_load %arg8[%get3A_2102] {strides = array<i32>} : memref<9600xf32, #tpu.memory_space<vmem>>, vector<16xf32>,
        %bitcast3A_2104 = vector.bitcast %get3A_2103 : vector<16xf32> to vector<32xbf16>
        %mul3A_2105 = arith.constant 6 : i32
        %mul3A_2106 = arith.muli %add3A_1875, %mul3A_2105 : i32
        %add3A_2107 = arith.constant 3 : i32
        %add3A_2108 = arith.addi %mul3A_2106, %add3A_2107 : i32
        %mul3A_2109 = arith.constant 32 : i32
        %mul3A_2110 = arith.muli %add3A_2108, %mul3A_2109 : i32
        %add3A_2111 = arith.constant 16 : i32
        %add3A_2112 = arith.addi %mul3A_2110, %add3A_2111 : i32
        %get3A_2113 = arith.index_cast %add3A_2112 : i32 to index
        %get3A_2114 = tpu.vector_load %arg8[%get3A_2113] {strides = array<i32>} : memref<9600xf32, #tpu.memory_space<vmem>>, vector<16xf32>,
        %bitcast3A_2115 = vector.bitcast %get3A_2114 : vector<16xf32> to vector<32xbf16>
        %mul3A_2116 = arith.mulf %bitcast3A_2104, %pack3A_1888 : vector<32xbf16>
        %add3A_2117 = arith.addf %add3A_1783, %mul3A_2116 : vector<32xbf16>
        %mul3A_2118 = arith.mulf %bitcast3A_2115, %pack3A_1901 : vector<32xbf16>
        %add3A_2119 = arith.addf %add3A_2117, %mul3A_2118 : vector<32xbf16>
        %mul3A_2120 = arith.mulf %bitcast3A_2104, %pack3A_1914 : vector<32xbf16>
        %add3A_2121 = arith.addf %add3A_1787, %mul3A_2120 : vector<32xbf16>
        %mul3A_2122 = arith.mulf %bitcast3A_2115, %pack3A_1927 : vector<32xbf16>
        %add3A_2123 = arith.addf %add3A_2121, %mul3A_2122 : vector<32xbf16>
        %mul3A_2124 = arith.mulf %bitcast3A_2104, %pack3A_1940 : vector<32xbf16>
        %add3A_2125 = arith.addf %add3A_1791, %mul3A_2124 : vector<32xbf16>
        %mul3A_2126 = arith.mulf %bitcast3A_2115, %pack3A_1953 : vector<32xbf16>
        %add3A_2127 = arith.addf %add3A_2125, %mul3A_2126 : vector<32xbf16>
        %mul3A_2128 = arith.mulf %bitcast3A_2104, %pack3A_1966 : vector<32xbf16>
        %add3A_2129 = arith.addf %add3A_1795, %mul3A_2128 : vector<32xbf16>
        %mul3A_2130 = arith.mulf %bitcast3A_2115, %pack3A_1979 : vector<32xbf16>
        %add3A_2131 = arith.addf %add3A_2129, %mul3A_2130 : vector<32xbf16>
        %mul3A_2132 = arith.constant 6 : i32
        %mul3A_2133 = arith.muli %add3A_1875, %mul3A_2132 : i32
        %add3A_2134 = arith.constant 4 : i32
        %add3A_2135 = arith.addi %mul3A_2133, %add3A_2134 : i32
        %mul3A_2136 = arith.constant 32 : i32
        %mul3A_2137 = arith.muli %add3A_2135, %mul3A_2136 : i32
        %add3A_2138 = arith.constant 0 : i32
        %add3A_2139 = arith.addi %mul3A_2137, %add3A_2138 : i32
        %get3A_2140 = arith.index_cast %add3A_2139 : i32 to index
        %get3A_2141 = tpu.vector_load %arg8[%get3A_2140] {strides = array<i32>} : memref<9600xf32, #tpu.memory_space<vmem>>, vector<16xf32>,
        %bitcast3A_2142 = vector.bitcast %get3A_2141 : vector<16xf32> to vector<32xbf16>
        %mul3A_2143 = arith.constant 6 : i32
        %mul3A_2144 = arith.muli %add3A_1875, %mul3A_2143 : i32
        %add3A_2145 = arith.constant 4 : i32
        %add3A_2146 = arith.addi %mul3A_2144, %add3A_2145 : i32
        %mul3A_2147 = arith.constant 32 : i32
        %mul3A_2148 = arith.muli %add3A_2146, %mul3A_2147 : i32
        %add3A_2149 = arith.constant 16 : i32
        %add3A_2150 = arith.addi %mul3A_2148, %add3A_2149 : i32
        %get3A_2151 = arith.index_cast %add3A_2150 : i32 to index
        %get3A_2152 = tpu.vector_load %arg8[%get3A_2151] {strides = array<i32>} : memref<9600xf32, #tpu.memory_space<vmem>>, vector<16xf32>,
        %bitcast3A_2153 = vector.bitcast %get3A_2152 : vector<16xf32> to vector<32xbf16>
        %mul3A_2154 = arith.mulf %bitcast3A_2142, %pack3A_1888 : vector<32xbf16>
        %add3A_2155 = arith.addf %add3A_1821, %mul3A_2154 : vector<32xbf16>
        %mul3A_2156 = arith.mulf %bitcast3A_2153, %pack3A_1901 : vector<32xbf16>
        %add3A_2157 = arith.addf %add3A_2155, %mul3A_2156 : vector<32xbf16>
        %mul3A_2158 = arith.mulf %bitcast3A_2142, %pack3A_1914 : vector<32xbf16>
        %add3A_2159 = arith.addf %add3A_1825, %mul3A_2158 : vector<32xbf16>
        %mul3A_2160 = arith.mulf %bitcast3A_2153, %pack3A_1927 : vector<32xbf16>
        %add3A_2161 = arith.addf %add3A_2159, %mul3A_2160 : vector<32xbf16>
        %mul3A_2162 = arith.mulf %bitcast3A_2142, %pack3A_1940 : vector<32xbf16>
        %add3A_2163 = arith.addf %add3A_1829, %mul3A_2162 : vector<32xbf16>
        %mul3A_2164 = arith.mulf %bitcast3A_2153, %pack3A_1953 : vector<32xbf16>
        %add3A_2165 = arith.addf %add3A_2163, %mul3A_2164 : vector<32xbf16>
        %mul3A_2166 = arith.mulf %bitcast3A_2142, %pack3A_1966 : vector<32xbf16>
        %add3A_2167 = arith.addf %add3A_1833, %mul3A_2166 : vector<32xbf16>
        %mul3A_2168 = arith.mulf %bitcast3A_2153, %pack3A_1979 : vector<32xbf16>
        %add3A_2169 = arith.addf %add3A_2167, %mul3A_2168 : vector<32xbf16>
        %mul3A_2170 = arith.constant 6 : i32
        %mul3A_2171 = arith.muli %add3A_1875, %mul3A_2170 : i32
        %add3A_2172 = arith.constant 5 : i32
        %add3A_2173 = arith.addi %mul3A_2171, %add3A_2172 : i32
        %mul3A_2174 = arith.constant 32 : i32
        %mul3A_2175 = arith.muli %add3A_2173, %mul3A_2174 : i32
        %add3A_2176 = arith.constant 0 : i32
        %add3A_2177 = arith.addi %mul3A_2175, %add3A_2176 : i32
        %get3A_2178 = arith.index_cast %add3A_2177 : i32 to index
        %get3A_2179 = tpu.vector_load %arg8[%get3A_2178] {strides = array<i32>} : memref<9600xf32, #tpu.memory_space<vmem>>, vector<16xf32>,
        %bitcast3A_2180 = vector.bitcast %get3A_2179 : vector<16xf32> to vector<32xbf16>
        %mul3A_2181 = arith.constant 6 : i32
        %mul3A_2182 = arith.muli %add3A_1875, %mul3A_2181 : i32
        %add3A_2183 = arith.constant 5 : i32
        %add3A_2184 = arith.addi %mul3A_2182, %add3A_2183 : i32
        %mul3A_2185 = arith.constant 32 : i32
        %mul3A_2186 = arith.muli %add3A_2184, %mul3A_2185 : i32
        %add3A_2187 = arith.constant 16 : i32
        %add3A_2188 = arith.addi %mul3A_2186, %add3A_2187 : i32
        %get3A_2189 = arith.index_cast %add3A_2188 : i32 to index
        %get3A_2190 = tpu.vector_load %arg8[%get3A_2189] {strides = array<i32>} : memref<9600xf32, #tpu.memory_space<vmem>>, vector<16xf32>,
        %bitcast3A_2191 = vector.bitcast %get3A_2190 : vector<16xf32> to vector<32xbf16>
        %mul3A_2192 = arith.mulf %bitcast3A_2180, %pack3A_1888 : vector<32xbf16>
        %add3A_2193 = arith.addf %add3A_1859, %mul3A_2192 : vector<32xbf16>
        %mul3A_2194 = arith.mulf %bitcast3A_2191, %pack3A_1901 : vector<32xbf16>
        %add3A_2195 = arith.addf %add3A_2193, %mul3A_2194 : vector<32xbf16>
        %mul3A_2196 = arith.mulf %bitcast3A_2180, %pack3A_1914 : vector<32xbf16>
        %add3A_2197 = arith.addf %add3A_1863, %mul3A_2196 : vector<32xbf16>
        %mul3A_2198 = arith.mulf %bitcast3A_2191, %pack3A_1927 : vector<32xbf16>
        %add3A_2199 = arith.addf %add3A_2197, %mul3A_2198 : vector<32xbf16>
        %mul3A_2200 = arith.mulf %bitcast3A_2180, %pack3A_1940 : vector<32xbf16>
        %add3A_2201 = arith.addf %add3A_1867, %mul3A_2200 : vector<32xbf16>
        %mul3A_2202 = arith.mulf %bitcast3A_2191, %pack3A_1953 : vector<32xbf16>
        %add3A_2203 = arith.addf %add3A_2201, %mul3A_2202 : vector<32xbf16>
        %mul3A_2204 = arith.mulf %bitcast3A_2180, %pack3A_1966 : vector<32xbf16>
        %add3A_2205 = arith.addf %add3A_1871, %mul3A_2204 : vector<32xbf16>
        %mul3A_2206 = arith.mulf %bitcast3A_2191, %pack3A_1979 : vector<32xbf16>
        %add3A_2207 = arith.addf %add3A_2205, %mul3A_2206 : vector<32xbf16>
        %mul3A_2208 = arith.constant 10 : i32
        %mul3A_2209 = arith.muli %scan3A_457, %mul3A_2208 : i32
        %add3A_2210 = arith.constant 5 : i32
        %add3A_2211 = arith.addi %mul3A_2209, %add3A_2210 : i32
        %add3A_2212 = arith.constant 0 : i32
        %add3A_2213 = arith.addi %mul3A_154, %add3A_2212 : i32
        %get3A_2214 = arith.index_cast %add3A_2213 : i32 to index
        %get3A_2215 = arith.index_cast %add3A_2211 : i32 to index
        %get3A_2216 = arith.constant 0 : index
        %get3A_2217 = tpu.vector_load %arg9[%get3A_2214, %get3A_2215, %get3A_2216] {strides = array<i32>} : memref<8x50x64xf32, #tpu.memory_space<vmem>>, vector<16xf32>,
        %add3A_2218 = arith.constant 0 : i32
        %add3A_2219 = arith.addi %mul3A_154, %add3A_2218 : i32
        %get3A_2220 = arith.index_cast %add3A_2219 : i32 to index
        %get3A_2221 = arith.index_cast %add3A_2211 : i32 to index
        %get3A_2222 = arith.constant 16 : index
        %get3A_2223 = tpu.vector_load %arg9[%get3A_2220, %get3A_2221, %get3A_2222] {strides = array<i32>} : memref<8x50x64xf32, #tpu.memory_space<vmem>>, vector<16xf32>,
        %pack3A_2224 = tpu.pack_subelements %get3A_2217, %get3A_2223 {pack_format = #tpu.pack_format<interleaved>, positions = array<i32: 0, 1>} : vector<16xf32>, vector<16xf32> -> vector<32xbf16>
        %add3A_2225 = arith.constant 0 : i32
        %add3A_2226 = arith.addi %mul3A_154, %add3A_2225 : i32
        %get3A_2227 = arith.index_cast %add3A_2226 : i32 to index
        %get3A_2228 = arith.index_cast %add3A_2211 : i32 to index
        %get3A_2229 = arith.constant 32 : index
        %get3A_2230 = tpu.vector_load %arg9[%get3A_2227, %get3A_2228, %get3A_2229] {strides = array<i32>} : memref<8x50x64xf32, #tpu.memory_space<vmem>>, vector<16xf32>,
        %add3A_2231 = arith.constant 0 : i32
        %add3A_2232 = arith.addi %mul3A_154, %add3A_2231 : i32
        %get3A_2233 = arith.index_cast %add3A_2232 : i32 to index
        %get3A_2234 = arith.index_cast %add3A_2211 : i32 to index
        %get3A_2235 = arith.constant 48 : index
        %get3A_2236 = tpu.vector_load %arg9[%get3A_2233, %get3A_2234, %get3A_2235] {strides = array<i32>} : memref<8x50x64xf32, #tpu.memory_space<vmem>>, vector<16xf32>,
        %pack3A_2237 = tpu.pack_subelements %get3A_2230, %get3A_2236 {pack_format = #tpu.pack_format<interleaved>, positions = array<i32: 0, 1>} : vector<16xf32>, vector<16xf32> -> vector<32xbf16>
        %add3A_2238 = arith.constant 1 : i32
        %add3A_2239 = arith.addi %mul3A_154, %add3A_2238 : i32
        %get3A_2240 = arith.index_cast %add3A_2239 : i32 to index
        %get3A_2241 = arith.index_cast %add3A_2211 : i32 to index
        %get3A_2242 = arith.constant 0 : index
        %get3A_2243 = tpu.vector_load %arg9[%get3A_2240, %get3A_2241, %get3A_2242] {strides = array<i32>} : memref<8x50x64xf32, #tpu.memory_space<vmem>>, vector<16xf32>,
        %add3A_2244 = arith.constant 1 : i32
        %add3A_2245 = arith.addi %mul3A_154, %add3A_2244 : i32
        %get3A_2246 = arith.index_cast %add3A_2245 : i32 to index
        %get3A_2247 = arith.index_cast %add3A_2211 : i32 to index
        %get3A_2248 = arith.constant 16 : index
        %get3A_2249 = tpu.vector_load %arg9[%get3A_2246, %get3A_2247, %get3A_2248] {strides = array<i32>} : memref<8x50x64xf32, #tpu.memory_space<vmem>>, vector<16xf32>,
        %pack3A_2250 = tpu.pack_subelements %get3A_2243, %get3A_2249 {pack_format = #tpu.pack_format<interleaved>, positions = array<i32: 0, 1>} : vector<16xf32>, vector<16xf32> -> vector<32xbf16>
        %add3A_2251 = arith.constant 1 : i32
        %add3A_2252 = arith.addi %mul3A_154, %add3A_2251 : i32
        %get3A_2253 = arith.index_cast %add3A_2252 : i32 to index
        %get3A_2254 = arith.index_cast %add3A_2211 : i32 to index
        %get3A_2255 = arith.constant 32 : index
        %get3A_2256 = tpu.vector_load %arg9[%get3A_2253, %get3A_2254, %get3A_2255] {strides = array<i32>} : memref<8x50x64xf32, #tpu.memory_space<vmem>>, vector<16xf32>,
        %add3A_2257 = arith.constant 1 : i32
        %add3A_2258 = arith.addi %mul3A_154, %add3A_2257 : i32
        %get3A_2259 = arith.index_cast %add3A_2258 : i32 to index
        %get3A_2260 = arith.index_cast %add3A_2211 : i32 to index
        %get3A_2261 = arith.constant 48 : index
        %get3A_2262 = tpu.vector_load %arg9[%get3A_2259, %get3A_2260, %get3A_2261] {strides = array<i32>} : memref<8x50x64xf32, #tpu.memory_space<vmem>>, vector<16xf32>,
        %pack3A_2263 = tpu.pack_subelements %get3A_2256, %get3A_2262 {pack_format = #tpu.pack_format<interleaved>, positions = array<i32: 0, 1>} : vector<16xf32>, vector<16xf32> -> vector<32xbf16>
        %add3A_2264 = arith.constant 2 : i32
        %add3A_2265 = arith.addi %mul3A_154, %add3A_2264 : i32
        %get3A_2266 = arith.index_cast %add3A_2265 : i32 to index
        %get3A_2267 = arith.index_cast %add3A_2211 : i32 to index
        %get3A_2268 = arith.constant 0 : index
        %get3A_2269 = tpu.vector_load %arg9[%get3A_2266, %get3A_2267, %get3A_2268] {strides = array<i32>} : memref<8x50x64xf32, #tpu.memory_space<vmem>>, vector<16xf32>,
        %add3A_2270 = arith.constant 2 : i32
        %add3A_2271 = arith.addi %mul3A_154, %add3A_2270 : i32
        %get3A_2272 = arith.index_cast %add3A_2271 : i32 to index
        %get3A_2273 = arith.index_cast %add3A_2211 : i32 to index
        %get3A_2274 = arith.constant 16 : index
        %get3A_2275 = tpu.vector_load %arg9[%get3A_2272, %get3A_2273, %get3A_2274] {strides = array<i32>} : memref<8x50x64xf32, #tpu.memory_space<vmem>>, vector<16xf32>,
        %pack3A_2276 = tpu.pack_subelements %get3A_2269, %get3A_2275 {pack_format = #tpu.pack_format<interleaved>, positions = array<i32: 0, 1>} : vector<16xf32>, vector<16xf32> -> vector<32xbf16>
        %add3A_2277 = arith.constant 2 : i32
        %add3A_2278 = arith.addi %mul3A_154, %add3A_2277 : i32
        %get3A_2279 = arith.index_cast %add3A_2278 : i32 to index
        %get3A_2280 = arith.index_cast %add3A_2211 : i32 to index
        %get3A_2281 = arith.constant 32 : index
        %get3A_2282 = tpu.vector_load %arg9[%get3A_2279, %get3A_2280, %get3A_2281] {strides = array<i32>} : memref<8x50x64xf32, #tpu.memory_space<vmem>>, vector<16xf32>,
        %add3A_2283 = arith.constant 2 : i32
        %add3A_2284 = arith.addi %mul3A_154, %add3A_2283 : i32
        %get3A_2285 = arith.index_cast %add3A_2284 : i32 to index
        %get3A_2286 = arith.index_cast %add3A_2211 : i32 to index
        %get3A_2287 = arith.constant 48 : index
        %get3A_2288 = tpu.vector_load %arg9[%get3A_2285, %get3A_2286, %get3A_2287] {strides = array<i32>} : memref<8x50x64xf32, #tpu.memory_space<vmem>>, vector<16xf32>,
        %pack3A_2289 = tpu.pack_subelements %get3A_2282, %get3A_2288 {pack_format = #tpu.pack_format<interleaved>, positions = array<i32: 0, 1>} : vector<16xf32>, vector<16xf32> -> vector<32xbf16>
        %add3A_2290 = arith.constant 3 : i32
        %add3A_2291 = arith.addi %mul3A_154, %add3A_2290 : i32
        %get3A_2292 = arith.index_cast %add3A_2291 : i32 to index
        %get3A_2293 = arith.index_cast %add3A_2211 : i32 to index
        %get3A_2294 = arith.constant 0 : index
        %get3A_2295 = tpu.vector_load %arg9[%get3A_2292, %get3A_2293, %get3A_2294] {strides = array<i32>} : memref<8x50x64xf32, #tpu.memory_space<vmem>>, vector<16xf32>,
        %add3A_2296 = arith.constant 3 : i32
        %add3A_2297 = arith.addi %mul3A_154, %add3A_2296 : i32
        %get3A_2298 = arith.index_cast %add3A_2297 : i32 to index
        %get3A_2299 = arith.index_cast %add3A_2211 : i32 to index
        %get3A_2300 = arith.constant 16 : index
        %get3A_2301 = tpu.vector_load %arg9[%get3A_2298, %get3A_2299, %get3A_2300] {strides = array<i32>} : memref<8x50x64xf32, #tpu.memory_space<vmem>>, vector<16xf32>,
        %pack3A_2302 = tpu.pack_subelements %get3A_2295, %get3A_2301 {pack_format = #tpu.pack_format<interleaved>, positions = array<i32: 0, 1>} : vector<16xf32>, vector<16xf32> -> vector<32xbf16>
        %add3A_2303 = arith.constant 3 : i32
        %add3A_2304 = arith.addi %mul3A_154, %add3A_2303 : i32
        %get3A_2305 = arith.index_cast %add3A_2304 : i32 to index
        %get3A_2306 = arith.index_cast %add3A_2211 : i32 to index
        %get3A_2307 = arith.constant 32 : index
        %get3A_2308 = tpu.vector_load %arg9[%get3A_2305, %get3A_2306, %get3A_2307] {strides = array<i32>} : memref<8x50x64xf32, #tpu.memory_space<vmem>>, vector<16xf32>,
        %add3A_2309 = arith.constant 3 : i32
        %add3A_2310 = arith.addi %mul3A_154, %add3A_2309 : i32
        %get3A_2311 = arith.index_cast %add3A_2310 : i32 to index
        %get3A_2312 = arith.index_cast %add3A_2211 : i32 to index
        %get3A_2313 = arith.constant 48 : index
        %get3A_2314 = tpu.vector_load %arg9[%get3A_2311, %get3A_2312, %get3A_2313] {strides = array<i32>} : memref<8x50x64xf32, #tpu.memory_space<vmem>>, vector<16xf32>,
        %pack3A_2315 = tpu.pack_subelements %get3A_2308, %get3A_2314 {pack_format = #tpu.pack_format<interleaved>, positions = array<i32: 0, 1>} : vector<16xf32>, vector<16xf32> -> vector<32xbf16>
        %mul3A_2316 = arith.constant 6 : i32
        %mul3A_2317 = arith.muli %add3A_2211, %mul3A_2316 : i32
        %add3A_2318 = arith.constant 0 : i32
        %add3A_2319 = arith.addi %mul3A_2317, %add3A_2318 : i32
        %mul3A_2320 = arith.constant 32 : i32
        %mul3A_2321 = arith.muli %add3A_2319, %mul3A_2320 : i32
        %add3A_2322 = arith.constant 0 : i32
        %add3A_2323 = arith.addi %mul3A_2321, %add3A_2322 : i32
        %get3A_2324 = arith.index_cast %add3A_2323 : i32 to index
        %get3A_2325 = tpu.vector_load %arg8[%get3A_2324] {strides = array<i32>} : memref<9600xf32, #tpu.memory_space<vmem>>, vector<16xf32>,
        %bitcast3A_2326 = vector.bitcast %get3A_2325 : vector<16xf32> to vector<32xbf16>
        %mul3A_2327 = arith.constant 6 : i32
        %mul3A_2328 = arith.muli %add3A_2211, %mul3A_2327 : i32
        %add3A_2329 = arith.constant 0 : i32
        %add3A_2330 = arith.addi %mul3A_2328, %add3A_2329 : i32
        %mul3A_2331 = arith.constant 32 : i32
        %mul3A_2332 = arith.muli %add3A_2330, %mul3A_2331 : i32
        %add3A_2333 = arith.constant 16 : i32
        %add3A_2334 = arith.addi %mul3A_2332, %add3A_2333 : i32
        %get3A_2335 = arith.index_cast %add3A_2334 : i32 to index
        %get3A_2336 = tpu.vector_load %arg8[%get3A_2335] {strides = array<i32>} : memref<9600xf32, #tpu.memory_space<vmem>>, vector<16xf32>,
        %bitcast3A_2337 = vector.bitcast %get3A_2336 : vector<16xf32> to vector<32xbf16>
        %mul3A_2338 = arith.mulf %bitcast3A_2326, %pack3A_2224 : vector<32xbf16>
        %add3A_2339 = arith.addf %add3A_2005, %mul3A_2338 : vector<32xbf16>
        %mul3A_2340 = arith.mulf %bitcast3A_2337, %pack3A_2237 : vector<32xbf16>
        %add3A_2341 = arith.addf %add3A_2339, %mul3A_2340 : vector<32xbf16>
        %mul3A_2342 = arith.mulf %bitcast3A_2326, %pack3A_2250 : vector<32xbf16>
        %add3A_2343 = arith.addf %add3A_2009, %mul3A_2342 : vector<32xbf16>
        %mul3A_2344 = arith.mulf %bitcast3A_2337, %pack3A_2263 : vector<32xbf16>
        %add3A_2345 = arith.addf %add3A_2343, %mul3A_2344 : vector<32xbf16>
        %mul3A_2346 = arith.mulf %bitcast3A_2326, %pack3A_2276 : vector<32xbf16>
        %add3A_2347 = arith.addf %add3A_2013, %mul3A_2346 : vector<32xbf16>
        %mul3A_2348 = arith.mulf %bitcast3A_2337, %pack3A_2289 : vector<32xbf16>
        %add3A_2349 = arith.addf %add3A_2347, %mul3A_2348 : vector<32xbf16>
        %mul3A_2350 = arith.mulf %bitcast3A_2326, %pack3A_2302 : vector<32xbf16>
        %add3A_2351 = arith.addf %add3A_2017, %mul3A_2350 : vector<32xbf16>
        %mul3A_2352 = arith.mulf %bitcast3A_2337, %pack3A_2315 : vector<32xbf16>
        %add3A_2353 = arith.addf %add3A_2351, %mul3A_2352 : vector<32xbf16>
        %mul3A_2354 = arith.constant 6 : i32
        %mul3A_2355 = arith.muli %add3A_2211, %mul3A_2354 : i32
        %add3A_2356 = arith.constant 1 : i32
        %add3A_2357 = arith.addi %mul3A_2355, %add3A_2356 : i32
        %mul3A_2358 = arith.constant 32 : i32
        %mul3A_2359 = arith.muli %add3A_2357, %mul3A_2358 : i32
        %add3A_2360 = arith.constant 0 : i32
        %add3A_2361 = arith.addi %mul3A_2359, %add3A_2360 : i32
        %get3A_2362 = arith.index_cast %add3A_2361 : i32 to index
        %get3A_2363 = tpu.vector_load %arg8[%get3A_2362] {strides = array<i32>} : memref<9600xf32, #tpu.memory_space<vmem>>, vector<16xf32>,
        %bitcast3A_2364 = vector.bitcast %get3A_2363 : vector<16xf32> to vector<32xbf16>
        %mul3A_2365 = arith.constant 6 : i32
        %mul3A_2366 = arith.muli %add3A_2211, %mul3A_2365 : i32
        %add3A_2367 = arith.constant 1 : i32
        %add3A_2368 = arith.addi %mul3A_2366, %add3A_2367 : i32
        %mul3A_2369 = arith.constant 32 : i32
        %mul3A_2370 = arith.muli %add3A_2368, %mul3A_2369 : i32
        %add3A_2371 = arith.constant 16 : i32
        %add3A_2372 = arith.addi %mul3A_2370, %add3A_2371 : i32
        %get3A_2373 = arith.index_cast %add3A_2372 : i32 to index
        %get3A_2374 = tpu.vector_load %arg8[%get3A_2373] {strides = array<i32>} : memref<9600xf32, #tpu.memory_space<vmem>>, vector<16xf32>,
        %bitcast3A_2375 = vector.bitcast %get3A_2374 : vector<16xf32> to vector<32xbf16>
        %mul3A_2376 = arith.mulf %bitcast3A_2364, %pack3A_2224 : vector<32xbf16>
        %add3A_2377 = arith.addf %add3A_2043, %mul3A_2376 : vector<32xbf16>
        %mul3A_2378 = arith.mulf %bitcast3A_2375, %pack3A_2237 : vector<32xbf16>
        %add3A_2379 = arith.addf %add3A_2377, %mul3A_2378 : vector<32xbf16>
        %mul3A_2380 = arith.mulf %bitcast3A_2364, %pack3A_2250 : vector<32xbf16>
        %add3A_2381 = arith.addf %add3A_2047, %mul3A_2380 : vector<32xbf16>
        %mul3A_2382 = arith.mulf %bitcast3A_2375, %pack3A_2263 : vector<32xbf16>
        %add3A_2383 = arith.addf %add3A_2381, %mul3A_2382 : vector<32xbf16>
        %mul3A_2384 = arith.mulf %bitcast3A_2364, %pack3A_2276 : vector<32xbf16>
        %add3A_2385 = arith.addf %add3A_2051, %mul3A_2384 : vector<32xbf16>
        %mul3A_2386 = arith.mulf %bitcast3A_2375, %pack3A_2289 : vector<32xbf16>
        %add3A_2387 = arith.addf %add3A_2385, %mul3A_2386 : vector<32xbf16>
        %mul3A_2388 = arith.mulf %bitcast3A_2364, %pack3A_2302 : vector<32xbf16>
        %add3A_2389 = arith.addf %add3A_2055, %mul3A_2388 : vector<32xbf16>
        %mul3A_2390 = arith.mulf %bitcast3A_2375, %pack3A_2315 : vector<32xbf16>
        %add3A_2391 = arith.addf %add3A_2389, %mul3A_2390 : vector<32xbf16>
        %mul3A_2392 = arith.constant 6 : i32
        %mul3A_2393 = arith.muli %add3A_2211, %mul3A_2392 : i32
        %add3A_2394 = arith.constant 2 : i32
        %add3A_2395 = arith.addi %mul3A_2393, %add3A_2394 : i32
        %mul3A_2396 = arith.constant 32 : i32
        %mul3A_2397 = arith.muli %add3A_2395, %mul3A_2396 : i32
        %add3A_2398 = arith.constant 0 : i32
        %add3A_2399 = arith.addi %mul3A_2397, %add3A_2398 : i32
        %get3A_2400 = arith.index_cast %add3A_2399 : i32 to index
        %get3A_2401 = tpu.vector_load %arg8[%get3A_2400] {strides = array<i32>} : memref<9600xf32, #tpu.memory_space<vmem>>, vector<16xf32>,
        %bitcast3A_2402 = vector.bitcast %get3A_2401 : vector<16xf32> to vector<32xbf16>
        %mul3A_2403 = arith.constant 6 : i32
        %mul3A_2404 = arith.muli %add3A_2211, %mul3A_2403 : i32
        %add3A_2405 = arith.constant 2 : i32
        %add3A_2406 = arith.addi %mul3A_2404, %add3A_2405 : i32
        %mul3A_2407 = arith.constant 32 : i32
        %mul3A_2408 = arith.muli %add3A_2406, %mul3A_2407 : i32
        %add3A_2409 = arith.constant 16 : i32
        %add3A_2410 = arith.addi %mul3A_2408, %add3A_2409 : i32
        %get3A_2411 = arith.index_cast %add3A_2410 : i32 to index
        %get3A_2412 = tpu.vector_load %arg8[%get3A_2411] {strides = array<i32>} : memref<9600xf32, #tpu.memory_space<vmem>>, vector<16xf32>,
        %bitcast3A_2413 = vector.bitcast %get3A_2412 : vector<16xf32> to vector<32xbf16>
        %mul3A_2414 = arith.mulf %bitcast3A_2402, %pack3A_2224 : vector<32xbf16>
        %add3A_2415 = arith.addf %add3A_2081, %mul3A_2414 : vector<32xbf16>
        %mul3A_2416 = arith.mulf %bitcast3A_2413, %pack3A_2237 : vector<32xbf16>
        %add3A_2417 = arith.addf %add3A_2415, %mul3A_2416 : vector<32xbf16>
        %mul3A_2418 = arith.mulf %bitcast3A_2402, %pack3A_2250 : vector<32xbf16>
        %add3A_2419 = arith.addf %add3A_2085, %mul3A_2418 : vector<32xbf16>
        %mul3A_2420 = arith.mulf %bitcast3A_2413, %pack3A_2263 : vector<32xbf16>
        %add3A_2421 = arith.addf %add3A_2419, %mul3A_2420 : vector<32xbf16>
        %mul3A_2422 = arith.mulf %bitcast3A_2402, %pack3A_2276 : vector<32xbf16>
        %add3A_2423 = arith.addf %add3A_2089, %mul3A_2422 : vector<32xbf16>
        %mul3A_2424 = arith.mulf %bitcast3A_2413, %pack3A_2289 : vector<32xbf16>
        %add3A_2425 = arith.addf %add3A_2423, %mul3A_2424 : vector<32xbf16>
        %mul3A_2426 = arith.mulf %bitcast3A_2402, %pack3A_2302 : vector<32xbf16>
        %add3A_2427 = arith.addf %add3A_2093, %mul3A_2426 : vector<32xbf16>
        %mul3A_2428 = arith.mulf %bitcast3A_2413, %pack3A_2315 : vector<32xbf16>
        %add3A_2429 = arith.addf %add3A_2427, %mul3A_2428 : vector<32xbf16>
        %mul3A_2430 = arith.constant 6 : i32
        %mul3A_2431 = arith.muli %add3A_2211, %mul3A_2430 : i32
        %add3A_2432 = arith.constant 3 : i32
        %add3A_2433 = arith.addi %mul3A_2431, %add3A_2432 : i32
        %mul3A_2434 = arith.constant 32 : i32
        %mul3A_2435 = arith.muli %add3A_2433, %mul3A_2434 : i32
        %add3A_2436 = arith.constant 0 : i32
        %add3A_2437 = arith.addi %mul3A_2435, %add3A_2436 : i32
        %get3A_2438 = arith.index_cast %add3A_2437 : i32 to index
        %get3A_2439 = tpu.vector_load %arg8[%get3A_2438] {strides = array<i32>} : memref<9600xf32, #tpu.memory_space<vmem>>, vector<16xf32>,
        %bitcast3A_2440 = vector.bitcast %get3A_2439 : vector<16xf32> to vector<32xbf16>
        %mul3A_2441 = arith.constant 6 : i32
        %mul3A_2442 = arith.muli %add3A_2211, %mul3A_2441 : i32
        %add3A_2443 = arith.constant 3 : i32
        %add3A_2444 = arith.addi %mul3A_2442, %add3A_2443 : i32
        %mul3A_2445 = arith.constant 32 : i32
        %mul3A_2446 = arith.muli %add3A_2444, %mul3A_2445 : i32
        %add3A_2447 = arith.constant 16 : i32
        %add3A_2448 = arith.addi %mul3A_2446, %add3A_2447 : i32
        %get3A_2449 = arith.index_cast %add3A_2448 : i32 to index
        %get3A_2450 = tpu.vector_load %arg8[%get3A_2449] {strides = array<i32>} : memref<9600xf32, #tpu.memory_space<vmem>>, vector<16xf32>,
        %bitcast3A_2451 = vector.bitcast %get3A_2450 : vector<16xf32> to vector<32xbf16>
        %mul3A_2452 = arith.mulf %bitcast3A_2440, %pack3A_2224 : vector<32xbf16>
        %add3A_2453 = arith.addf %add3A_2119, %mul3A_2452 : vector<32xbf16>
        %mul3A_2454 = arith.mulf %bitcast3A_2451, %pack3A_2237 : vector<32xbf16>
        %add3A_2455 = arith.addf %add3A_2453, %mul3A_2454 : vector<32xbf16>
        %mul3A_2456 = arith.mulf %bitcast3A_2440, %pack3A_2250 : vector<32xbf16>
        %add3A_2457 = arith.addf %add3A_2123, %mul3A_2456 : vector<32xbf16>
        %mul3A_2458 = arith.mulf %bitcast3A_2451, %pack3A_2263 : vector<32xbf16>
        %add3A_2459 = arith.addf %add3A_2457, %mul3A_2458 : vector<32xbf16>
        %mul3A_2460 = arith.mulf %bitcast3A_2440, %pack3A_2276 : vector<32xbf16>
        %add3A_2461 = arith.addf %add3A_2127, %mul3A_2460 : vector<32xbf16>
        %mul3A_2462 = arith.mulf %bitcast3A_2451, %pack3A_2289 : vector<32xbf16>
        %add3A_2463 = arith.addf %add3A_2461, %mul3A_2462 : vector<32xbf16>
        %mul3A_2464 = arith.mulf %bitcast3A_2440, %pack3A_2302 : vector<32xbf16>
        %add3A_2465 = arith.addf %add3A_2131, %mul3A_2464 : vector<32xbf16>
        %mul3A_2466 = arith.mulf %bitcast3A_2451, %pack3A_2315 : vector<32xbf16>
        %add3A_2467 = arith.addf %add3A_2465, %mul3A_2466 : vector<32xbf16>
        %mul3A_2468 = arith.constant 6 : i32
        %mul3A_2469 = arith.muli %add3A_2211, %mul3A_2468 : i32
        %add3A_2470 = arith.constant 4 : i32
        %add3A_2471 = arith.addi %mul3A_2469, %add3A_2470 : i32
        %mul3A_2472 = arith.constant 32 : i32
        %mul3A_2473 = arith.muli %add3A_2471, %mul3A_2472 : i32
        %add3A_2474 = arith.constant 0 : i32
        %add3A_2475 = arith.addi %mul3A_2473, %add3A_2474 : i32
        %get3A_2476 = arith.index_cast %add3A_2475 : i32 to index
        %get3A_2477 = tpu.vector_load %arg8[%get3A_2476] {strides = array<i32>} : memref<9600xf32, #tpu.memory_space<vmem>>, vector<16xf32>,
        %bitcast3A_2478 = vector.bitcast %get3A_2477 : vector<16xf32> to vector<32xbf16>
        %mul3A_2479 = arith.constant 6 : i32
        %mul3A_2480 = arith.muli %add3A_2211, %mul3A_2479 : i32
        %add3A_2481 = arith.constant 4 : i32
        %add3A_2482 = arith.addi %mul3A_2480, %add3A_2481 : i32
        %mul3A_2483 = arith.constant 32 : i32
        %mul3A_2484 = arith.muli %add3A_2482, %mul3A_2483 : i32
        %add3A_2485 = arith.constant 16 : i32
        %add3A_2486 = arith.addi %mul3A_2484, %add3A_2485 : i32
        %get3A_2487 = arith.index_cast %add3A_2486 : i32 to index
        %get3A_2488 = tpu.vector_load %arg8[%get3A_2487] {strides = array<i32>} : memref<9600xf32, #tpu.memory_space<vmem>>, vector<16xf32>,
        %bitcast3A_2489 = vector.bitcast %get3A_2488 : vector<16xf32> to vector<32xbf16>
        %mul3A_2490 = arith.mulf %bitcast3A_2478, %pack3A_2224 : vector<32xbf16>
        %add3A_2491 = arith.addf %add3A_2157, %mul3A_2490 : vector<32xbf16>
        %mul3A_2492 = arith.mulf %bitcast3A_2489, %pack3A_2237 : vector<32xbf16>
        %add3A_2493 = arith.addf %add3A_2491, %mul3A_2492 : vector<32xbf16>
        %mul3A_2494 = arith.mulf %bitcast3A_2478, %pack3A_2250 : vector<32xbf16>
        %add3A_2495 = arith.addf %add3A_2161, %mul3A_2494 : vector<32xbf16>
        %mul3A_2496 = arith.mulf %bitcast3A_2489, %pack3A_2263 : vector<32xbf16>
        %add3A_2497 = arith.addf %add3A_2495, %mul3A_2496 : vector<32xbf16>
        %mul3A_2498 = arith.mulf %bitcast3A_2478, %pack3A_2276 : vector<32xbf16>
        %add3A_2499 = arith.addf %add3A_2165, %mul3A_2498 : vector<32xbf16>
        %mul3A_2500 = arith.mulf %bitcast3A_2489, %pack3A_2289 : vector<32xbf16>
        %add3A_2501 = arith.addf %add3A_2499, %mul3A_2500 : vector<32xbf16>
        %mul3A_2502 = arith.mulf %bitcast3A_2478, %pack3A_2302 : vector<32xbf16>
        %add3A_2503 = arith.addf %add3A_2169, %mul3A_2502 : vector<32xbf16>
        %mul3A_2504 = arith.mulf %bitcast3A_2489, %pack3A_2315 : vector<32xbf16>
        %add3A_2505 = arith.addf %add3A_2503, %mul3A_2504 : vector<32xbf16>
        %mul3A_2506 = arith.constant 6 : i32
        %mul3A_2507 = arith.muli %add3A_2211, %mul3A_2506 : i32
        %add3A_2508 = arith.constant 5 : i32
        %add3A_2509 = arith.addi %mul3A_2507, %add3A_2508 : i32
        %mul3A_2510 = arith.constant 32 : i32
        %mul3A_2511 = arith.muli %add3A_2509, %mul3A_2510 : i32
        %add3A_2512 = arith.constant 0 : i32
        %add3A_2513 = arith.addi %mul3A_2511, %add3A_2512 : i32
        %get3A_2514 = arith.index_cast %add3A_2513 : i32 to index
        %get3A_2515 = tpu.vector_load %arg8[%get3A_2514] {strides = array<i32>} : memref<9600xf32, #tpu.memory_space<vmem>>, vector<16xf32>,
        %bitcast3A_2516 = vector.bitcast %get3A_2515 : vector<16xf32> to vector<32xbf16>
        %mul3A_2517 = arith.constant 6 : i32
        %mul3A_2518 = arith.muli %add3A_2211, %mul3A_2517 : i32
        %add3A_2519 = arith.constant 5 : i32
        %add3A_2520 = arith.addi %mul3A_2518, %add3A_2519 : i32
        %mul3A_2521 = arith.constant 32 : i32
        %mul3A_2522 = arith.muli %add3A_2520, %mul3A_2521 : i32
        %add3A_2523 = arith.constant 16 : i32
        %add3A_2524 = arith.addi %mul3A_2522, %add3A_2523 : i32
        %get3A_2525 = arith.index_cast %add3A_2524 : i32 to index
        %get3A_2526 = tpu.vector_load %arg8[%get3A_2525] {strides = array<i32>} : memref<9600xf32, #tpu.memory_space<vmem>>, vector<16xf32>,
        %bitcast3A_2527 = vector.bitcast %get3A_2526 : vector<16xf32> to vector<32xbf16>
        %mul3A_2528 = arith.mulf %bitcast3A_2516, %pack3A_2224 : vector<32xbf16>
        %add3A_2529 = arith.addf %add3A_2195, %mul3A_2528 : vector<32xbf16>
        %mul3A_2530 = arith.mulf %bitcast3A_2527, %pack3A_2237 : vector<32xbf16>
        %add3A_2531 = arith.addf %add3A_2529, %mul3A_2530 : vector<32xbf16>
        %mul3A_2532 = arith.mulf %bitcast3A_2516, %pack3A_2250 : vector<32xbf16>
        %add3A_2533 = arith.addf %add3A_2199, %mul3A_2532 : vector<32xbf16>
        %mul3A_2534 = arith.mulf %bitcast3A_2527, %pack3A_2263 : vector<32xbf16>
        %add3A_2535 = arith.addf %add3A_2533, %mul3A_2534 : vector<32xbf16>
        %mul3A_2536 = arith.mulf %bitcast3A_2516, %pack3A_2276 : vector<32xbf16>
        %add3A_2537 = arith.addf %add3A_2203, %mul3A_2536 : vector<32xbf16>
        %mul3A_2538 = arith.mulf %bitcast3A_2527, %pack3A_2289 : vector<32xbf16>
        %add3A_2539 = arith.addf %add3A_2537, %mul3A_2538 : vector<32xbf16>
        %mul3A_2540 = arith.mulf %bitcast3A_2516, %pack3A_2302 : vector<32xbf16>
        %add3A_2541 = arith.addf %add3A_2207, %mul3A_2540 : vector<32xbf16>
        %mul3A_2542 = arith.mulf %bitcast3A_2527, %pack3A_2315 : vector<32xbf16>
        %add3A_2543 = arith.addf %add3A_2541, %mul3A_2542 : vector<32xbf16>
        %mul3A_2544 = arith.constant 10 : i32
        %mul3A_2545 = arith.muli %scan3A_457, %mul3A_2544 : i32
        %add3A_2546 = arith.constant 6 : i32
        %add3A_2547 = arith.addi %mul3A_2545, %add3A_2546 : i32
        %add3A_2548 = arith.constant 0 : i32
        %add3A_2549 = arith.addi %mul3A_154, %add3A_2548 : i32
        %get3A_2550 = arith.index_cast %add3A_2549 : i32 to index
        %get3A_2551 = arith.index_cast %add3A_2547 : i32 to index
        %get3A_2552 = arith.constant 0 : index
        %get3A_2553 = tpu.vector_load %arg9[%get3A_2550, %get3A_2551, %get3A_2552] {strides = array<i32>} : memref<8x50x64xf32, #tpu.memory_space<vmem>>, vector<16xf32>,
        %add3A_2554 = arith.constant 0 : i32
        %add3A_2555 = arith.addi %mul3A_154, %add3A_2554 : i32
        %get3A_2556 = arith.index_cast %add3A_2555 : i32 to index
        %get3A_2557 = arith.index_cast %add3A_2547 : i32 to index
        %get3A_2558 = arith.constant 16 : index
        %get3A_2559 = tpu.vector_load %arg9[%get3A_2556, %get3A_2557, %get3A_2558] {strides = array<i32>} : memref<8x50x64xf32, #tpu.memory_space<vmem>>, vector<16xf32>,
        %pack3A_2560 = tpu.pack_subelements %get3A_2553, %get3A_2559 {pack_format = #tpu.pack_format<interleaved>, positions = array<i32: 0, 1>} : vector<16xf32>, vector<16xf32> -> vector<32xbf16>
        %add3A_2561 = arith.constant 0 : i32
        %add3A_2562 = arith.addi %mul3A_154, %add3A_2561 : i32
        %get3A_2563 = arith.index_cast %add3A_2562 : i32 to index
        %get3A_2564 = arith.index_cast %add3A_2547 : i32 to index
        %get3A_2565 = arith.constant 32 : index
        %get3A_2566 = tpu.vector_load %arg9[%get3A_2563, %get3A_2564, %get3A_2565] {strides = array<i32>} : memref<8x50x64xf32, #tpu.memory_space<vmem>>, vector<16xf32>,
        %add3A_2567 = arith.constant 0 : i32
        %add3A_2568 = arith.addi %mul3A_154, %add3A_2567 : i32
        %get3A_2569 = arith.index_cast %add3A_2568 : i32 to index
        %get3A_2570 = arith.index_cast %add3A_2547 : i32 to index
        %get3A_2571 = arith.constant 48 : index
        %get3A_2572 = tpu.vector_load %arg9[%get3A_2569, %get3A_2570, %get3A_2571] {strides = array<i32>} : memref<8x50x64xf32, #tpu.memory_space<vmem>>, vector<16xf32>,
        %pack3A_2573 = tpu.pack_subelements %get3A_2566, %get3A_2572 {pack_format = #tpu.pack_format<interleaved>, positions = array<i32: 0, 1>} : vector<16xf32>, vector<16xf32> -> vector<32xbf16>
        %add3A_2574 = arith.constant 1 : i32
        %add3A_2575 = arith.addi %mul3A_154, %add3A_2574 : i32
        %get3A_2576 = arith.index_cast %add3A_2575 : i32 to index
        %get3A_2577 = arith.index_cast %add3A_2547 : i32 to index
        %get3A_2578 = arith.constant 0 : index
        %get3A_2579 = tpu.vector_load %arg9[%get3A_2576, %get3A_2577, %get3A_2578] {strides = array<i32>} : memref<8x50x64xf32, #tpu.memory_space<vmem>>, vector<16xf32>,
        %add3A_2580 = arith.constant 1 : i32
        %add3A_2581 = arith.addi %mul3A_154, %add3A_2580 : i32
        %get3A_2582 = arith.index_cast %add3A_2581 : i32 to index
        %get3A_2583 = arith.index_cast %add3A_2547 : i32 to index
        %get3A_2584 = arith.constant 16 : index
        %get3A_2585 = tpu.vector_load %arg9[%get3A_2582, %get3A_2583, %get3A_2584] {strides = array<i32>} : memref<8x50x64xf32, #tpu.memory_space<vmem>>, vector<16xf32>,
        %pack3A_2586 = tpu.pack_subelements %get3A_2579, %get3A_2585 {pack_format = #tpu.pack_format<interleaved>, positions = array<i32: 0, 1>} : vector<16xf32>, vector<16xf32> -> vector<32xbf16>
        %add3A_2587 = arith.constant 1 : i32
        %add3A_2588 = arith.addi %mul3A_154, %add3A_2587 : i32
        %get3A_2589 = arith.index_cast %add3A_2588 : i32 to index
        %get3A_2590 = arith.index_cast %add3A_2547 : i32 to index
        %get3A_2591 = arith.constant 32 : index
        %get3A_2592 = tpu.vector_load %arg9[%get3A_2589, %get3A_2590, %get3A_2591] {strides = array<i32>} : memref<8x50x64xf32, #tpu.memory_space<vmem>>, vector<16xf32>,
        %add3A_2593 = arith.constant 1 : i32
        %add3A_2594 = arith.addi %mul3A_154, %add3A_2593 : i32
        %get3A_2595 = arith.index_cast %add3A_2594 : i32 to index
        %get3A_2596 = arith.index_cast %add3A_2547 : i32 to index
        %get3A_2597 = arith.constant 48 : index
        %get3A_2598 = tpu.vector_load %arg9[%get3A_2595, %get3A_2596, %get3A_2597] {strides = array<i32>} : memref<8x50x64xf32, #tpu.memory_space<vmem>>, vector<16xf32>,
        %pack3A_2599 = tpu.pack_subelements %get3A_2592, %get3A_2598 {pack_format = #tpu.pack_format<interleaved>, positions = array<i32: 0, 1>} : vector<16xf32>, vector<16xf32> -> vector<32xbf16>
        %add3A_2600 = arith.constant 2 : i32
        %add3A_2601 = arith.addi %mul3A_154, %add3A_2600 : i32
        %get3A_2602 = arith.index_cast %add3A_2601 : i32 to index
        %get3A_2603 = arith.index_cast %add3A_2547 : i32 to index
        %get3A_2604 = arith.constant 0 : index
        %get3A_2605 = tpu.vector_load %arg9[%get3A_2602, %get3A_2603, %get3A_2604] {strides = array<i32>} : memref<8x50x64xf32, #tpu.memory_space<vmem>>, vector<16xf32>,
        %add3A_2606 = arith.constant 2 : i32
        %add3A_2607 = arith.addi %mul3A_154, %add3A_2606 : i32
        %get3A_2608 = arith.index_cast %add3A_2607 : i32 to index
        %get3A_2609 = arith.index_cast %add3A_2547 : i32 to index
        %get3A_2610 = arith.constant 16 : index
        %get3A_2611 = tpu.vector_load %arg9[%get3A_2608, %get3A_2609, %get3A_2610] {strides = array<i32>} : memref<8x50x64xf32, #tpu.memory_space<vmem>>, vector<16xf32>,
        %pack3A_2612 = tpu.pack_subelements %get3A_2605, %get3A_2611 {pack_format = #tpu.pack_format<interleaved>, positions = array<i32: 0, 1>} : vector<16xf32>, vector<16xf32> -> vector<32xbf16>
        %add3A_2613 = arith.constant 2 : i32
        %add3A_2614 = arith.addi %mul3A_154, %add3A_2613 : i32
        %get3A_2615 = arith.index_cast %add3A_2614 : i32 to index
        %get3A_2616 = arith.index_cast %add3A_2547 : i32 to index
        %get3A_2617 = arith.constant 32 : index
        %get3A_2618 = tpu.vector_load %arg9[%get3A_2615, %get3A_2616, %get3A_2617] {strides = array<i32>} : memref<8x50x64xf32, #tpu.memory_space<vmem>>, vector<16xf32>,
        %add3A_2619 = arith.constant 2 : i32
        %add3A_2620 = arith.addi %mul3A_154, %add3A_2619 : i32
        %get3A_2621 = arith.index_cast %add3A_2620 : i32 to index
        %get3A_2622 = arith.index_cast %add3A_2547 : i32 to index
        %get3A_2623 = arith.constant 48 : index
        %get3A_2624 = tpu.vector_load %arg9[%get3A_2621, %get3A_2622, %get3A_2623] {strides = array<i32>} : memref<8x50x64xf32, #tpu.memory_space<vmem>>, vector<16xf32>,
        %pack3A_2625 = tpu.pack_subelements %get3A_2618, %get3A_2624 {pack_format = #tpu.pack_format<interleaved>, positions = array<i32: 0, 1>} : vector<16xf32>, vector<16xf32> -> vector<32xbf16>
        %add3A_2626 = arith.constant 3 : i32
        %add3A_2627 = arith.addi %mul3A_154, %add3A_2626 : i32
        %get3A_2628 = arith.index_cast %add3A_2627 : i32 to index
        %get3A_2629 = arith.index_cast %add3A_2547 : i32 to index
        %get3A_2630 = arith.constant 0 : index
        %get3A_2631 = tpu.vector_load %arg9[%get3A_2628, %get3A_2629, %get3A_2630] {strides = array<i32>} : memref<8x50x64xf32, #tpu.memory_space<vmem>>, vector<16xf32>,
        %add3A_2632 = arith.constant 3 : i32
        %add3A_2633 = arith.addi %mul3A_154, %add3A_2632 : i32
        %get3A_2634 = arith.index_cast %add3A_2633 : i32 to index
        %get3A_2635 = arith.index_cast %add3A_2547 : i32 to index
        %get3A_2636 = arith.constant 16 : index
        %get3A_2637 = tpu.vector_load %arg9[%get3A_2634, %get3A_2635, %get3A_2636] {strides = array<i32>} : memref<8x50x64xf32, #tpu.memory_space<vmem>>, vector<16xf32>,
        %pack3A_2638 = tpu.pack_subelements %get3A_2631, %get3A_2637 {pack_format = #tpu.pack_format<interleaved>, positions = array<i32: 0, 1>} : vector<16xf32>, vector<16xf32> -> vector<32xbf16>
        %add3A_2639 = arith.constant 3 : i32
        %add3A_2640 = arith.addi %mul3A_154, %add3A_2639 : i32
        %get3A_2641 = arith.index_cast %add3A_2640 : i32 to index
        %get3A_2642 = arith.index_cast %add3A_2547 : i32 to index
        %get3A_2643 = arith.constant 32 : index
        %get3A_2644 = tpu.vector_load %arg9[%get3A_2641, %get3A_2642, %get3A_2643] {strides = array<i32>} : memref<8x50x64xf32, #tpu.memory_space<vmem>>, vector<16xf32>,
        %add3A_2645 = arith.constant 3 : i32
        %add3A_2646 = arith.addi %mul3A_154, %add3A_2645 : i32
        %get3A_2647 = arith.index_cast %add3A_2646 : i32 to index
        %get3A_2648 = arith.index_cast %add3A_2547 : i32 to index
        %get3A_2649 = arith.constant 48 : index
        %get3A_2650 = tpu.vector_load %arg9[%get3A_2647, %get3A_2648, %get3A_2649] {strides = array<i32>} : memref<8x50x64xf32, #tpu.memory_space<vmem>>, vector<16xf32>,
        %pack3A_2651 = tpu.pack_subelements %get3A_2644, %get3A_2650 {pack_format = #tpu.pack_format<interleaved>, positions = array<i32: 0, 1>} : vector<16xf32>, vector<16xf32> -> vector<32xbf16>
        %mul3A_2652 = arith.constant 6 : i32
        %mul3A_2653 = arith.muli %add3A_2547, %mul3A_2652 : i32
        %add3A_2654 = arith.constant 0 : i32
        %add3A_2655 = arith.addi %mul3A_2653, %add3A_2654 : i32
        %mul3A_2656 = arith.constant 32 : i32
        %mul3A_2657 = arith.muli %add3A_2655, %mul3A_2656 : i32
        %add3A_2658 = arith.constant 0 : i32
        %add3A_2659 = arith.addi %mul3A_2657, %add3A_2658 : i32
        %get3A_2660 = arith.index_cast %add3A_2659 : i32 to index
        %get3A_2661 = tpu.vector_load %arg8[%get3A_2660] {strides = array<i32>} : memref<9600xf32, #tpu.memory_space<vmem>>, vector<16xf32>,
        %bitcast3A_2662 = vector.bitcast %get3A_2661 : vector<16xf32> to vector<32xbf16>
        %mul3A_2663 = arith.constant 6 : i32
        %mul3A_2664 = arith.muli %add3A_2547, %mul3A_2663 : i32
        %add3A_2665 = arith.constant 0 : i32
        %add3A_2666 = arith.addi %mul3A_2664, %add3A_2665 : i32
        %mul3A_2667 = arith.constant 32 : i32
        %mul3A_2668 = arith.muli %add3A_2666, %mul3A_2667 : i32
        %add3A_2669 = arith.constant 16 : i32
        %add3A_2670 = arith.addi %mul3A_2668, %add3A_2669 : i32
        %get3A_2671 = arith.index_cast %add3A_2670 : i32 to index
        %get3A_2672 = tpu.vector_load %arg8[%get3A_2671] {strides = array<i32>} : memref<9600xf32, #tpu.memory_space<vmem>>, vector<16xf32>,
        %bitcast3A_2673 = vector.bitcast %get3A_2672 : vector<16xf32> to vector<32xbf16>
        %mul3A_2674 = arith.mulf %bitcast3A_2662, %pack3A_2560 : vector<32xbf16>
        %add3A_2675 = arith.addf %add3A_2341, %mul3A_2674 : vector<32xbf16>
        %mul3A_2676 = arith.mulf %bitcast3A_2673, %pack3A_2573 : vector<32xbf16>
        %add3A_2677 = arith.addf %add3A_2675, %mul3A_2676 : vector<32xbf16>
        %mul3A_2678 = arith.mulf %bitcast3A_2662, %pack3A_2586 : vector<32xbf16>
        %add3A_2679 = arith.addf %add3A_2345, %mul3A_2678 : vector<32xbf16>
        %mul3A_2680 = arith.mulf %bitcast3A_2673, %pack3A_2599 : vector<32xbf16>
        %add3A_2681 = arith.addf %add3A_2679, %mul3A_2680 : vector<32xbf16>
        %mul3A_2682 = arith.mulf %bitcast3A_2662, %pack3A_2612 : vector<32xbf16>
        %add3A_2683 = arith.addf %add3A_2349, %mul3A_2682 : vector<32xbf16>
        %mul3A_2684 = arith.mulf %bitcast3A_2673, %pack3A_2625 : vector<32xbf16>
        %add3A_2685 = arith.addf %add3A_2683, %mul3A_2684 : vector<32xbf16>
        %mul3A_2686 = arith.mulf %bitcast3A_2662, %pack3A_2638 : vector<32xbf16>
        %add3A_2687 = arith.addf %add3A_2353, %mul3A_2686 : vector<32xbf16>
        %mul3A_2688 = arith.mulf %bitcast3A_2673, %pack3A_2651 : vector<32xbf16>
        %add3A_2689 = arith.addf %add3A_2687, %mul3A_2688 : vector<32xbf16>
        %mul3A_2690 = arith.constant 6 : i32
        %mul3A_2691 = arith.muli %add3A_2547, %mul3A_2690 : i32
        %add3A_2692 = arith.constant 1 : i32
        %add3A_2693 = arith.addi %mul3A_2691, %add3A_2692 : i32
        %mul3A_2694 = arith.constant 32 : i32
        %mul3A_2695 = arith.muli %add3A_2693, %mul3A_2694 : i32
        %add3A_2696 = arith.constant 0 : i32
        %add3A_2697 = arith.addi %mul3A_2695, %add3A_2696 : i32
        %get3A_2698 = arith.index_cast %add3A_2697 : i32 to index
        %get3A_2699 = tpu.vector_load %arg8[%get3A_2698] {strides = array<i32>} : memref<9600xf32, #tpu.memory_space<vmem>>, vector<16xf32>,
        %bitcast3A_2700 = vector.bitcast %get3A_2699 : vector<16xf32> to vector<32xbf16>
        %mul3A_2701 = arith.constant 6 : i32
        %mul3A_2702 = arith.muli %add3A_2547, %mul3A_2701 : i32
        %add3A_2703 = arith.constant 1 : i32
        %add3A_2704 = arith.addi %mul3A_2702, %add3A_2703 : i32
        %mul3A_2705 = arith.constant 32 : i32
        %mul3A_2706 = arith.muli %add3A_2704, %mul3A_2705 : i32
        %add3A_2707 = arith.constant 16 : i32
        %add3A_2708 = arith.addi %mul3A_2706, %add3A_2707 : i32
        %get3A_2709 = arith.index_cast %add3A_2708 : i32 to index
        %get3A_2710 = tpu.vector_load %arg8[%get3A_2709] {strides = array<i32>} : memref<9600xf32, #tpu.memory_space<vmem>>, vector<16xf32>,
        %bitcast3A_2711 = vector.bitcast %get3A_2710 : vector<16xf32> to vector<32xbf16>
        %mul3A_2712 = arith.mulf %bitcast3A_2700, %pack3A_2560 : vector<32xbf16>
        %add3A_2713 = arith.addf %add3A_2379, %mul3A_2712 : vector<32xbf16>
        %mul3A_2714 = arith.mulf %bitcast3A_2711, %pack3A_2573 : vector<32xbf16>
        %add3A_2715 = arith.addf %add3A_2713, %mul3A_2714 : vector<32xbf16>
        %mul3A_2716 = arith.mulf %bitcast3A_2700, %pack3A_2586 : vector<32xbf16>
        %add3A_2717 = arith.addf %add3A_2383, %mul3A_2716 : vector<32xbf16>
        %mul3A_2718 = arith.mulf %bitcast3A_2711, %pack3A_2599 : vector<32xbf16>
        %add3A_2719 = arith.addf %add3A_2717, %mul3A_2718 : vector<32xbf16>
        %mul3A_2720 = arith.mulf %bitcast3A_2700, %pack3A_2612 : vector<32xbf16>
        %add3A_2721 = arith.addf %add3A_2387, %mul3A_2720 : vector<32xbf16>
        %mul3A_2722 = arith.mulf %bitcast3A_2711, %pack3A_2625 : vector<32xbf16>
        %add3A_2723 = arith.addf %add3A_2721, %mul3A_2722 : vector<32xbf16>
        %mul3A_2724 = arith.mulf %bitcast3A_2700, %pack3A_2638 : vector<32xbf16>
        %add3A_2725 = arith.addf %add3A_2391, %mul3A_2724 : vector<32xbf16>
        %mul3A_2726 = arith.mulf %bitcast3A_2711, %pack3A_2651 : vector<32xbf16>
        %add3A_2727 = arith.addf %add3A_2725, %mul3A_2726 : vector<32xbf16>
        %mul3A_2728 = arith.constant 6 : i32
        %mul3A_2729 = arith.muli %add3A_2547, %mul3A_2728 : i32
        %add3A_2730 = arith.constant 2 : i32
        %add3A_2731 = arith.addi %mul3A_2729, %add3A_2730 : i32
        %mul3A_2732 = arith.constant 32 : i32
        %mul3A_2733 = arith.muli %add3A_2731, %mul3A_2732 : i32
        %add3A_2734 = arith.constant 0 : i32
        %add3A_2735 = arith.addi %mul3A_2733, %add3A_2734 : i32
        %get3A_2736 = arith.index_cast %add3A_2735 : i32 to index
        %get3A_2737 = tpu.vector_load %arg8[%get3A_2736] {strides = array<i32>} : memref<9600xf32, #tpu.memory_space<vmem>>, vector<16xf32>,
        %bitcast3A_2738 = vector.bitcast %get3A_2737 : vector<16xf32> to vector<32xbf16>
        %mul3A_2739 = arith.constant 6 : i32
        %mul3A_2740 = arith.muli %add3A_2547, %mul3A_2739 : i32
        %add3A_2741 = arith.constant 2 : i32
        %add3A_2742 = arith.addi %mul3A_2740, %add3A_2741 : i32
        %mul3A_2743 = arith.constant 32 : i32
        %mul3A_2744 = arith.muli %add3A_2742, %mul3A_2743 : i32
        %add3A_2745 = arith.constant 16 : i32
        %add3A_2746 = arith.addi %mul3A_2744, %add3A_2745 : i32
        %get3A_2747 = arith.index_cast %add3A_2746 : i32 to index
        %get3A_2748 = tpu.vector_load %arg8[%get3A_2747] {strides = array<i32>} : memref<9600xf32, #tpu.memory_space<vmem>>, vector<16xf32>,
        %bitcast3A_2749 = vector.bitcast %get3A_2748 : vector<16xf32> to vector<32xbf16>
        %mul3A_2750 = arith.mulf %bitcast3A_2738, %pack3A_2560 : vector<32xbf16>
        %add3A_2751 = arith.addf %add3A_2417, %mul3A_2750 : vector<32xbf16>
        %mul3A_2752 = arith.mulf %bitcast3A_2749, %pack3A_2573 : vector<32xbf16>
        %add3A_2753 = arith.addf %add3A_2751, %mul3A_2752 : vector<32xbf16>
        %mul3A_2754 = arith.mulf %bitcast3A_2738, %pack3A_2586 : vector<32xbf16>
        %add3A_2755 = arith.addf %add3A_2421, %mul3A_2754 : vector<32xbf16>
        %mul3A_2756 = arith.mulf %bitcast3A_2749, %pack3A_2599 : vector<32xbf16>
        %add3A_2757 = arith.addf %add3A_2755, %mul3A_2756 : vector<32xbf16>
        %mul3A_2758 = arith.mulf %bitcast3A_2738, %pack3A_2612 : vector<32xbf16>
        %add3A_2759 = arith.addf %add3A_2425, %mul3A_2758 : vector<32xbf16>
        %mul3A_2760 = arith.mulf %bitcast3A_2749, %pack3A_2625 : vector<32xbf16>
        %add3A_2761 = arith.addf %add3A_2759, %mul3A_2760 : vector<32xbf16>
        %mul3A_2762 = arith.mulf %bitcast3A_2738, %pack3A_2638 : vector<32xbf16>
        %add3A_2763 = arith.addf %add3A_2429, %mul3A_2762 : vector<32xbf16>
        %mul3A_2764 = arith.mulf %bitcast3A_2749, %pack3A_2651 : vector<32xbf16>
        %add3A_2765 = arith.addf %add3A_2763, %mul3A_2764 : vector<32xbf16>
        %mul3A_2766 = arith.constant 6 : i32
        %mul3A_2767 = arith.muli %add3A_2547, %mul3A_2766 : i32
        %add3A_2768 = arith.constant 3 : i32
        %add3A_2769 = arith.addi %mul3A_2767, %add3A_2768 : i32
        %mul3A_2770 = arith.constant 32 : i32
        %mul3A_2771 = arith.muli %add3A_2769, %mul3A_2770 : i32
        %add3A_2772 = arith.constant 0 : i32
        %add3A_2773 = arith.addi %mul3A_2771, %add3A_2772 : i32
        %get3A_2774 = arith.index_cast %add3A_2773 : i32 to index
        %get3A_2775 = tpu.vector_load %arg8[%get3A_2774] {strides = array<i32>} : memref<9600xf32, #tpu.memory_space<vmem>>, vector<16xf32>,
        %bitcast3A_2776 = vector.bitcast %get3A_2775 : vector<16xf32> to vector<32xbf16>
        %mul3A_2777 = arith.constant 6 : i32
        %mul3A_2778 = arith.muli %add3A_2547, %mul3A_2777 : i32
        %add3A_2779 = arith.constant 3 : i32
        %add3A_2780 = arith.addi %mul3A_2778, %add3A_2779 : i32
        %mul3A_2781 = arith.constant 32 : i32
        %mul3A_2782 = arith.muli %add3A_2780, %mul3A_2781 : i32
        %add3A_2783 = arith.constant 16 : i32
        %add3A_2784 = arith.addi %mul3A_2782, %add3A_2783 : i32
        %get3A_2785 = arith.index_cast %add3A_2784 : i32 to index
        %get3A_2786 = tpu.vector_load %arg8[%get3A_2785] {strides = array<i32>} : memref<9600xf32, #tpu.memory_space<vmem>>, vector<16xf32>,
        %bitcast3A_2787 = vector.bitcast %get3A_2786 : vector<16xf32> to vector<32xbf16>
        %mul3A_2788 = arith.mulf %bitcast3A_2776, %pack3A_2560 : vector<32xbf16>
        %add3A_2789 = arith.addf %add3A_2455, %mul3A_2788 : vector<32xbf16>
        %mul3A_2790 = arith.mulf %bitcast3A_2787, %pack3A_2573 : vector<32xbf16>
        %add3A_2791 = arith.addf %add3A_2789, %mul3A_2790 : vector<32xbf16>
        %mul3A_2792 = arith.mulf %bitcast3A_2776, %pack3A_2586 : vector<32xbf16>
        %add3A_2793 = arith.addf %add3A_2459, %mul3A_2792 : vector<32xbf16>
        %mul3A_2794 = arith.mulf %bitcast3A_2787, %pack3A_2599 : vector<32xbf16>
        %add3A_2795 = arith.addf %add3A_2793, %mul3A_2794 : vector<32xbf16>
        %mul3A_2796 = arith.mulf %bitcast3A_2776, %pack3A_2612 : vector<32xbf16>
        %add3A_2797 = arith.addf %add3A_2463, %mul3A_2796 : vector<32xbf16>
        %mul3A_2798 = arith.mulf %bitcast3A_2787, %pack3A_2625 : vector<32xbf16>
        %add3A_2799 = arith.addf %add3A_2797, %mul3A_2798 : vector<32xbf16>
        %mul3A_2800 = arith.mulf %bitcast3A_2776, %pack3A_2638 : vector<32xbf16>
        %add3A_2801 = arith.addf %add3A_2467, %mul3A_2800 : vector<32xbf16>
        %mul3A_2802 = arith.mulf %bitcast3A_2787, %pack3A_2651 : vector<32xbf16>
        %add3A_2803 = arith.addf %add3A_2801, %mul3A_2802 : vector<32xbf16>
        %mul3A_2804 = arith.constant 6 : i32
        %mul3A_2805 = arith.muli %add3A_2547, %mul3A_2804 : i32
        %add3A_2806 = arith.constant 4 : i32
        %add3A_2807 = arith.addi %mul3A_2805, %add3A_2806 : i32
        %mul3A_2808 = arith.constant 32 : i32
        %mul3A_2809 = arith.muli %add3A_2807, %mul3A_2808 : i32
        %add3A_2810 = arith.constant 0 : i32
        %add3A_2811 = arith.addi %mul3A_2809, %add3A_2810 : i32
        %get3A_2812 = arith.index_cast %add3A_2811 : i32 to index
        %get3A_2813 = tpu.vector_load %arg8[%get3A_2812] {strides = array<i32>} : memref<9600xf32, #tpu.memory_space<vmem>>, vector<16xf32>,
        %bitcast3A_2814 = vector.bitcast %get3A_2813 : vector<16xf32> to vector<32xbf16>
        %mul3A_2815 = arith.constant 6 : i32
        %mul3A_2816 = arith.muli %add3A_2547, %mul3A_2815 : i32
        %add3A_2817 = arith.constant 4 : i32
        %add3A_2818 = arith.addi %mul3A_2816, %add3A_2817 : i32
        %mul3A_2819 = arith.constant 32 : i32
        %mul3A_2820 = arith.muli %add3A_2818, %mul3A_2819 : i32
        %add3A_2821 = arith.constant 16 : i32
        %add3A_2822 = arith.addi %mul3A_2820, %add3A_2821 : i32
        %get3A_2823 = arith.index_cast %add3A_2822 : i32 to index
        %get3A_2824 = tpu.vector_load %arg8[%get3A_2823] {strides = array<i32>} : memref<9600xf32, #tpu.memory_space<vmem>>, vector<16xf32>,
        %bitcast3A_2825 = vector.bitcast %get3A_2824 : vector<16xf32> to vector<32xbf16>
        %mul3A_2826 = arith.mulf %bitcast3A_2814, %pack3A_2560 : vector<32xbf16>
        %add3A_2827 = arith.addf %add3A_2493, %mul3A_2826 : vector<32xbf16>
        %mul3A_2828 = arith.mulf %bitcast3A_2825, %pack3A_2573 : vector<32xbf16>
        %add3A_2829 = arith.addf %add3A_2827, %mul3A_2828 : vector<32xbf16>
        %mul3A_2830 = arith.mulf %bitcast3A_2814, %pack3A_2586 : vector<32xbf16>
        %add3A_2831 = arith.addf %add3A_2497, %mul3A_2830 : vector<32xbf16>
        %mul3A_2832 = arith.mulf %bitcast3A_2825, %pack3A_2599 : vector<32xbf16>
        %add3A_2833 = arith.addf %add3A_2831, %mul3A_2832 : vector<32xbf16>
        %mul3A_2834 = arith.mulf %bitcast3A_2814, %pack3A_2612 : vector<32xbf16>
        %add3A_2835 = arith.addf %add3A_2501, %mul3A_2834 : vector<32xbf16>
        %mul3A_2836 = arith.mulf %bitcast3A_2825, %pack3A_2625 : vector<32xbf16>
        %add3A_2837 = arith.addf %add3A_2835, %mul3A_2836 : vector<32xbf16>
        %mul3A_2838 = arith.mulf %bitcast3A_2814, %pack3A_2638 : vector<32xbf16>
        %add3A_2839 = arith.addf %add3A_2505, %mul3A_2838 : vector<32xbf16>
        %mul3A_2840 = arith.mulf %bitcast3A_2825, %pack3A_2651 : vector<32xbf16>
        %add3A_2841 = arith.addf %add3A_2839, %mul3A_2840 : vector<32xbf16>
        %mul3A_2842 = arith.constant 6 : i32
        %mul3A_2843 = arith.muli %add3A_2547, %mul3A_2842 : i32
        %add3A_2844 = arith.constant 5 : i32
        %add3A_2845 = arith.addi %mul3A_2843, %add3A_2844 : i32
        %mul3A_2846 = arith.constant 32 : i32
        %mul3A_2847 = arith.muli %add3A_2845, %mul3A_2846 : i32
        %add3A_2848 = arith.constant 0 : i32
        %add3A_2849 = arith.addi %mul3A_2847, %add3A_2848 : i32
        %get3A_2850 = arith.index_cast %add3A_2849 : i32 to index
        %get3A_2851 = tpu.vector_load %arg8[%get3A_2850] {strides = array<i32>} : memref<9600xf32, #tpu.memory_space<vmem>>, vector<16xf32>,
        %bitcast3A_2852 = vector.bitcast %get3A_2851 : vector<16xf32> to vector<32xbf16>
        %mul3A_2853 = arith.constant 6 : i32
        %mul3A_2854 = arith.muli %add3A_2547, %mul3A_2853 : i32
        %add3A_2855 = arith.constant 5 : i32
        %add3A_2856 = arith.addi %mul3A_2854, %add3A_2855 : i32
        %mul3A_2857 = arith.constant 32 : i32
        %mul3A_2858 = arith.muli %add3A_2856, %mul3A_2857 : i32
        %add3A_2859 = arith.constant 16 : i32
        %add3A_2860 = arith.addi %mul3A_2858, %add3A_2859 : i32
        %get3A_2861 = arith.index_cast %add3A_2860 : i32 to index
        %get3A_2862 = tpu.vector_load %arg8[%get3A_2861] {strides = array<i32>} : memref<9600xf32, #tpu.memory_space<vmem>>, vector<16xf32>,
        %bitcast3A_2863 = vector.bitcast %get3A_2862 : vector<16xf32> to vector<32xbf16>
        %mul3A_2864 = arith.mulf %bitcast3A_2852, %pack3A_2560 : vector<32xbf16>
        %add3A_2865 = arith.addf %add3A_2531, %mul3A_2864 : vector<32xbf16>
        %mul3A_2866 = arith.mulf %bitcast3A_2863, %pack3A_2573 : vector<32xbf16>
        %add3A_2867 = arith.addf %add3A_2865, %mul3A_2866 : vector<32xbf16>
        %mul3A_2868 = arith.mulf %bitcast3A_2852, %pack3A_2586 : vector<32xbf16>
        %add3A_2869 = arith.addf %add3A_2535, %mul3A_2868 : vector<32xbf16>
        %mul3A_2870 = arith.mulf %bitcast3A_2863, %pack3A_2599 : vector<32xbf16>
        %add3A_2871 = arith.addf %add3A_2869, %mul3A_2870 : vector<32xbf16>
        %mul3A_2872 = arith.mulf %bitcast3A_2852, %pack3A_2612 : vector<32xbf16>
        %add3A_2873 = arith.addf %add3A_2539, %mul3A_2872 : vector<32xbf16>
        %mul3A_2874 = arith.mulf %bitcast3A_2863, %pack3A_2625 : vector<32xbf16>
        %add3A_2875 = arith.addf %add3A_2873, %mul3A_2874 : vector<32xbf16>
        %mul3A_2876 = arith.mulf %bitcast3A_2852, %pack3A_2638 : vector<32xbf16>
        %add3A_2877 = arith.addf %add3A_2543, %mul3A_2876 : vector<32xbf16>
        %mul3A_2878 = arith.mulf %bitcast3A_2863, %pack3A_2651 : vector<32xbf16>
        %add3A_2879 = arith.addf %add3A_2877, %mul3A_2878 : vector<32xbf16>
        %mul3A_2880 = arith.constant 10 : i32
        %mul3A_2881 = arith.muli %scan3A_457, %mul3A_2880 : i32
        %add3A_2882 = arith.constant 7 : i32
        %add3A_2883 = arith.addi %mul3A_2881, %add3A_2882 : i32
        %add3A_2884 = arith.constant 0 : i32
        %add3A_2885 = arith.addi %mul3A_154, %add3A_2884 : i32
        %get3A_2886 = arith.index_cast %add3A_2885 : i32 to index
        %get3A_2887 = arith.index_cast %add3A_2883 : i32 to index
        %get3A_2888 = arith.constant 0 : index
        %get3A_2889 = tpu.vector_load %arg9[%get3A_2886, %get3A_2887, %get3A_2888] {strides = array<i32>} : memref<8x50x64xf32, #tpu.memory_space<vmem>>, vector<16xf32>,
        %add3A_2890 = arith.constant 0 : i32
        %add3A_2891 = arith.addi %mul3A_154, %add3A_2890 : i32
        %get3A_2892 = arith.index_cast %add3A_2891 : i32 to index
        %get3A_2893 = arith.index_cast %add3A_2883 : i32 to index
        %get3A_2894 = arith.constant 16 : index
        %get3A_2895 = tpu.vector_load %arg9[%get3A_2892, %get3A_2893, %get3A_2894] {strides = array<i32>} : memref<8x50x64xf32, #tpu.memory_space<vmem>>, vector<16xf32>,
        %pack3A_2896 = tpu.pack_subelements %get3A_2889, %get3A_2895 {pack_format = #tpu.pack_format<interleaved>, positions = array<i32: 0, 1>} : vector<16xf32>, vector<16xf32> -> vector<32xbf16>
        %add3A_2897 = arith.constant 0 : i32
        %add3A_2898 = arith.addi %mul3A_154, %add3A_2897 : i32
        %get3A_2899 = arith.index_cast %add3A_2898 : i32 to index
        %get3A_2900 = arith.index_cast %add3A_2883 : i32 to index
        %get3A_2901 = arith.constant 32 : index
        %get3A_2902 = tpu.vector_load %arg9[%get3A_2899, %get3A_2900, %get3A_2901] {strides = array<i32>} : memref<8x50x64xf32, #tpu.memory_space<vmem>>, vector<16xf32>,
        %add3A_2903 = arith.constant 0 : i32
        %add3A_2904 = arith.addi %mul3A_154, %add3A_2903 : i32
        %get3A_2905 = arith.index_cast %add3A_2904 : i32 to index
        %get3A_2906 = arith.index_cast %add3A_2883 : i32 to index
        %get3A_2907 = arith.constant 48 : index
        %get3A_2908 = tpu.vector_load %arg9[%get3A_2905, %get3A_2906, %get3A_2907] {strides = array<i32>} : memref<8x50x64xf32, #tpu.memory_space<vmem>>, vector<16xf32>,
        %pack3A_2909 = tpu.pack_subelements %get3A_2902, %get3A_2908 {pack_format = #tpu.pack_format<interleaved>, positions = array<i32: 0, 1>} : vector<16xf32>, vector<16xf32> -> vector<32xbf16>
        %add3A_2910 = arith.constant 1 : i32
        %add3A_2911 = arith.addi %mul3A_154, %add3A_2910 : i32
        %get3A_2912 = arith.index_cast %add3A_2911 : i32 to index
        %get3A_2913 = arith.index_cast %add3A_2883 : i32 to index
        %get3A_2914 = arith.constant 0 : index
        %get3A_2915 = tpu.vector_load %arg9[%get3A_2912, %get3A_2913, %get3A_2914] {strides = array<i32>} : memref<8x50x64xf32, #tpu.memory_space<vmem>>, vector<16xf32>,
        %add3A_2916 = arith.constant 1 : i32
        %add3A_2917 = arith.addi %mul3A_154, %add3A_2916 : i32
        %get3A_2918 = arith.index_cast %add3A_2917 : i32 to index
        %get3A_2919 = arith.index_cast %add3A_2883 : i32 to index
        %get3A_2920 = arith.constant 16 : index
        %get3A_2921 = tpu.vector_load %arg9[%get3A_2918, %get3A_2919, %get3A_2920] {strides = array<i32>} : memref<8x50x64xf32, #tpu.memory_space<vmem>>, vector<16xf32>,
        %pack3A_2922 = tpu.pack_subelements %get3A_2915, %get3A_2921 {pack_format = #tpu.pack_format<interleaved>, positions = array<i32: 0, 1>} : vector<16xf32>, vector<16xf32> -> vector<32xbf16>
        %add3A_2923 = arith.constant 1 : i32
        %add3A_2924 = arith.addi %mul3A_154, %add3A_2923 : i32
        %get3A_2925 = arith.index_cast %add3A_2924 : i32 to index
        %get3A_2926 = arith.index_cast %add3A_2883 : i32 to index
        %get3A_2927 = arith.constant 32 : index
        %get3A_2928 = tpu.vector_load %arg9[%get3A_2925, %get3A_2926, %get3A_2927] {strides = array<i32>} : memref<8x50x64xf32, #tpu.memory_space<vmem>>, vector<16xf32>,
        %add3A_2929 = arith.constant 1 : i32
        %add3A_2930 = arith.addi %mul3A_154, %add3A_2929 : i32
        %get3A_2931 = arith.index_cast %add3A_2930 : i32 to index
        %get3A_2932 = arith.index_cast %add3A_2883 : i32 to index
        %get3A_2933 = arith.constant 48 : index
        %get3A_2934 = tpu.vector_load %arg9[%get3A_2931, %get3A_2932, %get3A_2933] {strides = array<i32>} : memref<8x50x64xf32, #tpu.memory_space<vmem>>, vector<16xf32>,
        %pack3A_2935 = tpu.pack_subelements %get3A_2928, %get3A_2934 {pack_format = #tpu.pack_format<interleaved>, positions = array<i32: 0, 1>} : vector<16xf32>, vector<16xf32> -> vector<32xbf16>
        %add3A_2936 = arith.constant 2 : i32
        %add3A_2937 = arith.addi %mul3A_154, %add3A_2936 : i32
        %get3A_2938 = arith.index_cast %add3A_2937 : i32 to index
        %get3A_2939 = arith.index_cast %add3A_2883 : i32 to index
        %get3A_2940 = arith.constant 0 : index
        %get3A_2941 = tpu.vector_load %arg9[%get3A_2938, %get3A_2939, %get3A_2940] {strides = array<i32>} : memref<8x50x64xf32, #tpu.memory_space<vmem>>, vector<16xf32>,
        %add3A_2942 = arith.constant 2 : i32
        %add3A_2943 = arith.addi %mul3A_154, %add3A_2942 : i32
        %get3A_2944 = arith.index_cast %add3A_2943 : i32 to index
        %get3A_2945 = arith.index_cast %add3A_2883 : i32 to index
        %get3A_2946 = arith.constant 16 : index
        %get3A_2947 = tpu.vector_load %arg9[%get3A_2944, %get3A_2945, %get3A_2946] {strides = array<i32>} : memref<8x50x64xf32, #tpu.memory_space<vmem>>, vector<16xf32>,
        %pack3A_2948 = tpu.pack_subelements %get3A_2941, %get3A_2947 {pack_format = #tpu.pack_format<interleaved>, positions = array<i32: 0, 1>} : vector<16xf32>, vector<16xf32> -> vector<32xbf16>
        %add3A_2949 = arith.constant 2 : i32
        %add3A_2950 = arith.addi %mul3A_154, %add3A_2949 : i32
        %get3A_2951 = arith.index_cast %add3A_2950 : i32 to index
        %get3A_2952 = arith.index_cast %add3A_2883 : i32 to index
        %get3A_2953 = arith.constant 32 : index
        %get3A_2954 = tpu.vector_load %arg9[%get3A_2951, %get3A_2952, %get3A_2953] {strides = array<i32>} : memref<8x50x64xf32, #tpu.memory_space<vmem>>, vector<16xf32>,
        %add3A_2955 = arith.constant 2 : i32
        %add3A_2956 = arith.addi %mul3A_154, %add3A_2955 : i32
        %get3A_2957 = arith.index_cast %add3A_2956 : i32 to index
        %get3A_2958 = arith.index_cast %add3A_2883 : i32 to index
        %get3A_2959 = arith.constant 48 : index
        %get3A_2960 = tpu.vector_load %arg9[%get3A_2957, %get3A_2958, %get3A_2959] {strides = array<i32>} : memref<8x50x64xf32, #tpu.memory_space<vmem>>, vector<16xf32>,
        %pack3A_2961 = tpu.pack_subelements %get3A_2954, %get3A_2960 {pack_format = #tpu.pack_format<interleaved>, positions = array<i32: 0, 1>} : vector<16xf32>, vector<16xf32> -> vector<32xbf16>
        %add3A_2962 = arith.constant 3 : i32
        %add3A_2963 = arith.addi %mul3A_154, %add3A_2962 : i32
        %get3A_2964 = arith.index_cast %add3A_2963 : i32 to index
        %get3A_2965 = arith.index_cast %add3A_2883 : i32 to index
        %get3A_2966 = arith.constant 0 : index
        %get3A_2967 = tpu.vector_load %arg9[%get3A_2964, %get3A_2965, %get3A_2966] {strides = array<i32>} : memref<8x50x64xf32, #tpu.memory_space<vmem>>, vector<16xf32>,
        %add3A_2968 = arith.constant 3 : i32
        %add3A_2969 = arith.addi %mul3A_154, %add3A_2968 : i32
        %get3A_2970 = arith.index_cast %add3A_2969 : i32 to index
        %get3A_2971 = arith.index_cast %add3A_2883 : i32 to index
        %get3A_2972 = arith.constant 16 : index
        %get3A_2973 = tpu.vector_load %arg9[%get3A_2970, %get3A_2971, %get3A_2972] {strides = array<i32>} : memref<8x50x64xf32, #tpu.memory_space<vmem>>, vector<16xf32>,
        %pack3A_2974 = tpu.pack_subelements %get3A_2967, %get3A_2973 {pack_format = #tpu.pack_format<interleaved>, positions = array<i32: 0, 1>} : vector<16xf32>, vector<16xf32> -> vector<32xbf16>
        %add3A_2975 = arith.constant 3 : i32
        %add3A_2976 = arith.addi %mul3A_154, %add3A_2975 : i32
        %get3A_2977 = arith.index_cast %add3A_2976 : i32 to index
        %get3A_2978 = arith.index_cast %add3A_2883 : i32 to index
        %get3A_2979 = arith.constant 32 : index
        %get3A_2980 = tpu.vector_load %arg9[%get3A_2977, %get3A_2978, %get3A_2979] {strides = array<i32>} : memref<8x50x64xf32, #tpu.memory_space<vmem>>, vector<16xf32>,
        %add3A_2981 = arith.constant 3 : i32
        %add3A_2982 = arith.addi %mul3A_154, %add3A_2981 : i32
        %get3A_2983 = arith.index_cast %add3A_2982 : i32 to index
        %get3A_2984 = arith.index_cast %add3A_2883 : i32 to index
        %get3A_2985 = arith.constant 48 : index
        %get3A_2986 = tpu.vector_load %arg9[%get3A_2983, %get3A_2984, %get3A_2985] {strides = array<i32>} : memref<8x50x64xf32, #tpu.memory_space<vmem>>, vector<16xf32>,
        %pack3A_2987 = tpu.pack_subelements %get3A_2980, %get3A_2986 {pack_format = #tpu.pack_format<interleaved>, positions = array<i32: 0, 1>} : vector<16xf32>, vector<16xf32> -> vector<32xbf16>
        %mul3A_2988 = arith.constant 6 : i32
        %mul3A_2989 = arith.muli %add3A_2883, %mul3A_2988 : i32
        %add3A_2990 = arith.constant 0 : i32
        %add3A_2991 = arith.addi %mul3A_2989, %add3A_2990 : i32
        %mul3A_2992 = arith.constant 32 : i32
        %mul3A_2993 = arith.muli %add3A_2991, %mul3A_2992 : i32
        %add3A_2994 = arith.constant 0 : i32
        %add3A_2995 = arith.addi %mul3A_2993, %add3A_2994 : i32
        %get3A_2996 = arith.index_cast %add3A_2995 : i32 to index
        %get3A_2997 = tpu.vector_load %arg8[%get3A_2996] {strides = array<i32>} : memref<9600xf32, #tpu.memory_space<vmem>>, vector<16xf32>,
        %bitcast3A_2998 = vector.bitcast %get3A_2997 : vector<16xf32> to vector<32xbf16>
        %mul3A_2999 = arith.constant 6 : i32
        %mul3A_3000 = arith.muli %add3A_2883, %mul3A_2999 : i32
        %add3A_3001 = arith.constant 0 : i32
        %add3A_3002 = arith.addi %mul3A_3000, %add3A_3001 : i32
        %mul3A_3003 = arith.constant 32 : i32
        %mul3A_3004 = arith.muli %add3A_3002, %mul3A_3003 : i32
        %add3A_3005 = arith.constant 16 : i32
        %add3A_3006 = arith.addi %mul3A_3004, %add3A_3005 : i32
        %get3A_3007 = arith.index_cast %add3A_3006 : i32 to index
        %get3A_3008 = tpu.vector_load %arg8[%get3A_3007] {strides = array<i32>} : memref<9600xf32, #tpu.memory_space<vmem>>, vector<16xf32>,
        %bitcast3A_3009 = vector.bitcast %get3A_3008 : vector<16xf32> to vector<32xbf16>
        %mul3A_3010 = arith.mulf %bitcast3A_2998, %pack3A_2896 : vector<32xbf16>
        %add3A_3011 = arith.addf %add3A_2677, %mul3A_3010 : vector<32xbf16>
        %mul3A_3012 = arith.mulf %bitcast3A_3009, %pack3A_2909 : vector<32xbf16>
        %add3A_3013 = arith.addf %add3A_3011, %mul3A_3012 : vector<32xbf16>
        %mul3A_3014 = arith.mulf %bitcast3A_2998, %pack3A_2922 : vector<32xbf16>
        %add3A_3015 = arith.addf %add3A_2681, %mul3A_3014 : vector<32xbf16>
        %mul3A_3016 = arith.mulf %bitcast3A_3009, %pack3A_2935 : vector<32xbf16>
        %add3A_3017 = arith.addf %add3A_3015, %mul3A_3016 : vector<32xbf16>
        %mul3A_3018 = arith.mulf %bitcast3A_2998, %pack3A_2948 : vector<32xbf16>
        %add3A_3019 = arith.addf %add3A_2685, %mul3A_3018 : vector<32xbf16>
        %mul3A_3020 = arith.mulf %bitcast3A_3009, %pack3A_2961 : vector<32xbf16>
        %add3A_3021 = arith.addf %add3A_3019, %mul3A_3020 : vector<32xbf16>
        %mul3A_3022 = arith.mulf %bitcast3A_2998, %pack3A_2974 : vector<32xbf16>
        %add3A_3023 = arith.addf %add3A_2689, %mul3A_3022 : vector<32xbf16>
        %mul3A_3024 = arith.mulf %bitcast3A_3009, %pack3A_2987 : vector<32xbf16>
        %add3A_3025 = arith.addf %add3A_3023, %mul3A_3024 : vector<32xbf16>
        %mul3A_3026 = arith.constant 6 : i32
        %mul3A_3027 = arith.muli %add3A_2883, %mul3A_3026 : i32
        %add3A_3028 = arith.constant 1 : i32
        %add3A_3029 = arith.addi %mul3A_3027, %add3A_3028 : i32
        %mul3A_3030 = arith.constant 32 : i32
        %mul3A_3031 = arith.muli %add3A_3029, %mul3A_3030 : i32
        %add3A_3032 = arith.constant 0 : i32
        %add3A_3033 = arith.addi %mul3A_3031, %add3A_3032 : i32
        %get3A_3034 = arith.index_cast %add3A_3033 : i32 to index
        %get3A_3035 = tpu.vector_load %arg8[%get3A_3034] {strides = array<i32>} : memref<9600xf32, #tpu.memory_space<vmem>>, vector<16xf32>,
        %bitcast3A_3036 = vector.bitcast %get3A_3035 : vector<16xf32> to vector<32xbf16>
        %mul3A_3037 = arith.constant 6 : i32
        %mul3A_3038 = arith.muli %add3A_2883, %mul3A_3037 : i32
        %add3A_3039 = arith.constant 1 : i32
        %add3A_3040 = arith.addi %mul3A_3038, %add3A_3039 : i32
        %mul3A_3041 = arith.constant 32 : i32
        %mul3A_3042 = arith.muli %add3A_3040, %mul3A_3041 : i32
        %add3A_3043 = arith.constant 16 : i32
        %add3A_3044 = arith.addi %mul3A_3042, %add3A_3043 : i32
        %get3A_3045 = arith.index_cast %add3A_3044 : i32 to index
        %get3A_3046 = tpu.vector_load %arg8[%get3A_3045] {strides = array<i32>} : memref<9600xf32, #tpu.memory_space<vmem>>, vector<16xf32>,
        %bitcast3A_3047 = vector.bitcast %get3A_3046 : vector<16xf32> to vector<32xbf16>
        %mul3A_3048 = arith.mulf %bitcast3A_3036, %pack3A_2896 : vector<32xbf16>
        %add3A_3049 = arith.addf %add3A_2715, %mul3A_3048 : vector<32xbf16>
        %mul3A_3050 = arith.mulf %bitcast3A_3047, %pack3A_2909 : vector<32xbf16>
        %add3A_3051 = arith.addf %add3A_3049, %mul3A_3050 : vector<32xbf16>
        %mul3A_3052 = arith.mulf %bitcast3A_3036, %pack3A_2922 : vector<32xbf16>
        %add3A_3053 = arith.addf %add3A_2719, %mul3A_3052 : vector<32xbf16>
        %mul3A_3054 = arith.mulf %bitcast3A_3047, %pack3A_2935 : vector<32xbf16>
        %add3A_3055 = arith.addf %add3A_3053, %mul3A_3054 : vector<32xbf16>
        %mul3A_3056 = arith.mulf %bitcast3A_3036, %pack3A_2948 : vector<32xbf16>
        %add3A_3057 = arith.addf %add3A_2723, %mul3A_3056 : vector<32xbf16>
        %mul3A_3058 = arith.mulf %bitcast3A_3047, %pack3A_2961 : vector<32xbf16>
        %add3A_3059 = arith.addf %add3A_3057, %mul3A_3058 : vector<32xbf16>
        %mul3A_3060 = arith.mulf %bitcast3A_3036, %pack3A_2974 : vector<32xbf16>
        %add3A_3061 = arith.addf %add3A_2727, %mul3A_3060 : vector<32xbf16>
        %mul3A_3062 = arith.mulf %bitcast3A_3047, %pack3A_2987 : vector<32xbf16>
        %add3A_3063 = arith.addf %add3A_3061, %mul3A_3062 : vector<32xbf16>
        %mul3A_3064 = arith.constant 6 : i32
        %mul3A_3065 = arith.muli %add3A_2883, %mul3A_3064 : i32
        %add3A_3066 = arith.constant 2 : i32
        %add3A_3067 = arith.addi %mul3A_3065, %add3A_3066 : i32
        %mul3A_3068 = arith.constant 32 : i32
        %mul3A_3069 = arith.muli %add3A_3067, %mul3A_3068 : i32
        %add3A_3070 = arith.constant 0 : i32
        %add3A_3071 = arith.addi %mul3A_3069, %add3A_3070 : i32
        %get3A_3072 = arith.index_cast %add3A_3071 : i32 to index
        %get3A_3073 = tpu.vector_load %arg8[%get3A_3072] {strides = array<i32>} : memref<9600xf32, #tpu.memory_space<vmem>>, vector<16xf32>,
        %bitcast3A_3074 = vector.bitcast %get3A_3073 : vector<16xf32> to vector<32xbf16>
        %mul3A_3075 = arith.constant 6 : i32
        %mul3A_3076 = arith.muli %add3A_2883, %mul3A_3075 : i32
        %add3A_3077 = arith.constant 2 : i32
        %add3A_3078 = arith.addi %mul3A_3076, %add3A_3077 : i32
        %mul3A_3079 = arith.constant 32 : i32
        %mul3A_3080 = arith.muli %add3A_3078, %mul3A_3079 : i32
        %add3A_3081 = arith.constant 16 : i32
        %add3A_3082 = arith.addi %mul3A_3080, %add3A_3081 : i32
        %get3A_3083 = arith.index_cast %add3A_3082 : i32 to index
        %get3A_3084 = tpu.vector_load %arg8[%get3A_3083] {strides = array<i32>} : memref<9600xf32, #tpu.memory_space<vmem>>, vector<16xf32>,
        %bitcast3A_3085 = vector.bitcast %get3A_3084 : vector<16xf32> to vector<32xbf16>
        %mul3A_3086 = arith.mulf %bitcast3A_3074, %pack3A_2896 : vector<32xbf16>
        %add3A_3087 = arith.addf %add3A_2753, %mul3A_3086 : vector<32xbf16>
        %mul3A_3088 = arith.mulf %bitcast3A_3085, %pack3A_2909 : vector<32xbf16>
        %add3A_3089 = arith.addf %add3A_3087, %mul3A_3088 : vector<32xbf16>
        %mul3A_3090 = arith.mulf %bitcast3A_3074, %pack3A_2922 : vector<32xbf16>
        %add3A_3091 = arith.addf %add3A_2757, %mul3A_3090 : vector<32xbf16>
        %mul3A_3092 = arith.mulf %bitcast3A_3085, %pack3A_2935 : vector<32xbf16>
        %add3A_3093 = arith.addf %add3A_3091, %mul3A_3092 : vector<32xbf16>
        %mul3A_3094 = arith.mulf %bitcast3A_3074, %pack3A_2948 : vector<32xbf16>
        %add3A_3095 = arith.addf %add3A_2761, %mul3A_3094 : vector<32xbf16>
        %mul3A_3096 = arith.mulf %bitcast3A_3085, %pack3A_2961 : vector<32xbf16>
        %add3A_3097 = arith.addf %add3A_3095, %mul3A_3096 : vector<32xbf16>
        %mul3A_3098 = arith.mulf %bitcast3A_3074, %pack3A_2974 : vector<32xbf16>
        %add3A_3099 = arith.addf %add3A_2765, %mul3A_3098 : vector<32xbf16>
        %mul3A_3100 = arith.mulf %bitcast3A_3085, %pack3A_2987 : vector<32xbf16>
        %add3A_3101 = arith.addf %add3A_3099, %mul3A_3100 : vector<32xbf16>
        %mul3A_3102 = arith.constant 6 : i32
        %mul3A_3103 = arith.muli %add3A_2883, %mul3A_3102 : i32
        %add3A_3104 = arith.constant 3 : i32
        %add3A_3105 = arith.addi %mul3A_3103, %add3A_3104 : i32
        %mul3A_3106 = arith.constant 32 : i32
        %mul3A_3107 = arith.muli %add3A_3105, %mul3A_3106 : i32
        %add3A_3108 = arith.constant 0 : i32
        %add3A_3109 = arith.addi %mul3A_3107, %add3A_3108 : i32
        %get3A_3110 = arith.index_cast %add3A_3109 : i32 to index
        %get3A_3111 = tpu.vector_load %arg8[%get3A_3110] {strides = array<i32>} : memref<9600xf32, #tpu.memory_space<vmem>>, vector<16xf32>,
        %bitcast3A_3112 = vector.bitcast %get3A_3111 : vector<16xf32> to vector<32xbf16>
        %mul3A_3113 = arith.constant 6 : i32
        %mul3A_3114 = arith.muli %add3A_2883, %mul3A_3113 : i32
        %add3A_3115 = arith.constant 3 : i32
        %add3A_3116 = arith.addi %mul3A_3114, %add3A_3115 : i32
        %mul3A_3117 = arith.constant 32 : i32
        %mul3A_3118 = arith.muli %add3A_3116, %mul3A_3117 : i32
        %add3A_3119 = arith.constant 16 : i32
        %add3A_3120 = arith.addi %mul3A_3118, %add3A_3119 : i32
        %get3A_3121 = arith.index_cast %add3A_3120 : i32 to index
        %get3A_3122 = tpu.vector_load %arg8[%get3A_3121] {strides = array<i32>} : memref<9600xf32, #tpu.memory_space<vmem>>, vector<16xf32>,
        %bitcast3A_3123 = vector.bitcast %get3A_3122 : vector<16xf32> to vector<32xbf16>
        %mul3A_3124 = arith.mulf %bitcast3A_3112, %pack3A_2896 : vector<32xbf16>
        %add3A_3125 = arith.addf %add3A_2791, %mul3A_3124 : vector<32xbf16>
        %mul3A_3126 = arith.mulf %bitcast3A_3123, %pack3A_2909 : vector<32xbf16>
        %add3A_3127 = arith.addf %add3A_3125, %mul3A_3126 : vector<32xbf16>
        %mul3A_3128 = arith.mulf %bitcast3A_3112, %pack3A_2922 : vector<32xbf16>
        %add3A_3129 = arith.addf %add3A_2795, %mul3A_3128 : vector<32xbf16>
        %mul3A_3130 = arith.mulf %bitcast3A_3123, %pack3A_2935 : vector<32xbf16>
        %add3A_3131 = arith.addf %add3A_3129, %mul3A_3130 : vector<32xbf16>
        %mul3A_3132 = arith.mulf %bitcast3A_3112, %pack3A_2948 : vector<32xbf16>
        %add3A_3133 = arith.addf %add3A_2799, %mul3A_3132 : vector<32xbf16>
        %mul3A_3134 = arith.mulf %bitcast3A_3123, %pack3A_2961 : vector<32xbf16>
        %add3A_3135 = arith.addf %add3A_3133, %mul3A_3134 : vector<32xbf16>
        %mul3A_3136 = arith.mulf %bitcast3A_3112, %pack3A_2974 : vector<32xbf16>
        %add3A_3137 = arith.addf %add3A_2803, %mul3A_3136 : vector<32xbf16>
        %mul3A_3138 = arith.mulf %bitcast3A_3123, %pack3A_2987 : vector<32xbf16>
        %add3A_3139 = arith.addf %add3A_3137, %mul3A_3138 : vector<32xbf16>
        %mul3A_3140 = arith.constant 6 : i32
        %mul3A_3141 = arith.muli %add3A_2883, %mul3A_3140 : i32
        %add3A_3142 = arith.constant 4 : i32
        %add3A_3143 = arith.addi %mul3A_3141, %add3A_3142 : i32
        %mul3A_3144 = arith.constant 32 : i32
        %mul3A_3145 = arith.muli %add3A_3143, %mul3A_3144 : i32
        %add3A_3146 = arith.constant 0 : i32
        %add3A_3147 = arith.addi %mul3A_3145, %add3A_3146 : i32
        %get3A_3148 = arith.index_cast %add3A_3147 : i32 to index
        %get3A_3149 = tpu.vector_load %arg8[%get3A_3148] {strides = array<i32>} : memref<9600xf32, #tpu.memory_space<vmem>>, vector<16xf32>,
        %bitcast3A_3150 = vector.bitcast %get3A_3149 : vector<16xf32> to vector<32xbf16>
        %mul3A_3151 = arith.constant 6 : i32
        %mul3A_3152 = arith.muli %add3A_2883, %mul3A_3151 : i32
        %add3A_3153 = arith.constant 4 : i32
        %add3A_3154 = arith.addi %mul3A_3152, %add3A_3153 : i32
        %mul3A_3155 = arith.constant 32 : i32
        %mul3A_3156 = arith.muli %add3A_3154, %mul3A_3155 : i32
        %add3A_3157 = arith.constant 16 : i32
        %add3A_3158 = arith.addi %mul3A_3156, %add3A_3157 : i32
        %get3A_3159 = arith.index_cast %add3A_3158 : i32 to index
        %get3A_3160 = tpu.vector_load %arg8[%get3A_3159] {strides = array<i32>} : memref<9600xf32, #tpu.memory_space<vmem>>, vector<16xf32>,
        %bitcast3A_3161 = vector.bitcast %get3A_3160 : vector<16xf32> to vector<32xbf16>
        %mul3A_3162 = arith.mulf %bitcast3A_3150, %pack3A_2896 : vector<32xbf16>
        %add3A_3163 = arith.addf %add3A_2829, %mul3A_3162 : vector<32xbf16>
        %mul3A_3164 = arith.mulf %bitcast3A_3161, %pack3A_2909 : vector<32xbf16>
        %add3A_3165 = arith.addf %add3A_3163, %mul3A_3164 : vector<32xbf16>
        %mul3A_3166 = arith.mulf %bitcast3A_3150, %pack3A_2922 : vector<32xbf16>
        %add3A_3167 = arith.addf %add3A_2833, %mul3A_3166 : vector<32xbf16>
        %mul3A_3168 = arith.mulf %bitcast3A_3161, %pack3A_2935 : vector<32xbf16>
        %add3A_3169 = arith.addf %add3A_3167, %mul3A_3168 : vector<32xbf16>
        %mul3A_3170 = arith.mulf %bitcast3A_3150, %pack3A_2948 : vector<32xbf16>
        %add3A_3171 = arith.addf %add3A_2837, %mul3A_3170 : vector<32xbf16>
        %mul3A_3172 = arith.mulf %bitcast3A_3161, %pack3A_2961 : vector<32xbf16>
        %add3A_3173 = arith.addf %add3A_3171, %mul3A_3172 : vector<32xbf16>
        %mul3A_3174 = arith.mulf %bitcast3A_3150, %pack3A_2974 : vector<32xbf16>
        %add3A_3175 = arith.addf %add3A_2841, %mul3A_3174 : vector<32xbf16>
        %mul3A_3176 = arith.mulf %bitcast3A_3161, %pack3A_2987 : vector<32xbf16>
        %add3A_3177 = arith.addf %add3A_3175, %mul3A_3176 : vector<32xbf16>
        %mul3A_3178 = arith.constant 6 : i32
        %mul3A_3179 = arith.muli %add3A_2883, %mul3A_3178 : i32
        %add3A_3180 = arith.constant 5 : i32
        %add3A_3181 = arith.addi %mul3A_3179, %add3A_3180 : i32
        %mul3A_3182 = arith.constant 32 : i32
        %mul3A_3183 = arith.muli %add3A_3181, %mul3A_3182 : i32
        %add3A_3184 = arith.constant 0 : i32
        %add3A_3185 = arith.addi %mul3A_3183, %add3A_3184 : i32
        %get3A_3186 = arith.index_cast %add3A_3185 : i32 to index
        %get3A_3187 = tpu.vector_load %arg8[%get3A_3186] {strides = array<i32>} : memref<9600xf32, #tpu.memory_space<vmem>>, vector<16xf32>,
        %bitcast3A_3188 = vector.bitcast %get3A_3187 : vector<16xf32> to vector<32xbf16>
        %mul3A_3189 = arith.constant 6 : i32
        %mul3A_3190 = arith.muli %add3A_2883, %mul3A_3189 : i32
        %add3A_3191 = arith.constant 5 : i32
        %add3A_3192 = arith.addi %mul3A_3190, %add3A_3191 : i32
        %mul3A_3193 = arith.constant 32 : i32
        %mul3A_3194 = arith.muli %add3A_3192, %mul3A_3193 : i32
        %add3A_3195 = arith.constant 16 : i32
        %add3A_3196 = arith.addi %mul3A_3194, %add3A_3195 : i32
        %get3A_3197 = arith.index_cast %add3A_3196 : i32 to index
        %get3A_3198 = tpu.vector_load %arg8[%get3A_3197] {strides = array<i32>} : memref<9600xf32, #tpu.memory_space<vmem>>, vector<16xf32>,
        %bitcast3A_3199 = vector.bitcast %get3A_3198 : vector<16xf32> to vector<32xbf16>
        %mul3A_3200 = arith.mulf %bitcast3A_3188, %pack3A_2896 : vector<32xbf16>
        %add3A_3201 = arith.addf %add3A_2867, %mul3A_3200 : vector<32xbf16>
        %mul3A_3202 = arith.mulf %bitcast3A_3199, %pack3A_2909 : vector<32xbf16>
        %add3A_3203 = arith.addf %add3A_3201, %mul3A_3202 : vector<32xbf16>
        %mul3A_3204 = arith.mulf %bitcast3A_3188, %pack3A_2922 : vector<32xbf16>
        %add3A_3205 = arith.addf %add3A_2871, %mul3A_3204 : vector<32xbf16>
        %mul3A_3206 = arith.mulf %bitcast3A_3199, %pack3A_2935 : vector<32xbf16>
        %add3A_3207 = arith.addf %add3A_3205, %mul3A_3206 : vector<32xbf16>
        %mul3A_3208 = arith.mulf %bitcast3A_3188, %pack3A_2948 : vector<32xbf16>
        %add3A_3209 = arith.addf %add3A_2875, %mul3A_3208 : vector<32xbf16>
        %mul3A_3210 = arith.mulf %bitcast3A_3199, %pack3A_2961 : vector<32xbf16>
        %add3A_3211 = arith.addf %add3A_3209, %mul3A_3210 : vector<32xbf16>
        %mul3A_3212 = arith.mulf %bitcast3A_3188, %pack3A_2974 : vector<32xbf16>
        %add3A_3213 = arith.addf %add3A_2879, %mul3A_3212 : vector<32xbf16>
        %mul3A_3214 = arith.mulf %bitcast3A_3199, %pack3A_2987 : vector<32xbf16>
        %add3A_3215 = arith.addf %add3A_3213, %mul3A_3214 : vector<32xbf16>
        %mul3A_3216 = arith.constant 10 : i32
        %mul3A_3217 = arith.muli %scan3A_457, %mul3A_3216 : i32
        %add3A_3218 = arith.constant 8 : i32
        %add3A_3219 = arith.addi %mul3A_3217, %add3A_3218 : i32
        %add3A_3220 = arith.constant 0 : i32
        %add3A_3221 = arith.addi %mul3A_154, %add3A_3220 : i32
        %get3A_3222 = arith.index_cast %add3A_3221 : i32 to index
        %get3A_3223 = arith.index_cast %add3A_3219 : i32 to index
        %get3A_3224 = arith.constant 0 : index
        %get3A_3225 = tpu.vector_load %arg9[%get3A_3222, %get3A_3223, %get3A_3224] {strides = array<i32>} : memref<8x50x64xf32, #tpu.memory_space<vmem>>, vector<16xf32>,
        %add3A_3226 = arith.constant 0 : i32
        %add3A_3227 = arith.addi %mul3A_154, %add3A_3226 : i32
        %get3A_3228 = arith.index_cast %add3A_3227 : i32 to index
        %get3A_3229 = arith.index_cast %add3A_3219 : i32 to index
        %get3A_3230 = arith.constant 16 : index
        %get3A_3231 = tpu.vector_load %arg9[%get3A_3228, %get3A_3229, %get3A_3230] {strides = array<i32>} : memref<8x50x64xf32, #tpu.memory_space<vmem>>, vector<16xf32>,
        %pack3A_3232 = tpu.pack_subelements %get3A_3225, %get3A_3231 {pack_format = #tpu.pack_format<interleaved>, positions = array<i32: 0, 1>} : vector<16xf32>, vector<16xf32> -> vector<32xbf16>
        %add3A_3233 = arith.constant 0 : i32
        %add3A_3234 = arith.addi %mul3A_154, %add3A_3233 : i32
        %get3A_3235 = arith.index_cast %add3A_3234 : i32 to index
        %get3A_3236 = arith.index_cast %add3A_3219 : i32 to index
        %get3A_3237 = arith.constant 32 : index
        %get3A_3238 = tpu.vector_load %arg9[%get3A_3235, %get3A_3236, %get3A_3237] {strides = array<i32>} : memref<8x50x64xf32, #tpu.memory_space<vmem>>, vector<16xf32>,
        %add3A_3239 = arith.constant 0 : i32
        %add3A_3240 = arith.addi %mul3A_154, %add3A_3239 : i32
        %get3A_3241 = arith.index_cast %add3A_3240 : i32 to index
        %get3A_3242 = arith.index_cast %add3A_3219 : i32 to index
        %get3A_3243 = arith.constant 48 : index
        %get3A_3244 = tpu.vector_load %arg9[%get3A_3241, %get3A_3242, %get3A_3243] {strides = array<i32>} : memref<8x50x64xf32, #tpu.memory_space<vmem>>, vector<16xf32>,
        %pack3A_3245 = tpu.pack_subelements %get3A_3238, %get3A_3244 {pack_format = #tpu.pack_format<interleaved>, positions = array<i32: 0, 1>} : vector<16xf32>, vector<16xf32> -> vector<32xbf16>
        %add3A_3246 = arith.constant 1 : i32
        %add3A_3247 = arith.addi %mul3A_154, %add3A_3246 : i32
        %get3A_3248 = arith.index_cast %add3A_3247 : i32 to index
        %get3A_3249 = arith.index_cast %add3A_3219 : i32 to index
        %get3A_3250 = arith.constant 0 : index
        %get3A_3251 = tpu.vector_load %arg9[%get3A_3248, %get3A_3249, %get3A_3250] {strides = array<i32>} : memref<8x50x64xf32, #tpu.memory_space<vmem>>, vector<16xf32>,
        %add3A_3252 = arith.constant 1 : i32
        %add3A_3253 = arith.addi %mul3A_154, %add3A_3252 : i32
        %get3A_3254 = arith.index_cast %add3A_3253 : i32 to index
        %get3A_3255 = arith.index_cast %add3A_3219 : i32 to index
        %get3A_3256 = arith.constant 16 : index
        %get3A_3257 = tpu.vector_load %arg9[%get3A_3254, %get3A_3255, %get3A_3256] {strides = array<i32>} : memref<8x50x64xf32, #tpu.memory_space<vmem>>, vector<16xf32>,
        %pack3A_3258 = tpu.pack_subelements %get3A_3251, %get3A_3257 {pack_format = #tpu.pack_format<interleaved>, positions = array<i32: 0, 1>} : vector<16xf32>, vector<16xf32> -> vector<32xbf16>
        %add3A_3259 = arith.constant 1 : i32
        %add3A_3260 = arith.addi %mul3A_154, %add3A_3259 : i32
        %get3A_3261 = arith.index_cast %add3A_3260 : i32 to index
        %get3A_3262 = arith.index_cast %add3A_3219 : i32 to index
        %get3A_3263 = arith.constant 32 : index
        %get3A_3264 = tpu.vector_load %arg9[%get3A_3261, %get3A_3262, %get3A_3263] {strides = array<i32>} : memref<8x50x64xf32, #tpu.memory_space<vmem>>, vector<16xf32>,
        %add3A_3265 = arith.constant 1 : i32
        %add3A_3266 = arith.addi %mul3A_154, %add3A_3265 : i32
        %get3A_3267 = arith.index_cast %add3A_3266 : i32 to index
        %get3A_3268 = arith.index_cast %add3A_3219 : i32 to index
        %get3A_3269 = arith.constant 48 : index
        %get3A_3270 = tpu.vector_load %arg9[%get3A_3267, %get3A_3268, %get3A_3269] {strides = array<i32>} : memref<8x50x64xf32, #tpu.memory_space<vmem>>, vector<16xf32>,
        %pack3A_3271 = tpu.pack_subelements %get3A_3264, %get3A_3270 {pack_format = #tpu.pack_format<interleaved>, positions = array<i32: 0, 1>} : vector<16xf32>, vector<16xf32> -> vector<32xbf16>
        %add3A_3272 = arith.constant 2 : i32
        %add3A_3273 = arith.addi %mul3A_154, %add3A_3272 : i32
        %get3A_3274 = arith.index_cast %add3A_3273 : i32 to index
        %get3A_3275 = arith.index_cast %add3A_3219 : i32 to index
        %get3A_3276 = arith.constant 0 : index
        %get3A_3277 = tpu.vector_load %arg9[%get3A_3274, %get3A_3275, %get3A_3276] {strides = array<i32>} : memref<8x50x64xf32, #tpu.memory_space<vmem>>, vector<16xf32>,
        %add3A_3278 = arith.constant 2 : i32
        %add3A_3279 = arith.addi %mul3A_154, %add3A_3278 : i32
        %get3A_3280 = arith.index_cast %add3A_3279 : i32 to index
        %get3A_3281 = arith.index_cast %add3A_3219 : i32 to index
        %get3A_3282 = arith.constant 16 : index
        %get3A_3283 = tpu.vector_load %arg9[%get3A_3280, %get3A_3281, %get3A_3282] {strides = array<i32>} : memref<8x50x64xf32, #tpu.memory_space<vmem>>, vector<16xf32>,
        %pack3A_3284 = tpu.pack_subelements %get3A_3277, %get3A_3283 {pack_format = #tpu.pack_format<interleaved>, positions = array<i32: 0, 1>} : vector<16xf32>, vector<16xf32> -> vector<32xbf16>
        %add3A_3285 = arith.constant 2 : i32
        %add3A_3286 = arith.addi %mul3A_154, %add3A_3285 : i32
        %get3A_3287 = arith.index_cast %add3A_3286 : i32 to index
        %get3A_3288 = arith.index_cast %add3A_3219 : i32 to index
        %get3A_3289 = arith.constant 32 : index
        %get3A_3290 = tpu.vector_load %arg9[%get3A_3287, %get3A_3288, %get3A_3289] {strides = array<i32>} : memref<8x50x64xf32, #tpu.memory_space<vmem>>, vector<16xf32>,
        %add3A_3291 = arith.constant 2 : i32
        %add3A_3292 = arith.addi %mul3A_154, %add3A_3291 : i32
        %get3A_3293 = arith.index_cast %add3A_3292 : i32 to index
        %get3A_3294 = arith.index_cast %add3A_3219 : i32 to index
        %get3A_3295 = arith.constant 48 : index
        %get3A_3296 = tpu.vector_load %arg9[%get3A_3293, %get3A_3294, %get3A_3295] {strides = array<i32>} : memref<8x50x64xf32, #tpu.memory_space<vmem>>, vector<16xf32>,
        %pack3A_3297 = tpu.pack_subelements %get3A_3290, %get3A_3296 {pack_format = #tpu.pack_format<interleaved>, positions = array<i32: 0, 1>} : vector<16xf32>, vector<16xf32> -> vector<32xbf16>
        %add3A_3298 = arith.constant 3 : i32
        %add3A_3299 = arith.addi %mul3A_154, %add3A_3298 : i32
        %get3A_3300 = arith.index_cast %add3A_3299 : i32 to index
        %get3A_3301 = arith.index_cast %add3A_3219 : i32 to index
        %get3A_3302 = arith.constant 0 : index
        %get3A_3303 = tpu.vector_load %arg9[%get3A_3300, %get3A_3301, %get3A_3302] {strides = array<i32>} : memref<8x50x64xf32, #tpu.memory_space<vmem>>, vector<16xf32>,
        %add3A_3304 = arith.constant 3 : i32
        %add3A_3305 = arith.addi %mul3A_154, %add3A_3304 : i32
        %get3A_3306 = arith.index_cast %add3A_3305 : i32 to index
        %get3A_3307 = arith.index_cast %add3A_3219 : i32 to index
        %get3A_3308 = arith.constant 16 : index
        %get3A_3309 = tpu.vector_load %arg9[%get3A_3306, %get3A_3307, %get3A_3308] {strides = array<i32>} : memref<8x50x64xf32, #tpu.memory_space<vmem>>, vector<16xf32>,
        %pack3A_3310 = tpu.pack_subelements %get3A_3303, %get3A_3309 {pack_format = #tpu.pack_format<interleaved>, positions = array<i32: 0, 1>} : vector<16xf32>, vector<16xf32> -> vector<32xbf16>
        %add3A_3311 = arith.constant 3 : i32
        %add3A_3312 = arith.addi %mul3A_154, %add3A_3311 : i32
        %get3A_3313 = arith.index_cast %add3A_3312 : i32 to index
        %get3A_3314 = arith.index_cast %add3A_3219 : i32 to index
        %get3A_3315 = arith.constant 32 : index
        %get3A_3316 = tpu.vector_load %arg9[%get3A_3313, %get3A_3314, %get3A_3315] {strides = array<i32>} : memref<8x50x64xf32, #tpu.memory_space<vmem>>, vector<16xf32>,
        %add3A_3317 = arith.constant 3 : i32
        %add3A_3318 = arith.addi %mul3A_154, %add3A_3317 : i32
        %get3A_3319 = arith.index_cast %add3A_3318 : i32 to index
        %get3A_3320 = arith.index_cast %add3A_3219 : i32 to index
        %get3A_3321 = arith.constant 48 : index
        %get3A_3322 = tpu.vector_load %arg9[%get3A_3319, %get3A_3320, %get3A_3321] {strides = array<i32>} : memref<8x50x64xf32, #tpu.memory_space<vmem>>, vector<16xf32>,
        %pack3A_3323 = tpu.pack_subelements %get3A_3316, %get3A_3322 {pack_format = #tpu.pack_format<interleaved>, positions = array<i32: 0, 1>} : vector<16xf32>, vector<16xf32> -> vector<32xbf16>
        %mul3A_3324 = arith.constant 6 : i32
        %mul3A_3325 = arith.muli %add3A_3219, %mul3A_3324 : i32
        %add3A_3326 = arith.constant 0 : i32
        %add3A_3327 = arith.addi %mul3A_3325, %add3A_3326 : i32
        %mul3A_3328 = arith.constant 32 : i32
        %mul3A_3329 = arith.muli %add3A_3327, %mul3A_3328 : i32
        %add3A_3330 = arith.constant 0 : i32
        %add3A_3331 = arith.addi %mul3A_3329, %add3A_3330 : i32
        %get3A_3332 = arith.index_cast %add3A_3331 : i32 to index
        %get3A_3333 = tpu.vector_load %arg8[%get3A_3332] {strides = array<i32>} : memref<9600xf32, #tpu.memory_space<vmem>>, vector<16xf32>,
        %bitcast3A_3334 = vector.bitcast %get3A_3333 : vector<16xf32> to vector<32xbf16>
        %mul3A_3335 = arith.constant 6 : i32
        %mul3A_3336 = arith.muli %add3A_3219, %mul3A_3335 : i32
        %add3A_3337 = arith.constant 0 : i32
        %add3A_3338 = arith.addi %mul3A_3336, %add3A_3337 : i32
        %mul3A_3339 = arith.constant 32 : i32
        %mul3A_3340 = arith.muli %add3A_3338, %mul3A_3339 : i32
        %add3A_3341 = arith.constant 16 : i32
        %add3A_3342 = arith.addi %mul3A_3340, %add3A_3341 : i32
        %get3A_3343 = arith.index_cast %add3A_3342 : i32 to index
        %get3A_3344 = tpu.vector_load %arg8[%get3A_3343] {strides = array<i32>} : memref<9600xf32, #tpu.memory_space<vmem>>, vector<16xf32>,
        %bitcast3A_3345 = vector.bitcast %get3A_3344 : vector<16xf32> to vector<32xbf16>
        %mul3A_3346 = arith.mulf %bitcast3A_3334, %pack3A_3232 : vector<32xbf16>
        %add3A_3347 = arith.addf %add3A_3013, %mul3A_3346 : vector<32xbf16>
        %mul3A_3348 = arith.mulf %bitcast3A_3345, %pack3A_3245 : vector<32xbf16>
        %add3A_3349 = arith.addf %add3A_3347, %mul3A_3348 : vector<32xbf16>
        %mul3A_3350 = arith.mulf %bitcast3A_3334, %pack3A_3258 : vector<32xbf16>
        %add3A_3351 = arith.addf %add3A_3017, %mul3A_3350 : vector<32xbf16>
        %mul3A_3352 = arith.mulf %bitcast3A_3345, %pack3A_3271 : vector<32xbf16>
        %add3A_3353 = arith.addf %add3A_3351, %mul3A_3352 : vector<32xbf16>
        %mul3A_3354 = arith.mulf %bitcast3A_3334, %pack3A_3284 : vector<32xbf16>
        %add3A_3355 = arith.addf %add3A_3021, %mul3A_3354 : vector<32xbf16>
        %mul3A_3356 = arith.mulf %bitcast3A_3345, %pack3A_3297 : vector<32xbf16>
        %add3A_3357 = arith.addf %add3A_3355, %mul3A_3356 : vector<32xbf16>
        %mul3A_3358 = arith.mulf %bitcast3A_3334, %pack3A_3310 : vector<32xbf16>
        %add3A_3359 = arith.addf %add3A_3025, %mul3A_3358 : vector<32xbf16>
        %mul3A_3360 = arith.mulf %bitcast3A_3345, %pack3A_3323 : vector<32xbf16>
        %add3A_3361 = arith.addf %add3A_3359, %mul3A_3360 : vector<32xbf16>
        %mul3A_3362 = arith.constant 6 : i32
        %mul3A_3363 = arith.muli %add3A_3219, %mul3A_3362 : i32
        %add3A_3364 = arith.constant 1 : i32
        %add3A_3365 = arith.addi %mul3A_3363, %add3A_3364 : i32
        %mul3A_3366 = arith.constant 32 : i32
        %mul3A_3367 = arith.muli %add3A_3365, %mul3A_3366 : i32
        %add3A_3368 = arith.constant 0 : i32
        %add3A_3369 = arith.addi %mul3A_3367, %add3A_3368 : i32
        %get3A_3370 = arith.index_cast %add3A_3369 : i32 to index
        %get3A_3371 = tpu.vector_load %arg8[%get3A_3370] {strides = array<i32>} : memref<9600xf32, #tpu.memory_space<vmem>>, vector<16xf32>,
        %bitcast3A_3372 = vector.bitcast %get3A_3371 : vector<16xf32> to vector<32xbf16>
        %mul3A_3373 = arith.constant 6 : i32
        %mul3A_3374 = arith.muli %add3A_3219, %mul3A_3373 : i32
        %add3A_3375 = arith.constant 1 : i32
        %add3A_3376 = arith.addi %mul3A_3374, %add3A_3375 : i32
        %mul3A_3377 = arith.constant 32 : i32
        %mul3A_3378 = arith.muli %add3A_3376, %mul3A_3377 : i32
        %add3A_3379 = arith.constant 16 : i32
        %add3A_3380 = arith.addi %mul3A_3378, %add3A_3379 : i32
        %get3A_3381 = arith.index_cast %add3A_3380 : i32 to index
        %get3A_3382 = tpu.vector_load %arg8[%get3A_3381] {strides = array<i32>} : memref<9600xf32, #tpu.memory_space<vmem>>, vector<16xf32>,
        %bitcast3A_3383 = vector.bitcast %get3A_3382 : vector<16xf32> to vector<32xbf16>
        %mul3A_3384 = arith.mulf %bitcast3A_3372, %pack3A_3232 : vector<32xbf16>
        %add3A_3385 = arith.addf %add3A_3051, %mul3A_3384 : vector<32xbf16>
        %mul3A_3386 = arith.mulf %bitcast3A_3383, %pack3A_3245 : vector<32xbf16>
        %add3A_3387 = arith.addf %add3A_3385, %mul3A_3386 : vector<32xbf16>
        %mul3A_3388 = arith.mulf %bitcast3A_3372, %pack3A_3258 : vector<32xbf16>
        %add3A_3389 = arith.addf %add3A_3055, %mul3A_3388 : vector<32xbf16>
        %mul3A_3390 = arith.mulf %bitcast3A_3383, %pack3A_3271 : vector<32xbf16>
        %add3A_3391 = arith.addf %add3A_3389, %mul3A_3390 : vector<32xbf16>
        %mul3A_3392 = arith.mulf %bitcast3A_3372, %pack3A_3284 : vector<32xbf16>
        %add3A_3393 = arith.addf %add3A_3059, %mul3A_3392 : vector<32xbf16>
        %mul3A_3394 = arith.mulf %bitcast3A_3383, %pack3A_3297 : vector<32xbf16>
        %add3A_3395 = arith.addf %add3A_3393, %mul3A_3394 : vector<32xbf16>
        %mul3A_3396 = arith.mulf %bitcast3A_3372, %pack3A_3310 : vector<32xbf16>
        %add3A_3397 = arith.addf %add3A_3063, %mul3A_3396 : vector<32xbf16>
        %mul3A_3398 = arith.mulf %bitcast3A_3383, %pack3A_3323 : vector<32xbf16>
        %add3A_3399 = arith.addf %add3A_3397, %mul3A_3398 : vector<32xbf16>
        %mul3A_3400 = arith.constant 6 : i32
        %mul3A_3401 = arith.muli %add3A_3219, %mul3A_3400 : i32
        %add3A_3402 = arith.constant 2 : i32
        %add3A_3403 = arith.addi %mul3A_3401, %add3A_3402 : i32
        %mul3A_3404 = arith.constant 32 : i32
        %mul3A_3405 = arith.muli %add3A_3403, %mul3A_3404 : i32
        %add3A_3406 = arith.constant 0 : i32
        %add3A_3407 = arith.addi %mul3A_3405, %add3A_3406 : i32
        %get3A_3408 = arith.index_cast %add3A_3407 : i32 to index
        %get3A_3409 = tpu.vector_load %arg8[%get3A_3408] {strides = array<i32>} : memref<9600xf32, #tpu.memory_space<vmem>>, vector<16xf32>,
        %bitcast3A_3410 = vector.bitcast %get3A_3409 : vector<16xf32> to vector<32xbf16>
        %mul3A_3411 = arith.constant 6 : i32
        %mul3A_3412 = arith.muli %add3A_3219, %mul3A_3411 : i32
        %add3A_3413 = arith.constant 2 : i32
        %add3A_3414 = arith.addi %mul3A_3412, %add3A_3413 : i32
        %mul3A_3415 = arith.constant 32 : i32
        %mul3A_3416 = arith.muli %add3A_3414, %mul3A_3415 : i32
        %add3A_3417 = arith.constant 16 : i32
        %add3A_3418 = arith.addi %mul3A_3416, %add3A_3417 : i32
        %get3A_3419 = arith.index_cast %add3A_3418 : i32 to index
        %get3A_3420 = tpu.vector_load %arg8[%get3A_3419] {strides = array<i32>} : memref<9600xf32, #tpu.memory_space<vmem>>, vector<16xf32>,
        %bitcast3A_3421 = vector.bitcast %get3A_3420 : vector<16xf32> to vector<32xbf16>
        %mul3A_3422 = arith.mulf %bitcast3A_3410, %pack3A_3232 : vector<32xbf16>
        %add3A_3423 = arith.addf %add3A_3089, %mul3A_3422 : vector<32xbf16>
        %mul3A_3424 = arith.mulf %bitcast3A_3421, %pack3A_3245 : vector<32xbf16>
        %add3A_3425 = arith.addf %add3A_3423, %mul3A_3424 : vector<32xbf16>
        %mul3A_3426 = arith.mulf %bitcast3A_3410, %pack3A_3258 : vector<32xbf16>
        %add3A_3427 = arith.addf %add3A_3093, %mul3A_3426 : vector<32xbf16>
        %mul3A_3428 = arith.mulf %bitcast3A_3421, %pack3A_3271 : vector<32xbf16>
        %add3A_3429 = arith.addf %add3A_3427, %mul3A_3428 : vector<32xbf16>
        %mul3A_3430 = arith.mulf %bitcast3A_3410, %pack3A_3284 : vector<32xbf16>
        %add3A_3431 = arith.addf %add3A_3097, %mul3A_3430 : vector<32xbf16>
        %mul3A_3432 = arith.mulf %bitcast3A_3421, %pack3A_3297 : vector<32xbf16>
        %add3A_3433 = arith.addf %add3A_3431, %mul3A_3432 : vector<32xbf16>
        %mul3A_3434 = arith.mulf %bitcast3A_3410, %pack3A_3310 : vector<32xbf16>
        %add3A_3435 = arith.addf %add3A_3101, %mul3A_3434 : vector<32xbf16>
        %mul3A_3436 = arith.mulf %bitcast3A_3421, %pack3A_3323 : vector<32xbf16>
        %add3A_3437 = arith.addf %add3A_3435, %mul3A_3436 : vector<32xbf16>
        %mul3A_3438 = arith.constant 6 : i32
        %mul3A_3439 = arith.muli %add3A_3219, %mul3A_3438 : i32
        %add3A_3440 = arith.constant 3 : i32
        %add3A_3441 = arith.addi %mul3A_3439, %add3A_3440 : i32
        %mul3A_3442 = arith.constant 32 : i32
        %mul3A_3443 = arith.muli %add3A_3441, %mul3A_3442 : i32
        %add3A_3444 = arith.constant 0 : i32
        %add3A_3445 = arith.addi %mul3A_3443, %add3A_3444 : i32
        %get3A_3446 = arith.index_cast %add3A_3445 : i32 to index
        %get3A_3447 = tpu.vector_load %arg8[%get3A_3446] {strides = array<i32>} : memref<9600xf32, #tpu.memory_space<vmem>>, vector<16xf32>,
        %bitcast3A_3448 = vector.bitcast %get3A_3447 : vector<16xf32> to vector<32xbf16>
        %mul3A_3449 = arith.constant 6 : i32
        %mul3A_3450 = arith.muli %add3A_3219, %mul3A_3449 : i32
        %add3A_3451 = arith.constant 3 : i32
        %add3A_3452 = arith.addi %mul3A_3450, %add3A_3451 : i32
        %mul3A_3453 = arith.constant 32 : i32
        %mul3A_3454 = arith.muli %add3A_3452, %mul3A_3453 : i32
        %add3A_3455 = arith.constant 16 : i32
        %add3A_3456 = arith.addi %mul3A_3454, %add3A_3455 : i32
        %get3A_3457 = arith.index_cast %add3A_3456 : i32 to index
        %get3A_3458 = tpu.vector_load %arg8[%get3A_3457] {strides = array<i32>} : memref<9600xf32, #tpu.memory_space<vmem>>, vector<16xf32>,
        %bitcast3A_3459 = vector.bitcast %get3A_3458 : vector<16xf32> to vector<32xbf16>
        %mul3A_3460 = arith.mulf %bitcast3A_3448, %pack3A_3232 : vector<32xbf16>
        %add3A_3461 = arith.addf %add3A_3127, %mul3A_3460 : vector<32xbf16>
        %mul3A_3462 = arith.mulf %bitcast3A_3459, %pack3A_3245 : vector<32xbf16>
        %add3A_3463 = arith.addf %add3A_3461, %mul3A_3462 : vector<32xbf16>
        %mul3A_3464 = arith.mulf %bitcast3A_3448, %pack3A_3258 : vector<32xbf16>
        %add3A_3465 = arith.addf %add3A_3131, %mul3A_3464 : vector<32xbf16>
        %mul3A_3466 = arith.mulf %bitcast3A_3459, %pack3A_3271 : vector<32xbf16>
        %add3A_3467 = arith.addf %add3A_3465, %mul3A_3466 : vector<32xbf16>
        %mul3A_3468 = arith.mulf %bitcast3A_3448, %pack3A_3284 : vector<32xbf16>
        %add3A_3469 = arith.addf %add3A_3135, %mul3A_3468 : vector<32xbf16>
        %mul3A_3470 = arith.mulf %bitcast3A_3459, %pack3A_3297 : vector<32xbf16>
        %add3A_3471 = arith.addf %add3A_3469, %mul3A_3470 : vector<32xbf16>
        %mul3A_3472 = arith.mulf %bitcast3A_3448, %pack3A_3310 : vector<32xbf16>
        %add3A_3473 = arith.addf %add3A_3139, %mul3A_3472 : vector<32xbf16>
        %mul3A_3474 = arith.mulf %bitcast3A_3459, %pack3A_3323 : vector<32xbf16>
        %add3A_3475 = arith.addf %add3A_3473, %mul3A_3474 : vector<32xbf16>
        %mul3A_3476 = arith.constant 6 : i32
        %mul3A_3477 = arith.muli %add3A_3219, %mul3A_3476 : i32
        %add3A_3478 = arith.constant 4 : i32
        %add3A_3479 = arith.addi %mul3A_3477, %add3A_3478 : i32
        %mul3A_3480 = arith.constant 32 : i32
        %mul3A_3481 = arith.muli %add3A_3479, %mul3A_3480 : i32
        %add3A_3482 = arith.constant 0 : i32
        %add3A_3483 = arith.addi %mul3A_3481, %add3A_3482 : i32
        %get3A_3484 = arith.index_cast %add3A_3483 : i32 to index
        %get3A_3485 = tpu.vector_load %arg8[%get3A_3484] {strides = array<i32>} : memref<9600xf32, #tpu.memory_space<vmem>>, vector<16xf32>,
        %bitcast3A_3486 = vector.bitcast %get3A_3485 : vector<16xf32> to vector<32xbf16>
        %mul3A_3487 = arith.constant 6 : i32
        %mul3A_3488 = arith.muli %add3A_3219, %mul3A_3487 : i32
        %add3A_3489 = arith.constant 4 : i32
        %add3A_3490 = arith.addi %mul3A_3488, %add3A_3489 : i32
        %mul3A_3491 = arith.constant 32 : i32
        %mul3A_3492 = arith.muli %add3A_3490, %mul3A_3491 : i32
        %add3A_3493 = arith.constant 16 : i32
        %add3A_3494 = arith.addi %mul3A_3492, %add3A_3493 : i32
        %get3A_3495 = arith.index_cast %add3A_3494 : i32 to index
        %get3A_3496 = tpu.vector_load %arg8[%get3A_3495] {strides = array<i32>} : memref<9600xf32, #tpu.memory_space<vmem>>, vector<16xf32>,
        %bitcast3A_3497 = vector.bitcast %get3A_3496 : vector<16xf32> to vector<32xbf16>
        %mul3A_3498 = arith.mulf %bitcast3A_3486, %pack3A_3232 : vector<32xbf16>
        %add3A_3499 = arith.addf %add3A_3165, %mul3A_3498 : vector<32xbf16>
        %mul3A_3500 = arith.mulf %bitcast3A_3497, %pack3A_3245 : vector<32xbf16>
        %add3A_3501 = arith.addf %add3A_3499, %mul3A_3500 : vector<32xbf16>
        %mul3A_3502 = arith.mulf %bitcast3A_3486, %pack3A_3258 : vector<32xbf16>
        %add3A_3503 = arith.addf %add3A_3169, %mul3A_3502 : vector<32xbf16>
        %mul3A_3504 = arith.mulf %bitcast3A_3497, %pack3A_3271 : vector<32xbf16>
        %add3A_3505 = arith.addf %add3A_3503, %mul3A_3504 : vector<32xbf16>
        %mul3A_3506 = arith.mulf %bitcast3A_3486, %pack3A_3284 : vector<32xbf16>
        %add3A_3507 = arith.addf %add3A_3173, %mul3A_3506 : vector<32xbf16>
        %mul3A_3508 = arith.mulf %bitcast3A_3497, %pack3A_3297 : vector<32xbf16>
        %add3A_3509 = arith.addf %add3A_3507, %mul3A_3508 : vector<32xbf16>
        %mul3A_3510 = arith.mulf %bitcast3A_3486, %pack3A_3310 : vector<32xbf16>
        %add3A_3511 = arith.addf %add3A_3177, %mul3A_3510 : vector<32xbf16>
        %mul3A_3512 = arith.mulf %bitcast3A_3497, %pack3A_3323 : vector<32xbf16>
        %add3A_3513 = arith.addf %add3A_3511, %mul3A_3512 : vector<32xbf16>
        %mul3A_3514 = arith.constant 6 : i32
        %mul3A_3515 = arith.muli %add3A_3219, %mul3A_3514 : i32
        %add3A_3516 = arith.constant 5 : i32
        %add3A_3517 = arith.addi %mul3A_3515, %add3A_3516 : i32
        %mul3A_3518 = arith.constant 32 : i32
        %mul3A_3519 = arith.muli %add3A_3517, %mul3A_3518 : i32
        %add3A_3520 = arith.constant 0 : i32
        %add3A_3521 = arith.addi %mul3A_3519, %add3A_3520 : i32
        %get3A_3522 = arith.index_cast %add3A_3521 : i32 to index
        %get3A_3523 = tpu.vector_load %arg8[%get3A_3522] {strides = array<i32>} : memref<9600xf32, #tpu.memory_space<vmem>>, vector<16xf32>,
        %bitcast3A_3524 = vector.bitcast %get3A_3523 : vector<16xf32> to vector<32xbf16>
        %mul3A_3525 = arith.constant 6 : i32
        %mul3A_3526 = arith.muli %add3A_3219, %mul3A_3525 : i32
        %add3A_3527 = arith.constant 5 : i32
        %add3A_3528 = arith.addi %mul3A_3526, %add3A_3527 : i32
        %mul3A_3529 = arith.constant 32 : i32
        %mul3A_3530 = arith.muli %add3A_3528, %mul3A_3529 : i32
        %add3A_3531 = arith.constant 16 : i32
        %add3A_3532 = arith.addi %mul3A_3530, %add3A_3531 : i32
        %get3A_3533 = arith.index_cast %add3A_3532 : i32 to index
        %get3A_3534 = tpu.vector_load %arg8[%get3A_3533] {strides = array<i32>} : memref<9600xf32, #tpu.memory_space<vmem>>, vector<16xf32>,
        %bitcast3A_3535 = vector.bitcast %get3A_3534 : vector<16xf32> to vector<32xbf16>
        %mul3A_3536 = arith.mulf %bitcast3A_3524, %pack3A_3232 : vector<32xbf16>
        %add3A_3537 = arith.addf %add3A_3203, %mul3A_3536 : vector<32xbf16>
        %mul3A_3538 = arith.mulf %bitcast3A_3535, %pack3A_3245 : vector<32xbf16>
        %add3A_3539 = arith.addf %add3A_3537, %mul3A_3538 : vector<32xbf16>
        %mul3A_3540 = arith.mulf %bitcast3A_3524, %pack3A_3258 : vector<32xbf16>
        %add3A_3541 = arith.addf %add3A_3207, %mul3A_3540 : vector<32xbf16>
        %mul3A_3542 = arith.mulf %bitcast3A_3535, %pack3A_3271 : vector<32xbf16>
        %add3A_3543 = arith.addf %add3A_3541, %mul3A_3542 : vector<32xbf16>
        %mul3A_3544 = arith.mulf %bitcast3A_3524, %pack3A_3284 : vector<32xbf16>
        %add3A_3545 = arith.addf %add3A_3211, %mul3A_3544 : vector<32xbf16>
        %mul3A_3546 = arith.mulf %bitcast3A_3535, %pack3A_3297 : vector<32xbf16>
        %add3A_3547 = arith.addf %add3A_3545, %mul3A_3546 : vector<32xbf16>
        %mul3A_3548 = arith.mulf %bitcast3A_3524, %pack3A_3310 : vector<32xbf16>
        %add3A_3549 = arith.addf %add3A_3215, %mul3A_3548 : vector<32xbf16>
        %mul3A_3550 = arith.mulf %bitcast3A_3535, %pack3A_3323 : vector<32xbf16>
        %add3A_3551 = arith.addf %add3A_3549, %mul3A_3550 : vector<32xbf16>
        %mul3A_3552 = arith.constant 10 : i32
        %mul3A_3553 = arith.muli %scan3A_457, %mul3A_3552 : i32
        %add3A_3554 = arith.constant 9 : i32
        %add3A_3555 = arith.addi %mul3A_3553, %add3A_3554 : i32
        %add3A_3556 = arith.constant 0 : i32
        %add3A_3557 = arith.addi %mul3A_154, %add3A_3556 : i32
        %get3A_3558 = arith.index_cast %add3A_3557 : i32 to index
        %get3A_3559 = arith.index_cast %add3A_3555 : i32 to index
        %get3A_3560 = arith.constant 0 : index
        %get3A_3561 = tpu.vector_load %arg9[%get3A_3558, %get3A_3559, %get3A_3560] {strides = array<i32>} : memref<8x50x64xf32, #tpu.memory_space<vmem>>, vector<16xf32>,
        %add3A_3562 = arith.constant 0 : i32
        %add3A_3563 = arith.addi %mul3A_154, %add3A_3562 : i32
        %get3A_3564 = arith.index_cast %add3A_3563 : i32 to index
        %get3A_3565 = arith.index_cast %add3A_3555 : i32 to index
        %get3A_3566 = arith.constant 16 : index
        %get3A_3567 = tpu.vector_load %arg9[%get3A_3564, %get3A_3565, %get3A_3566] {strides = array<i32>} : memref<8x50x64xf32, #tpu.memory_space<vmem>>, vector<16xf32>,
        %pack3A_3568 = tpu.pack_subelements %get3A_3561, %get3A_3567 {pack_format = #tpu.pack_format<interleaved>, positions = array<i32: 0, 1>} : vector<16xf32>, vector<16xf32> -> vector<32xbf16>
        %add3A_3569 = arith.constant 0 : i32
        %add3A_3570 = arith.addi %mul3A_154, %add3A_3569 : i32
        %get3A_3571 = arith.index_cast %add3A_3570 : i32 to index
        %get3A_3572 = arith.index_cast %add3A_3555 : i32 to index
        %get3A_3573 = arith.constant 32 : index
        %get3A_3574 = tpu.vector_load %arg9[%get3A_3571, %get3A_3572, %get3A_3573] {strides = array<i32>} : memref<8x50x64xf32, #tpu.memory_space<vmem>>, vector<16xf32>,
        %add3A_3575 = arith.constant 0 : i32
        %add3A_3576 = arith.addi %mul3A_154, %add3A_3575 : i32
        %get3A_3577 = arith.index_cast %add3A_3576 : i32 to index
        %get3A_3578 = arith.index_cast %add3A_3555 : i32 to index
        %get3A_3579 = arith.constant 48 : index
        %get3A_3580 = tpu.vector_load %arg9[%get3A_3577, %get3A_3578, %get3A_3579] {strides = array<i32>} : memref<8x50x64xf32, #tpu.memory_space<vmem>>, vector<16xf32>,
        %pack3A_3581 = tpu.pack_subelements %get3A_3574, %get3A_3580 {pack_format = #tpu.pack_format<interleaved>, positions = array<i32: 0, 1>} : vector<16xf32>, vector<16xf32> -> vector<32xbf16>
        %add3A_3582 = arith.constant 1 : i32
        %add3A_3583 = arith.addi %mul3A_154, %add3A_3582 : i32
        %get3A_3584 = arith.index_cast %add3A_3583 : i32 to index
        %get3A_3585 = arith.index_cast %add3A_3555 : i32 to index
        %get3A_3586 = arith.constant 0 : index
        %get3A_3587 = tpu.vector_load %arg9[%get3A_3584, %get3A_3585, %get3A_3586] {strides = array<i32>} : memref<8x50x64xf32, #tpu.memory_space<vmem>>, vector<16xf32>,
        %add3A_3588 = arith.constant 1 : i32
        %add3A_3589 = arith.addi %mul3A_154, %add3A_3588 : i32
        %get3A_3590 = arith.index_cast %add3A_3589 : i32 to index
        %get3A_3591 = arith.index_cast %add3A_3555 : i32 to index
        %get3A_3592 = arith.constant 16 : index
        %get3A_3593 = tpu.vector_load %arg9[%get3A_3590, %get3A_3591, %get3A_3592] {strides = array<i32>} : memref<8x50x64xf32, #tpu.memory_space<vmem>>, vector<16xf32>,
        %pack3A_3594 = tpu.pack_subelements %get3A_3587, %get3A_3593 {pack_format = #tpu.pack_format<interleaved>, positions = array<i32: 0, 1>} : vector<16xf32>, vector<16xf32> -> vector<32xbf16>
        %add3A_3595 = arith.constant 1 : i32
        %add3A_3596 = arith.addi %mul3A_154, %add3A_3595 : i32
        %get3A_3597 = arith.index_cast %add3A_3596 : i32 to index
        %get3A_3598 = arith.index_cast %add3A_3555 : i32 to index
        %get3A_3599 = arith.constant 32 : index
        %get3A_3600 = tpu.vector_load %arg9[%get3A_3597, %get3A_3598, %get3A_3599] {strides = array<i32>} : memref<8x50x64xf32, #tpu.memory_space<vmem>>, vector<16xf32>,
        %add3A_3601 = arith.constant 1 : i32
        %add3A_3602 = arith.addi %mul3A_154, %add3A_3601 : i32
        %get3A_3603 = arith.index_cast %add3A_3602 : i32 to index
        %get3A_3604 = arith.index_cast %add3A_3555 : i32 to index
        %get3A_3605 = arith.constant 48 : index
        %get3A_3606 = tpu.vector_load %arg9[%get3A_3603, %get3A_3604, %get3A_3605] {strides = array<i32>} : memref<8x50x64xf32, #tpu.memory_space<vmem>>, vector<16xf32>,
        %pack3A_3607 = tpu.pack_subelements %get3A_3600, %get3A_3606 {pack_format = #tpu.pack_format<interleaved>, positions = array<i32: 0, 1>} : vector<16xf32>, vector<16xf32> -> vector<32xbf16>
        %add3A_3608 = arith.constant 2 : i32
        %add3A_3609 = arith.addi %mul3A_154, %add3A_3608 : i32
        %get3A_3610 = arith.index_cast %add3A_3609 : i32 to index
        %get3A_3611 = arith.index_cast %add3A_3555 : i32 to index
        %get3A_3612 = arith.constant 0 : index
        %get3A_3613 = tpu.vector_load %arg9[%get3A_3610, %get3A_3611, %get3A_3612] {strides = array<i32>} : memref<8x50x64xf32, #tpu.memory_space<vmem>>, vector<16xf32>,
        %add3A_3614 = arith.constant 2 : i32
        %add3A_3615 = arith.addi %mul3A_154, %add3A_3614 : i32
        %get3A_3616 = arith.index_cast %add3A_3615 : i32 to index
        %get3A_3617 = arith.index_cast %add3A_3555 : i32 to index
        %get3A_3618 = arith.constant 16 : index
        %get3A_3619 = tpu.vector_load %arg9[%get3A_3616, %get3A_3617, %get3A_3618] {strides = array<i32>} : memref<8x50x64xf32, #tpu.memory_space<vmem>>, vector<16xf32>,
        %pack3A_3620 = tpu.pack_subelements %get3A_3613, %get3A_3619 {pack_format = #tpu.pack_format<interleaved>, positions = array<i32: 0, 1>} : vector<16xf32>, vector<16xf32> -> vector<32xbf16>
        %add3A_3621 = arith.constant 2 : i32
        %add3A_3622 = arith.addi %mul3A_154, %add3A_3621 : i32
        %get3A_3623 = arith.index_cast %add3A_3622 : i32 to index
        %get3A_3624 = arith.index_cast %add3A_3555 : i32 to index
        %get3A_3625 = arith.constant 32 : index
        %get3A_3626 = tpu.vector_load %arg9[%get3A_3623, %get3A_3624, %get3A_3625] {strides = array<i32>} : memref<8x50x64xf32, #tpu.memory_space<vmem>>, vector<16xf32>,
        %add3A_3627 = arith.constant 2 : i32
        %add3A_3628 = arith.addi %mul3A_154, %add3A_3627 : i32
        %get3A_3629 = arith.index_cast %add3A_3628 : i32 to index
        %get3A_3630 = arith.index_cast %add3A_3555 : i32 to index
        %get3A_3631 = arith.constant 48 : index
        %get3A_3632 = tpu.vector_load %arg9[%get3A_3629, %get3A_3630, %get3A_3631] {strides = array<i32>} : memref<8x50x64xf32, #tpu.memory_space<vmem>>, vector<16xf32>,
        %pack3A_3633 = tpu.pack_subelements %get3A_3626, %get3A_3632 {pack_format = #tpu.pack_format<interleaved>, positions = array<i32: 0, 1>} : vector<16xf32>, vector<16xf32> -> vector<32xbf16>
        %add3A_3634 = arith.constant 3 : i32
        %add3A_3635 = arith.addi %mul3A_154, %add3A_3634 : i32
        %get3A_3636 = arith.index_cast %add3A_3635 : i32 to index
        %get3A_3637 = arith.index_cast %add3A_3555 : i32 to index
        %get3A_3638 = arith.constant 0 : index
        %get3A_3639 = tpu.vector_load %arg9[%get3A_3636, %get3A_3637, %get3A_3638] {strides = array<i32>} : memref<8x50x64xf32, #tpu.memory_space<vmem>>, vector<16xf32>,
        %add3A_3640 = arith.constant 3 : i32
        %add3A_3641 = arith.addi %mul3A_154, %add3A_3640 : i32
        %get3A_3642 = arith.index_cast %add3A_3641 : i32 to index
        %get3A_3643 = arith.index_cast %add3A_3555 : i32 to index
        %get3A_3644 = arith.constant 16 : index
        %get3A_3645 = tpu.vector_load %arg9[%get3A_3642, %get3A_3643, %get3A_3644] {strides = array<i32>} : memref<8x50x64xf32, #tpu.memory_space<vmem>>, vector<16xf32>,
        %pack3A_3646 = tpu.pack_subelements %get3A_3639, %get3A_3645 {pack_format = #tpu.pack_format<interleaved>, positions = array<i32: 0, 1>} : vector<16xf32>, vector<16xf32> -> vector<32xbf16>
        %add3A_3647 = arith.constant 3 : i32
        %add3A_3648 = arith.addi %mul3A_154, %add3A_3647 : i32
        %get3A_3649 = arith.index_cast %add3A_3648 : i32 to index
        %get3A_3650 = arith.index_cast %add3A_3555 : i32 to index
        %get3A_3651 = arith.constant 32 : index
        %get3A_3652 = tpu.vector_load %arg9[%get3A_3649, %get3A_3650, %get3A_3651] {strides = array<i32>} : memref<8x50x64xf32, #tpu.memory_space<vmem>>, vector<16xf32>,
        %add3A_3653 = arith.constant 3 : i32
        %add3A_3654 = arith.addi %mul3A_154, %add3A_3653 : i32
        %get3A_3655 = arith.index_cast %add3A_3654 : i32 to index
        %get3A_3656 = arith.index_cast %add3A_3555 : i32 to index
        %get3A_3657 = arith.constant 48 : index
        %get3A_3658 = tpu.vector_load %arg9[%get3A_3655, %get3A_3656, %get3A_3657] {strides = array<i32>} : memref<8x50x64xf32, #tpu.memory_space<vmem>>, vector<16xf32>,
        %pack3A_3659 = tpu.pack_subelements %get3A_3652, %get3A_3658 {pack_format = #tpu.pack_format<interleaved>, positions = array<i32: 0, 1>} : vector<16xf32>, vector<16xf32> -> vector<32xbf16>
        %mul3A_3660 = arith.constant 6 : i32
        %mul3A_3661 = arith.muli %add3A_3555, %mul3A_3660 : i32
        %add3A_3662 = arith.constant 0 : i32
        %add3A_3663 = arith.addi %mul3A_3661, %add3A_3662 : i32
        %mul3A_3664 = arith.constant 32 : i32
        %mul3A_3665 = arith.muli %add3A_3663, %mul3A_3664 : i32
        %add3A_3666 = arith.constant 0 : i32
        %add3A_3667 = arith.addi %mul3A_3665, %add3A_3666 : i32
        %get3A_3668 = arith.index_cast %add3A_3667 : i32 to index
        %get3A_3669 = tpu.vector_load %arg8[%get3A_3668] {strides = array<i32>} : memref<9600xf32, #tpu.memory_space<vmem>>, vector<16xf32>,
        %bitcast3A_3670 = vector.bitcast %get3A_3669 : vector<16xf32> to vector<32xbf16>
        %mul3A_3671 = arith.constant 6 : i32
        %mul3A_3672 = arith.muli %add3A_3555, %mul3A_3671 : i32
        %add3A_3673 = arith.constant 0 : i32
        %add3A_3674 = arith.addi %mul3A_3672, %add3A_3673 : i32
        %mul3A_3675 = arith.constant 32 : i32
        %mul3A_3676 = arith.muli %add3A_3674, %mul3A_3675 : i32
        %add3A_3677 = arith.constant 16 : i32
        %add3A_3678 = arith.addi %mul3A_3676, %add3A_3677 : i32
        %get3A_3679 = arith.index_cast %add3A_3678 : i32 to index
        %get3A_3680 = tpu.vector_load %arg8[%get3A_3679] {strides = array<i32>} : memref<9600xf32, #tpu.memory_space<vmem>>, vector<16xf32>,
        %bitcast3A_3681 = vector.bitcast %get3A_3680 : vector<16xf32> to vector<32xbf16>
        %mul3A_3682 = arith.mulf %bitcast3A_3670, %pack3A_3568 : vector<32xbf16>
        %add3A_3683 = arith.addf %add3A_3349, %mul3A_3682 : vector<32xbf16>
        %mul3A_3684 = arith.mulf %bitcast3A_3681, %pack3A_3581 : vector<32xbf16>
        %add3A_3685 = arith.addf %add3A_3683, %mul3A_3684 : vector<32xbf16>
        %mul3A_3686 = arith.mulf %bitcast3A_3670, %pack3A_3594 : vector<32xbf16>
        %add3A_3687 = arith.addf %add3A_3353, %mul3A_3686 : vector<32xbf16>
        %mul3A_3688 = arith.mulf %bitcast3A_3681, %pack3A_3607 : vector<32xbf16>
        %add3A_3689 = arith.addf %add3A_3687, %mul3A_3688 : vector<32xbf16>
        %mul3A_3690 = arith.mulf %bitcast3A_3670, %pack3A_3620 : vector<32xbf16>
        %add3A_3691 = arith.addf %add3A_3357, %mul3A_3690 : vector<32xbf16>
        %mul3A_3692 = arith.mulf %bitcast3A_3681, %pack3A_3633 : vector<32xbf16>
        %add3A_3693 = arith.addf %add3A_3691, %mul3A_3692 : vector<32xbf16>
        %mul3A_3694 = arith.mulf %bitcast3A_3670, %pack3A_3646 : vector<32xbf16>
        %add3A_3695 = arith.addf %add3A_3361, %mul3A_3694 : vector<32xbf16>
        %mul3A_3696 = arith.mulf %bitcast3A_3681, %pack3A_3659 : vector<32xbf16>
        %add3A_3697 = arith.addf %add3A_3695, %mul3A_3696 : vector<32xbf16>
        %mul3A_3698 = arith.constant 6 : i32
        %mul3A_3699 = arith.muli %add3A_3555, %mul3A_3698 : i32
        %add3A_3700 = arith.constant 1 : i32
        %add3A_3701 = arith.addi %mul3A_3699, %add3A_3700 : i32
        %mul3A_3702 = arith.constant 32 : i32
        %mul3A_3703 = arith.muli %add3A_3701, %mul3A_3702 : i32
        %add3A_3704 = arith.constant 0 : i32
        %add3A_3705 = arith.addi %mul3A_3703, %add3A_3704 : i32
        %get3A_3706 = arith.index_cast %add3A_3705 : i32 to index
        %get3A_3707 = tpu.vector_load %arg8[%get3A_3706] {strides = array<i32>} : memref<9600xf32, #tpu.memory_space<vmem>>, vector<16xf32>,
        %bitcast3A_3708 = vector.bitcast %get3A_3707 : vector<16xf32> to vector<32xbf16>
        %mul3A_3709 = arith.constant 6 : i32
        %mul3A_3710 = arith.muli %add3A_3555, %mul3A_3709 : i32
        %add3A_3711 = arith.constant 1 : i32
        %add3A_3712 = arith.addi %mul3A_3710, %add3A_3711 : i32
        %mul3A_3713 = arith.constant 32 : i32
        %mul3A_3714 = arith.muli %add3A_3712, %mul3A_3713 : i32
        %add3A_3715 = arith.constant 16 : i32
        %add3A_3716 = arith.addi %mul3A_3714, %add3A_3715 : i32
        %get3A_3717 = arith.index_cast %add3A_3716 : i32 to index
        %get3A_3718 = tpu.vector_load %arg8[%get3A_3717] {strides = array<i32>} : memref<9600xf32, #tpu.memory_space<vmem>>, vector<16xf32>,
        %bitcast3A_3719 = vector.bitcast %get3A_3718 : vector<16xf32> to vector<32xbf16>
        %mul3A_3720 = arith.mulf %bitcast3A_3708, %pack3A_3568 : vector<32xbf16>
        %add3A_3721 = arith.addf %add3A_3387, %mul3A_3720 : vector<32xbf16>
        %mul3A_3722 = arith.mulf %bitcast3A_3719, %pack3A_3581 : vector<32xbf16>
        %add3A_3723 = arith.addf %add3A_3721, %mul3A_3722 : vector<32xbf16>
        %mul3A_3724 = arith.mulf %bitcast3A_3708, %pack3A_3594 : vector<32xbf16>
        %add3A_3725 = arith.addf %add3A_3391, %mul3A_3724 : vector<32xbf16>
        %mul3A_3726 = arith.mulf %bitcast3A_3719, %pack3A_3607 : vector<32xbf16>
        %add3A_3727 = arith.addf %add3A_3725, %mul3A_3726 : vector<32xbf16>
        %mul3A_3728 = arith.mulf %bitcast3A_3708, %pack3A_3620 : vector<32xbf16>
        %add3A_3729 = arith.addf %add3A_3395, %mul3A_3728 : vector<32xbf16>
        %mul3A_3730 = arith.mulf %bitcast3A_3719, %pack3A_3633 : vector<32xbf16>
        %add3A_3731 = arith.addf %add3A_3729, %mul3A_3730 : vector<32xbf16>
        %mul3A_3732 = arith.mulf %bitcast3A_3708, %pack3A_3646 : vector<32xbf16>
        %add3A_3733 = arith.addf %add3A_3399, %mul3A_3732 : vector<32xbf16>
        %mul3A_3734 = arith.mulf %bitcast3A_3719, %pack3A_3659 : vector<32xbf16>
        %add3A_3735 = arith.addf %add3A_3733, %mul3A_3734 : vector<32xbf16>
        %mul3A_3736 = arith.constant 6 : i32
        %mul3A_3737 = arith.muli %add3A_3555, %mul3A_3736 : i32
        %add3A_3738 = arith.constant 2 : i32
        %add3A_3739 = arith.addi %mul3A_3737, %add3A_3738 : i32
        %mul3A_3740 = arith.constant 32 : i32
        %mul3A_3741 = arith.muli %add3A_3739, %mul3A_3740 : i32
        %add3A_3742 = arith.constant 0 : i32
        %add3A_3743 = arith.addi %mul3A_3741, %add3A_3742 : i32
        %get3A_3744 = arith.index_cast %add3A_3743 : i32 to index
        %get3A_3745 = tpu.vector_load %arg8[%get3A_3744] {strides = array<i32>} : memref<9600xf32, #tpu.memory_space<vmem>>, vector<16xf32>,
        %bitcast3A_3746 = vector.bitcast %get3A_3745 : vector<16xf32> to vector<32xbf16>
        %mul3A_3747 = arith.constant 6 : i32
        %mul3A_3748 = arith.muli %add3A_3555, %mul3A_3747 : i32
        %add3A_3749 = arith.constant 2 : i32
        %add3A_3750 = arith.addi %mul3A_3748, %add3A_3749 : i32
        %mul3A_3751 = arith.constant 32 : i32
        %mul3A_3752 = arith.muli %add3A_3750, %mul3A_3751 : i32
        %add3A_3753 = arith.constant 16 : i32
        %add3A_3754 = arith.addi %mul3A_3752, %add3A_3753 : i32
        %get3A_3755 = arith.index_cast %add3A_3754 : i32 to index
        %get3A_3756 = tpu.vector_load %arg8[%get3A_3755] {strides = array<i32>} : memref<9600xf32, #tpu.memory_space<vmem>>, vector<16xf32>,
        %bitcast3A_3757 = vector.bitcast %get3A_3756 : vector<16xf32> to vector<32xbf16>
        %mul3A_3758 = arith.mulf %bitcast3A_3746, %pack3A_3568 : vector<32xbf16>
        %add3A_3759 = arith.addf %add3A_3425, %mul3A_3758 : vector<32xbf16>
        %mul3A_3760 = arith.mulf %bitcast3A_3757, %pack3A_3581 : vector<32xbf16>
        %add3A_3761 = arith.addf %add3A_3759, %mul3A_3760 : vector<32xbf16>
        %mul3A_3762 = arith.mulf %bitcast3A_3746, %pack3A_3594 : vector<32xbf16>
        %add3A_3763 = arith.addf %add3A_3429, %mul3A_3762 : vector<32xbf16>
        %mul3A_3764 = arith.mulf %bitcast3A_3757, %pack3A_3607 : vector<32xbf16>
        %add3A_3765 = arith.addf %add3A_3763, %mul3A_3764 : vector<32xbf16>
        %mul3A_3766 = arith.mulf %bitcast3A_3746, %pack3A_3620 : vector<32xbf16>
        %add3A_3767 = arith.addf %add3A_3433, %mul3A_3766 : vector<32xbf16>
        %mul3A_3768 = arith.mulf %bitcast3A_3757, %pack3A_3633 : vector<32xbf16>
        %add3A_3769 = arith.addf %add3A_3767, %mul3A_3768 : vector<32xbf16>
        %mul3A_3770 = arith.mulf %bitcast3A_3746, %pack3A_3646 : vector<32xbf16>
        %add3A_3771 = arith.addf %add3A_3437, %mul3A_3770 : vector<32xbf16>
        %mul3A_3772 = arith.mulf %bitcast3A_3757, %pack3A_3659 : vector<32xbf16>
        %add3A_3773 = arith.addf %add3A_3771, %mul3A_3772 : vector<32xbf16>
        %mul3A_3774 = arith.constant 6 : i32
        %mul3A_3775 = arith.muli %add3A_3555, %mul3A_3774 : i32
        %add3A_3776 = arith.constant 3 : i32
        %add3A_3777 = arith.addi %mul3A_3775, %add3A_3776 : i32
        %mul3A_3778 = arith.constant 32 : i32
        %mul3A_3779 = arith.muli %add3A_3777, %mul3A_3778 : i32
        %add3A_3780 = arith.constant 0 : i32
        %add3A_3781 = arith.addi %mul3A_3779, %add3A_3780 : i32
        %get3A_3782 = arith.index_cast %add3A_3781 : i32 to index
        %get3A_3783 = tpu.vector_load %arg8[%get3A_3782] {strides = array<i32>} : memref<9600xf32, #tpu.memory_space<vmem>>, vector<16xf32>,
        %bitcast3A_3784 = vector.bitcast %get3A_3783 : vector<16xf32> to vector<32xbf16>
        %mul3A_3785 = arith.constant 6 : i32
        %mul3A_3786 = arith.muli %add3A_3555, %mul3A_3785 : i32
        %add3A_3787 = arith.constant 3 : i32
        %add3A_3788 = arith.addi %mul3A_3786, %add3A_3787 : i32
        %mul3A_3789 = arith.constant 32 : i32
        %mul3A_3790 = arith.muli %add3A_3788, %mul3A_3789 : i32
        %add3A_3791 = arith.constant 16 : i32
        %add3A_3792 = arith.addi %mul3A_3790, %add3A_3791 : i32
        %get3A_3793 = arith.index_cast %add3A_3792 : i32 to index
        %get3A_3794 = tpu.vector_load %arg8[%get3A_3793] {strides = array<i32>} : memref<9600xf32, #tpu.memory_space<vmem>>, vector<16xf32>,
        %bitcast3A_3795 = vector.bitcast %get3A_3794 : vector<16xf32> to vector<32xbf16>
        %mul3A_3796 = arith.mulf %bitcast3A_3784, %pack3A_3568 : vector<32xbf16>
        %add3A_3797 = arith.addf %add3A_3463, %mul3A_3796 : vector<32xbf16>
        %mul3A_3798 = arith.mulf %bitcast3A_3795, %pack3A_3581 : vector<32xbf16>
        %add3A_3799 = arith.addf %add3A_3797, %mul3A_3798 : vector<32xbf16>
        %mul3A_3800 = arith.mulf %bitcast3A_3784, %pack3A_3594 : vector<32xbf16>
        %add3A_3801 = arith.addf %add3A_3467, %mul3A_3800 : vector<32xbf16>
        %mul3A_3802 = arith.mulf %bitcast3A_3795, %pack3A_3607 : vector<32xbf16>
        %add3A_3803 = arith.addf %add3A_3801, %mul3A_3802 : vector<32xbf16>
        %mul3A_3804 = arith.mulf %bitcast3A_3784, %pack3A_3620 : vector<32xbf16>
        %add3A_3805 = arith.addf %add3A_3471, %mul3A_3804 : vector<32xbf16>
        %mul3A_3806 = arith.mulf %bitcast3A_3795, %pack3A_3633 : vector<32xbf16>
        %add3A_3807 = arith.addf %add3A_3805, %mul3A_3806 : vector<32xbf16>
        %mul3A_3808 = arith.mulf %bitcast3A_3784, %pack3A_3646 : vector<32xbf16>
        %add3A_3809 = arith.addf %add3A_3475, %mul3A_3808 : vector<32xbf16>
        %mul3A_3810 = arith.mulf %bitcast3A_3795, %pack3A_3659 : vector<32xbf16>
        %add3A_3811 = arith.addf %add3A_3809, %mul3A_3810 : vector<32xbf16>
        %mul3A_3812 = arith.constant 6 : i32
        %mul3A_3813 = arith.muli %add3A_3555, %mul3A_3812 : i32
        %add3A_3814 = arith.constant 4 : i32
        %add3A_3815 = arith.addi %mul3A_3813, %add3A_3814 : i32
        %mul3A_3816 = arith.constant 32 : i32
        %mul3A_3817 = arith.muli %add3A_3815, %mul3A_3816 : i32
        %add3A_3818 = arith.constant 0 : i32
        %add3A_3819 = arith.addi %mul3A_3817, %add3A_3818 : i32
        %get3A_3820 = arith.index_cast %add3A_3819 : i32 to index
        %get3A_3821 = tpu.vector_load %arg8[%get3A_3820] {strides = array<i32>} : memref<9600xf32, #tpu.memory_space<vmem>>, vector<16xf32>,
        %bitcast3A_3822 = vector.bitcast %get3A_3821 : vector<16xf32> to vector<32xbf16>
        %mul3A_3823 = arith.constant 6 : i32
        %mul3A_3824 = arith.muli %add3A_3555, %mul3A_3823 : i32
        %add3A_3825 = arith.constant 4 : i32
        %add3A_3826 = arith.addi %mul3A_3824, %add3A_3825 : i32
        %mul3A_3827 = arith.constant 32 : i32
        %mul3A_3828 = arith.muli %add3A_3826, %mul3A_3827 : i32
        %add3A_3829 = arith.constant 16 : i32
        %add3A_3830 = arith.addi %mul3A_3828, %add3A_3829 : i32
        %get3A_3831 = arith.index_cast %add3A_3830 : i32 to index
        %get3A_3832 = tpu.vector_load %arg8[%get3A_3831] {strides = array<i32>} : memref<9600xf32, #tpu.memory_space<vmem>>, vector<16xf32>,
        %bitcast3A_3833 = vector.bitcast %get3A_3832 : vector<16xf32> to vector<32xbf16>
        %mul3A_3834 = arith.mulf %bitcast3A_3822, %pack3A_3568 : vector<32xbf16>
        %add3A_3835 = arith.addf %add3A_3501, %mul3A_3834 : vector<32xbf16>
        %mul3A_3836 = arith.mulf %bitcast3A_3833, %pack3A_3581 : vector<32xbf16>
        %add3A_3837 = arith.addf %add3A_3835, %mul3A_3836 : vector<32xbf16>
        %mul3A_3838 = arith.mulf %bitcast3A_3822, %pack3A_3594 : vector<32xbf16>
        %add3A_3839 = arith.addf %add3A_3505, %mul3A_3838 : vector<32xbf16>
        %mul3A_3840 = arith.mulf %bitcast3A_3833, %pack3A_3607 : vector<32xbf16>
        %add3A_3841 = arith.addf %add3A_3839, %mul3A_3840 : vector<32xbf16>
        %mul3A_3842 = arith.mulf %bitcast3A_3822, %pack3A_3620 : vector<32xbf16>
        %add3A_3843 = arith.addf %add3A_3509, %mul3A_3842 : vector<32xbf16>
        %mul3A_3844 = arith.mulf %bitcast3A_3833, %pack3A_3633 : vector<32xbf16>
        %add3A_3845 = arith.addf %add3A_3843, %mul3A_3844 : vector<32xbf16>
        %mul3A_3846 = arith.mulf %bitcast3A_3822, %pack3A_3646 : vector<32xbf16>
        %add3A_3847 = arith.addf %add3A_3513, %mul3A_3846 : vector<32xbf16>
        %mul3A_3848 = arith.mulf %bitcast3A_3833, %pack3A_3659 : vector<32xbf16>
        %add3A_3849 = arith.addf %add3A_3847, %mul3A_3848 : vector<32xbf16>
        %mul3A_3850 = arith.constant 6 : i32
        %mul3A_3851 = arith.muli %add3A_3555, %mul3A_3850 : i32
        %add3A_3852 = arith.constant 5 : i32
        %add3A_3853 = arith.addi %mul3A_3851, %add3A_3852 : i32
        %mul3A_3854 = arith.constant 32 : i32
        %mul3A_3855 = arith.muli %add3A_3853, %mul3A_3854 : i32
        %add3A_3856 = arith.constant 0 : i32
        %add3A_3857 = arith.addi %mul3A_3855, %add3A_3856 : i32
        %get3A_3858 = arith.index_cast %add3A_3857 : i32 to index
        %get3A_3859 = tpu.vector_load %arg8[%get3A_3858] {strides = array<i32>} : memref<9600xf32, #tpu.memory_space<vmem>>, vector<16xf32>,
        %bitcast3A_3860 = vector.bitcast %get3A_3859 : vector<16xf32> to vector<32xbf16>
        %mul3A_3861 = arith.constant 6 : i32
        %mul3A_3862 = arith.muli %add3A_3555, %mul3A_3861 : i32
        %add3A_3863 = arith.constant 5 : i32
        %add3A_3864 = arith.addi %mul3A_3862, %add3A_3863 : i32
        %mul3A_3865 = arith.constant 32 : i32
        %mul3A_3866 = arith.muli %add3A_3864, %mul3A_3865 : i32
        %add3A_3867 = arith.constant 16 : i32
        %add3A_3868 = arith.addi %mul3A_3866, %add3A_3867 : i32
        %get3A_3869 = arith.index_cast %add3A_3868 : i32 to index
        %get3A_3870 = tpu.vector_load %arg8[%get3A_3869] {strides = array<i32>} : memref<9600xf32, #tpu.memory_space<vmem>>, vector<16xf32>,
        %bitcast3A_3871 = vector.bitcast %get3A_3870 : vector<16xf32> to vector<32xbf16>
        %mul3A_3872 = arith.mulf %bitcast3A_3860, %pack3A_3568 : vector<32xbf16>
        %add3A_3873 = arith.addf %add3A_3539, %mul3A_3872 : vector<32xbf16>
        %mul3A_3874 = arith.mulf %bitcast3A_3871, %pack3A_3581 : vector<32xbf16>
        %add3A_3875 = arith.addf %add3A_3873, %mul3A_3874 : vector<32xbf16>
        %mul3A_3876 = arith.mulf %bitcast3A_3860, %pack3A_3594 : vector<32xbf16>
        %add3A_3877 = arith.addf %add3A_3543, %mul3A_3876 : vector<32xbf16>
        %mul3A_3878 = arith.mulf %bitcast3A_3871, %pack3A_3607 : vector<32xbf16>
        %add3A_3879 = arith.addf %add3A_3877, %mul3A_3878 : vector<32xbf16>
        %mul3A_3880 = arith.mulf %bitcast3A_3860, %pack3A_3620 : vector<32xbf16>
        %add3A_3881 = arith.addf %add3A_3547, %mul3A_3880 : vector<32xbf16>
        %mul3A_3882 = arith.mulf %bitcast3A_3871, %pack3A_3633 : vector<32xbf16>
        %add3A_3883 = arith.addf %add3A_3881, %mul3A_3882 : vector<32xbf16>
        %mul3A_3884 = arith.mulf %bitcast3A_3860, %pack3A_3646 : vector<32xbf16>
        %add3A_3885 = arith.addf %add3A_3551, %mul3A_3884 : vector<32xbf16>
        %mul3A_3886 = arith.mulf %bitcast3A_3871, %pack3A_3659 : vector<32xbf16>
        %add3A_3887 = arith.addf %add3A_3885, %mul3A_3886 : vector<32xbf16>
        %unpack3A = tpu.unpack_subelements %add3A_3685, 0 {pack_format = #tpu.pack_format<interleaved>} : vector<32xbf16> -> vector<16xf32>
        %unpack3A_3888 = tpu.unpack_subelements %add3A_3685, 1 {pack_format = #tpu.pack_format<interleaved>} : vector<32xbf16> -> vector<16xf32>
        %add3A_3889 = arith.addf %unpack3A, %unpack3A_3888 : vector<16xf32>
        %add3A_3890 = arith.addf %scan3A_458, %add3A_3889 : vector<16xf32>
        %unpack3A_3891 = tpu.unpack_subelements %add3A_3723, 0 {pack_format = #tpu.pack_format<interleaved>} : vector<32xbf16> -> vector<16xf32>
        %unpack3A_3892 = tpu.unpack_subelements %add3A_3723, 1 {pack_format = #tpu.pack_format<interleaved>} : vector<32xbf16> -> vector<16xf32>
        %add3A_3893 = arith.addf %unpack3A_3891, %unpack3A_3892 : vector<16xf32>
        %add3A_3894 = arith.addf %scan3A_459, %add3A_3893 : vector<16xf32>
        %unpack3A_3895 = tpu.unpack_subelements %add3A_3761, 0 {pack_format = #tpu.pack_format<interleaved>} : vector<32xbf16> -> vector<16xf32>
        %unpack3A_3896 = tpu.unpack_subelements %add3A_3761, 1 {pack_format = #tpu.pack_format<interleaved>} : vector<32xbf16> -> vector<16xf32>
        %add3A_3897 = arith.addf %unpack3A_3895, %unpack3A_3896 : vector<16xf32>
        %add3A_3898 = arith.addf %scan3A_460, %add3A_3897 : vector<16xf32>
        %unpack3A_3899 = tpu.unpack_subelements %add3A_3799, 0 {pack_format = #tpu.pack_format<interleaved>} : vector<32xbf16> -> vector<16xf32>
        %unpack3A_3900 = tpu.unpack_subelements %add3A_3799, 1 {pack_format = #tpu.pack_format<interleaved>} : vector<32xbf16> -> vector<16xf32>
        %add3A_3901 = arith.addf %unpack3A_3899, %unpack3A_3900 : vector<16xf32>
        %add3A_3902 = arith.addf %scan3A_461, %add3A_3901 : vector<16xf32>
        %unpack3A_3903 = tpu.unpack_subelements %add3A_3837, 0 {pack_format = #tpu.pack_format<interleaved>} : vector<32xbf16> -> vector<16xf32>
        %unpack3A_3904 = tpu.unpack_subelements %add3A_3837, 1 {pack_format = #tpu.pack_format<interleaved>} : vector<32xbf16> -> vector<16xf32>
        %add3A_3905 = arith.addf %unpack3A_3903, %unpack3A_3904 : vector<16xf32>
        %add3A_3906 = arith.addf %scan3A_462, %add3A_3905 : vector<16xf32>
        %unpack3A_3907 = tpu.unpack_subelements %add3A_3875, 0 {pack_format = #tpu.pack_format<interleaved>} : vector<32xbf16> -> vector<16xf32>
        %unpack3A_3908 = tpu.unpack_subelements %add3A_3875, 1 {pack_format = #tpu.pack_format<interleaved>} : vector<32xbf16> -> vector<16xf32>
        %add3A_3909 = arith.addf %unpack3A_3907, %unpack3A_3908 : vector<16xf32>
        %add3A_3910 = arith.addf %scan3A_463, %add3A_3909 : vector<16xf32>
        %unpack3A_3911 = tpu.unpack_subelements %add3A_3689, 0 {pack_format = #tpu.pack_format<interleaved>} : vector<32xbf16> -> vector<16xf32>
        %unpack3A_3912 = tpu.unpack_subelements %add3A_3689, 1 {pack_format = #tpu.pack_format<interleaved>} : vector<32xbf16> -> vector<16xf32>
        %add3A_3913 = arith.addf %unpack3A_3911, %unpack3A_3912 : vector<16xf32>
        %add3A_3914 = arith.addf %scan3A_464, %add3A_3913 : vector<16xf32>
        %unpack3A_3915 = tpu.unpack_subelements %add3A_3727, 0 {pack_format = #tpu.pack_format<interleaved>} : vector<32xbf16> -> vector<16xf32>
        %unpack3A_3916 = tpu.unpack_subelements %add3A_3727, 1 {pack_format = #tpu.pack_format<interleaved>} : vector<32xbf16> -> vector<16xf32>
        %add3A_3917 = arith.addf %unpack3A_3915, %unpack3A_3916 : vector<16xf32>
        %add3A_3918 = arith.addf %scan3A_465, %add3A_3917 : vector<16xf32>
        %unpack3A_3919 = tpu.unpack_subelements %add3A_3765, 0 {pack_format = #tpu.pack_format<interleaved>} : vector<32xbf16> -> vector<16xf32>
        %unpack3A_3920 = tpu.unpack_subelements %add3A_3765, 1 {pack_format = #tpu.pack_format<interleaved>} : vector<32xbf16> -> vector<16xf32>
        %add3A_3921 = arith.addf %unpack3A_3919, %unpack3A_3920 : vector<16xf32>
        %add3A_3922 = arith.addf %scan3A_466, %add3A_3921 : vector<16xf32>
        %unpack3A_3923 = tpu.unpack_subelements %add3A_3803, 0 {pack_format = #tpu.pack_format<interleaved>} : vector<32xbf16> -> vector<16xf32>
        %unpack3A_3924 = tpu.unpack_subelements %add3A_3803, 1 {pack_format = #tpu.pack_format<interleaved>} : vector<32xbf16> -> vector<16xf32>
        %add3A_3925 = arith.addf %unpack3A_3923, %unpack3A_3924 : vector<16xf32>
        %add3A_3926 = arith.addf %scan3A_467, %add3A_3925 : vector<16xf32>
        %unpack3A_3927 = tpu.unpack_subelements %add3A_3841, 0 {pack_format = #tpu.pack_format<interleaved>} : vector<32xbf16> -> vector<16xf32>
        %unpack3A_3928 = tpu.unpack_subelements %add3A_3841, 1 {pack_format = #tpu.pack_format<interleaved>} : vector<32xbf16> -> vector<16xf32>
        %add3A_3929 = arith.addf %unpack3A_3927, %unpack3A_3928 : vector<16xf32>
        %add3A_3930 = arith.addf %scan3A_468, %add3A_3929 : vector<16xf32>
        %unpack3A_3931 = tpu.unpack_subelements %add3A_3879, 0 {pack_format = #tpu.pack_format<interleaved>} : vector<32xbf16> -> vector<16xf32>
        %unpack3A_3932 = tpu.unpack_subelements %add3A_3879, 1 {pack_format = #tpu.pack_format<interleaved>} : vector<32xbf16> -> vector<16xf32>
        %add3A_3933 = arith.addf %unpack3A_3931, %unpack3A_3932 : vector<16xf32>
        %add3A_3934 = arith.addf %scan3A_469, %add3A_3933 : vector<16xf32>
        %unpack3A_3935 = tpu.unpack_subelements %add3A_3693, 0 {pack_format = #tpu.pack_format<interleaved>} : vector<32xbf16> -> vector<16xf32>
        %unpack3A_3936 = tpu.unpack_subelements %add3A_3693, 1 {pack_format = #tpu.pack_format<interleaved>} : vector<32xbf16> -> vector<16xf32>
        %add3A_3937 = arith.addf %unpack3A_3935, %unpack3A_3936 : vector<16xf32>
        %add3A_3938 = arith.addf %scan3A_470, %add3A_3937 : vector<16xf32>
        %unpack3A_3939 = tpu.unpack_subelements %add3A_3731, 0 {pack_format = #tpu.pack_format<interleaved>} : vector<32xbf16> -> vector<16xf32>
        %unpack3A_3940 = tpu.unpack_subelements %add3A_3731, 1 {pack_format = #tpu.pack_format<interleaved>} : vector<32xbf16> -> vector<16xf32>
        %add3A_3941 = arith.addf %unpack3A_3939, %unpack3A_3940 : vector<16xf32>
        %add3A_3942 = arith.addf %scan3A_471, %add3A_3941 : vector<16xf32>
        %unpack3A_3943 = tpu.unpack_subelements %add3A_3769, 0 {pack_format = #tpu.pack_format<interleaved>} : vector<32xbf16> -> vector<16xf32>
        %unpack3A_3944 = tpu.unpack_subelements %add3A_3769, 1 {pack_format = #tpu.pack_format<interleaved>} : vector<32xbf16> -> vector<16xf32>
        %add3A_3945 = arith.addf %unpack3A_3943, %unpack3A_3944 : vector<16xf32>
        %add3A_3946 = arith.addf %scan3A_472, %add3A_3945 : vector<16xf32>
        %unpack3A_3947 = tpu.unpack_subelements %add3A_3807, 0 {pack_format = #tpu.pack_format<interleaved>} : vector<32xbf16> -> vector<16xf32>
        %unpack3A_3948 = tpu.unpack_subelements %add3A_3807, 1 {pack_format = #tpu.pack_format<interleaved>} : vector<32xbf16> -> vector<16xf32>
        %add3A_3949 = arith.addf %unpack3A_3947, %unpack3A_3948 : vector<16xf32>
        %add3A_3950 = arith.addf %scan3A_473, %add3A_3949 : vector<16xf32>
        %unpack3A_3951 = tpu.unpack_subelements %add3A_3845, 0 {pack_format = #tpu.pack_format<interleaved>} : vector<32xbf16> -> vector<16xf32>
        %unpack3A_3952 = tpu.unpack_subelements %add3A_3845, 1 {pack_format = #tpu.pack_format<interleaved>} : vector<32xbf16> -> vector<16xf32>
        %add3A_3953 = arith.addf %unpack3A_3951, %unpack3A_3952 : vector<16xf32>
        %add3A_3954 = arith.addf %scan3A_474, %add3A_3953 : vector<16xf32>
        %unpack3A_3955 = tpu.unpack_subelements %add3A_3883, 0 {pack_format = #tpu.pack_format<interleaved>} : vector<32xbf16> -> vector<16xf32>
        %unpack3A_3956 = tpu.unpack_subelements %add3A_3883, 1 {pack_format = #tpu.pack_format<interleaved>} : vector<32xbf16> -> vector<16xf32>
        %add3A_3957 = arith.addf %unpack3A_3955, %unpack3A_3956 : vector<16xf32>
        %add3A_3958 = arith.addf %scan3A_475, %add3A_3957 : vector<16xf32>
        %unpack3A_3959 = tpu.unpack_subelements %add3A_3697, 0 {pack_format = #tpu.pack_format<interleaved>} : vector<32xbf16> -> vector<16xf32>
        %unpack3A_3960 = tpu.unpack_subelements %add3A_3697, 1 {pack_format = #tpu.pack_format<interleaved>} : vector<32xbf16> -> vector<16xf32>
        %add3A_3961 = arith.addf %unpack3A_3959, %unpack3A_3960 : vector<16xf32>
        %add3A_3962 = arith.addf %scan3A_476, %add3A_3961 : vector<16xf32>
        %unpack3A_3963 = tpu.unpack_subelements %add3A_3735, 0 {pack_format = #tpu.pack_format<interleaved>} : vector<32xbf16> -> vector<16xf32>
        %unpack3A_3964 = tpu.unpack_subelements %add3A_3735, 1 {pack_format = #tpu.pack_format<interleaved>} : vector<32xbf16> -> vector<16xf32>
        %add3A_3965 = arith.addf %unpack3A_3963, %unpack3A_3964 : vector<16xf32>
        %add3A_3966 = arith.addf %scan3A_477, %add3A_3965 : vector<16xf32>
        %unpack3A_3967 = tpu.unpack_subelements %add3A_3773, 0 {pack_format = #tpu.pack_format<interleaved>} : vector<32xbf16> -> vector<16xf32>
        %unpack3A_3968 = tpu.unpack_subelements %add3A_3773, 1 {pack_format = #tpu.pack_format<interleaved>} : vector<32xbf16> -> vector<16xf32>
        %add3A_3969 = arith.addf %unpack3A_3967, %unpack3A_3968 : vector<16xf32>
        %add3A_3970 = arith.addf %scan3A_478, %add3A_3969 : vector<16xf32>
        %unpack3A_3971 = tpu.unpack_subelements %add3A_3811, 0 {pack_format = #tpu.pack_format<interleaved>} : vector<32xbf16> -> vector<16xf32>
        %unpack3A_3972 = tpu.unpack_subelements %add3A_3811, 1 {pack_format = #tpu.pack_format<interleaved>} : vector<32xbf16> -> vector<16xf32>
        %add3A_3973 = arith.addf %unpack3A_3971, %unpack3A_3972 : vector<16xf32>
        %add3A_3974 = arith.addf %scan3A_479, %add3A_3973 : vector<16xf32>
        %unpack3A_3975 = tpu.unpack_subelements %add3A_3849, 0 {pack_format = #tpu.pack_format<interleaved>} : vector<32xbf16> -> vector<16xf32>
        %unpack3A_3976 = tpu.unpack_subelements %add3A_3849, 1 {pack_format = #tpu.pack_format<interleaved>} : vector<32xbf16> -> vector<16xf32>
        %add3A_3977 = arith.addf %unpack3A_3975, %unpack3A_3976 : vector<16xf32>
        %add3A_3978 = arith.addf %scan3A_480, %add3A_3977 : vector<16xf32>
        %unpack3A_3979 = tpu.unpack_subelements %add3A_3887, 0 {pack_format = #tpu.pack_format<interleaved>} : vector<32xbf16> -> vector<16xf32>
        %unpack3A_3980 = tpu.unpack_subelements %add3A_3887, 1 {pack_format = #tpu.pack_format<interleaved>} : vector<32xbf16> -> vector<16xf32>
        %add3A_3981 = arith.addf %unpack3A_3979, %unpack3A_3980 : vector<16xf32>
        %add3A_3982 = arith.addf %scan3A_481, %add3A_3981 : vector<16xf32>
        scf.yield %add3A_3890, %add3A_3894, %add3A_3898, %add3A_3902, %add3A_3906, %add3A_3910, %add3A_3914, %add3A_3918, %add3A_3922, %add3A_3926, %add3A_3930, %add3A_3934, %add3A_3938, %add3A_3942, %add3A_3946, %add3A_3950, %add3A_3954, %add3A_3958, %add3A_3962, %add3A_3966, %add3A_3970, %add3A_3974, %add3A_3978, %add3A_3982 : vector<16xf32>, vector<16xf32>, vector<16xf32>, vector<16xf32>, vector<16xf32>, vector<16xf32>, vector<16xf32>, vector<16xf32>, vector<16xf32>, vector<16xf32>, vector<16xf32>, vector<16xf32>, vector<16xf32>, vector<16xf32>, vector<16xf32>, vector<16xf32>, vector<16xf32>, vector<16xf32>, vector<16xf32>, vector<16xf32>, vector<16xf32>, vector<16xf32>, vector<16xf32>, vector<16xf32>
      }
      %scan3A_214 = arith.constant 5 : i32
      %add3A_215 = arith.constant 2 : i32
      %add3A_216 = arith.addi %scan3A_151, %add3A_215 : i32
      %lt3A = arith.constant 32 : i32
      %lt3A_217 = arith.cmpi slt, %add3A_216, %lt3A : i32
      %eq3A_218 = arith.constant 0 : i32
      %eq3A_219 = arith.cmpi eq, %rem3A_152, %eq3A_218 : i32
      %and3A = arith.andi %lt3A_217, %eq3A_219 : i1
      %convert_element_type3A_220 = arith.extui %and3A : i1 to i32
      %cond3A_221 = arith.constant 0 : i32
      %cond3A_222 = arith.cmpi ne, %convert_element_type3A_220, %cond3A_221 : i32
      scf.if %cond3A_222 {
        %add3A_457 = arith.constant 2 : i32
        %add3A_458 = arith.addi %scan3A_151, %add3A_457 : i32
        %mul3A_459 = arith.constant 4 : i32
        %mul3A_460 = arith.muli %add3A_458, %mul3A_459 : i32
        %add3A_461 = arith.constant 0 : i32
        %add3A_462 = arith.addi %mul3A_460, %add3A_461 : i32
        %mul3A_463 = arith.constant 56 : i32
        %mul3A_464 = arith.muli %add3A_462, %mul3A_463 : i32
        %dma_start3A_465 = arith.constant 0 : i32
        %dma_start3A_466 = arith.constant 0 : i32
        %dma_start3A_467 = arith.constant 0 : i32
        %dma_start3A_468 = arith.constant 0 : i32
        %dma_start3A_469 = tpu.memref_slice %arg9[%dma_start3A_465, %dma_start3A_467, %dma_start3A_468] : memref<8x50x64xf32, #tpu.memory_space<vmem>> -> memref<1x50x64xf32, #tpu.memory_space<vmem>>
        %dma_start3A_470 = tpu.memref_squeeze %dma_start3A_469 : memref<1x50x64xf32, #tpu.memory_space<vmem>> -> memref<50x64xf32, #tpu.memory_space<vmem>>
        %dma_start3A_471 = tpu.memref_slice %arg7[%mul3A_464] : memref<7168xi32, #tpu.memory_space<vmem>> -> memref<50xi32, #tpu.memory_space<vmem>>
        %dma_start3A_472 = arith.constant 0 : i32
        %dma_start3A_473 = arith.constant 0 : i32
        %dma_start3A_474 = tpu.memref_slice %arg3[%dma_start3A_472, %dma_start3A_473] : memref<100000x64xf32, #tpu.memory_space<hbm>> -> memref<100000x64xf32, #tpu.memory_space<hbm>>
        %dma_start3A_475 = tpu.memref_slice %arg13[%dma_start3A_466] : memref<2x!tpu.dma_semaphore, #tpu.memory_space<semaphore_mem>> -> memref<1x!tpu.dma_semaphore, #tpu.memory_space<semaphore_mem>>
        %dma_start3A_476 = tpu.memref_squeeze %dma_start3A_475 : memref<1x!tpu.dma_semaphore, #tpu.memory_space<semaphore_mem>> -> memref<!tpu.dma_semaphore, #tpu.memory_space<semaphore_mem>>
        tpu.enqueue_indirect_dma source(%dma_start3A_474 : memref<100000x64xf32, #tpu.memory_space<hbm>>) target(%dma_start3A_470 : memref<50x64xf32, #tpu.memory_space<vmem>>) offsets(%dma_start3A_471 : memref<50xi32, #tpu.memory_space<vmem>>) semaphore(%dma_start3A_476 : memref<!tpu.dma_semaphore, #tpu.memory_space<semaphore_mem>>)
        %mul3A_477 = arith.constant 4 : i32
        %mul3A_478 = arith.muli %add3A_458, %mul3A_477 : i32
        %add3A_479 = arith.constant 1 : i32
        %add3A_480 = arith.addi %mul3A_478, %add3A_479 : i32
        %mul3A_481 = arith.constant 56 : i32
        %mul3A_482 = arith.muli %add3A_480, %mul3A_481 : i32
        %dma_start3A_483 = arith.constant 1 : i32
        %dma_start3A_484 = arith.constant 0 : i32
        %dma_start3A_485 = arith.constant 0 : i32
        %dma_start3A_486 = arith.constant 0 : i32
        %dma_start3A_487 = tpu.memref_slice %arg9[%dma_start3A_483, %dma_start3A_485, %dma_start3A_486] : memref<8x50x64xf32, #tpu.memory_space<vmem>> -> memref<1x50x64xf32, #tpu.memory_space<vmem>>
        %dma_start3A_488 = tpu.memref_squeeze %dma_start3A_487 : memref<1x50x64xf32, #tpu.memory_space<vmem>> -> memref<50x64xf32, #tpu.memory_space<vmem>>
        %dma_start3A_489 = tpu.memref_slice %arg7[%mul3A_482] : memref<7168xi32, #tpu.memory_space<vmem>> -> memref<50xi32, #tpu.memory_space<vmem>>
        %dma_start3A_490 = arith.constant 0 : i32
        %dma_start3A_491 = arith.constant 0 : i32
        %dma_start3A_492 = tpu.memref_slice %arg3[%dma_start3A_490, %dma_start3A_491] : memref<100000x64xf32, #tpu.memory_space<hbm>> -> memref<100000x64xf32, #tpu.memory_space<hbm>>
        %dma_start3A_493 = tpu.memref_slice %arg13[%dma_start3A_484] : memref<2x!tpu.dma_semaphore, #tpu.memory_space<semaphore_mem>> -> memref<1x!tpu.dma_semaphore, #tpu.memory_space<semaphore_mem>>
        %dma_start3A_494 = tpu.memref_squeeze %dma_start3A_493 : memref<1x!tpu.dma_semaphore, #tpu.memory_space<semaphore_mem>> -> memref<!tpu.dma_semaphore, #tpu.memory_space<semaphore_mem>>
        tpu.enqueue_indirect_dma source(%dma_start3A_492 : memref<100000x64xf32, #tpu.memory_space<hbm>>) target(%dma_start3A_488 : memref<50x64xf32, #tpu.memory_space<vmem>>) offsets(%dma_start3A_489 : memref<50xi32, #tpu.memory_space<vmem>>) semaphore(%dma_start3A_494 : memref<!tpu.dma_semaphore, #tpu.memory_space<semaphore_mem>>)
        %mul3A_495 = arith.constant 4 : i32
        %mul3A_496 = arith.muli %add3A_458, %mul3A_495 : i32
        %add3A_497 = arith.constant 2 : i32
        %add3A_498 = arith.addi %mul3A_496, %add3A_497 : i32
        %mul3A_499 = arith.constant 56 : i32
        %mul3A_500 = arith.muli %add3A_498, %mul3A_499 : i32
        %dma_start3A_501 = arith.constant 2 : i32
        %dma_start3A_502 = arith.constant 0 : i32
        %dma_start3A_503 = arith.constant 0 : i32
        %dma_start3A_504 = arith.constant 0 : i32
        %dma_start3A_505 = tpu.memref_slice %arg9[%dma_start3A_501, %dma_start3A_503, %dma_start3A_504] : memref<8x50x64xf32, #tpu.memory_space<vmem>> -> memref<1x50x64xf32, #tpu.memory_space<vmem>>
        %dma_start3A_506 = tpu.memref_squeeze %dma_start3A_505 : memref<1x50x64xf32, #tpu.memory_space<vmem>> -> memref<50x64xf32, #tpu.memory_space<vmem>>
        %dma_start3A_507 = tpu.memref_slice %arg7[%mul3A_500] : memref<7168xi32, #tpu.memory_space<vmem>> -> memref<50xi32, #tpu.memory_space<vmem>>
        %dma_start3A_508 = arith.constant 0 : i32
        %dma_start3A_509 = arith.constant 0 : i32
        %dma_start3A_510 = tpu.memref_slice %arg3[%dma_start3A_508, %dma_start3A_509] : memref<100000x64xf32, #tpu.memory_space<hbm>> -> memref<100000x64xf32, #tpu.memory_space<hbm>>
        %dma_start3A_511 = tpu.memref_slice %arg13[%dma_start3A_502] : memref<2x!tpu.dma_semaphore, #tpu.memory_space<semaphore_mem>> -> memref<1x!tpu.dma_semaphore, #tpu.memory_space<semaphore_mem>>
        %dma_start3A_512 = tpu.memref_squeeze %dma_start3A_511 : memref<1x!tpu.dma_semaphore, #tpu.memory_space<semaphore_mem>> -> memref<!tpu.dma_semaphore, #tpu.memory_space<semaphore_mem>>
        tpu.enqueue_indirect_dma source(%dma_start3A_510 : memref<100000x64xf32, #tpu.memory_space<hbm>>) target(%dma_start3A_506 : memref<50x64xf32, #tpu.memory_space<vmem>>) offsets(%dma_start3A_507 : memref<50xi32, #tpu.memory_space<vmem>>) semaphore(%dma_start3A_512 : memref<!tpu.dma_semaphore, #tpu.memory_space<semaphore_mem>>)
        %mul3A_513 = arith.constant 4 : i32
        %mul3A_514 = arith.muli %add3A_458, %mul3A_513 : i32
        %add3A_515 = arith.constant 3 : i32
        %add3A_516 = arith.addi %mul3A_514, %add3A_515 : i32
        %mul3A_517 = arith.constant 56 : i32
        %mul3A_518 = arith.muli %add3A_516, %mul3A_517 : i32
        %dma_start3A_519 = arith.constant 3 : i32
        %dma_start3A_520 = arith.constant 0 : i32
        %dma_start3A_521 = arith.constant 0 : i32
        %dma_start3A_522 = arith.constant 0 : i32
        %dma_start3A_523 = tpu.memref_slice %arg9[%dma_start3A_519, %dma_start3A_521, %dma_start3A_522] : memref<8x50x64xf32, #tpu.memory_space<vmem>> -> memref<1x50x64xf32, #tpu.memory_space<vmem>>
        %dma_start3A_524 = tpu.memref_squeeze %dma_start3A_523 : memref<1x50x64xf32, #tpu.memory_space<vmem>> -> memref<50x64xf32, #tpu.memory_space<vmem>>
        %dma_start3A_525 = tpu.memref_slice %arg7[%mul3A_518] : memref<7168xi32, #tpu.memory_space<vmem>> -> memref<50xi32, #tpu.memory_space<vmem>>
        %dma_start3A_526 = arith.constant 0 : i32
        %dma_start3A_527 = arith.constant 0 : i32
        %dma_start3A_528 = tpu.memref_slice %arg3[%dma_start3A_526, %dma_start3A_527] : memref<100000x64xf32, #tpu.memory_space<hbm>> -> memref<100000x64xf32, #tpu.memory_space<hbm>>
        %dma_start3A_529 = tpu.memref_slice %arg13[%dma_start3A_520] : memref<2x!tpu.dma_semaphore, #tpu.memory_space<semaphore_mem>> -> memref<1x!tpu.dma_semaphore, #tpu.memory_space<semaphore_mem>>
        %dma_start3A_530 = tpu.memref_squeeze %dma_start3A_529 : memref<1x!tpu.dma_semaphore, #tpu.memory_space<semaphore_mem>> -> memref<!tpu.dma_semaphore, #tpu.memory_space<semaphore_mem>>
        tpu.enqueue_indirect_dma source(%dma_start3A_528 : memref<100000x64xf32, #tpu.memory_space<hbm>>) target(%dma_start3A_524 : memref<50x64xf32, #tpu.memory_space<vmem>>) offsets(%dma_start3A_525 : memref<50xi32, #tpu.memory_space<vmem>>) semaphore(%dma_start3A_530 : memref<!tpu.dma_semaphore, #tpu.memory_space<semaphore_mem>>)
      } else {
      }
      %add3A_223 = arith.constant 2 : i32
      %add3A_224 = arith.addi %scan3A_151, %add3A_223 : i32
      %lt3A_225 = arith.constant 32 : i32
      %lt3A_226 = arith.cmpi slt, %add3A_224, %lt3A_225 : i32
      %eq3A_227 = arith.constant 1 : i32
      %eq3A_228 = arith.cmpi eq, %rem3A_152, %eq3A_227 : i32
      %and3A_229 = arith.andi %lt3A_226, %eq3A_228 : i1
      %convert_element_type3A_230 = arith.extui %and3A_229 : i1 to i32
      %cond3A_231 = arith.constant 0 : i32
      %cond3A_232 = arith.cmpi ne, %convert_element_type3A_230, %cond3A_231 : i32
      scf.if %cond3A_232 {
        %add3A_457 = arith.constant 2 : i32
        %add3A_458 = arith.addi %scan3A_151, %add3A_457 : i32
        %mul3A_459 = arith.constant 4 : i32
        %mul3A_460 = arith.muli %add3A_458, %mul3A_459 : i32
        %add3A_461 = arith.constant 0 : i32
        %add3A_462 = arith.addi %mul3A_460, %add3A_461 : i32
        %mul3A_463 = arith.constant 56 : i32
        %mul3A_464 = arith.muli %add3A_462, %mul3A_463 : i32
        %dma_start3A_465 = arith.constant 4 : i32
        %dma_start3A_466 = arith.constant 1 : i32
        %dma_start3A_467 = arith.constant 0 : i32
        %dma_start3A_468 = arith.constant 0 : i32
        %dma_start3A_469 = tpu.memref_slice %arg9[%dma_start3A_465, %dma_start3A_467, %dma_start3A_468] : memref<8x50x64xf32, #tpu.memory_space<vmem>> -> memref<1x50x64xf32, #tpu.memory_space<vmem>>
        %dma_start3A_470 = tpu.memref_squeeze %dma_start3A_469 : memref<1x50x64xf32, #tpu.memory_space<vmem>> -> memref<50x64xf32, #tpu.memory_space<vmem>>
        %dma_start3A_471 = tpu.memref_slice %arg7[%mul3A_464] : memref<7168xi32, #tpu.memory_space<vmem>> -> memref<50xi32, #tpu.memory_space<vmem>>
        %dma_start3A_472 = arith.constant 0 : i32
        %dma_start3A_473 = arith.constant 0 : i32
        %dma_start3A_474 = tpu.memref_slice %arg3[%dma_start3A_472, %dma_start3A_473] : memref<100000x64xf32, #tpu.memory_space<hbm>> -> memref<100000x64xf32, #tpu.memory_space<hbm>>
        %dma_start3A_475 = tpu.memref_slice %arg13[%dma_start3A_466] : memref<2x!tpu.dma_semaphore, #tpu.memory_space<semaphore_mem>> -> memref<1x!tpu.dma_semaphore, #tpu.memory_space<semaphore_mem>>
        %dma_start3A_476 = tpu.memref_squeeze %dma_start3A_475 : memref<1x!tpu.dma_semaphore, #tpu.memory_space<semaphore_mem>> -> memref<!tpu.dma_semaphore, #tpu.memory_space<semaphore_mem>>
        tpu.enqueue_indirect_dma source(%dma_start3A_474 : memref<100000x64xf32, #tpu.memory_space<hbm>>) target(%dma_start3A_470 : memref<50x64xf32, #tpu.memory_space<vmem>>) offsets(%dma_start3A_471 : memref<50xi32, #tpu.memory_space<vmem>>) semaphore(%dma_start3A_476 : memref<!tpu.dma_semaphore, #tpu.memory_space<semaphore_mem>>)
        %mul3A_477 = arith.constant 4 : i32
        %mul3A_478 = arith.muli %add3A_458, %mul3A_477 : i32
        %add3A_479 = arith.constant 1 : i32
        %add3A_480 = arith.addi %mul3A_478, %add3A_479 : i32
        %mul3A_481 = arith.constant 56 : i32
        %mul3A_482 = arith.muli %add3A_480, %mul3A_481 : i32
        %dma_start3A_483 = arith.constant 5 : i32
        %dma_start3A_484 = arith.constant 1 : i32
        %dma_start3A_485 = arith.constant 0 : i32
        %dma_start3A_486 = arith.constant 0 : i32
        %dma_start3A_487 = tpu.memref_slice %arg9[%dma_start3A_483, %dma_start3A_485, %dma_start3A_486] : memref<8x50x64xf32, #tpu.memory_space<vmem>> -> memref<1x50x64xf32, #tpu.memory_space<vmem>>
        %dma_start3A_488 = tpu.memref_squeeze %dma_start3A_487 : memref<1x50x64xf32, #tpu.memory_space<vmem>> -> memref<50x64xf32, #tpu.memory_space<vmem>>
        %dma_start3A_489 = tpu.memref_slice %arg7[%mul3A_482] : memref<7168xi32, #tpu.memory_space<vmem>> -> memref<50xi32, #tpu.memory_space<vmem>>
        %dma_start3A_490 = arith.constant 0 : i32
        %dma_start3A_491 = arith.constant 0 : i32
        %dma_start3A_492 = tpu.memref_slice %arg3[%dma_start3A_490, %dma_start3A_491] : memref<100000x64xf32, #tpu.memory_space<hbm>> -> memref<100000x64xf32, #tpu.memory_space<hbm>>
        %dma_start3A_493 = tpu.memref_slice %arg13[%dma_start3A_484] : memref<2x!tpu.dma_semaphore, #tpu.memory_space<semaphore_mem>> -> memref<1x!tpu.dma_semaphore, #tpu.memory_space<semaphore_mem>>
        %dma_start3A_494 = tpu.memref_squeeze %dma_start3A_493 : memref<1x!tpu.dma_semaphore, #tpu.memory_space<semaphore_mem>> -> memref<!tpu.dma_semaphore, #tpu.memory_space<semaphore_mem>>
        tpu.enqueue_indirect_dma source(%dma_start3A_492 : memref<100000x64xf32, #tpu.memory_space<hbm>>) target(%dma_start3A_488 : memref<50x64xf32, #tpu.memory_space<vmem>>) offsets(%dma_start3A_489 : memref<50xi32, #tpu.memory_space<vmem>>) semaphore(%dma_start3A_494 : memref<!tpu.dma_semaphore, #tpu.memory_space<semaphore_mem>>)
        %mul3A_495 = arith.constant 4 : i32
        %mul3A_496 = arith.muli %add3A_458, %mul3A_495 : i32
        %add3A_497 = arith.constant 2 : i32
        %add3A_498 = arith.addi %mul3A_496, %add3A_497 : i32
        %mul3A_499 = arith.constant 56 : i32
        %mul3A_500 = arith.muli %add3A_498, %mul3A_499 : i32
        %dma_start3A_501 = arith.constant 6 : i32
        %dma_start3A_502 = arith.constant 1 : i32
        %dma_start3A_503 = arith.constant 0 : i32
        %dma_start3A_504 = arith.constant 0 : i32
        %dma_start3A_505 = tpu.memref_slice %arg9[%dma_start3A_501, %dma_start3A_503, %dma_start3A_504] : memref<8x50x64xf32, #tpu.memory_space<vmem>> -> memref<1x50x64xf32, #tpu.memory_space<vmem>>
        %dma_start3A_506 = tpu.memref_squeeze %dma_start3A_505 : memref<1x50x64xf32, #tpu.memory_space<vmem>> -> memref<50x64xf32, #tpu.memory_space<vmem>>
        %dma_start3A_507 = tpu.memref_slice %arg7[%mul3A_500] : memref<7168xi32, #tpu.memory_space<vmem>> -> memref<50xi32, #tpu.memory_space<vmem>>
        %dma_start3A_508 = arith.constant 0 : i32
        %dma_start3A_509 = arith.constant 0 : i32
        %dma_start3A_510 = tpu.memref_slice %arg3[%dma_start3A_508, %dma_start3A_509] : memref<100000x64xf32, #tpu.memory_space<hbm>> -> memref<100000x64xf32, #tpu.memory_space<hbm>>
        %dma_start3A_511 = tpu.memref_slice %arg13[%dma_start3A_502] : memref<2x!tpu.dma_semaphore, #tpu.memory_space<semaphore_mem>> -> memref<1x!tpu.dma_semaphore, #tpu.memory_space<semaphore_mem>>
        %dma_start3A_512 = tpu.memref_squeeze %dma_start3A_511 : memref<1x!tpu.dma_semaphore, #tpu.memory_space<semaphore_mem>> -> memref<!tpu.dma_semaphore, #tpu.memory_space<semaphore_mem>>
        tpu.enqueue_indirect_dma source(%dma_start3A_510 : memref<100000x64xf32, #tpu.memory_space<hbm>>) target(%dma_start3A_506 : memref<50x64xf32, #tpu.memory_space<vmem>>) offsets(%dma_start3A_507 : memref<50xi32, #tpu.memory_space<vmem>>) semaphore(%dma_start3A_512 : memref<!tpu.dma_semaphore, #tpu.memory_space<semaphore_mem>>)
        %mul3A_513 = arith.constant 4 : i32
        %mul3A_514 = arith.muli %add3A_458, %mul3A_513 : i32
        %add3A_515 = arith.constant 3 : i32
        %add3A_516 = arith.addi %mul3A_514, %add3A_515 : i32
        %mul3A_517 = arith.constant 56 : i32
        %mul3A_518 = arith.muli %add3A_516, %mul3A_517 : i32
        %dma_start3A_519 = arith.constant 7 : i32
        %dma_start3A_520 = arith.constant 1 : i32
        %dma_start3A_521 = arith.constant 0 : i32
        %dma_start3A_522 = arith.constant 0 : i32
        %dma_start3A_523 = tpu.memref_slice %arg9[%dma_start3A_519, %dma_start3A_521, %dma_start3A_522] : memref<8x50x64xf32, #tpu.memory_space<vmem>> -> memref<1x50x64xf32, #tpu.memory_space<vmem>>
        %dma_start3A_524 = tpu.memref_squeeze %dma_start3A_523 : memref<1x50x64xf32, #tpu.memory_space<vmem>> -> memref<50x64xf32, #tpu.memory_space<vmem>>
        %dma_start3A_525 = tpu.memref_slice %arg7[%mul3A_518] : memref<7168xi32, #tpu.memory_space<vmem>> -> memref<50xi32, #tpu.memory_space<vmem>>
        %dma_start3A_526 = arith.constant 0 : i32
        %dma_start3A_527 = arith.constant 0 : i32
        %dma_start3A_528 = tpu.memref_slice %arg3[%dma_start3A_526, %dma_start3A_527] : memref<100000x64xf32, #tpu.memory_space<hbm>> -> memref<100000x64xf32, #tpu.memory_space<hbm>>
        %dma_start3A_529 = tpu.memref_slice %arg13[%dma_start3A_520] : memref<2x!tpu.dma_semaphore, #tpu.memory_space<semaphore_mem>> -> memref<1x!tpu.dma_semaphore, #tpu.memory_space<semaphore_mem>>
        %dma_start3A_530 = tpu.memref_squeeze %dma_start3A_529 : memref<1x!tpu.dma_semaphore, #tpu.memory_space<semaphore_mem>> -> memref<!tpu.dma_semaphore, #tpu.memory_space<semaphore_mem>>
        tpu.enqueue_indirect_dma source(%dma_start3A_528 : memref<100000x64xf32, #tpu.memory_space<hbm>>) target(%dma_start3A_524 : memref<50x64xf32, #tpu.memory_space<vmem>>) offsets(%dma_start3A_525 : memref<50xi32, #tpu.memory_space<vmem>>) semaphore(%dma_start3A_530 : memref<!tpu.dma_semaphore, #tpu.memory_space<semaphore_mem>>)
      } else {
      }
      %get3A = arith.constant 0 : index
      %get3A_233 = tpu.vector_load %arg11[%get3A] {strides = array<i32>} : memref<16xf32, #tpu.memory_space<vmem>>, vector<16xf32>,
      tpu.vector_store_idx %arg12[%add3A_10], %scan3A_213#0 : memref<256xf32, #tpu.memory_space<vmem>>[vector<16xi32>], vector<16xf32>,
      tpu.vector_store_idx %arg12[%add3A_16], %scan3A_213#1 : memref<256xf32, #tpu.memory_space<vmem>>[vector<16xi32>], vector<16xf32>,
      tpu.vector_store_idx %arg12[%add3A_22], %scan3A_213#2 : memref<256xf32, #tpu.memory_space<vmem>>[vector<16xi32>], vector<16xf32>,
      tpu.vector_store_idx %arg12[%add3A_28], %scan3A_213#3 : memref<256xf32, #tpu.memory_space<vmem>>[vector<16xi32>], vector<16xf32>,
      tpu.vector_store_idx %arg12[%add3A_34], %scan3A_213#4 : memref<256xf32, #tpu.memory_space<vmem>>[vector<16xi32>], vector<16xf32>,
      tpu.vector_store_idx %arg12[%add3A_40], %scan3A_213#5 : memref<256xf32, #tpu.memory_space<vmem>>[vector<16xi32>], vector<16xf32>,
      %get3A_234 = arith.constant 0 : index
      %get3A_235 = tpu.vector_load %arg12[%get3A_234] {strides = array<i32>} : memref<256xf32, #tpu.memory_space<vmem>>, vector<16xf32>,
      %add3A_236 = arith.addf %get3A_233, %get3A_235 : vector<16xf32>
      %get3A_237 = arith.constant 16 : index
      %get3A_238 = tpu.vector_load %arg12[%get3A_237] {strides = array<i32>} : memref<256xf32, #tpu.memory_space<vmem>>, vector<16xf32>,
      %add3A_239 = arith.addf %add3A_236, %get3A_238 : vector<16xf32>
      %get3A_240 = arith.constant 32 : index
      %get3A_241 = tpu.vector_load %arg12[%get3A_240] {strides = array<i32>} : memref<256xf32, #tpu.memory_space<vmem>>, vector<16xf32>,
      %add3A_242 = arith.addf %add3A_239, %get3A_241 : vector<16xf32>
      %get3A_243 = arith.constant 48 : index
      %get3A_244 = tpu.vector_load %arg12[%get3A_243] {strides = array<i32>} : memref<256xf32, #tpu.memory_space<vmem>>, vector<16xf32>,
      %add3A_245 = arith.addf %add3A_242, %get3A_244 : vector<16xf32>
      %get3A_246 = arith.constant 64 : index
      %get3A_247 = tpu.vector_load %arg12[%get3A_246] {strides = array<i32>} : memref<256xf32, #tpu.memory_space<vmem>>, vector<16xf32>,
      %add3A_248 = arith.addf %add3A_245, %get3A_247 : vector<16xf32>
      %get3A_249 = arith.constant 80 : index
      %get3A_250 = tpu.vector_load %arg12[%get3A_249] {strides = array<i32>} : memref<256xf32, #tpu.memory_space<vmem>>, vector<16xf32>,
      %add3A_251 = arith.addf %add3A_248, %get3A_250 : vector<16xf32>
      %get3A_252 = arith.constant 96 : index
      %get3A_253 = tpu.vector_load %arg12[%get3A_252] {strides = array<i32>} : memref<256xf32, #tpu.memory_space<vmem>>, vector<16xf32>,
      %add3A_254 = arith.addf %add3A_251, %get3A_253 : vector<16xf32>
      %get3A_255 = arith.constant 112 : index
      %get3A_256 = tpu.vector_load %arg12[%get3A_255] {strides = array<i32>} : memref<256xf32, #tpu.memory_space<vmem>>, vector<16xf32>,
      %add3A_257 = arith.addf %add3A_254, %get3A_256 : vector<16xf32>
      %get3A_258 = arith.constant 128 : index
      %get3A_259 = tpu.vector_load %arg12[%get3A_258] {strides = array<i32>} : memref<256xf32, #tpu.memory_space<vmem>>, vector<16xf32>,
      %add3A_260 = arith.addf %add3A_257, %get3A_259 : vector<16xf32>
      %get3A_261 = arith.constant 144 : index
      %get3A_262 = tpu.vector_load %arg12[%get3A_261] {strides = array<i32>} : memref<256xf32, #tpu.memory_space<vmem>>, vector<16xf32>,
      %add3A_263 = arith.addf %add3A_260, %get3A_262 : vector<16xf32>
      %get3A_264 = arith.constant 160 : index
      %get3A_265 = tpu.vector_load %arg12[%get3A_264] {strides = array<i32>} : memref<256xf32, #tpu.memory_space<vmem>>, vector<16xf32>,
      %add3A_266 = arith.addf %add3A_263, %get3A_265 : vector<16xf32>
      %get3A_267 = arith.constant 176 : index
      %get3A_268 = tpu.vector_load %arg12[%get3A_267] {strides = array<i32>} : memref<256xf32, #tpu.memory_space<vmem>>, vector<16xf32>,
      %add3A_269 = arith.addf %add3A_266, %get3A_268 : vector<16xf32>
      %get3A_270 = arith.constant 192 : index
      %get3A_271 = tpu.vector_load %arg12[%get3A_270] {strides = array<i32>} : memref<256xf32, #tpu.memory_space<vmem>>, vector<16xf32>,
      %add3A_272 = arith.addf %add3A_269, %get3A_271 : vector<16xf32>
      %get3A_273 = arith.constant 208 : index
      %get3A_274 = tpu.vector_load %arg12[%get3A_273] {strides = array<i32>} : memref<256xf32, #tpu.memory_space<vmem>>, vector<16xf32>,
      %add3A_275 = arith.addf %add3A_272, %get3A_274 : vector<16xf32>
      %get3A_276 = arith.constant 224 : index
      %get3A_277 = tpu.vector_load %arg12[%get3A_276] {strides = array<i32>} : memref<256xf32, #tpu.memory_space<vmem>>, vector<16xf32>,
      %add3A_278 = arith.addf %add3A_275, %get3A_277 : vector<16xf32>
      %get3A_279 = arith.constant 240 : index
      %get3A_280 = tpu.vector_load %arg12[%get3A_279] {strides = array<i32>} : memref<256xf32, #tpu.memory_space<vmem>>, vector<16xf32>,
      %add3A_281 = arith.addf %add3A_278, %get3A_280 : vector<16xf32>
      %mul3A_282 = arith.constant 4 : i32
      %mul3A_283 = arith.muli %scan3A_151, %mul3A_282 : i32
      %add3A_284 = arith.constant 0 : i32
      %add3A_285 = arith.addi %mul3A_283, %add3A_284 : i32
      %mul3A_286 = arith.constant 16 : i32
      %mul3A_287 = arith.muli %add3A_285, %mul3A_286 : i32
      %swap3A = arith.index_cast %mul3A_287 : i32 to index
      %swap3A_288 = tpu.vector_load %arg10[%swap3A] {strides = array<i32>} : memref<2048xf32, #tpu.memory_space<vmem>>, vector<16xf32>,
      tpu.vector_store %arg10[%swap3A], %add3A_281 {strides = array<i32>} : memref<2048xf32, #tpu.memory_space<vmem>>, vector<16xf32>,
      tpu.vector_store_idx %arg12[%add3A_10], %scan3A_213#6 : memref<256xf32, #tpu.memory_space<vmem>>[vector<16xi32>], vector<16xf32>,
      tpu.vector_store_idx %arg12[%add3A_16], %scan3A_213#7 : memref<256xf32, #tpu.memory_space<vmem>>[vector<16xi32>], vector<16xf32>,
      tpu.vector_store_idx %arg12[%add3A_22], %scan3A_213#8 : memref<256xf32, #tpu.memory_space<vmem>>[vector<16xi32>], vector<16xf32>,
      tpu.vector_store_idx %arg12[%add3A_28], %scan3A_213#9 : memref<256xf32, #tpu.memory_space<vmem>>[vector<16xi32>], vector<16xf32>,
      tpu.vector_store_idx %arg12[%add3A_34], %scan3A_213#10 : memref<256xf32, #tpu.memory_space<vmem>>[vector<16xi32>], vector<16xf32>,
      tpu.vector_store_idx %arg12[%add3A_40], %scan3A_213#11 : memref<256xf32, #tpu.memory_space<vmem>>[vector<16xi32>], vector<16xf32>,
      %get3A_289 = arith.constant 0 : index
      %get3A_290 = tpu.vector_load %arg12[%get3A_289] {strides = array<i32>} : memref<256xf32, #tpu.memory_space<vmem>>, vector<16xf32>,
      %add3A_291 = arith.addf %get3A_233, %get3A_290 : vector<16xf32>
      %get3A_292 = arith.constant 16 : index
      %get3A_293 = tpu.vector_load %arg12[%get3A_292] {strides = array<i32>} : memref<256xf32, #tpu.memory_space<vmem>>, vector<16xf32>,
      %add3A_294 = arith.addf %add3A_291, %get3A_293 : vector<16xf32>
      %get3A_295 = arith.constant 32 : index
      %get3A_296 = tpu.vector_load %arg12[%get3A_295] {strides = array<i32>} : memref<256xf32, #tpu.memory_space<vmem>>, vector<16xf32>,
      %add3A_297 = arith.addf %add3A_294, %get3A_296 : vector<16xf32>
      %get3A_298 = arith.constant 48 : index
      %get3A_299 = tpu.vector_load %arg12[%get3A_298] {strides = array<i32>} : memref<256xf32, #tpu.memory_space<vmem>>, vector<16xf32>,
      %add3A_300 = arith.addf %add3A_297, %get3A_299 : vector<16xf32>
      %get3A_301 = arith.constant 64 : index
      %get3A_302 = tpu.vector_load %arg12[%get3A_301] {strides = array<i32>} : memref<256xf32, #tpu.memory_space<vmem>>, vector<16xf32>,
      %add3A_303 = arith.addf %add3A_300, %get3A_302 : vector<16xf32>
      %get3A_304 = arith.constant 80 : index
      %get3A_305 = tpu.vector_load %arg12[%get3A_304] {strides = array<i32>} : memref<256xf32, #tpu.memory_space<vmem>>, vector<16xf32>,
      %add3A_306 = arith.addf %add3A_303, %get3A_305 : vector<16xf32>
      %get3A_307 = arith.constant 96 : index
      %get3A_308 = tpu.vector_load %arg12[%get3A_307] {strides = array<i32>} : memref<256xf32, #tpu.memory_space<vmem>>, vector<16xf32>,
      %add3A_309 = arith.addf %add3A_306, %get3A_308 : vector<16xf32>
      %get3A_310 = arith.constant 112 : index
      %get3A_311 = tpu.vector_load %arg12[%get3A_310] {strides = array<i32>} : memref<256xf32, #tpu.memory_space<vmem>>, vector<16xf32>,
      %add3A_312 = arith.addf %add3A_309, %get3A_311 : vector<16xf32>
      %get3A_313 = arith.constant 128 : index
      %get3A_314 = tpu.vector_load %arg12[%get3A_313] {strides = array<i32>} : memref<256xf32, #tpu.memory_space<vmem>>, vector<16xf32>,
      %add3A_315 = arith.addf %add3A_312, %get3A_314 : vector<16xf32>
      %get3A_316 = arith.constant 144 : index
      %get3A_317 = tpu.vector_load %arg12[%get3A_316] {strides = array<i32>} : memref<256xf32, #tpu.memory_space<vmem>>, vector<16xf32>,
      %add3A_318 = arith.addf %add3A_315, %get3A_317 : vector<16xf32>
      %get3A_319 = arith.constant 160 : index
      %get3A_320 = tpu.vector_load %arg12[%get3A_319] {strides = array<i32>} : memref<256xf32, #tpu.memory_space<vmem>>, vector<16xf32>,
      %add3A_321 = arith.addf %add3A_318, %get3A_320 : vector<16xf32>
      %get3A_322 = arith.constant 176 : index
      %get3A_323 = tpu.vector_load %arg12[%get3A_322] {strides = array<i32>} : memref<256xf32, #tpu.memory_space<vmem>>, vector<16xf32>,
      %add3A_324 = arith.addf %add3A_321, %get3A_323 : vector<16xf32>
      %get3A_325 = arith.constant 192 : index
      %get3A_326 = tpu.vector_load %arg12[%get3A_325] {strides = array<i32>} : memref<256xf32, #tpu.memory_space<vmem>>, vector<16xf32>,
      %add3A_327 = arith.addf %add3A_324, %get3A_326 : vector<16xf32>
      %get3A_328 = arith.constant 208 : index
      %get3A_329 = tpu.vector_load %arg12[%get3A_328] {strides = array<i32>} : memref<256xf32, #tpu.memory_space<vmem>>, vector<16xf32>,
      %add3A_330 = arith.addf %add3A_327, %get3A_329 : vector<16xf32>
      %get3A_331 = arith.constant 224 : index
      %get3A_332 = tpu.vector_load %arg12[%get3A_331] {strides = array<i32>} : memref<256xf32, #tpu.memory_space<vmem>>, vector<16xf32>,
      %add3A_333 = arith.addf %add3A_330, %get3A_332 : vector<16xf32>
      %get3A_334 = arith.constant 240 : index
      %get3A_335 = tpu.vector_load %arg12[%get3A_334] {strides = array<i32>} : memref<256xf32, #tpu.memory_space<vmem>>, vector<16xf32>,
      %add3A_336 = arith.addf %add3A_333, %get3A_335 : vector<16xf32>
      %mul3A_337 = arith.constant 4 : i32
      %mul3A_338 = arith.muli %scan3A_151, %mul3A_337 : i32
      %add3A_339 = arith.constant 1 : i32
      %add3A_340 = arith.addi %mul3A_338, %add3A_339 : i32
      %mul3A_341 = arith.constant 16 : i32
      %mul3A_342 = arith.muli %add3A_340, %mul3A_341 : i32
      %swap3A_343 = arith.index_cast %mul3A_342 : i32 to index
      %swap3A_344 = tpu.vector_load %arg10[%swap3A_343] {strides = array<i32>} : memref<2048xf32, #tpu.memory_space<vmem>>, vector<16xf32>,
      tpu.vector_store %arg10[%swap3A_343], %add3A_336 {strides = array<i32>} : memref<2048xf32, #tpu.memory_space<vmem>>, vector<16xf32>,
      tpu.vector_store_idx %arg12[%add3A_10], %scan3A_213#12 : memref<256xf32, #tpu.memory_space<vmem>>[vector<16xi32>], vector<16xf32>,
      tpu.vector_store_idx %arg12[%add3A_16], %scan3A_213#13 : memref<256xf32, #tpu.memory_space<vmem>>[vector<16xi32>], vector<16xf32>,
      tpu.vector_store_idx %arg12[%add3A_22], %scan3A_213#14 : memref<256xf32, #tpu.memory_space<vmem>>[vector<16xi32>], vector<16xf32>,
      tpu.vector_store_idx %arg12[%add3A_28], %scan3A_213#15 : memref<256xf32, #tpu.memory_space<vmem>>[vector<16xi32>], vector<16xf32>,
      tpu.vector_store_idx %arg12[%add3A_34], %scan3A_213#16 : memref<256xf32, #tpu.memory_space<vmem>>[vector<16xi32>], vector<16xf32>,
      tpu.vector_store_idx %arg12[%add3A_40], %scan3A_213#17 : memref<256xf32, #tpu.memory_space<vmem>>[vector<16xi32>], vector<16xf32>,
      %get3A_345 = arith.constant 0 : index
      %get3A_346 = tpu.vector_load %arg12[%get3A_345] {strides = array<i32>} : memref<256xf32, #tpu.memory_space<vmem>>, vector<16xf32>,
      %add3A_347 = arith.addf %get3A_233, %get3A_346 : vector<16xf32>
      %get3A_348 = arith.constant 16 : index
      %get3A_349 = tpu.vector_load %arg12[%get3A_348] {strides = array<i32>} : memref<256xf32, #tpu.memory_space<vmem>>, vector<16xf32>,
      %add3A_350 = arith.addf %add3A_347, %get3A_349 : vector<16xf32>
      %get3A_351 = arith.constant 32 : index
      %get3A_352 = tpu.vector_load %arg12[%get3A_351] {strides = array<i32>} : memref<256xf32, #tpu.memory_space<vmem>>, vector<16xf32>,
      %add3A_353 = arith.addf %add3A_350, %get3A_352 : vector<16xf32>
      %get3A_354 = arith.constant 48 : index
      %get3A_355 = tpu.vector_load %arg12[%get3A_354] {strides = array<i32>} : memref<256xf32, #tpu.memory_space<vmem>>, vector<16xf32>,
      %add3A_356 = arith.addf %add3A_353, %get3A_355 : vector<16xf32>
      %get3A_357 = arith.constant 64 : index
      %get3A_358 = tpu.vector_load %arg12[%get3A_357] {strides = array<i32>} : memref<256xf32, #tpu.memory_space<vmem>>, vector<16xf32>,
      %add3A_359 = arith.addf %add3A_356, %get3A_358 : vector<16xf32>
      %get3A_360 = arith.constant 80 : index
      %get3A_361 = tpu.vector_load %arg12[%get3A_360] {strides = array<i32>} : memref<256xf32, #tpu.memory_space<vmem>>, vector<16xf32>,
      %add3A_362 = arith.addf %add3A_359, %get3A_361 : vector<16xf32>
      %get3A_363 = arith.constant 96 : index
      %get3A_364 = tpu.vector_load %arg12[%get3A_363] {strides = array<i32>} : memref<256xf32, #tpu.memory_space<vmem>>, vector<16xf32>,
      %add3A_365 = arith.addf %add3A_362, %get3A_364 : vector<16xf32>
      %get3A_366 = arith.constant 112 : index
      %get3A_367 = tpu.vector_load %arg12[%get3A_366] {strides = array<i32>} : memref<256xf32, #tpu.memory_space<vmem>>, vector<16xf32>,
      %add3A_368 = arith.addf %add3A_365, %get3A_367 : vector<16xf32>
      %get3A_369 = arith.constant 128 : index
      %get3A_370 = tpu.vector_load %arg12[%get3A_369] {strides = array<i32>} : memref<256xf32, #tpu.memory_space<vmem>>, vector<16xf32>,
      %add3A_371 = arith.addf %add3A_368, %get3A_370 : vector<16xf32>
      %get3A_372 = arith.constant 144 : index
      %get3A_373 = tpu.vector_load %arg12[%get3A_372] {strides = array<i32>} : memref<256xf32, #tpu.memory_space<vmem>>, vector<16xf32>,
      %add3A_374 = arith.addf %add3A_371, %get3A_373 : vector<16xf32>
      %get3A_375 = arith.constant 160 : index
      %get3A_376 = tpu.vector_load %arg12[%get3A_375] {strides = array<i32>} : memref<256xf32, #tpu.memory_space<vmem>>, vector<16xf32>,
      %add3A_377 = arith.addf %add3A_374, %get3A_376 : vector<16xf32>
      %get3A_378 = arith.constant 176 : index
      %get3A_379 = tpu.vector_load %arg12[%get3A_378] {strides = array<i32>} : memref<256xf32, #tpu.memory_space<vmem>>, vector<16xf32>,
      %add3A_380 = arith.addf %add3A_377, %get3A_379 : vector<16xf32>
      %get3A_381 = arith.constant 192 : index
      %get3A_382 = tpu.vector_load %arg12[%get3A_381] {strides = array<i32>} : memref<256xf32, #tpu.memory_space<vmem>>, vector<16xf32>,
      %add3A_383 = arith.addf %add3A_380, %get3A_382 : vector<16xf32>
      %get3A_384 = arith.constant 208 : index
      %get3A_385 = tpu.vector_load %arg12[%get3A_384] {strides = array<i32>} : memref<256xf32, #tpu.memory_space<vmem>>, vector<16xf32>,
      %add3A_386 = arith.addf %add3A_383, %get3A_385 : vector<16xf32>
      %get3A_387 = arith.constant 224 : index
      %get3A_388 = tpu.vector_load %arg12[%get3A_387] {strides = array<i32>} : memref<256xf32, #tpu.memory_space<vmem>>, vector<16xf32>,
      %add3A_389 = arith.addf %add3A_386, %get3A_388 : vector<16xf32>
      %get3A_390 = arith.constant 240 : index
      %get3A_391 = tpu.vector_load %arg12[%get3A_390] {strides = array<i32>} : memref<256xf32, #tpu.memory_space<vmem>>, vector<16xf32>,
      %add3A_392 = arith.addf %add3A_389, %get3A_391 : vector<16xf32>
      %mul3A_393 = arith.constant 4 : i32
      %mul3A_394 = arith.muli %scan3A_151, %mul3A_393 : i32
      %add3A_395 = arith.constant 2 : i32
      %add3A_396 = arith.addi %mul3A_394, %add3A_395 : i32
      %mul3A_397 = arith.constant 16 : i32
      %mul3A_398 = arith.muli %add3A_396, %mul3A_397 : i32
      %swap3A_399 = arith.index_cast %mul3A_398 : i32 to index
      %swap3A_400 = tpu.vector_load %arg10[%swap3A_399] {strides = array<i32>} : memref<2048xf32, #tpu.memory_space<vmem>>, vector<16xf32>,
      tpu.vector_store %arg10[%swap3A_399], %add3A_392 {strides = array<i32>} : memref<2048xf32, #tpu.memory_space<vmem>>, vector<16xf32>,
      tpu.vector_store_idx %arg12[%add3A_10], %scan3A_213#18 : memref<256xf32, #tpu.memory_space<vmem>>[vector<16xi32>], vector<16xf32>,
      tpu.vector_store_idx %arg12[%add3A_16], %scan3A_213#19 : memref<256xf32, #tpu.memory_space<vmem>>[vector<16xi32>], vector<16xf32>,
      tpu.vector_store_idx %arg12[%add3A_22], %scan3A_213#20 : memref<256xf32, #tpu.memory_space<vmem>>[vector<16xi32>], vector<16xf32>,
      tpu.vector_store_idx %arg12[%add3A_28], %scan3A_213#21 : memref<256xf32, #tpu.memory_space<vmem>>[vector<16xi32>], vector<16xf32>,
      tpu.vector_store_idx %arg12[%add3A_34], %scan3A_213#22 : memref<256xf32, #tpu.memory_space<vmem>>[vector<16xi32>], vector<16xf32>,
      tpu.vector_store_idx %arg12[%add3A_40], %scan3A_213#23 : memref<256xf32, #tpu.memory_space<vmem>>[vector<16xi32>], vector<16xf32>,
      %get3A_401 = arith.constant 0 : index
      %get3A_402 = tpu.vector_load %arg12[%get3A_401] {strides = array<i32>} : memref<256xf32, #tpu.memory_space<vmem>>, vector<16xf32>,
      %add3A_403 = arith.addf %get3A_233, %get3A_402 : vector<16xf32>
      %get3A_404 = arith.constant 16 : index
      %get3A_405 = tpu.vector_load %arg12[%get3A_404] {strides = array<i32>} : memref<256xf32, #tpu.memory_space<vmem>>, vector<16xf32>,
      %add3A_406 = arith.addf %add3A_403, %get3A_405 : vector<16xf32>
      %get3A_407 = arith.constant 32 : index
      %get3A_408 = tpu.vector_load %arg12[%get3A_407] {strides = array<i32>} : memref<256xf32, #tpu.memory_space<vmem>>, vector<16xf32>,
      %add3A_409 = arith.addf %add3A_406, %get3A_408 : vector<16xf32>
      %get3A_410 = arith.constant 48 : index
      %get3A_411 = tpu.vector_load %arg12[%get3A_410] {strides = array<i32>} : memref<256xf32, #tpu.memory_space<vmem>>, vector<16xf32>,
      %add3A_412 = arith.addf %add3A_409, %get3A_411 : vector<16xf32>
      %get3A_413 = arith.constant 64 : index
      %get3A_414 = tpu.vector_load %arg12[%get3A_413] {strides = array<i32>} : memref<256xf32, #tpu.memory_space<vmem>>, vector<16xf32>,
      %add3A_415 = arith.addf %add3A_412, %get3A_414 : vector<16xf32>
      %get3A_416 = arith.constant 80 : index
      %get3A_417 = tpu.vector_load %arg12[%get3A_416] {strides = array<i32>} : memref<256xf32, #tpu.memory_space<vmem>>, vector<16xf32>,
      %add3A_418 = arith.addf %add3A_415, %get3A_417 : vector<16xf32>
      %get3A_419 = arith.constant 96 : index
      %get3A_420 = tpu.vector_load %arg12[%get3A_419] {strides = array<i32>} : memref<256xf32, #tpu.memory_space<vmem>>, vector<16xf32>,
      %add3A_421 = arith.addf %add3A_418, %get3A_420 : vector<16xf32>
      %get3A_422 = arith.constant 112 : index
      %get3A_423 = tpu.vector_load %arg12[%get3A_422] {strides = array<i32>} : memref<256xf32, #tpu.memory_space<vmem>>, vector<16xf32>,
      %add3A_424 = arith.addf %add3A_421, %get3A_423 : vector<16xf32>
      %get3A_425 = arith.constant 128 : index
      %get3A_426 = tpu.vector_load %arg12[%get3A_425] {strides = array<i32>} : memref<256xf32, #tpu.memory_space<vmem>>, vector<16xf32>,
      %add3A_427 = arith.addf %add3A_424, %get3A_426 : vector<16xf32>
      %get3A_428 = arith.constant 144 : index
      %get3A_429 = tpu.vector_load %arg12[%get3A_428] {strides = array<i32>} : memref<256xf32, #tpu.memory_space<vmem>>, vector<16xf32>,
      %add3A_430 = arith.addf %add3A_427, %get3A_429 : vector<16xf32>
      %get3A_431 = arith.constant 160 : index
      %get3A_432 = tpu.vector_load %arg12[%get3A_431] {strides = array<i32>} : memref<256xf32, #tpu.memory_space<vmem>>, vector<16xf32>,
      %add3A_433 = arith.addf %add3A_430, %get3A_432 : vector<16xf32>
      %get3A_434 = arith.constant 176 : index
      %get3A_435 = tpu.vector_load %arg12[%get3A_434] {strides = array<i32>} : memref<256xf32, #tpu.memory_space<vmem>>, vector<16xf32>,
      %add3A_436 = arith.addf %add3A_433, %get3A_435 : vector<16xf32>
      %get3A_437 = arith.constant 192 : index
      %get3A_438 = tpu.vector_load %arg12[%get3A_437] {strides = array<i32>} : memref<256xf32, #tpu.memory_space<vmem>>, vector<16xf32>,
      %add3A_439 = arith.addf %add3A_436, %get3A_438 : vector<16xf32>
      %get3A_440 = arith.constant 208 : index
      %get3A_441 = tpu.vector_load %arg12[%get3A_440] {strides = array<i32>} : memref<256xf32, #tpu.memory_space<vmem>>, vector<16xf32>,
      %add3A_442 = arith.addf %add3A_439, %get3A_441 : vector<16xf32>
      %get3A_443 = arith.constant 224 : index
      %get3A_444 = tpu.vector_load %arg12[%get3A_443] {strides = array<i32>} : memref<256xf32, #tpu.memory_space<vmem>>, vector<16xf32>,
      %add3A_445 = arith.addf %add3A_442, %get3A_444 : vector<16xf32>
      %get3A_446 = arith.constant 240 : index
      %get3A_447 = tpu.vector_load %arg12[%get3A_446] {strides = array<i32>} : memref<256xf32, #tpu.memory_space<vmem>>, vector<16xf32>,
      %add3A_448 = arith.addf %add3A_445, %get3A_447 : vector<16xf32>
      %mul3A_449 = arith.constant 4 : i32
      %mul3A_450 = arith.muli %scan3A_151, %mul3A_449 : i32
      %add3A_451 = arith.constant 3 : i32
      %add3A_452 = arith.addi %mul3A_450, %add3A_451 : i32
      %mul3A_453 = arith.constant 16 : i32
      %mul3A_454 = arith.muli %add3A_452, %mul3A_453 : i32
      %swap3A_455 = arith.index_cast %mul3A_454 : i32 to index
      %swap3A_456 = tpu.vector_load %arg10[%swap3A_455] {strides = array<i32>} : memref<2048xf32, #tpu.memory_space<vmem>>, vector<16xf32>,
      tpu.vector_store %arg10[%swap3A_455], %add3A_448 {strides = array<i32>} : memref<2048xf32, #tpu.memory_space<vmem>>, vector<16xf32>,
    }
    %scan3A_148 = arith.constant 32 : i32
    %mul3A_149 = arith.constant 16 : i32
    %mul3A_150 = arith.muli %mul3A_2, %mul3A_149 : i32
    "tpu.region"() ({
      %run_scoped3A = tpu.sem_alloc : memref<!tpu.dma_semaphore, #tpu.memory_space<semaphore_mem>>
      %dma_start3A_151 = tpu.memref_slice %arg6[%mul3A_150] : memref<65536xf32, #tpu.memory_space<hbm>> -> memref<2048xf32, #tpu.memory_space<hbm>>
      %dma_start3A_152 = tpu.memref_slice %arg6[%mul3A_150] : memref<65536xf32, #tpu.memory_space<hbm>> -> memref<2048xf32, #tpu.memory_space<hbm>>
      tpu.enqueue_dma source(%arg10 : memref<2048xf32, #tpu.memory_space<vmem>>) target(%dma_start3A_152 : memref<2048xf32, #tpu.memory_space<hbm>>) target_semaphore(%run_scoped3A : memref<!tpu.dma_semaphore, #tpu.memory_space<semaphore_mem>>)
      %dma_wait3A = tpu.memref_slice %arg6[%mul3A_150] : memref<65536xf32, #tpu.memory_space<hbm>> -> memref<2048xf32, #tpu.memory_space<hbm>>
      %dma_wait3A_153 = tpu.memref_slice %arg6[%mul3A_150] : memref<65536xf32, #tpu.memory_space<hbm>> -> memref<2048xf32, #tpu.memory_space<hbm>>
      tpu.wait_dma2 semaphore(%run_scoped3A : memref<!tpu.dma_semaphore, #tpu.memory_space<semaphore_mem>>) src(%arg10 : memref<2048xf32, #tpu.memory_space<vmem>>) dst(%dma_wait3A_153 : memref<2048xf32, #tpu.memory_space<hbm>>)
      tpu.yield
    }) : () -> ()
    return
  }
}

</mosaic_0001>

<sc_bundles>
// kernel: kernel.3.cloned.1.call-start
scs
__scs_entry_jumppad:
0x0: {  	(pc) =	sbr.rel $0x88, $3  }
0x1: {  	(tag) =	ssettag $0x0;
	lr =	simm.s32 $0x1  }
0x2: {  	[smem:$0x3F9D] =	sst lr;
	_ =	strace $0xD0000000  }
0x3: {  	_ = 	snop  }
0x4: {  	_ = 	snop  }
0x5: {  	_ = 	snop  }
0x6: {  	_ = 	snop  }
0x7: {  	_ = 	snop  }
__scs_overlays_trampoline_lowered:
0x8: {  	[smem:$0x3FAC] =	sst s0  }
0x9: {  	[smem:$0x3FAD] =	sst s1  }
0xa: {  	[smem:$0x3FAE] =	sst s2  }
0xb: {  	[smem:$0x3FAF] =	sst s3  }
0xc: {  	[smem:$0x3FB0] =	sst s4  }
0xd: {  	[smem:$0x3FB1] =	sst s5  }
0xe: {  	[smem:$0x3FB2] =	sst s6  }
0xf: {  	[smem:$0x3FB3] =	sst s7  }
0x10: {  	[smem:$0x3FB4] =	sst s8  }
0x11: {  	[smem:$0x3FB5] =	sst s9;
	s0 =	simm.s32 @!p0 $0x0  }
0x12: {  	s1 =	sld [smem:$0x3F9B];
	s0 =	simm.s32 @p0 $0x1  }
0x13: {  	[smem:$0x3FB6] =	sst s0;
	s0 =	simm.s32 @!p1 $0x0  }
0x14: {  	s2 =	sld [smem:$0x3F9A];
	s0 =	simm.s32 @p1 $0x1  }
0x15: {  	[smem:$0x3FB7] =	sst s0;
	s0 =	simm.s32 @!p2 $0x0  }
0x16: {  	s3 =	sld [smem:$0x3FDB];
	s0 =	simm.s32 @p2 $0x1  }
0x17: {  	s4 =	simm.s32 $0x1BF5;
	[smem:$0x3FB9] =	sst s0  }
0x18: {  	s0 =	sld [smem:$0x3F9C];
	_ =	swait.ge [sflag:s4], $0x0  }
0x19: {  	s7 =	sld [smem:$0x3F9D]  }
0x1a: {  	s8 =	sadd.s32 $0xFFFFE003, lr  }
0x1b: {  	s9 =	sadd.s32 $0xFFFFFEF7, lr;
	s5 =	simm.s32 $0xFFFFFFFF;
	p2 =	slt.u32 s8, $0xFFFFF086  }
0x1c: {  	p1 =	slt.u32 s9, $0xF7A;
	s5 =	simm.s32 @!p2 $0x0  }
0x1d: {  	s5 =	simm.s32 @p1 $0x1;
	p0 =	seq.s32 s7, s2  }
0x1e: {  	s7 =	smul.u32 @!p0 $0xF7A, s2;
	p2 =	seq.s32 @!p0 s5, $0x0  }
0x1f: {  	s9 =	smul.u32 $0xF7A, s1;
	s8 =	simm.s32 @!p0 $0x1BF5;
	p2 =	por !p2, p0  }
0x20: {  	[sflag:s8] =	ssyncset.s32 @!p0 $0xFFFFF086;
	s6 =	sadd.s32 @!p0 s3, s7;
	s7 =	simm.s32 @!p0 $0x108  }
0x21: {  	s3 =	sadd.s32 s3, s9;
	s6 =	sadd.s32 @!p0 $0x88, s6;
	s7 =	simm.s32 @p2 $0x1082  }
0x22: {  	[simem:s7], [sflag:s8] =	dma.local @!p0 [hbm:s6], $0xF7A  }
0x23: {  	s9 =	sor.u32 $0xD0000000, s2;
	s6 =	simm.s32 $0x108;
	_ =	swait.ge @!p0 [sflag:s8], $0x0  }
0x24: {  	s3 =	sadd.s32 $0x88, s3;
	s6 =	simm.s32 @!p1 $0x1082;
	[sflag:s4] =	ssyncset.s32 $0xFFFFF086  }
0x25: {  	[simem:s6], [sflag:s4] =	dma.local [hbm:s3], $0xF7A  }
0x26: {  	[smem:$0x3F9D] =	sst s1;
	(tag) =	ssettag s2;
	_ =	strace s9  }
0x27: {  	s1 =	sld [smem:$0x3FAD]  }
0x28: {  	s2 =	sld [smem:$0x3FAE]  }
0x29: {  	s4 =	sld [smem:$0x3FB0]  }
0x2a: {  	p0 =	seq.s32 s5, $0x0;
	s5 =	sld [smem:$0x3FB1]  }
0x2b: {  	s6 =	sld [smem:$0x3FB2]  }
0x2c: {  	s7 =	sld [smem:$0x3FB3]  }
0x2d: {  	s3 =	simm.s32 $0x108;
	s8 =	sld [smem:$0x3FB4]  }
0x2e: {  	s3 =	simm.s32 @!p0 $0x1082;
	s9 =	sld [smem:$0x3FB5]  }
0x2f: {  	lr =	sadd.s32 s0, s3;
	s0 =	sld [smem:$0x3FAC]  }
0x30: {  	s3 =	sld [smem:$0x3FAF]  }
0x31: {  	[smem:$0x3FB8] =	sst s10  }
0x32: {  	s10 =	sld [smem:$0x3FB6];
	_ =	sdelay $0x3  }
0x33: {  	p0 =	seq.s32 s10, $0x1;
	s10 =	sld [smem:$0x3FB8];
	_ =	sdelay $0x3  }
0x34: {  	[smem:$0x3FB8] =	sst s10  }
0x35: {  	s10 =	sld [smem:$0x3FB7];
	_ =	sdelay $0x3  }
0x36: {  	p1 =	seq.s32 s10, $0x1;
	s10 =	sld [smem:$0x3FB8];
	_ =	sdelay $0x3  }
0x37: {  	[smem:$0x3FB8] =	sst s10  }
0x38: {  	s10 =	sld [smem:$0x3FB9]  }
0x39: {  	_ = 	snop;
	(pc) =	sbr.ind lr, $3  }
0x3a: {  	_ = 	snop  }
0x3b: {  	_ = 	snop  }
0x3c: {  	p2 =	seq.s32 s10, $0x1;
	s10 =	sld [smem:$0x3FB8]  }
0x3d: {  	_ =	shalt  }
0x3e: {  	_ =	shalt  }
0x3f: {  	_ =	shalt  }
0x40: {  	_ =	shalt  }
0x41: {  	_ =	shalt  }
0x42: {  	_ =	shalt  }
0x43: {  	_ =	shalt  }
0x44: {  	_ =	shalt  }
0x45: {  	_ =	shalt  }
0x46: {  	_ =	shalt  }
0x47: {  	_ =	shalt  }
0x48: {  	_ =	shalt  }
0x49: {  	_ =	shalt  }
0x4a: {  	_ =	shalt  }
0x4b: {  	_ =	shalt  }
0x4c: {  	_ =	shalt  }
0x4d: {  	_ =	shalt  }
0x4e: {  	_ =	shalt  }
0x4f: {  	_ =	shalt  }
0x50: {  	_ =	shalt  }
0x51: {  	_ =	shalt  }
0x52: {  	_ =	shalt  }
0x53: {  	_ =	shalt  }
0x54: {  	_ =	shalt  }
0x55: {  	_ =	shalt  }
0x56: {  	_ =	shalt  }
0x57: {  	_ =	shalt  }
0x58: {  	_ =	shalt  }
0x59: {  	_ =	shalt  }
0x5a: {  	_ =	shalt  }
0x5b: {  	_ =	shalt  }
0x5c: {  	_ =	shalt  }
0x5d: {  	_ =	shalt  }
0x5e: {  	_ =	shalt  }
0x5f: {  	_ =	shalt  }
0x60: {  	_ =	shalt  }
0x61: {  	_ =	shalt  }
0x62: {  	_ =	shalt  }
0x63: {  	_ =	shalt  }
0x64: {  	_ =	shalt  }
0x65: {  	_ =	shalt  }
0x66: {  	_ =	shalt  }
0x67: {  	_ =	shalt  }
0x68: {  	_ =	shalt  }
0x69: {  	_ =	shalt  }
0x6a: {  	_ =	shalt  }
0x6b: {  	_ =	shalt  }
0x6c: {  	_ =	shalt  }
0x6d: {  	_ =	shalt  }
0x6e: {  	_ =	shalt  }
0x6f: {  	_ =	shalt  }
0x70: {  	_ =	shalt  }
0x71: {  	_ =	shalt  }
0x72: {  	_ =	shalt  }
0x73: {  	_ =	shalt  }
0x74: {  	_ =	shalt  }
0x75: {  	_ =	shalt  }
0x76: {  	_ =	shalt  }
0x77: {  	_ =	shalt  }
0x78: {  	_ =	shalt  }
0x79: {  	_ =	shalt  }
0x7a: {  	_ =	shalt  }
0x7b: {  	_ =	shalt  }
0x7c: {  	_ =	shalt  }
0x7d: {  	_ =	shalt  }
0x7e: {  	_ =	shalt  }
0x7f: {  	_ =	shalt  }
0x80: {  	_ =	shalt  }
0x81: {  	_ =	shalt  }
0x82: {  	_ =	shalt  }
0x83: {  	_ =	shalt  }
0x84: {  	_ =	shalt  }
0x85: {  	_ =	shalt  }
0x86: {  	_ =	shalt  }
0x87: {  	_ =	shalt  }
.Lfunc_end0:
.L_simem_size_0:
called_computation_lowered:
.L_overlay_start_0:
0x88: {  	s2 =	sld [smem:$0x3FD9]  }
0x89: {  	s3 =	sld [smem:$0x3FFE];
	_ =	sdelay $0x1  }
0x8a: {  	s1 =	srdreg.scid  }
0x8b: {  	s0 =	sand.u32 $0x1, s1  }
0x8c: {  	s17 =	sshll.u32 s0, $0xA;
	s2 =	sadd.s32 s3, s2  }
0x8d: {  	s2 =	sadd.s32 s2, s17  }
0x8e: {  	[smem:$0x3FC4] =	sst s2  }
0x8f: {  	_ = 	snop  }
0x90: {  	s2 =	sld [smem:$0x3FD0];
	(tm) =	ssettm $0x1  }
0x91: {  	s18 =	sld [smem:$0x3FFB];
	_ =	sdelay $0x3  }
0x92: {  	_ =	strace s18  }
0x93: {  	s3 =	sld [smem:$0x3FFC];
	_ =	sdelay $0x3  }
0x94: {  	_ =	strace s3  }
0x95: {  	s3 =	sld [smem:$0x3FFD];
	_ =	sdelay $0x3  }
0x96: {  	_ =	strace s3  }
0x97: {  	_ =	strace $0x8FFFFFFF  }
0x98: {  	s19 =	sld [smem:$0x3FDB];
	_ =	sdelay $0x1  }
0x99: {  	s4 =	simm.s32 $_scs_section_size  }
0x9a: {  	s5 =	simm.s32 $_size__tile_overlayer_lowered;
	s6 =	simm.s32 $_tile_overlayer_lowered  }
0x9b: {  	s22 =	simm.s32 $0x1BFF;
	s21 =	sshll.u32 s6, $0x1;
	s3 =	sadd.s32 s4, s19  }
0x9c: {  	s7 =	simm.s32 $0x0;
	s20 =	sshll.u32 s5, $0x1;
	s5 =	sadd.s32 s21, s3  }
0x9d: {  	[timem:s7], [sflag:s22] =	dma.local [hbm:s5], s20  }
0x9e: {  	_ =	swait.ge [sflag:s22], s20  }
0x9f: {  	s4 =	ssub.s32 $0x0, s20;
	[sflag:s22] =	ssyncset.done $0x0  }
0xa0: {  	[sflag:s22] =	ssyncadd.s32 s4;
	_ =	sdelay $0x1  }
0xa1: {  	s23 =	simm.s32 $0x1B8B  }
0xa2: {  	_ =	swait.ge [sflag:s23], $0x1  }
0xa3: {  	[sflag:s23] =	ssyncset.done $0x0  }
0xa4: {  	s25 =	simm.s32 $0x1B8E;
	s24 =	sld [smem:$0x3FFE];
	[sflag:s23] =	ssyncadd.s32 $0xFFFFFFFF  }
0xa5: {  	s26 =	simm.s32 $execute0_lowered;
	[smem:$0x3FD2] =	sst s25  }
0xa6: {  	s5 =	sshll.u32 s26, $0x1;
	_ =	strace $0x80000046;
	[dreg:$0x1] =	wrdreg $0xFFFFFFFF  }
0xa7: {  	s28 =	simm.s32 $_size_execute0_lowered;
	s3 =	sadd.s32 s3, s5;
	[dreg:$0x0] =	wrdreg $0x0  }
0xa8: {  	s5 =	sshll.u32 s28, $0x1;
	[dreg:$0x2] =	wrdreg s3  }
0xa9: {  	[dreg:$0x3] =	wrdreg s5  }
0xaa: {  	[dreg:$0x4] =	wrdreg $0xC0  }
0xab: {  	_ =	task [dreg:s7], $0x5FFFF  }
0xac: {  	[dreg:$0x1] =	wrdreg $0xFFFFFFFF  }
0xad: {  	[dreg:$0x0] =	wrdreg $0x60  }
0xae: {  	[dreg:$0x2] =	wrdreg s24  }
0xaf: {  	[dreg:$0x3] =	wrdreg s2  }
0xb0: {  	[dreg:$0x4] =	wrdreg $0x9  }
0xb1: {  	_ =	task.clear_ibuf [dreg:s7], $0x5FFFF;
	_ =	strace $0x90000046  }
0xb2: {  	s29 =	simm.s32 $0x9;
	_ =	strace $0x80000048  }
0xb3: {  	_ =	swait.ge [sflag:s29], $0x1  }
0xb4: {  	[sflag:s29] =	ssyncadd.s32 $0xFFFFFFFF  }
0xb5: {  	_ =	strace $0x90000048  }
0xb6: {  	_ =	sfence  }
0xb7: {  	s30 =	sld [smem:$0x0];
	_ =	sdelay $0x2  }
0xb8: {  	s31 =	sshll.u32 s1, $0xD;
	s1 =	sshrl.u32 s1, $0x2  }
0xb9: {  	s3 =	sand.u32 $0x4000, s31;
	s1 =	sadd.s32 s1, s30  }
0xba: {  	s0 =	sor.u32 s3, s0;
	s1 =	sshll.u32 s1, $0x11  }
0xbb: {  	s0 =	sor.u32 s1, s0  }
0xbc: {  	s0 =	sadd.s32 $0x8F2B, s0  }
0xbd: {  	[sflag:s0] =	ssyncadd.remote.s32 $0x1  }
0xbe: {  	_ =	sfence.sel $0xFFFF  }
0xbf: {  	[dreg:$0x0] =	wrdreg $0xFFFFFFFF;
	(pc) =	sbr.abs _section_cstart, $3  }
0xc0: {  	[dreg:$0x1] =	wrdreg $0xFFFFFFFF  }
0xc1: {  	_ =	task.clear_ibuf [dreg:s7], $0x2FFFF;
	_ =	strace $0x9FFFFFFF  }
0xc2: {  	(tm) =	ssettm $0x7FFFFFFF  }
0xc3: {  	_ =	shalt  }
tec
execute0_lowered:
.L_overlay_start_1:
0x0: {  	(tag) =	ssettag $0x1  }
0x1: {  	s0 =	rddreg [dreg:$0x0];
	s1 =	srdreg.scid  }
0x2: {  	s2 =	stileid.u32;
	s3 =	simm.s32 $0x0;
	s9 =	simm.s32 $0x3  }
0x3: {  	s12 =	simm.s32 $0x32;
	s16 =	simm.s32 $0x70;
	s17 =	simm.s32 $0x5A80  }
0x4: {  	s18 =	simm.s32 $0xA8;
	s19 =	simm.s32 $0x6700;
	s20 =	simm.s32 $0xE0  }
0x5: {  	s21 =	simm.s32 $0x7380;
	s22 =	simm.s32 $0x118;
	s23 =	simm.s32 $0x8000  }
0x6: {  	s24 =	simm.s32 $0x150;
	s25 =	simm.s32 $0x8C80;
	s26 =	simm.s32 $0x188  }
0x7: {  	s28 =	simm.s32 $0x9900;
	s29 =	simm.s32 $0xAD90;
	s30 =	simm.s32 $0xA580  }
0x8: {  	s31 =	simm.s32 $0x0;
	s1 =	sand.u32 $0x1, s1;
	s2 =	sshll.u32 s2, $0x1  }
0x9: {  	[smem:$0x7FF] =	sst s3;
	s2 =	sor.u32 s1, s2;
	s1 =	ssub.s32 $0x2, s1  }
0xa: {  	v1 =	vlaneseq.u32;
	s5 =	sadd.s32 $0x7600, s0;
	s4 =	smul.u32 $0x380, s2;
	s7 =	sshrl.u32 s1, $0x1  }
0xb: {  	v1 =	vmul.u32 $0x10, v1;
	_ =	strace $0x80000047;
	s2 =	sshll.u32 s2, $0x8;
	s1 =	ssub.s32 s1, s7  }
0xc: {  	s6 =	sadd.s32 s4, s0;
	s4 =	sadd.s32 $0x187000, s0;
	s0 =	sadd.s32 s2, s0  }
0xd: {  	v0 =	vimm.bf16 $0.0e+00;
	[tilespmem:$0x1FFF0] =	vst v1;
	s8 =	smax.u32 s1, $0x1;
	s6 =	sadd.s32 $0x600, s6;
	s7 =	sadd.s32 $0x7800, s0  }
.LBB2_1:
0xe: {  	[tilespmem:s3], [sflag:$0x3] =	stream.linear.gather [hbm4b:s6+s3], $0x1C00, $0x38;
	[tilespmem:$0xAE90] =	vst v63  }
0xf: {  	_ =	swait.ge [sflag:s9], $0x1C00  }
0x10: {  	[sflag:s9] =	ssyncset.done $0x0  }
0x11: {  	[sflag:s9] =	ssyncadd.s32 $0xFFFFE400  }
0x12: {  	s1 =	simm.s32 $0x1C00;
	s0 =	rddreg [dreg:$0x1]  }
0x13: {  	[tilespmem:s1], [sflag:$0x3] =	stream.linear.gather [hbm4b:s0+s3], $0x2580, $0x38;
	[tilespmem:$0xAE90] =	vst v63  }
0x14: {  	_ =	swait.ge [sflag:s9], $0x2580  }
0x15: {  	[sflag:s9] =	ssyncset.done $0x0  }
0x16: {  	s11 =	simm.s32 $0xAD80;
	[sflag:s9] =	ssyncadd.s32 $0xFFFFDA80  }
0x17: {  	[tilespmem:s11], [sflag:$0x3] =	stream.linear.gather [hbm4b:s5+s3], $0x10, $0x38;
	[tilespmem:$0xAE90] =	vst v63  }
0x18: {  	_ =	swait.ge [sflag:s9], $0x10  }
0x19: {  	[sflag:s9] =	ssyncset.done $0x0  }
0x1a: {  	s13 =	simm.s32 $0x4180;
	[sflag:s9] =	ssyncadd.s32 $0xFFFFFFF0  }
0x1b: {  	[tilespmem:s13], [sflag:$0x1] =	stream.indirect.gather [hbm4b:s4+s12], $0x40, s3, s12, $0xb8;
	[tilespmem:$0xAE90] =	vst v63  }
0x1c: {  	s14 =	simm.s32 $0x38;
	s15 =	simm.s32 $0x4E00  }
0x1d: {  	[tilespmem:s15], [sflag:$0x1] =	stream.indirect.gather [hbm4b:s4+s12], $0x40, s14, s12, $0xb8;
	[tilespmem:$0xAE90] =	vst v63  }
0x1e: {  	_ = 	snop  }
0x1f: {  	[tilespmem:s17], [sflag:$0x1] =	stream.indirect.gather [hbm4b:s4+s12], $0x40, s16, s12, $0xb8;
	[tilespmem:$0xAE90] =	vst v63  }
0x20: {  	_ = 	snop  }
0x21: {  	[tilespmem:s19], [sflag:$0x1] =	stream.indirect.gather [hbm4b:s4+s12], $0x40, s18, s12, $0xb8;
	[tilespmem:$0xAE90] =	vst v63  }
0x22: {  	_ = 	snop  }
0x23: {  	[tilespmem:s21], [sflag:$0x2] =	stream.indirect.gather [hbm4b:s4+s12], $0x40, s20, s12, $0xb8;
	[tilespmem:$0xAE90] =	vst v63  }
0x24: {  	_ = 	snop  }
0x25: {  	[tilespmem:s23], [sflag:$0x2] =	stream.indirect.gather [hbm4b:s4+s12], $0x40, s22, s12, $0xb8;
	[tilespmem:$0xAE90] =	vst v63  }
0x26: {  	_ = 	snop  }
0x27: {  	[tilespmem:s25], [sflag:$0x2] =	stream.indirect.gather [hbm4b:s4+s12], $0x40, s24, s12, $0xb8;
	[tilespmem:$0xAE90] =	vst v63  }
0x28: {  	s1 =	simm.s32 $0x0  }
0x29: {  	[tilespmem:s28], [sflag:$0x2] =	stream.indirect.gather [hbm4b:s4+s12], $0x40, s26, s12, $0xb8;
	[tilespmem:$0xAE90] =	vst v63  }
.LBB2_2:
0x2a: {  	s0 =	sand.u32 $0x1, s1  }
0x2b: {  	p0 =	seq.s32 s0, $0x1  }
0x2c: {  	s2 =	simm.s32 @!p0 $0x1  }
0x2d: {  	_ =	swait.ge @!p0 [sflag:s2], $0xC80  }
0x2e: {  	[sflag:s2] =	ssyncset.done @!p0 $0x0  }
0x2f: {  	[sflag:s2] =	ssyncadd.s32 @!p0 $0xFFFFF380  }
0x30: {  	_ =	swait.ge @!p0 [sflag:s2], $0xC80  }
0x31: {  	[sflag:s2] =	ssyncset.done @!p0 $0x0  }
0x32: {  	[sflag:s2] =	ssyncadd.s32 @!p0 $0xFFFFF380  }
0x33: {  	_ =	swait.ge @!p0 [sflag:s2], $0xC80  }
0x34: {  	[sflag:s2] =	ssyncset.done @!p0 $0x0  }
0x35: {  	[sflag:s2] =	ssyncadd.s32 @!p0 $0xFFFFF380  }
0x36: {  	_ =	swait.ge @!p0 [sflag:s2], $0xC80  }
0x37: {  	p1 =	seq.s32 s0, $0x0;
	[sflag:s2] =	ssyncset.done @!p0 $0x0  }
0x38: {  	[sflag:s2] =	ssyncadd.s32 @!p0 $0xFFFFF380;
	s2 =	simm.s32 @!p1 $0x2  }
0x39: {  	_ =	swait.ge @!p1 [sflag:s2], $0xC80  }
0x3a: {  	[sflag:s2] =	ssyncset.done @!p1 $0x0  }
0x3b: {  	v10 =	vimm.f32 $0.0e+00;
	[sflag:s2] =	ssyncadd.s32 @!p1 $0xFFFFF380  }
0x3c: {  	v11 =	vimm.f32 $0.0e+00;
	v12 =	vimm.f32 $0.0e+00;
	v13 =	vimm.f32 $0.0e+00;
	_ =	swait.ge @!p1 [sflag:s2], $0xC80  }
0x3d: {  	v14 =	vimm.f32 $0.0e+00;
	v15 =	vimm.f32 $0.0e+00;
	v16 =	vimm.f32 $0.0e+00;
	[sflag:s2] =	ssyncset.done @!p1 $0x0  }
0x3e: {  	v30 =	vimm.f32 $0.0e+00;
	v31 =	vimm.f32 $0.0e+00;
	v34 =	vimm.f32 $0.0e+00;
	s10 =	smul.u32 $0xC800, s0;
	[sflag:s2] =	ssyncadd.s32 @!p1 $0xFFFFF380  }
0x3f: {  	v35 =	vimm.f32 $0.0e+00;
	v36 =	vimm.f32 $0.0e+00;
	v37 =	vimm.f32 $0.0e+00;
	_ =	swait.ge @!p1 [sflag:s2], $0xC80  }
0x40: {  	v38 =	vimm.f32 $0.0e+00;
	v41 =	vimm.f32 $0.0e+00;
	v17 =	vimm.f32 $0.0e+00;
	s10 =	sshrl.u32 s10, $0x2;
	[sflag:s2] =	ssyncset.done @!p1 $0x0  }
0x41: {  	v18 =	vimm.f32 $0.0e+00;
	v19 =	vimm.f32 $0.0e+00;
	v20 =	vimm.f32 $0.0e+00;
	s11 =	sor.u32 $0x4180, s10;
	[sflag:s2] =	ssyncadd.s32 @!p1 $0xFFFFF380  }
0x42: {  	v21 =	vimm.f32 $0.0e+00;
	v22 =	vimm.f32 $0.0e+00;
	s13 =	sadd.s32 $0x4E00, s10;
	v26 =	vmov s11;
	_ =	swait.ge @!p1 [sflag:s2], $0xC80  }
0x43: {  	v23 =	vimm.f32 $0.0e+00;
	v24 =	vimm.f32 $0.0e+00;
	v25 =	vimm.f32 $0.0e+00;
	s14 =	sadd.s32 $0x5A80, s10;
	s10 =	sadd.s32 $0x6700, s10;
	[sflag:s2] =	ssyncset.done @!p1 $0x0  }
0x44: {  	v27 =	vmov s13;
	v28 =	vmov s14;
	v29 =	vmov s10;
	[sflag:s2] =	ssyncadd.s32 @!p1 $0xFFFFF380;
	s2 =	simm.s32 $0x0  }
.LBB2_3:
0x45: {  	s11 =	smul.u32 $0x280, s2;
	_ =	sdelay $0x1  }
0x46: {  	[tilespmem:$0x1FFE0] =	vst v30;
	v30 =	vld.idx.msk [tilespmem:v26+s11+$0x0 ss:$0x1], $0xffff  }
0x47: {  	[tilespmem:$0x1FFA0] =	vst v31;
	v31 =	vld.idx.msk [tilespmem:v26+s11+$0x10 ss:$0x1], $0xffff  }
0x48: {  	v32 =	vld.idx.msk [tilespmem:v26+s11+$0x20 ss:$0x1], $0xffff  }
0x49: {  	v33 =	vld.idx.msk [tilespmem:v26+s11+$0x30 ss:$0x1], $0xffff  }
0x4a: {  	v56 =	vld.idx.msk [tilespmem:v27+s11+$0x0 ss:$0x1], $0xffff  }
0x4b: {  	v57 =	vld.idx.msk [tilespmem:v27+s11+$0x10 ss:$0x1], $0xffff  }
0x4c: {  	v58 =	vld.idx.msk [tilespmem:v27+s11+$0x20 ss:$0x1], $0xffff  }
0x4d: {  	v59 =	vld.idx.msk [tilespmem:v27+s11+$0x30 ss:$0x1], $0xffff  }
0x4e: {  	v60 =	vld.idx.msk [tilespmem:v28+s11+$0x0 ss:$0x1], $0xffff  }
0x4f: {  	v39 =	vld.idx.msk [tilespmem:v28+s11+$0x10 ss:$0x1], $0xffff  }
0x50: {  	v40 =	vld.idx.msk [tilespmem:v28+s11+$0x20 ss:$0x1], $0xffff  }
0x51: {  	s10 =	smul.u32 $0x1E00, s2;
	v61 =	vld.idx.msk [tilespmem:v28+s11+$0x30 ss:$0x1], $0xffff  }
0x52: {  	v42 =	vld.idx.msk [tilespmem:v29+s11+$0x0 ss:$0x1], $0xffff  }
0x53: {  	v43 =	vld.idx.msk [tilespmem:v29+s11+$0x10 ss:$0x1], $0xffff;
	s13 =	sshra.s32 s10, $0x2  }
0x54: {  	v44 =	vld [tilespmem:s13+$0x1C00]  }
0x55: {  	v46 =	vld [tilespmem:s13+$0x1C10]  }
0x56: {  	v45 =	vld.idx.msk [tilespmem:v29+s11+$0x20 ss:$0x1], $0xffff  }
0x57: {  	[tilespmem:$0x1FF10] =	vst v36;
	v47 =	vld.idx.msk [tilespmem:v29+s11+$0x30 ss:$0x1], $0xffff  }
0x58: {  	[tilespmem:$0x1FF30] =	vst v35;
	v48 =	vpack.i.f32.bf16 v31, v30;
	v49 =	vpack.i.f32.bf16 v33, v32  }
0x59: {  	[tilespmem:$0x1FFD0] =	vst v34;
	v62 =	vld [tilespmem:s13+$0x1C20];
	v34 =	vpack.i.f32.bf16 v57, v56;
	v35 =	vpack.i.f32.bf16 v59, v58;
	v36 =	vpack.i.f32.bf16 v39, v60  }
0x5a: {  	[tilespmem:$0x1FF90] =	vst v37;
	v37 =	vpack.i.f32.bf16 v61, v40;
	v30 =	vmul.bf16 v44, v48;
	v31 =	vmul.bf16 v46, v49  }
0x5b: {  	[tilespmem:$0x1FF20] =	vst v38;
	v7 =	vld [tilespmem:s13+$0x1C40];
	v38 =	vpack.i.f32.bf16 v43, v42;
	v53 =	vmul.bf16 v44, v34;
	v54 =	vmul.bf16 v44, v36  }
0x5c: {  	v39 =	vpack.i.f32.bf16 v47, v45;
	v55 =	vmul.bf16 v44, v38;
	v63 =	vmul.bf16 v46, v35  }
0x5d: {  	v56 =	vld [tilespmem:s13+$0x1C30];
	v4 =	vmul.bf16 v46, v37;
	v5 =	vmul.bf16 v46, v39  }
0x5e: {  	v6 =	vmul.bf16 v62, v48;
	v57 =	vmul.bf16 v62, v34  }
0x5f: {  	v60 =	vld [tilespmem:s13+$0x1C50];
	v59 =	vmul.bf16 v62, v36;
	v52 =	vmul.bf16 v62, v38;
	v30 =	vadd.bf16 v0, v30  }
0x60: {  	v46 =	vmul.bf16 v7, v38;
	v40 =	vadd.bf16 v0, v54;
	v32 =	vadd.bf16 v0, v55  }
0x61: {  	v47 =	vld [tilespmem:s13+$0x1C70];
	v62 =	vmul.bf16 v7, v48;
	v58 =	vadd.bf16 v0, v6;
	v44 =	vadd.bf16 v0, v59  }
0x62: {  	v46 =	vadd.bf16 v0, v46;
	v61 =	vmul.bf16 v56, v49;
	v50 =	vmul.bf16 v56, v35  }
0x63: {  	[tilespmem:$0x1FF00] =	vst v41;
	s11 =	smul.u32 $0xA, s2;
	v30 =	vadd.bf16 v31, v30;
	v51 =	vmul.bf16 v56, v37;
	v41 =	vmul.bf16 v56, v39  }
0x64: {  	v31 =	vadd.bf16 v0, v53;
	v54 =	vmul.bf16 v60, v49;
	v56 =	vmul.bf16 v60, v35  }
0x65: {  	s15 =	sor.u32 $0x1, s11;
	v32 =	vadd.bf16 v5, v32;
	v59 =	vmul.bf16 v60, v37;
	v45 =	vmul.bf16 v60, v39  }
0x66: {  	s14 =	sshll.u32 s15, $0x6;
	v53 =	vld [tilespmem:s13+$0x1C60];
	v1 =	vmul.bf16 v47, v35;
	v42 =	vadd.bf16 v63, v31;
	v31 =	vadd.bf16 v4, v40  }
0x67: {  	v3 =	vld.idx.msk [tilespmem:v27+s14+$0x10 ss:$0x1], $0xffff;
	v2 =	vmul.bf16 v47, v37;
	v40 =	vadd.bf16 v0, v57;
	v43 =	vadd.bf16 v61, v58  }
0x68: {  	v8 =	vld.idx.msk [tilespmem:v28+s14+$0x10 ss:$0x1], $0xffff;
	v44 =	vadd.bf16 v51, v44;
	v63 =	vadd.bf16 v0, v52;
	v4 =	vmul.bf16 v7, v34  }
0x69: {  	[tilespmem:$0x1FFC0] =	vst v11;
	v55 =	vld [tilespmem:s13+$0x1C90];
	v57 =	vmul.bf16 v7, v36;
	v61 =	vmul.bf16 v47, v49;
	v45 =	vadd.bf16 v45, v46  }
0x6a: {  	v11 =	vld.idx.msk [tilespmem:v28+s14+$0x20 ss:$0x1], $0xffff;
	v47 =	vmul.bf16 v47, v39;
	v33 =	vadd.bf16 v50, v40;
	v40 =	vadd.bf16 v0, v62  }
0x6b: {  	v52 =	vld [tilespmem:s13+$0x1C80];
	v51 =	vadd.bf16 v0, v4;
	v41 =	vadd.bf16 v41, v63;
	v6 =	vmul.bf16 v53, v48  }
0x6c: {  	v60 =	vld.idx.msk [tilespmem:v26+s14+$0x10 ss:$0x1], $0xffff;
	v5 =	vadd.bf16 v0, v57;
	v62 =	vmul.bf16 v53, v34;
	v7 =	vmul.bf16 v53, v36  }
0x6d: {  	v58 =	vld [tilespmem:s13+$0x1CA0];
	v53 =	vmul.bf16 v53, v38;
	v40 =	vadd.bf16 v54, v40;
	v51 =	vadd.bf16 v56, v51  }
0x6e: {  	[tilespmem:$0x1FF80] =	vst v10;
	v9 =	vmul.bf16 v55, v35;
	v50 =	vld [tilespmem:s13+$0x1CB0];
	v54 =	vadd.bf16 v59, v5;
	v56 =	vadd.bf16 v0, v6  }
0x6f: {  	v10 =	vmul.bf16 v55, v37;
	v57 =	vld.idx.msk [tilespmem:v26+s14+$0x0 ss:$0x1], $0xffff;
	v46 =	vadd.bf16 v0, v7;
	v53 =	vadd.bf16 v0, v53  }
0x70: {  	v63 =	vld.idx.msk [tilespmem:v26+s14+$0x20 ss:$0x1], $0xffff;
	v4 =	vmul.bf16 v52, v48;
	v7 =	vmul.bf16 v55, v49;
	v56 =	vadd.bf16 v61, v56  }
0x71: {  	v59 =	vld.idx.msk [tilespmem:v26+s14+$0x30 ss:$0x1], $0xffff;
	v61 =	vadd.bf16 v0, v62;
	v2 =	vadd.bf16 v2, v46;
	v46 =	vmul.bf16 v52, v34  }
0x72: {  	v5 =	vld.idx.msk [tilespmem:v27+s14+$0x20 ss:$0x1], $0xffff;
	v47 =	vadd.bf16 v47, v53;
	v53 =	vmul.bf16 v52, v36;
	v52 =	vmul.bf16 v52, v38  }
0x73: {  	s15 =	smul.u32 $0x300, s15;
	v6 =	vld.idx.msk [tilespmem:v28+s14+$0x0 ss:$0x1], $0xffff;
	v4 =	vadd.bf16 v0, v4;
	v34 =	vmul.bf16 v58, v34;
	v36 =	vmul.bf16 v58, v36  }
0x74: {  	v62 =	vld.idx.msk [tilespmem:v27+s14+$0x0 ss:$0x1], $0xffff;
	v49 =	vmul.bf16 v50, v49;
	v35 =	vmul.bf16 v50, v35;
	v46 =	vadd.bf16 v0, v46  }
0x75: {  	s13 =	sshra.s32 s15, $0x2;
	v4 =	vadd.bf16 v7, v4;
	v7 =	vadd.bf16 v0, v52;
	v52 =	vmul.bf16 v55, v39;
	v55 =	vld.idx.msk [tilespmem:v28+s14+$0x30 ss:$0x1], $0xffff  }
0x76: {  	v37 =	vmul.bf16 v50, v37;
	v1 =	vadd.bf16 v1, v61;
	v39 =	vmul.bf16 v50, v39;
	v50 =	vld [tilespmem:s13+$0x1C10]  }
0x77: {  	v53 =	vadd.bf16 v0, v53;
	v9 =	vadd.bf16 v9, v46;
	v46 =	vmul.bf16 v58, v48;
	v48 =	vld.idx.msk [tilespmem:v29+s14+$0x0 ss:$0x1], $0xffff  }
0x78: {  	v38 =	vmul.bf16 v58, v38;
	v34 =	vadd.bf16 v0, v34;
	v7 =	vadd.bf16 v52, v7;
	v52 =	vld.idx.msk [tilespmem:v29+s14+$0x10 ss:$0x1], $0xffff  }
0x79: {  	v36 =	vadd.bf16 v0, v36;
	v10 =	vadd.bf16 v10, v53;
	v53 =	vld [tilespmem:s13+$0x1C00]  }
0x7a: {  	v61 =	vld.idx.msk [tilespmem:v27+s14+$0x30 ss:$0x1], $0xffff;
	v38 =	vadd.bf16 v0, v38;
	v35 =	vadd.bf16 v35, v34  }
0x7b: {  	v6 =	vpack.i.f32.bf16 v8, v6;
	v58 =	vld.idx.msk [tilespmem:v29+s14+$0x20 ss:$0x1], $0xffff;
	v36 =	vadd.bf16 v37, v36;
	v46 =	vadd.bf16 v0, v46  }
0x7c: {  	v34 =	vadd.bf16 v39, v38;
	v37 =	vpack.i.f32.bf16 v60, v57;
	v8 =	vpack.i.f32.bf16 v55, v11;
	v11 =	vld [tilespmem:s13+$0x1C20]  }
0x7d: {  	v38 =	vpack.i.f32.bf16 v59, v63;
	v3 =	vpack.i.f32.bf16 v3, v62;
	v46 =	vadd.bf16 v49, v46;
	v49 =	vld.idx.msk [tilespmem:v29+s14+$0x30 ss:$0x1], $0xffff  }
0x7e: {  	v63 =	vmul.bf16 v50, v38;
	v62 =	vmul.bf16 v53, v37;
	v48 =	vpack.i.f32.bf16 v52, v48  }
0x7f: {  	v5 =	vpack.i.f32.bf16 v61, v5;
	v57 =	vmul.bf16 v53, v3;
	v59 =	vmul.bf16 v53, v48  }
0x80: {  	v60 =	vmul.bf16 v50, v5;
	v61 =	vmul.bf16 v50, v8;
	v30 =	vadd.bf16 v62, v30  }
0x81: {  	v39 =	vadd.bf16 v57, v42;
	v57 =	vld [tilespmem:s13+$0x1C40];
	v32 =	vadd.bf16 v59, v32;
	v59 =	vmul.bf16 v11, v3  }
0x82: {  	v49 =	vpack.i.f32.bf16 v49, v58;
	v58 =	vmul.bf16 v53, v6;
	v30 =	vadd.bf16 v63, v30;
	v53 =	vld [tilespmem:s13+$0x1C30]  }
0x83: {  	v63 =	vmul.bf16 v11, v37;
	v39 =	vadd.bf16 v60, v39;
	v60 =	vmul.bf16 v11, v6  }
0x84: {  	v62 =	vmul.bf16 v50, v49;
	v33 =	vadd.bf16 v59, v33;
	v31 =	vadd.bf16 v58, v31  }
0x85: {  	v11 =	vmul.bf16 v11, v48;
	v50 =	vld [tilespmem:s13+$0x1C50];
	v42 =	vadd.bf16 v63, v43;
	v43 =	vadd.bf16 v60, v44  }
0x86: {  	[tilespmem:$0x1FF40] =	vst v16;
	v32 =	vadd.bf16 v62, v32;
	v59 =	vmul.bf16 v57, v37;
	v60 =	vmul.bf16 v57, v3  }
0x87: {  	[tilespmem:$0x1FF60] =	vst v13;
	s15 =	sadd.s32 $0x2, s11;
	v58 =	vld [tilespmem:s13+$0x1C60];
	v31 =	vadd.bf16 v61, v31;
	v61 =	vmul.bf16 v53, v38;
	v62 =	vmul.bf16 v53, v5  }
0x88: {  	[tilespmem:$0x1FF70] =	vst v12;
	v55 =	vld [tilespmem:s13+$0x1C70];
	s14 =	sshll.u32 s15, $0x6;
	v11 =	vadd.bf16 v11, v41;
	v63 =	vmul.bf16 v53, v8;
	v53 =	vmul.bf16 v53, v49  }
0x89: {  	v12 =	vld.idx.msk [tilespmem:v27+s14+$0x10 ss:$0x1], $0xffff;
	v40 =	vadd.bf16 v59, v40;
	v41 =	vadd.bf16 v60, v51;
	v60 =	vmul.bf16 v57, v6  }
0x8a: {  	v13 =	vld.idx.msk [tilespmem:v27+s14+$0x20 ss:$0x1], $0xffff;
	v52 =	vmul.bf16 v50, v38;
	v42 =	vadd.bf16 v61, v42;
	v33 =	vadd.bf16 v62, v33  }
0x8b: {  	v16 =	vld.idx.msk [tilespmem:v28+s14+$0x20 ss:$0x1], $0xffff;
	v51 =	vmul.bf16 v50, v5;
	v43 =	vadd.bf16 v63, v43;
	v11 =	vadd.bf16 v53, v11  }
0x8c: {  	v44 =	vld [tilespmem:s13+$0x1C80];
	v62 =	vmul.bf16 v58, v3;
	v40 =	vadd.bf16 v52, v40;
	v52 =	vmul.bf16 v57, v48  }
0x8d: {  	v59 =	vld [tilespmem:s13+$0x1C90];
	v41 =	vadd.bf16 v51, v41;
	v51 =	vadd.bf16 v60, v54;
	v54 =	vmul.bf16 v58, v37  }
0x8e: {  	[tilespmem:$0x1FF50] =	vst v15;
	v61 =	vld [tilespmem:s13+$0x1CA0];
	v60 =	vmul.bf16 v50, v8;
	v50 =	vmul.bf16 v50, v49;
	v45 =	vadd.bf16 v52, v45  }
0x8f: {  	[tilespmem:$0x1FFB0] =	vst v14;
	v53 =	vld [tilespmem:s13+$0x1CB0];
	v1 =	vadd.bf16 v62, v1;
	v54 =	vadd.bf16 v54, v56;
	v56 =	vmul.bf16 v55, v38  }
0x90: {  	v63 =	vld.idx.msk [tilespmem:v26+s14+$0x20 ss:$0x1], $0xffff;
	v62 =	vmul.bf16 v55, v5;
	v45 =	vadd.bf16 v50, v45;
	v50 =	vmul.bf16 v58, v6  }
0x91: {  	v57 =	vld.idx.msk [tilespmem:v26+s14+$0x0 ss:$0x1], $0xffff;
	v51 =	vadd.bf16 v60, v51;
	v54 =	vadd.bf16 v56, v54;
	v56 =	vmul.bf16 v58, v48  }
0x92: {  	v52 =	vld.idx.msk [tilespmem:v26+s14+$0x10 ss:$0x1], $0xffff;
	v14 =	vmul.bf16 v59, v38;
	v15 =	vmul.bf16 v59, v5;
	v2 =	vadd.bf16 v50, v2  }
0x93: {  	v60 =	vld.idx.msk [tilespmem:v26+s14+$0x30 ss:$0x1], $0xffff;
	v50 =	vmul.bf16 v55, v8;
	v47 =	vadd.bf16 v56, v47;
	v55 =	vmul.bf16 v55, v49  }
0x94: {  	v1 =	vadd.bf16 v62, v1;
	v62 =	vld.idx.msk [tilespmem:v27+s14+$0x30 ss:$0x1], $0xffff;
	v38 =	vmul.bf16 v53, v38;
	v56 =	vmul.bf16 v44, v37  }
0x95: {  	v58 =	vld.idx.msk [tilespmem:v27+s14+$0x0 ss:$0x1], $0xffff;
	v2 =	vadd.bf16 v50, v2;
	v50 =	vmul.bf16 v44, v3;
	v47 =	vadd.bf16 v55, v47  }
0x96: {  	v4 =	vadd.bf16 v56, v4;
	v55 =	vmul.bf16 v44, v6;
	v56 =	vld.idx.msk [tilespmem:v28+s14+$0x0 ss:$0x1], $0xffff;
	v44 =	vmul.bf16 v44, v48  }
0x97: {  	v5 =	vmul.bf16 v53, v5;
	v3 =	vmul.bf16 v61, v3;
	v9 =	vadd.bf16 v50, v9;
	v50 =	vld.idx.msk [tilespmem:v28+s14+$0x10 ss:$0x1], $0xffff  }
0x98: {  	s15 =	smul.u32 $0x300, s15;
	v4 =	vadd.bf16 v14, v4;
	v7 =	vadd.bf16 v44, v7;
	v14 =	vmul.bf16 v59, v49;
	v44 =	vld.idx.msk [tilespmem:v28+s14+$0x30 ss:$0x1], $0xffff  }
0x99: {  	v6 =	vmul.bf16 v61, v6;
	v9 =	vadd.bf16 v15, v9;
	v15 =	vmul.bf16 v61, v37;
	v37 =	vld.idx.msk [tilespmem:v29+s14+$0x0 ss:$0x1], $0xffff  }
0x9a: {  	s13 =	sshra.s32 s15, $0x2;
	v10 =	vadd.bf16 v55, v10;
	v55 =	vmul.bf16 v59, v8;
	v7 =	vadd.bf16 v14, v7;
	v14 =	vld.idx.msk [tilespmem:v29+s14+$0x10 ss:$0x1], $0xffff  }
0x9b: {  	v13 =	vpack.i.f32.bf16 v62, v13;
	v3 =	vadd.bf16 v3, v35;
	v61 =	vmul.bf16 v61, v48;
	v48 =	vld [tilespmem:s13+$0x1C00]  }
0x9c: {  	v12 =	vpack.i.f32.bf16 v12, v58;
	v6 =	vadd.bf16 v6, v36;
	v10 =	vadd.bf16 v55, v10;
	v55 =	vld.idx.msk [tilespmem:v29+s14+$0x20 ss:$0x1], $0xffff  }
0x9d: {  	v8 =	vmul.bf16 v53, v8;
	v59 =	vmul.bf16 v53, v49;
	v15 =	vadd.bf16 v15, v46;
	v46 =	vld [tilespmem:s13+$0x1C10]  }
0x9e: {  	v36 =	vpack.i.f32.bf16 v60, v63;
	v3 =	vadd.bf16 v5, v3;
	v34 =	vadd.bf16 v61, v34;
	v61 =	vld.idx.msk [tilespmem:v29+s14+$0x30 ss:$0x1], $0xffff  }
0x9f: {  	v6 =	vadd.bf16 v8, v6;
	v8 =	vpack.i.f32.bf16 v52, v57;
	v49 =	vpack.i.f32.bf16 v50, v56  }
0xa0: {  	v16 =	vpack.i.f32.bf16 v44, v16;
	v44 =	vld [tilespmem:s13+$0x1C20];
	v15 =	vadd.bf16 v38, v15;
	v63 =	vmul.bf16 v48, v8  }
0xa1: {  	v34 =	vadd.bf16 v59, v34;
	v53 =	vmul.bf16 v48, v12;
	v14 =	vpack.i.f32.bf16 v14, v37  }
0xa2: {  	v57 =	vmul.bf16 v48, v14;
	v30 =	vadd.bf16 v63, v30;
	v52 =	vmul.bf16 v46, v36  }
0xa3: {  	v50 =	vld [tilespmem:s13+$0x1C40];
	v5 =	vpack.i.f32.bf16 v61, v55;
	v55 =	vmul.bf16 v48, v49;
	v56 =	vadd.bf16 v53, v39  }
0xa4: {  	v58 =	vmul.bf16 v46, v13;
	v59 =	vmul.bf16 v46, v16;
	v32 =	vadd.bf16 v57, v32  }
0xa5: {  	v39 =	vld [tilespmem:s13+$0x1C30];
	v60 =	vmul.bf16 v46, v5;
	v61 =	vmul.bf16 v44, v8;
	v30 =	vadd.bf16 v52, v30  }
0xa6: {  	v62 =	vmul.bf16 v44, v12;
	v31 =	vadd.bf16 v55, v31;
	v37 =	vadd.bf16 v58, v56  }
0xa7: {  	v46 =	vld [tilespmem:s13+$0x1C50];
	v55 =	vmul.bf16 v44, v49;
	v44 =	vmul.bf16 v44, v14;
	v32 =	vadd.bf16 v60, v32  }
0xa8: {  	v63 =	vadd.bf16 v61, v42;
	v33 =	vadd.bf16 v62, v33;
	v60 =	vmul.bf16 v50, v12  }
0xa9: {  	v48 =	vld [tilespmem:s13+$0x1C70];
	v31 =	vadd.bf16 v59, v31;
	v42 =	vadd.bf16 v55, v43;
	v59 =	vmul.bf16 v50, v8  }
0xaa: {  	v52 =	vld [tilespmem:s13+$0x1C60];
	v11 =	vadd.bf16 v44, v11;
	v56 =	vmul.bf16 v39, v36;
	v57 =	vmul.bf16 v39, v13  }
0xab: {  	v58 =	vmul.bf16 v39, v16;
	v39 =	vmul.bf16 v39, v5;
	v41 =	vadd.bf16 v60, v41  }
0xac: {  	s11 =	sshll.u32 s11, $0x6;
	v53 =	vld [tilespmem:s13+$0x1C90];
	v35 =	vadd.bf16 v59, v40;
	v61 =	vmul.bf16 v46, v36;
	v62 =	vmul.bf16 v46, v13  }
0xad: {  	s14 =	sadd.s32 $0xC0, s11;
	v44 =	vld [tilespmem:s13+$0x1C80];
	v60 =	vmul.bf16 v46, v16;
	v38 =	vadd.bf16 v56, v63;
	v33 =	vadd.bf16 v57, v33  }
0xae: {  	v55 =	vld.idx.msk [tilespmem:v26+s14+$0x30 ss:$0x1], $0xffff;
	v42 =	vadd.bf16 v58, v42;
	v63 =	vmul.bf16 v50, v49;
	v58 =	vmul.bf16 v50, v14  }
0xaf: {  	v40 =	vld [tilespmem:s13+$0x1CB0];
	v11 =	vadd.bf16 v39, v11;
	v59 =	vmul.bf16 v52, v8;
	v57 =	vmul.bf16 v48, v13  }
0xb0: {  	v56 =	vld [tilespmem:s13+$0x1CA0];
	v35 =	vadd.bf16 v61, v35;
	v41 =	vadd.bf16 v62, v41;
	v61 =	vmul.bf16 v46, v5  }
0xb1: {  	v46 =	vld.idx.msk [tilespmem:v26+s14+$0x10 ss:$0x1], $0xffff;
	v62 =	vmul.bf16 v48, v36;
	v43 =	vadd.bf16 v63, v51;
	v39 =	vadd.bf16 v58, v45  }
0xb2: {  	v51 =	vld.idx.msk [tilespmem:v26+s14+$0x0 ss:$0x1], $0xffff;
	v50 =	vadd.bf16 v59, v54;
	v63 =	vmul.bf16 v52, v12;
	v45 =	vmul.bf16 v48, v16  }
0xb3: {  	v58 =	vld.idx.msk [tilespmem:v26+s14+$0x20 ss:$0x1], $0xffff;
	v48 =	vmul.bf16 v48, v5;
	v43 =	vadd.bf16 v60, v43;
	v60 =	vmul.bf16 v52, v49  }
0xb4: {  	v54 =	vld.idx.msk [tilespmem:v27+s14+$0x0 ss:$0x1], $0xffff;
	v39 =	vadd.bf16 v61, v39;
	v50 =	vadd.bf16 v62, v50;
	v52 =	vmul.bf16 v52, v14  }
0xb5: {  	v59 =	vld.idx.msk [tilespmem:v27+s14+$0x10 ss:$0x1], $0xffff;
	v1 =	vadd.bf16 v63, v1;
	v61 =	vmul.bf16 v53, v36;
	v2 =	vadd.bf16 v60, v2  }
0xb6: {  	v62 =	vmul.bf16 v53, v13;
	v63 =	vld.idx.msk [tilespmem:v28+s14+$0x20 ss:$0x1], $0xffff;
	v47 =	vadd.bf16 v52, v47;
	v52 =	vmul.bf16 v44, v8  }
0xb7: {  	v60 =	vld.idx.msk [tilespmem:v27+s14+$0x20 ss:$0x1], $0xffff;
	v1 =	vadd.bf16 v57, v1;
	v8 =	vmul.bf16 v56, v8;
	v2 =	vadd.bf16 v45, v2  }
0xb8: {  	v57 =	vld.idx.msk [tilespmem:v27+s14+$0x30 ss:$0x1], $0xffff;
	v45 =	vmul.bf16 v44, v12;
	v47 =	vadd.bf16 v48, v47;
	v48 =	vmul.bf16 v44, v49  }
0xb9: {  	v4 =	vadd.bf16 v52, v4;
	v52 =	vld.idx.msk [tilespmem:v28+s14+$0x0 ss:$0x1], $0xffff;
	v44 =	vmul.bf16 v44, v14;
	v8 =	vadd.bf16 v8, v15  }
0xba: {  	v12 =	vmul.bf16 v56, v12;
	v9 =	vadd.bf16 v45, v9;
	v45 =	vld.idx.msk [tilespmem:v28+s14+$0x10 ss:$0x1], $0xffff;
	v10 =	vadd.bf16 v48, v10  }
0xbb: {  	s15 =	sadd.s32 $0x900, s10;
	v48 =	vmul.bf16 v53, v16;
	v4 =	vadd.bf16 v61, v4;
	v61 =	vmul.bf16 v53, v5;
	v53 =	vld.idx.msk [tilespmem:v28+s14+$0x30 ss:$0x1], $0xffff  }
0xbc: {  	s13 =	sshra.s32 s15, $0x2;
	v15 =	vmul.bf16 v40, v36;
	v3 =	vadd.bf16 v12, v3;
	v12 =	vmul.bf16 v40, v13;
	v13 =	vld.idx.msk [tilespmem:v29+s14+$0x20 ss:$0x1], $0xffff  }
0xbd: {  	v7 =	vadd.bf16 v44, v7;
	v16 =	vmul.bf16 v40, v16;
	v5 =	vmul.bf16 v40, v5;
	v40 =	vld [tilespmem:s13+$0x1C30]  }
0xbe: {  	v10 =	vadd.bf16 v48, v10;
	v48 =	vld.idx.msk [tilespmem:v29+s14+$0x0 ss:$0x1], $0xffff  }
0xbf: {  	v14 =	vmul.bf16 v56, v14;
	v7 =	vadd.bf16 v61, v7;
	v61 =	vmul.bf16 v56, v49;
	v49 =	vld.idx.msk [tilespmem:v29+s14+$0x10 ss:$0x1], $0xffff  }
0xc0: {  	v9 =	vadd.bf16 v62, v9;
	v62 =	vld [tilespmem:s13+$0x1C00]  }
0xc1: {  	v14 =	vadd.bf16 v14, v34;
	v56 =	vld [tilespmem:s13+$0x1C10]  }
0xc2: {  	v8 =	vadd.bf16 v15, v8;
	v3 =	vadd.bf16 v12, v3;
	v12 =	vld.idx.msk [tilespmem:v29+s14+$0x30 ss:$0x1], $0xffff  }
0xc3: {  	v5 =	vadd.bf16 v5, v14;
	v14 =	vpack.i.f32.bf16 v46, v51;
	v51 =	vld [tilespmem:s13+$0x1C20];
	v6 =	vadd.bf16 v61, v6  }
0xc4: {  	v15 =	vpack.i.f32.bf16 v55, v58;
	v44 =	vpack.i.f32.bf16 v57, v60;
	v45 =	vpack.i.f32.bf16 v45, v52  }
0xc5: {  	v46 =	vpack.i.f32.bf16 v53, v63;
	v58 =	vmul.bf16 v40, v15;
	v6 =	vadd.bf16 v16, v6  }
0xc6: {  	v16 =	vpack.i.f32.bf16 v59, v54;
	v59 =	vmul.bf16 v62, v14;
	v60 =	vmul.bf16 v56, v15  }
0xc7: {  	v52 =	vld [tilespmem:s13+$0x1C40];
	v61 =	vmul.bf16 v62, v16;
	v12 =	vpack.i.f32.bf16 v12, v13;
	v13 =	vmul.bf16 v62, v45  }
0xc8: {  	v48 =	vpack.i.f32.bf16 v49, v48;
	v63 =	vmul.bf16 v51, v14;
	v57 =	vmul.bf16 v51, v45  }
0xc9: {  	v36 =	vmul.bf16 v62, v48;
	v62 =	vmul.bf16 v56, v44;
	v30 =	vadd.bf16 v59, v30  }
0xca: {  	v34 =	vmul.bf16 v56, v12;
	v37 =	vadd.bf16 v61, v37;
	v13 =	vadd.bf16 v13, v31  }
0xcb: {  	v31 =	vmul.bf16 v56, v46;
	v56 =	vadd.bf16 v63, v38;
	v59 =	vmul.bf16 v40, v44  }
0xcc: {  	v49 =	vld [tilespmem:s13+$0x1C70];
	v32 =	vadd.bf16 v36, v32;
	v36 =	vadd.bf16 v57, v42;
	v61 =	vmul.bf16 v52, v14  }
0xcd: {  	v30 =	vadd.bf16 v60, v30;
	v13 =	vadd.bf16 v31, v13;
	v31 =	vmul.bf16 v51, v16  }
0xce: {  	v38 =	vld [tilespmem:s13+$0x1C50];
	v37 =	vadd.bf16 v62, v37;
	v60 =	vmul.bf16 v40, v46;
	v51 =	vmul.bf16 v51, v48  }
0xcf: {  	v53 =	vld [tilespmem:s13+$0x1C60];
	v62 =	vmul.bf16 v52, v16;
	v32 =	vadd.bf16 v34, v32;
	v34 =	vadd.bf16 v58, v56  }
0xd0: {  	v40 =	vmul.bf16 v40, v12;
	v31 =	vadd.bf16 v31, v33;
	v36 =	vadd.bf16 v60, v36  }
0xd1: {  	s14 =	sadd.s32 $0x100, s11;
	v57 =	vmul.bf16 v49, v44;
	v11 =	vadd.bf16 v51, v11;
	v33 =	vadd.bf16 v61, v35  }
0xd2: {  	v55 =	vld.idx.msk [tilespmem:v26+s14+$0x30 ss:$0x1], $0xffff;
	v41 =	vadd.bf16 v62, v41;
	v61 =	vmul.bf16 v52, v45;
	v62 =	vmul.bf16 v52, v48  }
0xd3: {  	v54 =	vld [tilespmem:s13+$0x1C90];
	v63 =	vmul.bf16 v38, v15;
	v60 =	vmul.bf16 v38, v44;
	v31 =	vadd.bf16 v59, v31  }
0xd4: {  	v56 =	vld [tilespmem:s13+$0x1CA0];
	v11 =	vadd.bf16 v40, v11;
	v59 =	vmul.bf16 v53, v14;
	v35 =	vadd.bf16 v62, v39  }
0xd5: {  	v51 =	vld [tilespmem:s13+$0x1C80];
	v62 =	vmul.bf16 v53, v16;
	v33 =	vadd.bf16 v63, v33;
	v41 =	vadd.bf16 v60, v41  }
0xd6: {  	v58 =	vld.idx.msk [tilespmem:v26+s14+$0x20 ss:$0x1], $0xffff;
	v63 =	vadd.bf16 v61, v43;
	v60 =	vmul.bf16 v38, v46;
	v38 =	vmul.bf16 v38, v12  }
0xd7: {  	v52 =	vld.idx.msk [tilespmem:v26+s14+$0x0 ss:$0x1], $0xffff;
	v61 =	vmul.bf16 v49, v15;
	v43 =	vadd.bf16 v59, v50;
	v1 =	vadd.bf16 v62, v1  }
0xd8: {  	v40 =	vld [tilespmem:s13+$0x1CB0];
	v62 =	vmul.bf16 v54, v44;
	v42 =	vadd.bf16 v60, v63;
	v63 =	vmul.bf16 v53, v45  }
0xd9: {  	v39 =	vld.idx.msk [tilespmem:v26+s14+$0x10 ss:$0x1], $0xffff;
	v35 =	vadd.bf16 v38, v35;
	v60 =	vmul.bf16 v53, v48;
	v38 =	vmul.bf16 v49, v46  }
0xda: {  	v59 =	vld.idx.msk [tilespmem:v27+s14+$0x10 ss:$0x1], $0xffff;
	v49 =	vmul.bf16 v49, v12;
	v50 =	vmul.bf16 v51, v14  }
0xdb: {  	v53 =	vld.idx.msk [tilespmem:v27+s14+$0x0 ss:$0x1], $0xffff;
	v14 =	vmul.bf16 v56, v14;
	v43 =	vadd.bf16 v61, v43;
	v1 =	vadd.bf16 v57, v1  }
0xdc: {  	v57 =	vld.idx.msk [tilespmem:v27+s14+$0x30 ss:$0x1], $0xffff;
	v61 =	vmul.bf16 v54, v15;
	v2 =	vadd.bf16 v63, v2;
	v47 =	vadd.bf16 v60, v47  }
0xdd: {  	v60 =	vld.idx.msk [tilespmem:v27+s14+$0x20 ss:$0x1], $0xffff;
	v4 =	vadd.bf16 v50, v4;
	v8 =	vadd.bf16 v14, v8;
	v14 =	vmul.bf16 v40, v15  }
0xde: {  	s15 =	sadd.s32 $0xC00, s10;
	v50 =	vld.idx.msk [tilespmem:v28+s14+$0x0 ss:$0x1], $0xffff;
	v15 =	vmul.bf16 v56, v48;
	v2 =	vadd.bf16 v38, v2;
	v38 =	vmul.bf16 v51, v16  }
0xdf: {  	s13 =	sshra.s32 s15, $0x2;
	v63 =	vld.idx.msk [tilespmem:v28+s14+$0x20 ss:$0x1], $0xffff;
	v47 =	vadd.bf16 v49, v47;
	v49 =	vmul.bf16 v51, v45;
	v4 =	vadd.bf16 v61, v4  }
0xe0: {  	v61 =	vmul.bf16 v54, v12;
	v16 =	vmul.bf16 v56, v16;
	v5 =	vadd.bf16 v15, v5;
	v15 =	vld [tilespmem:s13+$0x1C10]  }
0xe1: {  	v12 =	vmul.bf16 v40, v12;
	v8 =	vadd.bf16 v14, v8;
	v14 =	vld.idx.msk [tilespmem:v29+s14+$0x30 ss:$0x1], $0xffff;
	v9 =	vadd.bf16 v38, v9  }
0xe2: {  	v38 =	vmul.bf16 v51, v48;
	v51 =	vld.idx.msk [tilespmem:v28+s14+$0x10 ss:$0x1], $0xffff;
	v10 =	vadd.bf16 v49, v10;
	v49 =	vmul.bf16 v54, v46  }
0xe3: {  	v48 =	vld [tilespmem:s13+$0x1C00];
	v3 =	vadd.bf16 v16, v3;
	v16 =	vmul.bf16 v40, v44;
	v5 =	vadd.bf16 v12, v5  }
0xe4: {  	v54 =	vld.idx.msk [tilespmem:v28+s14+$0x30 ss:$0x1], $0xffff;
	v12 =	vpack.i.f32.bf16 v39, v52;
	v39 =	vpack.i.f32.bf16 v59, v53;
	v7 =	vadd.bf16 v38, v7  }
0xe5: {  	v9 =	vadd.bf16 v62, v9;
	v10 =	vadd.bf16 v49, v10;
	v49 =	vld.idx.msk [tilespmem:v29+s14+$0x0 ss:$0x1], $0xffff;
	v62 =	vmul.bf16 v56, v45  }
0xe6: {  	v44 =	vpack.i.f32.bf16 v57, v60;
	v45 =	vld.idx.msk [tilespmem:v29+s14+$0x10 ss:$0x1], $0xffff;
	v3 =	vadd.bf16 v16, v3;
	v16 =	vpack.i.f32.bf16 v55, v58  }
0xe7: {  	v38 =	vld.idx.msk [tilespmem:v29+s14+$0x20 ss:$0x1], $0xffff;
	v59 =	vmul.bf16 v15, v44;
	v7 =	vadd.bf16 v61, v7;
	v6 =	vadd.bf16 v62, v6  }
0xe8: {  	v61 =	vmul.bf16 v40, v46;
	v62 =	vmul.bf16 v48, v12;
	v46 =	vpack.i.f32.bf16 v51, v50  }
0xe9: {  	v50 =	vpack.i.f32.bf16 v54, v63;
	v51 =	vld [tilespmem:s13+$0x1C20];
	v63 =	vmul.bf16 v15, v16;
	v56 =	vmul.bf16 v48, v39  }
0xea: {  	v6 =	vadd.bf16 v61, v6;
	v57 =	vmul.bf16 v48, v46;
	v60 =	vmul.bf16 v15, v50  }
0xeb: {  	v52 =	vld [tilespmem:s13+$0x1C40];
	v30 =	vadd.bf16 v62, v30;
	v45 =	vpack.i.f32.bf16 v45, v49;
	v37 =	vadd.bf16 v56, v37  }
0xec: {  	v40 =	vld [tilespmem:s13+$0x1C50];
	v14 =	vpack.i.f32.bf16 v14, v38;
	v58 =	vmul.bf16 v48, v45;
	v13 =	vadd.bf16 v57, v13  }
0xed: {  	v49 =	vld [tilespmem:s13+$0x1C70];
	v15 =	vmul.bf16 v15, v14;
	v30 =	vadd.bf16 v63, v30;
	v37 =	vadd.bf16 v59, v37  }
0xee: {  	v48 =	vld [tilespmem:s13+$0x1C30];
	v32 =	vadd.bf16 v58, v32;
	v61 =	vmul.bf16 v51, v12;
	v62 =	vmul.bf16 v51, v39  }
0xef: {  	v13 =	vadd.bf16 v60, v13;
	v56 =	vmul.bf16 v51, v46;
	v51 =	vmul.bf16 v51, v45  }
0xf0: {  	v60 =	vmul.bf16 v52, v12;
	v15 =	vadd.bf16 v15, v32;
	v63 =	vadd.bf16 v61, v34  }
0xf1: {  	v53 =	vld [tilespmem:s13+$0x1C60];
	v31 =	vadd.bf16 v62, v31;
	v61 =	vmul.bf16 v52, v39;
	v62 =	vmul.bf16 v40, v16  }
0xf2: {  	v33 =	vadd.bf16 v60, v33;
	v60 =	vmul.bf16 v52, v46;
	v38 =	vmul.bf16 v49, v50  }
0xf3: {  	v34 =	vadd.bf16 v56, v36;
	v57 =	vmul.bf16 v48, v16;
	v58 =	vmul.bf16 v48, v44  }
0xf4: {  	s14 =	sadd.s32 $0x140, s11;
	v11 =	vadd.bf16 v51, v11;
	v59 =	vmul.bf16 v48, v50;
	v48 =	vmul.bf16 v48, v14  }
0xf5: {  	v55 =	vld.idx.msk [tilespmem:v26+s14+$0x30 ss:$0x1], $0xffff;
	v36 =	vadd.bf16 v61, v41;
	v33 =	vadd.bf16 v62, v33;
	v61 =	vmul.bf16 v52, v45  }
0xf6: {  	v54 =	vld [tilespmem:s13+$0x1C90];
	v41 =	vadd.bf16 v60, v42;
	v62 =	vmul.bf16 v53, v12;
	v32 =	vadd.bf16 v57, v63  }
0xf7: {  	v51 =	vld [tilespmem:s13+$0x1C80];
	v60 =	vmul.bf16 v40, v14;
	v31 =	vadd.bf16 v58, v31;
	v34 =	vadd.bf16 v59, v34  }
0xf8: {  	v56 =	vld [tilespmem:s13+$0x1CA0];
	v63 =	vmul.bf16 v40, v44;
	v11 =	vadd.bf16 v48, v11;
	v57 =	vmul.bf16 v49, v44  }
0xf9: {  	v52 =	vld.idx.msk [tilespmem:v26+s14+$0x0 ss:$0x1], $0xffff;
	v35 =	vadd.bf16 v61, v35;
	v42 =	vadd.bf16 v62, v43;
	v61 =	vmul.bf16 v49, v16  }
0xfa: {  	v48 =	vld [tilespmem:s13+$0x1CB0];
	v62 =	vmul.bf16 v53, v39;
	v36 =	vadd.bf16 v63, v36;
	v63 =	vmul.bf16 v40, v50  }
0xfb: {  	v58 =	vld.idx.msk [tilespmem:v26+s14+$0x20 ss:$0x1], $0xffff;
	v35 =	vadd.bf16 v60, v35;
	v42 =	vadd.bf16 v61, v42;
	v60 =	vmul.bf16 v53, v45  }
0xfc: {  	v59 =	vld.idx.msk [tilespmem:v27+s14+$0x10 ss:$0x1], $0xffff;
	v1 =	vadd.bf16 v62, v1;
	v61 =	vmul.bf16 v54, v16;
	v41 =	vadd.bf16 v63, v41  }
0xfd: {  	v40 =	vld.idx.msk [tilespmem:v26+s14+$0x10 ss:$0x1], $0xffff;
	v63 =	vmul.bf16 v53, v46;
	v43 =	vadd.bf16 v60, v47;
	v47 =	vmul.bf16 v49, v14  }
0xfe: {  	v53 =	vld.idx.msk [tilespmem:v27+s14+$0x0 ss:$0x1], $0xffff;
	v49 =	vmul.bf16 v51, v12;
	v1 =	vadd.bf16 v57, v1;
	v12 =	vmul.bf16 v56, v12  }
0xff: {  	v62 =	vmul.bf16 v54, v44;
	v60 =	vld.idx.msk [tilespmem:v27+s14+$0x20 ss:$0x1], $0xffff;
	v2 =	vadd.bf16 v63, v2;
	v43 =	vadd.bf16 v47, v43  }
0x100: {  	v57 =	vld.idx.msk [tilespmem:v27+s14+$0x30 ss:$0x1], $0xffff;
	v4 =	vadd.bf16 v49, v4;
	v47 =	vmul.bf16 v51, v46;
	v8 =	vadd.bf16 v12, v8  }
0x101: {  	v63 =	vld.idx.msk [tilespmem:v28+s14+$0x20 ss:$0x1], $0xffff;
	v12 =	vmul.bf16 v48, v16;
	v16 =	vmul.bf16 v56, v45;
	v2 =	vadd.bf16 v38, v2  }
0x102: {  	v49 =	vld.idx.msk [tilespmem:v28+s14+$0x0 ss:$0x1], $0xffff;
	v38 =	vmul.bf16 v51, v39;
	v10 =	vadd.bf16 v47, v10;
	v47 =	vmul.bf16 v54, v50  }
0x103: {  	s15 =	sadd.s32 $0xF00, s10;
	v4 =	vadd.bf16 v61, v4;
	v61 =	vmul.bf16 v54, v14;
	v54 =	vld.idx.msk [tilespmem:v28+s14+$0x30 ss:$0x1], $0xffff;
	v5 =	vadd.bf16 v16, v5  }
0x104: {  	s13 =	sshra.s32 s15, $0x2;
	v14 =	vmul.bf16 v48, v14;
	v9 =	vadd.bf16 v38, v9;
	v38 =	vmul.bf16 v51, v45;
	v51 =	vld.idx.msk [tilespmem:v28+s14+$0x10 ss:$0x1], $0xffff  }
0x105: {  	v8 =	vadd.bf16 v12, v8;
	v45 =	vld [tilespmem:s13+$0x1C00]  }
0x106: {  	v50 =	vmul.bf16 v48, v50;
	v16 =	vld [tilespmem:s13+$0x1C10];
	v10 =	vadd.bf16 v47, v10;
	v5 =	vadd.bf16 v14, v5  }
0x107: {  	v47 =	vld.idx.msk [tilespmem:v29+s14+$0x0 ss:$0x1], $0xffff;
	v7 =	vadd.bf16 v38, v7;
	v9 =	vadd.bf16 v62, v9;
	v62 =	vmul.bf16 v56, v46  }
0x108: {  	v14 =	vpack.i.f32.bf16 v40, v52;
	v40 =	vpack.i.f32.bf16 v59, v53;
	v46 =	vld.idx.msk [tilespmem:v29+s14+$0x10 ss:$0x1], $0xffff;
	v38 =	vpack.i.f32.bf16 v55, v58  }
0x109: {  	v12 =	vld.idx.msk [tilespmem:v29+s14+$0x30 ss:$0x1], $0xffff;
	v7 =	vadd.bf16 v61, v7;
	v61 =	vmul.bf16 v56, v39;
	v6 =	vadd.bf16 v62, v6  }
0x10a: {  	v62 =	vld.idx.msk [tilespmem:v29+s14+$0x20 ss:$0x1], $0xffff;
	v56 =	vmul.bf16 v45, v14;
	v49 =	vpack.i.f32.bf16 v51, v49;
	v58 =	vmul.bf16 v45, v40  }
0x10b: {  	v3 =	vadd.bf16 v61, v3;
	v61 =	vmul.bf16 v48, v44;
	v6 =	vadd.bf16 v50, v6  }
0x10c: {  	v51 =	vld [tilespmem:s13+$0x1C20];
	v48 =	vpack.i.f32.bf16 v57, v60;
	v50 =	vpack.i.f32.bf16 v54, v63;
	v57 =	vmul.bf16 v16, v38  }
0x10d: {  	v59 =	vmul.bf16 v45, v49;
	v30 =	vadd.bf16 v56, v30;
	v46 =	vpack.i.f32.bf16 v46, v47  }
0x10e: {  	v52 =	vld [tilespmem:s13+$0x1C40];
	v37 =	vadd.bf16 v58, v37;
	v3 =	vadd.bf16 v61, v3;
	v60 =	vmul.bf16 v45, v46  }
0x10f: {  	v44 =	vld [tilespmem:s13+$0x1C50];
	v61 =	vmul.bf16 v16, v48;
	v13 =	vadd.bf16 v59, v13;
	v12 =	vpack.i.f32.bf16 v12, v62  }
0x110: {  	v30 =	vadd.bf16 v57, v30;
	v62 =	vmul.bf16 v16, v50;
	v16 =	vmul.bf16 v16, v12  }
0x111: {  	v47 =	vld [tilespmem:s13+$0x1C70];
	v15 =	vadd.bf16 v60, v15;
	v63 =	vmul.bf16 v51, v14;
	v55 =	vmul.bf16 v51, v40  }
0x112: {  	v45 =	vld [tilespmem:s13+$0x1C30];
	v37 =	vadd.bf16 v61, v37;
	v56 =	vmul.bf16 v51, v49;
	v51 =	vmul.bf16 v51, v46  }
0x113: {  	v60 =	vmul.bf16 v52, v14;
	v61 =	vmul.bf16 v52, v40;
	v13 =	vadd.bf16 v62, v13  }
0x114: {  	v62 =	vmul.bf16 v44, v38;
	v15 =	vadd.bf16 v16, v15;
	v16 =	vadd.bf16 v63, v32  }
0x115: {  	v53 =	vld [tilespmem:s13+$0x1C60];
	v32 =	vadd.bf16 v56, v34;
	v33 =	vadd.bf16 v60, v33;
	v63 =	vmul.bf16 v44, v48  }
0x116: {  	v34 =	vadd.bf16 v61, v36;
	v60 =	vmul.bf16 v52, v49;
	v61 =	vmul.bf16 v52, v46  }
0x117: {  	v31 =	vadd.bf16 v55, v31;
	v39 =	vmul.bf16 v47, v50;
	v57 =	vmul.bf16 v45, v38  }
0x118: {  	v54 =	vld [tilespmem:s13+$0x1C90];
	v11 =	vadd.bf16 v51, v11;
	v58 =	vmul.bf16 v45, v48;
	v59 =	vmul.bf16 v45, v50  }
0x119: {  	v51 =	vld [tilespmem:s13+$0x1C80];
	v45 =	vmul.bf16 v45, v12;
	v33 =	vadd.bf16 v62, v33;
	v34 =	vadd.bf16 v63, v34  }
0x11a: {  	s14 =	sadd.s32 $0x180, s11;
	v56 =	vld [tilespmem:s13+$0x1CA0];
	v36 =	vadd.bf16 v60, v41;
	v62 =	vmul.bf16 v53, v14;
	v63 =	vmul.bf16 v44, v50  }
0x11b: {  	v52 =	vld.idx.msk [tilespmem:v26+s14+$0x0 ss:$0x1], $0xffff;
	v35 =	vadd.bf16 v61, v35;
	v60 =	vmul.bf16 v44, v12;
	v16 =	vadd.bf16 v57, v16  }
0x11c: {  	v55 =	vld.idx.msk [tilespmem:v26+s14+$0x30 ss:$0x1], $0xffff;
	v61 =	vmul.bf16 v47, v38;
	v31 =	vadd.bf16 v58, v31;
	v32 =	vadd.bf16 v59, v32  }
0x11d: {  	v44 =	vld.idx.msk [tilespmem:v26+s14+$0x10 ss:$0x1], $0xffff;
	v11 =	vadd.bf16 v45, v11;
	v57 =	vmul.bf16 v47, v48;
	v41 =	vadd.bf16 v62, v42  }
0x11e: {  	v45 =	vld [tilespmem:s13+$0x1CB0];
	v62 =	vmul.bf16 v53, v40;
	v35 =	vadd.bf16 v60, v35;
	v60 =	vmul.bf16 v53, v46  }
0x11f: {  	v58 =	vld.idx.msk [tilespmem:v26+s14+$0x20 ss:$0x1], $0xffff;
	v36 =	vadd.bf16 v63, v36;
	v63 =	vmul.bf16 v53, v49;
	v41 =	vadd.bf16 v61, v41  }
0x120: {  	v59 =	vld.idx.msk [tilespmem:v27+s14+$0x10 ss:$0x1], $0xffff;
	v1 =	vadd.bf16 v62, v1;
	v42 =	vadd.bf16 v60, v43;
	v43 =	vmul.bf16 v47, v12  }
0x121: {  	v53 =	vld.idx.msk [tilespmem:v27+s14+$0x0 ss:$0x1], $0xffff;
	v2 =	vadd.bf16 v63, v2;
	v47 =	vmul.bf16 v51, v14;
	v61 =	vmul.bf16 v54, v38  }
0x122: {  	v60 =	vld.idx.msk [tilespmem:v27+s14+$0x20 ss:$0x1], $0xffff;
	v62 =	vmul.bf16 v54, v48;
	v14 =	vmul.bf16 v56, v14  }
0x123: {  	v63 =	vld.idx.msk [tilespmem:v28+s14+$0x20 ss:$0x1], $0xffff;
	v1 =	vadd.bf16 v57, v1;
	v2 =	vadd.bf16 v39, v2;
	v39 =	vmul.bf16 v51, v40  }
0x124: {  	v57 =	vld.idx.msk [tilespmem:v27+s14+$0x30 ss:$0x1], $0xffff;
	v42 =	vadd.bf16 v43, v42;
	v4 =	vadd.bf16 v47, v4;
	v43 =	vmul.bf16 v51, v49  }
0x125: {  	v47 =	vld.idx.msk [tilespmem:v28+s14+$0x0 ss:$0x1], $0xffff;
	v8 =	vadd.bf16 v14, v8;
	v14 =	vmul.bf16 v45, v38;
	v38 =	vmul.bf16 v56, v46  }
0x126: {  	s15 =	sadd.s32 $0x1200, s10;
	v9 =	vadd.bf16 v39, v9;
	v39 =	vmul.bf16 v51, v46;
	v51 =	vld.idx.msk [tilespmem:v28+s14+$0x10 ss:$0x1], $0xffff;
	v10 =	vadd.bf16 v43, v10  }
0x127: {  	s13 =	sshra.s32 s15, $0x2;
	v43 =	vmul.bf16 v54, v50;
	v4 =	vadd.bf16 v61, v4;
	v61 =	vmul.bf16 v54, v12;
	v54 =	vld.idx.msk [tilespmem:v28+s14+$0x30 ss:$0x1], $0xffff  }
0x128: {  	v46 =	vld [tilespmem:s13+$0x1C00];
	v5 =	vadd.bf16 v38, v5;
	v12 =	vmul.bf16 v45, v12;
	v8 =	vadd.bf16 v14, v8  }
0x129: {  	v38 =	vld [tilespmem:s13+$0x1C10];
	v7 =	vadd.bf16 v39, v7;
	v9 =	vadd.bf16 v62, v9  }
0x12a: {  	v10 =	vadd.bf16 v43, v10;
	v43 =	vld.idx.msk [tilespmem:v29+s14+$0x0 ss:$0x1], $0xffff;
	v62 =	vmul.bf16 v56, v49;
	v5 =	vadd.bf16 v12, v5  }
0x12b: {  	v49 =	vld.idx.msk [tilespmem:v29+s14+$0x10 ss:$0x1], $0xffff;
	v12 =	vpack.i.f32.bf16 v44, v52;
	v39 =	vpack.i.f32.bf16 v55, v58;
	v44 =	vpack.i.f32.bf16 v59, v53  }
0x12c: {  	v14 =	vld.idx.msk [tilespmem:v29+s14+$0x30 ss:$0x1], $0xffff;
	v7 =	vadd.bf16 v61, v7;
	v61 =	vmul.bf16 v56, v40;
	v56 =	vmul.bf16 v45, v48  }
0x12d: {  	v52 =	vld [tilespmem:s13+$0x1C40];
	v6 =	vadd.bf16 v62, v6;
	v62 =	vmul.bf16 v45, v50;
	v48 =	vpack.i.f32.bf16 v57, v60  }
0x12e: {  	v47 =	vpack.i.f32.bf16 v51, v47;
	v51 =	vld [tilespmem:s13+$0x1C20];
	v57 =	vmul.bf16 v38, v39;
	v3 =	vadd.bf16 v61, v3  }
0x12f: {  	v45 =	vld [tilespmem:s13+$0x1C50];
	v50 =	vpack.i.f32.bf16 v54, v63;
	v58 =	vmul.bf16 v46, v44;
	v59 =	vmul.bf16 v46, v47  }
0x130: {  	v61 =	vld.idx.msk [tilespmem:v29+s14+$0x20 ss:$0x1], $0xffff;
	v43 =	vpack.i.f32.bf16 v49, v43;
	v3 =	vadd.bf16 v56, v3;
	v56 =	vmul.bf16 v46, v12  }
0x131: {  	v6 =	vadd.bf16 v62, v6;
	v37 =	vadd.bf16 v58, v37;
	v60 =	vmul.bf16 v46, v43  }
0x132: {  	v62 =	vmul.bf16 v38, v50;
	v13 =	vadd.bf16 v59, v13;
	v30 =	vadd.bf16 v56, v30  }
0x133: {  	v15 =	vadd.bf16 v60, v15;
	v63 =	vmul.bf16 v51, v12;
	v55 =	vmul.bf16 v51, v44  }
0x134: {  	v46 =	vld [tilespmem:s13+$0x1C30];
	v13 =	vadd.bf16 v62, v13;
	v56 =	vmul.bf16 v51, v47;
	v51 =	vmul.bf16 v51, v43  }
0x135: {  	v60 =	vmul.bf16 v52, v12;
	v62 =	vmul.bf16 v45, v39;
	v14 =	vpack.i.f32.bf16 v14, v61  }
0x136: {  	v61 =	vmul.bf16 v38, v48;
	v30 =	vadd.bf16 v57, v30;
	v16 =	vadd.bf16 v63, v16  }
0x137: {  	v38 =	vmul.bf16 v38, v14;
	v31 =	vadd.bf16 v55, v31;
	v32 =	vadd.bf16 v56, v32  }
0x138: {  	v11 =	vadd.bf16 v51, v11;
	v33 =	vadd.bf16 v60, v33;
	v63 =	vmul.bf16 v45, v48  }
0x139: {  	v53 =	vld [tilespmem:s13+$0x1C60];
	v37 =	vadd.bf16 v61, v37;
	v57 =	vmul.bf16 v46, v39;
	v58 =	vmul.bf16 v46, v48  }
0x13a: {  	v54 =	vld [tilespmem:s13+$0x1C90];
	v59 =	vmul.bf16 v46, v50;
	v61 =	vmul.bf16 v52, v44;
	v15 =	vadd.bf16 v38, v15  }
0x13b: {  	s14 =	sadd.s32 $0x1C0, s11;
	v49 =	vld [tilespmem:s13+$0x1C70];
	v46 =	vmul.bf16 v46, v14;
	v33 =	vadd.bf16 v62, v33;
	v16 =	vadd.bf16 v57, v16  }
0x13c: {  	v40 =	vld.idx.msk [tilespmem:v26+s14+$0x30 ss:$0x1], $0xffff;
	v60 =	vmul.bf16 v52, v47;
	v38 =	vadd.bf16 v59, v32;
	v32 =	vadd.bf16 v61, v34  }
0x13d: {  	v51 =	vld [tilespmem:s13+$0x1C80];
	v31 =	vadd.bf16 v58, v31;
	v11 =	vadd.bf16 v46, v11;
	v61 =	vmul.bf16 v52, v43  }
0x13e: {  	v56 =	vld [tilespmem:s13+$0x1CA0];
	v62 =	vmul.bf16 v53, v12;
	v34 =	vadd.bf16 v63, v32;
	v32 =	vadd.bf16 v60, v36  }
0x13f: {  	v46 =	vld [tilespmem:s13+$0x1CB0];
	v63 =	vmul.bf16 v45, v50;
	v35 =	vadd.bf16 v61, v35;
	v60 =	vmul.bf16 v45, v14  }
0x140: {  	v52 =	vld.idx.msk [tilespmem:v26+s14+$0x0 ss:$0x1], $0xffff;
	v57 =	vmul.bf16 v49, v48;
	v36 =	vadd.bf16 v62, v41;
	v61 =	vmul.bf16 v49, v39  }
0x141: {  	v58 =	vld.idx.msk [tilespmem:v26+s14+$0x20 ss:$0x1], $0xffff;
	v62 =	vmul.bf16 v53, v44;
	v55 =	vadd.bf16 v63, v32;
	v35 =	vadd.bf16 v60, v35  }
0x142: {  	v59 =	vld.idx.msk [tilespmem:v27+s14+$0x10 ss:$0x1], $0xffff;
	v63 =	vmul.bf16 v53, v47;
	v41 =	vadd.bf16 v61, v36;
	v60 =	vmul.bf16 v53, v43  }
0x143: {  	v45 =	vld.idx.msk [tilespmem:v26+s14+$0x10 ss:$0x1], $0xffff;
	v1 =	vadd.bf16 v62, v1;
	v32 =	vmul.bf16 v49, v50;
	v61 =	vmul.bf16 v54, v39  }
0x144: {  	v53 =	vld.idx.msk [tilespmem:v27+s14+$0x0 ss:$0x1], $0xffff;
	v62 =	vmul.bf16 v54, v48;
	v2 =	vadd.bf16 v63, v2;
	v36 =	vadd.bf16 v60, v42  }
0x145: {  	v42 =	vmul.bf16 v49, v14;
	v49 =	vmul.bf16 v51, v12;
	v60 =	vld.idx.msk [tilespmem:v27+s14+$0x20 ss:$0x1], $0xffff;
	v1 =	vadd.bf16 v57, v1  }
0x146: {  	v57 =	vld.idx.msk [tilespmem:v27+s14+$0x30 ss:$0x1], $0xffff;
	v12 =	vmul.bf16 v56, v12;
	v2 =	vadd.bf16 v32, v2;
	v32 =	vmul.bf16 v51, v44  }
0x147: {  	s15 =	sadd.s32 $0x1500, s10;
	v63 =	vld.idx.msk [tilespmem:v28+s14+$0x20 ss:$0x1], $0xffff;
	v42 =	vadd.bf16 v42, v36;
	v4 =	vadd.bf16 v49, v4;
	v36 =	vmul.bf16 v51, v47  }
0x148: {  	s13 =	sshra.s32 s15, $0x2;
	v49 =	vld.idx.msk [tilespmem:v28+s14+$0x0 ss:$0x1], $0xffff;
	v8 =	vadd.bf16 v12, v8;
	v12 =	vmul.bf16 v46, v39;
	v9 =	vadd.bf16 v32, v9  }
0x149: {  	v39 =	vld [tilespmem:s13+$0x1C10];
	v32 =	vmul.bf16 v51, v43;
	v10 =	vadd.bf16 v36, v10;
	v36 =	vmul.bf16 v54, v50  }
0x14a: {  	v51 =	vld.idx.msk [tilespmem:v28+s14+$0x10 ss:$0x1], $0xffff;
	v4 =	vadd.bf16 v61, v4;
	v61 =	vmul.bf16 v54, v14;
	v14 =	vmul.bf16 v46, v14  }
0x14b: {  	v54 =	vld.idx.msk [tilespmem:v28+s14+$0x30 ss:$0x1], $0xffff;
	v7 =	vadd.bf16 v32, v7;
	v9 =	vadd.bf16 v62, v9;
	v62 =	vmul.bf16 v56, v44  }
0x14c: {  	v8 =	vadd.bf16 v12, v8;
	v10 =	vadd.bf16 v36, v10;
	v36 =	vld.idx.msk [tilespmem:v29+s14+$0x0 ss:$0x1], $0xffff;
	v44 =	vmul.bf16 v56, v47  }
0x14d: {  	v7 =	vadd.bf16 v61, v7;
	v61 =	vmul.bf16 v56, v43;
	v43 =	vld [tilespmem:s13+$0x1C00];
	v3 =	vadd.bf16 v62, v3  }
0x14e: {  	v47 =	vld.idx.msk [tilespmem:v29+s14+$0x10 ss:$0x1], $0xffff;
	v62 =	vmul.bf16 v46, v48;
	v6 =	vadd.bf16 v44, v6;
	v56 =	vmul.bf16 v46, v50  }
0x14f: {  	v12 =	vld.idx.msk [tilespmem:v29+s14+$0x30 ss:$0x1], $0xffff;
	v46 =	vpack.i.f32.bf16 v59, v53;
	v48 =	vpack.i.f32.bf16 v57, v60;
	v5 =	vadd.bf16 v61, v5  }
0x150: {  	v44 =	vld.idx.msk [tilespmem:v29+s14+$0x20 ss:$0x1], $0xffff;
	v49 =	vpack.i.f32.bf16 v51, v49;
	v50 =	vpack.i.f32.bf16 v54, v63;
	v3 =	vadd.bf16 v62, v3  }
0x151: {  	v57 =	vld [tilespmem:s13+$0x1C30];
	v59 =	vmul.bf16 v39, v50;
	v5 =	vadd.bf16 v14, v5;
	v14 =	vpack.i.f32.bf16 v45, v52  }
0x152: {  	v45 =	vpack.i.f32.bf16 v40, v58;
	v40 =	vld [tilespmem:s13+$0x1C20];
	v58 =	vmul.bf16 v39, v48;
	v61 =	vmul.bf16 v43, v14  }
0x153: {  	v47 =	vpack.i.f32.bf16 v47, v36;
	v62 =	vmul.bf16 v39, v45;
	v63 =	vmul.bf16 v43, v46  }
0x154: {  	v6 =	vadd.bf16 v56, v6;
	v53 =	vmul.bf16 v43, v49;
	v56 =	vmul.bf16 v43, v47  }
0x155: {  	v12 =	vpack.i.f32.bf16 v12, v44;
	v30 =	vadd.bf16 v61, v30;
	v54 =	vadd.bf16 v63, v37  }
0x156: {  	v52 =	vld [tilespmem:s13+$0x1C60];
	v60 =	vmul.bf16 v39, v12;
	v13 =	vadd.bf16 v53, v13;
	v15 =	vadd.bf16 v56, v15  }
0x157: {  	v56 =	vmul.bf16 v57, v50;
	v30 =	vadd.bf16 v62, v30;
	v61 =	vmul.bf16 v40, v14;
	v62 =	vld [tilespmem:s13+$0x1C40]  }
0x158: {  	v44 =	vadd.bf16 v58, v54;
	v32 =	vadd.bf16 v59, v13;
	v13 =	vmul.bf16 v40, v46  }
0x159: {  	v63 =	vld [tilespmem:s13+$0x1C50];
	v36 =	vadd.bf16 v60, v15;
	v15 =	vadd.bf16 v61, v16;
	v16 =	vmul.bf16 v40, v49  }
0x15a: {  	v54 =	vmul.bf16 v57, v45;
	v13 =	vadd.bf16 v13, v31;
	v31 =	vmul.bf16 v57, v48  }
0x15b: {  	v40 =	vmul.bf16 v40, v47;
	v57 =	vmul.bf16 v57, v12;
	v16 =	vadd.bf16 v16, v38  }
0x15c: {  	v61 =	vmul.bf16 v52, v14;
	v31 =	vadd.bf16 v31, v13;
	v13 =	vmul.bf16 v62, v14  }
0x15d: {  	v11 =	vadd.bf16 v40, v11;
	v40 =	vld [tilespmem:s13+$0x1C70];
	v37 =	vadd.bf16 v56, v16;
	v16 =	vmul.bf16 v62, v46  }
0x15e: {  	v43 =	vld [tilespmem:s13+$0x1C80];
	v58 =	vmul.bf16 v63, v45;
	v59 =	vmul.bf16 v63, v48;
	v13 =	vadd.bf16 v13, v33  }
0x15f: {  	v51 =	vld [tilespmem:s13+$0x1CA0];
	v15 =	vadd.bf16 v54, v15;
	v60 =	vmul.bf16 v62, v49;
	v16 =	vadd.bf16 v16, v34  }
0x160: {  	v54 =	vld [tilespmem:s13+$0x1C90];
	v11 =	vadd.bf16 v57, v11;
	v33 =	vadd.bf16 v58, v13;
	v13 =	vmul.bf16 v62, v47  }
0x161: {  	s14 =	sadd.s32 $0x200, s11;
	v53 =	vld [tilespmem:s13+$0x1CB0];
	v62 =	vmul.bf16 v63, v12;
	v38 =	vadd.bf16 v59, v16;
	v16 =	vadd.bf16 v60, v55  }
0x162: {  	v56 =	vld.idx.msk [tilespmem:v26+s14+$0x0 ss:$0x1], $0xffff;
	v55 =	vmul.bf16 v63, v50;
	v63 =	vadd.bf16 v61, v41;
	v60 =	vmul.bf16 v40, v45  }
0x163: {  	v57 =	vld.idx.msk [tilespmem:v27+s14+$0x0 ss:$0x1], $0xffff;
	v61 =	vmul.bf16 v52, v46;
	v59 =	vmul.bf16 v43, v14;
	v13 =	vadd.bf16 v13, v35  }
0x164: {  	v58 =	vld.idx.msk [tilespmem:v26+s14+$0x10 ss:$0x1], $0xffff;
	v41 =	vmul.bf16 v40, v48;
	v16 =	vadd.bf16 v55, v16;
	v39 =	vadd.bf16 v60, v63  }
0x165: {  	v55 =	vld.idx.msk [tilespmem:v26+s14+$0x20 ss:$0x1], $0xffff;
	v1 =	vadd.bf16 v61, v1;
	v4 =	vadd.bf16 v59, v4;
	v59 =	vmul.bf16 v54, v45  }
0x166: {  	v60 =	vld.idx.msk [tilespmem:v27+s14+$0x10 ss:$0x1], $0xffff;
	v63 =	vmul.bf16 v51, v49;
	v34 =	vadd.bf16 v62, v13;
	v13 =	vmul.bf16 v52, v49  }
0x167: {  	v62 =	vmul.bf16 v52, v47;
	v52 =	vld.idx.msk [tilespmem:v26+s14+$0x30 ss:$0x1], $0xffff;
	v1 =	vadd.bf16 v41, v1;
	v41 =	vmul.bf16 v43, v49  }
0x168: {  	v4 =	vadd.bf16 v59, v4;
	v49 =	vld.idx.msk [tilespmem:v29+s14+$0x0 ss:$0x1], $0xffff;
	v59 =	vmul.bf16 v51, v47;
	v6 =	vadd.bf16 v63, v6  }
0x169: {  	s15 =	sadd.s32 $0x1800, s10;
	v63 =	vld.idx.msk [tilespmem:v29+s14+$0x20 ss:$0x1], $0xffff;
	v2 =	vadd.bf16 v13, v2;
	v13 =	vmul.bf16 v40, v50;
	v42 =	vadd.bf16 v62, v42  }
0x16a: {  	s13 =	sshra.s32 s15, $0x2;
	v40 =	vmul.bf16 v40, v12;
	v62 =	vld.idx.msk [tilespmem:v28+s14+$0x10 ss:$0x1], $0xffff;
	v10 =	vadd.bf16 v41, v10;
	v41 =	vmul.bf16 v54, v50  }
0x16b: {  	v5 =	vadd.bf16 v59, v5;
	v59 =	vld [tilespmem:s13+$0x1C20];
	v35 =	vadd.bf16 v13, v2;
	v2 =	vmul.bf16 v43, v46  }
0x16c: {  	v13 =	vld.idx.msk [tilespmem:v27+s14+$0x20 ss:$0x1], $0xffff;
	v41 =	vadd.bf16 v41, v10;
	v10 =	vmul.bf16 v51, v14  }
0x16d: {  	v40 =	vadd.bf16 v40, v42;
	v42 =	vld.idx.msk [tilespmem:v27+s14+$0x30 ss:$0x1], $0xffff;
	v2 =	vadd.bf16 v2, v9;
	v9 =	vmul.bf16 v43, v47  }
0x16e: {  	v61 =	vmul.bf16 v54, v48;
	v14 =	vld.idx.msk [tilespmem:v28+s14+$0x30 ss:$0x1], $0xffff;
	v8 =	vadd.bf16 v10, v8  }
0x16f: {  	v47 =	vld [tilespmem:s13+$0x1C00];
	v10 =	vmul.bf16 v53, v45;
	v7 =	vadd.bf16 v9, v7;
	v9 =	vmul.bf16 v54, v12  }
0x170: {  	v43 =	vld.idx.msk [tilespmem:v28+s14+$0x0 ss:$0x1], $0xffff;
	v2 =	vadd.bf16 v61, v2;
	v61 =	vmul.bf16 v53, v50;
	v12 =	vmul.bf16 v53, v12  }
0x171: {  	v50 =	vpack.i.f32.bf16 v60, v57;
	v7 =	vadd.bf16 v9, v7;
	v9 =	vmul.bf16 v51, v46;
	v46 =	vld.idx.msk [tilespmem:v29+s14+$0x10 ss:$0x1], $0xffff  }
0x172: {  	v54 =	vld.idx.msk [tilespmem:v28+s14+$0x20 ss:$0x1], $0xffff;
	v8 =	vadd.bf16 v10, v8;
	v10 =	vpack.i.f32.bf16 v58, v56;
	v13 =	vpack.i.f32.bf16 v42, v13  }
0x173: {  	v5 =	vadd.bf16 v12, v5;
	v12 =	vld.idx.msk [tilespmem:v29+s14+$0x30 ss:$0x1], $0xffff;
	v3 =	vadd.bf16 v9, v3;
	v9 =	vmul.bf16 v53, v48  }
0x174: {  	v57 =	vmul.bf16 v59, v50;
	v6 =	vadd.bf16 v61, v6;
	v58 =	vmul.bf16 v47, v10  }
0x175: {  	v42 =	vpack.i.f32.bf16 v62, v43;
	v60 =	vmul.bf16 v47, v50;
	v3 =	vadd.bf16 v9, v3;
	v9 =	vld [tilespmem:s13+$0x1C10]  }
0x176: {  	v31 =	vadd.bf16 v57, v31;
	v48 =	vpack.i.f32.bf16 v52, v55;
	v46 =	vpack.i.f32.bf16 v46, v49;
	v49 =	vld [tilespmem:s13+$0x1C30]  }
0x177: {  	v14 =	vpack.i.f32.bf16 v14, v54;
	v30 =	vadd.bf16 v58, v30;
	v54 =	vmul.bf16 v59, v10  }
0x178: {  	v43 =	vadd.bf16 v60, v44;
	v12 =	vpack.i.f32.bf16 v12, v63;
	v63 =	vmul.bf16 v47, v42  }
0x179: {  	v58 =	vmul.bf16 v59, v42;
	v15 =	vadd.bf16 v54, v15;
	v47 =	vmul.bf16 v47, v46  }
0x17a: {  	v32 =	vadd.bf16 v63, v32;
	v61 =	vmul.bf16 v9, v48;
	v62 =	vmul.bf16 v9, v13  }
0x17b: {  	v45 =	vld [tilespmem:s13+$0x1C40];
	v36 =	vadd.bf16 v47, v36;
	v55 =	vmul.bf16 v9, v14;
	v56 =	vmul.bf16 v49, v48  }
0x17c: {  	v47 =	vld [tilespmem:s13+$0x1C60];
	v9 =	vmul.bf16 v9, v12;
	v51 =	vadd.bf16 v61, v30;
	v30 =	vadd.bf16 v62, v43  }
0x17d: {  	v44 =	vadd.bf16 v55, v32;
	v43 =	vld [tilespmem:s13+$0x1C50];
	v32 =	vadd.bf16 v56, v15;
	v15 =	vmul.bf16 v59, v46  }
0x17e: {  	s11 =	sadd.s32 $0x240, s11;
	v37 =	vadd.bf16 v58, v37;
	v60 =	vmul.bf16 v49, v14;
	v59 =	vmul.bf16 v49, v13  }
0x17f: {  	v57 =	vld.idx.msk [tilespmem:v26+s11+$0x0 ss:$0x1], $0xffff;
	v9 =	vadd.bf16 v9, v36;
	v11 =	vadd.bf16 v15, v11;
	v15 =	vmul.bf16 v49, v12  }
0x180: {  	v52 =	vld [tilespmem:s13+$0x1CA0];
	v61 =	vmul.bf16 v45, v50;
	v53 =	vadd.bf16 v59, v31;
	v31 =	vmul.bf16 v45, v10  }
0x181: {  	v37 =	vadd.bf16 v60, v37;
	v49 =	vld [tilespmem:s13+$0x1C70];
	v36 =	vadd.bf16 v15, v11;
	v11 =	vmul.bf16 v45, v42  }
0x182: {  	v54 =	vld.idx.msk [tilespmem:v26+s11+$0x10 ss:$0x1], $0xffff;
	v60 =	vmul.bf16 v47, v10;
	v31 =	vadd.bf16 v31, v33;
	v62 =	vmul.bf16 v43, v48  }
0x183: {  	v58 =	vld.idx.msk [tilespmem:v26+s11+$0x30 ss:$0x1], $0xffff;
	v38 =	vadd.bf16 v61, v38;
	v11 =	vadd.bf16 v11, v16;
	v16 =	vmul.bf16 v43, v14  }
0x184: {  	v55 =	vld [tilespmem:s13+$0x1C80];
	v39 =	vadd.bf16 v60, v39;
	v33 =	vadd.bf16 v62, v31;
	v31 =	vmul.bf16 v45, v46  }
0x185: {  	v56 =	vld [tilespmem:s13+$0x1CB0];
	v63 =	vmul.bf16 v43, v13;
	v11 =	vadd.bf16 v16, v11;
	v16 =	vmul.bf16 v47, v50  }
0x186: {  	v59 =	vld.idx.msk [tilespmem:v27+s11+$0x0 ss:$0x1], $0xffff;
	v61 =	vmul.bf16 v43, v12;
	v62 =	vmul.bf16 v49, v48;
	v31 =	vadd.bf16 v31, v34  }
0x187: {  	v15 =	vld [tilespmem:s13+$0x1C90];
	v38 =	vadd.bf16 v63, v38;
	v1 =	vadd.bf16 v16, v1;
	v16 =	vmul.bf16 v49, v13  }
0x188: {  	v60 =	vld.idx.msk [tilespmem:v27+s11+$0x30 ss:$0x1], $0xffff;
	v39 =	vadd.bf16 v62, v39;
	v34 =	vadd.bf16 v61, v31;
	v31 =	vmul.bf16 v47, v42  }
0x189: {  	v43 =	vld.idx.msk [tilespmem:v26+s11+$0x20 ss:$0x1], $0xffff;
	v47 =	vmul.bf16 v47, v46;
	v61 =	vmul.bf16 v55, v42;
	v1 =	vadd.bf16 v16, v1  }
0x18a: {  	v45 =	vld.idx.msk [tilespmem:v27+s11+$0x10 ss:$0x1], $0xffff;
	v16 =	vmul.bf16 v55, v10;
	v31 =	vadd.bf16 v31, v35;
	v35 =	vmul.bf16 v49, v14  }
0x18b: {  	v63 =	vld.idx.msk [tilespmem:v29+s11+$0x10 ss:$0x1], $0xffff;
	v40 =	vadd.bf16 v47, v40;
	v49 =	vmul.bf16 v49, v12;
	v41 =	vadd.bf16 v61, v41  }
0x18c: {  	v62 =	vld.idx.msk [tilespmem:v28+s11+$0x0 ss:$0x1], $0xffff;
	v61 =	vmul.bf16 v15, v14;
	v10 =	vmul.bf16 v52, v10;
	v4 =	vadd.bf16 v16, v4  }
0x18d: {  	v47 =	vld.idx.msk [tilespmem:v27+s11+$0x20 ss:$0x1], $0xffff;
	v16 =	vmul.bf16 v15, v48;
	v35 =	vadd.bf16 v35, v31;
	v31 =	vmul.bf16 v55, v50  }
0x18e: {  	s10 =	sadd.s32 $0x1B00, s10;
	v40 =	vadd.bf16 v49, v40;
	v49 =	vld.idx.msk [tilespmem:v28+s11+$0x10 ss:$0x1], $0xffff;
	v8 =	vadd.bf16 v10, v8;
	v10 =	vmul.bf16 v52, v46  }
0x18f: {  	s10 =	sshra.s32 s10, $0x2;
	v4 =	vadd.bf16 v16, v4;
	v16 =	vmul.bf16 v55, v46;
	v2 =	vadd.bf16 v31, v2;
	v55 =	vld.idx.msk [tilespmem:v28+s11+$0x20 ss:$0x1], $0xffff  }
0x190: {  	v31 =	vmul.bf16 v15, v13;
	v5 =	vadd.bf16 v10, v5;
	v10 =	vmul.bf16 v56, v14;
	v14 =	vld [tilespmem:s10+$0x1C10]  }
0x191: {  	v15 =	vmul.bf16 v15, v12;
	v7 =	vadd.bf16 v16, v7;
	v16 =	vld.idx.msk [tilespmem:v28+s11+$0x30 ss:$0x1], $0xffff  }
0x192: {  	v13 =	vmul.bf16 v56, v13;
	v2 =	vadd.bf16 v31, v2;
	v31 =	vmul.bf16 v52, v50;
	v50 =	vld.idx.msk [tilespmem:v29+s11+$0x0 ss:$0x1], $0xffff  }
0x193: {  	v12 =	vmul.bf16 v56, v12;
	v46 =	vpack.i.f32.bf16 v60, v47;
	v47 =	vpack.i.f32.bf16 v49, v62;
	v49 =	vld [tilespmem:s10+$0x1C30]  }
0x194: {  	v7 =	vadd.bf16 v15, v7;
	v15 =	vmul.bf16 v52, v42;
	v3 =	vadd.bf16 v31, v3;
	v31 =	vld [tilespmem:s10+$0x1C00]  }
0x195: {  	v5 =	vadd.bf16 v12, v5;
	v12 =	vpack.i.f32.bf16 v58, v43;
	v52 =	vmul.bf16 v56, v48;
	v48 =	vld [tilespmem:s10+$0x1C20]  }
0x196: {  	v60 =	vmul.bf16 v14, v12;
	v6 =	vadd.bf16 v15, v6;
	v15 =	vld.idx.msk [tilespmem:v29+s11+$0x20 ss:$0x1], $0xffff  }
0x197: {  	v62 =	vmul.bf16 v14, v46;
	v8 =	vadd.bf16 v52, v8;
	v3 =	vadd.bf16 v13, v3;
	v13 =	vld.idx.msk [tilespmem:v29+s11+$0x30 ss:$0x1], $0xffff  }
0x198: {  	v16 =	vpack.i.f32.bf16 v16, v55;
	v42 =	vpack.i.f32.bf16 v63, v50;
	v6 =	vadd.bf16 v10, v6  }
0x199: {  	v52 =	vld [tilespmem:s10+$0x1C40];
	v10 =	vpack.i.f32.bf16 v54, v57;
	v63 =	vmul.bf16 v14, v16;
	v57 =	vmul.bf16 v49, v12  }
0x19a: {  	v43 =	vpack.i.f32.bf16 v45, v59;
	v58 =	vmul.bf16 v49, v46;
	v59 =	vmul.bf16 v31, v10  }
0x19b: {  	v41 =	vadd.bf16 v61, v41;
	v61 =	vmul.bf16 v31, v43;
	v56 =	vmul.bf16 v48, v10  }
0x19c: {  	v45 =	vadd.bf16 v59, v51;
	v13 =	vpack.i.f32.bf16 v13, v15;
	v15 =	vmul.bf16 v31, v47  }
0x19d: {  	v30 =	vadd.bf16 v61, v30;
	v31 =	vmul.bf16 v31, v42;
	v59 =	vmul.bf16 v49, v16  }
0x19e: {  	v51 =	vld [tilespmem:s10+$0x1C60];
	v61 =	vmul.bf16 v52, v43;
	v45 =	vadd.bf16 v60, v45;
	v15 =	vadd.bf16 v15, v44  }
0x19f: {  	v14 =	vmul.bf16 v14, v13;
	v9 =	vadd.bf16 v31, v9;
	v50 =	vadd.bf16 v62, v30  }
0x1a0: {  	v44 =	vld [tilespmem:s10+$0x1C50];
	v60 =	vmul.bf16 v52, v10;
	v62 =	vmul.bf16 v49, v13;
	v31 =	vadd.bf16 v63, v15  }
0x1a1: {  	v15 =	vmul.bf16 v48, v43;
	v30 =	vadd.bf16 v14, v9;
	v9 =	vadd.bf16 v56, v32  }
0x1a2: {  	v14 =	vmul.bf16 v48, v47;
	v48 =	vmul.bf16 v48, v42;
	v33 =	vadd.bf16 v60, v33  }
0x1a3: {  	v60 =	vmul.bf16 v51, v10;
	v54 =	vmul.bf16 v51, v47;
	v15 =	vadd.bf16 v15, v53  }
0x1a4: {  	v55 =	vmul.bf16 v51, v42;
	v14 =	vadd.bf16 v14, v37;
	v9 =	vadd.bf16 v57, v9  }
0x1a5: {  	v36 =	vadd.bf16 v48, v36;
	v37 =	vadd.bf16 v61, v38;
	v63 =	vmul.bf16 v44, v12  }
0x1a6: {  	v57 =	vmul.bf16 v44, v46;
	v38 =	vadd.bf16 v60, v39;
	v39 =	vadd.bf16 v55, v40  }
0x1a7: {  	v53 =	vld [tilespmem:s10+$0x1C70];
	v61 =	vmul.bf16 v44, v16;
	v15 =	vadd.bf16 v58, v15;
	v14 =	vadd.bf16 v59, v14  }
0x1a8: {  	v58 =	vmul.bf16 v52, v47;
	v32 =	vadd.bf16 v62, v36;
	v59 =	vmul.bf16 v52, v42  }
0x1a9: {  	v48 =	vld [tilespmem:s10+$0x1C90];
	v52 =	vmul.bf16 v51, v43;
	v36 =	vadd.bf16 v63, v33;
	v37 =	vadd.bf16 v57, v37  }
0x1aa: {  	v62 =	vmul.bf16 v44, v13;
	v44 =	vld [tilespmem:s10+$0x1C80];
	v11 =	vadd.bf16 v58, v11;
	v33 =	vadd.bf16 v59, v34  }
0x1ab: {  	v1 =	vadd.bf16 v52, v1;
	v34 =	vadd.bf16 v54, v35  }
0x1ac: {  	v52 =	vunpack.i.l.bf16.f32 v14;
	v63 =	vmul.bf16 v53, v12;
	v56 =	vmul.bf16 v53, v46  }
0x1ad: {  	v49 =	vld [tilespmem:s10+$0x1CA0];
	v57 =	vmul.bf16 v53, v16;
	v58 =	vmul.bf16 v53, v13;
	v11 =	vadd.bf16 v61, v11  }
0x1ae: {  	v33 =	vadd.bf16 v62, v33;
	v62 =	vmul.bf16 v48, v12;
	v38 =	vadd.bf16 v63, v38  }
0x1af: {  	v59 =	vmul.bf16 v44, v10;
	v1 =	vadd.bf16 v56, v1;
	v60 =	vmul.bf16 v44, v43  }
0x1b0: {  	v34 =	vadd.bf16 v57, v34;
	v61 =	vmul.bf16 v44, v47;
	v63 =	vmul.bf16 v44, v42  }
0x1b1: {  	v39 =	vadd.bf16 v58, v39;
	v57 =	vmul.bf16 v48, v46;
	v58 =	vmul.bf16 v48, v16  }
0x1b2: {  	v56 =	vld [tilespmem:s10+$0x1CB0];
	v10 =	vmul.bf16 v49, v10;
	v4 =	vadd.bf16 v59, v4;
	v2 =	vadd.bf16 v60, v2  }
0x1b3: {  	v53 =	vunpack.i.l.bf16.f32 v11;
	v40 =	vadd.bf16 v61, v41;
	v7 =	vadd.bf16 v63, v7  }
0x1b4: {  	v59 =	vmul.bf16 v48, v13;
	v60 =	vmul.bf16 v49, v43;
	v8 =	vadd.bf16 v10, v8  }
0x1b5: {  	v61 =	vmul.bf16 v49, v47;
	v4 =	vadd.bf16 v62, v4;
	v2 =	vadd.bf16 v57, v2  }
0x1b6: {  	v47 =	vunpack.i.l.bf16.f32 v38;
	v40 =	vadd.bf16 v58, v40;
	v7 =	vadd.bf16 v59, v7  }
0x1b7: {  	v3 =	vadd.bf16 v60, v3;
	v10 =	vmul.bf16 v56, v12;
	v12 =	vmul.bf16 v49, v42  }
0x1b8: {  	v6 =	vadd.bf16 v61, v6;
	v57 =	vunpack.i.l.bf16.f32 v30;
	v62 =	vmul.bf16 v56, v46  }
0x1b9: {  	v58 =	vunpack.i.u.bf16.f32 v32;
	v16 =	vmul.bf16 v56, v16;
	v5 =	vadd.bf16 v12, v5  }
0x1ba: {  	v12 =	vmul.bf16 v56, v13;
	v8 =	vadd.bf16 v10, v8;
	v3 =	vadd.bf16 v62, v3  }
0x1bb: {  	v6 =	vadd.bf16 v16, v6;
	v13 =	vunpack.i.u.bf16.f32 v9;
	v9 =	vunpack.i.l.bf16.f32 v9  }
0x1bc: {  	v10 =	vunpack.i.u.bf16.f32 v45;
	v16 =	vunpack.i.u.bf16.f32 v38;
	v9 =	vadd.f32 v9, v13  }
0x1bd: {  	v13 =	vunpack.i.l.bf16.f32 v36;
	v5 =	vadd.bf16 v12, v5;
	v12 =	vunpack.i.l.bf16.f32 v45  }
0x1be: {  	v10 =	vadd.f32 v12, v10;
	v12 =	vunpack.i.u.bf16.f32 v36;
	v24 =	vadd.f32 v9, v24  }
0x1bf: {  	v9 =	vunpack.i.u.bf16.f32 v4;
	v4 =	vunpack.i.l.bf16.f32 v4;
	v12 =	vadd.f32 v13, v12  }
0x1c0: {  	v56 =	vunpack.i.l.bf16.f32 v6;
	v13 =	vadd.f32 v47, v16;
	v4 =	vadd.f32 v4, v9  }
0x1c1: {  	v9 =	vunpack.i.u.bf16.f32 v50;
	v62 =	vunpack.i.u.bf16.f32 v5;
	v25 =	vadd.f32 v10, v25  }
0x1c2: {  	v10 =	vunpack.i.u.bf16.f32 v8;
	v8 =	vunpack.i.l.bf16.f32 v8;
	v23 =	vadd.f32 v12, v23  }
0x1c3: {  	v22 =	vadd.f32 v13, v22;
	v8 =	vadd.f32 v8, v10;
	v10 =	vunpack.i.l.bf16.f32 v50  }
0x1c4: {  	v12 =	vunpack.i.u.bf16.f32 v15;
	v13 =	vunpack.i.l.bf16.f32 v15;
	v9 =	vadd.f32 v10, v9  }
0x1c5: {  	v63 =	vld [tilespmem:$0x1FF00];
	v21 =	vadd.f32 v4, v21;
	v50 =	vunpack.i.u.bf16.f32 v37;
	v10 =	vadd.f32 v13, v12  }
0x1c6: {  	v48 =	vld [tilespmem:$0x1FF20];
	v20 =	vadd.f32 v8, v20;
	v8 =	vunpack.i.l.bf16.f32 v37;
	v19 =	vadd.f32 v9, v19  }
0x1c7: {  	v51 =	vld [tilespmem:$0x1FF90];
	v9 =	vunpack.i.u.bf16.f32 v1;
	v1 =	vunpack.i.l.bf16.f32 v1;
	v4 =	vadd.f32 v8, v50  }
0x1c8: {  	v8 =	vunpack.i.u.bf16.f32 v2;
	v2 =	vunpack.i.l.bf16.f32 v2;
	v1 =	vadd.f32 v1, v9  }
0x1c9: {  	v46 =	vld [tilespmem:$0x1FF10];
	v9 =	vunpack.i.u.bf16.f32 v3;
	v3 =	vunpack.i.l.bf16.f32 v3;
	v2 =	vadd.f32 v2, v8  }
0x1ca: {  	v49 =	vld [tilespmem:$0x1FF30];
	v5 =	vunpack.i.l.bf16.f32 v5;
	v18 =	vadd.f32 v10, v18;
	v3 =	vadd.f32 v3, v9  }
0x1cb: {  	v54 =	vld [tilespmem:$0x1FFD0];
	v41 =	vadd.f32 v1, v63;
	v38 =	vadd.f32 v2, v48;
	v1 =	vunpack.i.u.bf16.f32 v31  }
0x1cc: {  	v2 =	vunpack.i.l.bf16.f32 v31;
	v37 =	vadd.f32 v3, v51;
	v3 =	vunpack.i.u.bf16.f32 v14  }
0x1cd: {  	v16 =	vld [tilespmem:$0x1FF40];
	v1 =	vadd.f32 v2, v1;
	v2 =	vadd.f32 v52, v3;
	v3 =	vunpack.i.u.bf16.f32 v11  }
0x1ce: {  	v15 =	vld [tilespmem:$0x1FF50];
	v8 =	vunpack.i.u.bf16.f32 v34;
	v9 =	vunpack.i.l.bf16.f32 v34;
	v3 =	vadd.f32 v53, v3  }
0x1cf: {  	v10 =	vld [tilespmem:$0x1FF80];
	v36 =	vadd.f32 v1, v46;
	v1 =	vunpack.i.u.bf16.f32 v40;
	v35 =	vadd.f32 v2, v49  }
0x1d0: {  	v13 =	vld [tilespmem:$0x1FF60];
	v2 =	vunpack.i.l.bf16.f32 v40;
	v34 =	vadd.f32 v3, v54;
	v3 =	vunpack.i.u.bf16.f32 v6  }
0x1d1: {  	v1 =	vadd.f32 v2, v1;
	v2 =	vadd.f32 v56, v3;
	v3 =	vunpack.i.u.bf16.f32 v30;
	v30 =	vld [tilespmem:$0x1FFE0]  }
0x1d2: {  	v60 =	vunpack.i.l.bf16.f32 v39;
	v12 =	vld [tilespmem:$0x1FF70];
	v17 =	vadd.f32 v4, v17;
	v63 =	vadd.f32 v5, v62  }
0x1d3: {  	v31 =	vld [tilespmem:$0x1FFA0];
	v55 =	vadd.f32 v9, v8;
	v8 =	vunpack.i.l.bf16.f32 v32;
	v3 =	vadd.f32 v57, v3  }
0x1d4: {  	v61 =	vunpack.i.l.bf16.f32 v7;
	v14 =	vld [tilespmem:$0x1FFB0];
	v59 =	vadd.f32 v8, v58;
	v10 =	vadd.f32 v63, v10  }
0x1d5: {  	p1 =	sne.s32 s2, $0x4;
	v11 =	vld [tilespmem:$0x1FFC0];
	v16 =	vadd.f32 v2, v16;
	v2 =	vunpack.i.l.bf16.f32 v33;
	v15 =	vadd.f32 v3, v15  }
.Ltmp0:
0x1d6: {  	v3 =	vunpack.i.u.bf16.f32 v39;
	v30 =	vadd.f32 v1, v30;
	v1 =	vunpack.i.u.bf16.f32 v33;
	(pc) =	sbr.rel @p1 .LBB2_3-.Ltmp0, $4  }
0x1d7: {  	v1 =	vadd.f32 v2, v1;
	v2 =	vadd.f32 v60, v3;
	v3 =	vunpack.i.u.bf16.f32 v7  }
0x1d8: {  	v31 =	vadd.f32 v55, v31;
	v3 =	vadd.f32 v61, v3  }
0x1d9: {  	v14 =	vadd.f32 v59, v14;
	v13 =	vadd.f32 v1, v13  }
0x1da: {  	s2 =	sadd.s32 $0x1, s2;
	v12 =	vadd.f32 v2, v12;
	v11 =	vadd.f32 v3, v11  }
0x1db: {  	p2 =	sgt.u32 s1, $0x1D  }
0x1dc: {  	p1 =	sne.s32 @!p2 s0, $0x0  }
0x1dd: {  	s0 =	sadd.s32 $0x2, s1;
	p1 =	por p1, p2  }
0x1de: {  	s2 =	smul.u32 @!p1 $0x380, s0;
	_ =	sdelay $0x1  }
0x1df: {  	s10 =	simm.s32 @!p1 $0x32;
	s11 =	simm.s32 @!p1 $0x4180;
	s2 =	sshra.s32 @!p1 s2, $0x2  }
0x1e0: {  	[tilespmem:s11], [sflag:$0x1] =	stream.indirect.gather @!p1 [hbm4b:s4+s10], $0x40, s2, s10, $0xb8;
	[tilespmem:$0xAE90] =	vst v63  }
0x1e1: {  	p0 =	por !p0, !p0;
	s13 =	simm.s32 @!p1 $0x4E00;
	s11 =	sadd.s32 @!p1 $0x38, s2  }
0x1e2: {  	[tilespmem:s13], [sflag:$0x1] =	stream.indirect.gather @!p1 [hbm4b:s4+s10], $0x40, s11, s10, $0xb8;
	[tilespmem:$0xAE90] =	vst v63  }
0x1e3: {  	p0 =	por p2, p0;
	s11 =	sadd.s32 @!p1 $0x70, s2;
	s13 =	simm.s32 @!p1 $0x5A80  }
0x1e4: {  	[tilespmem:s13], [sflag:$0x1] =	stream.indirect.gather @!p1 [hbm4b:s4+s10], $0x40, s11, s10, $0xb8;
	[tilespmem:$0xAE90] =	vst v63  }
0x1e5: {  	s0 =	smul.u32 @!p0 $0x380, s0;
	s2 =	sadd.s32 @!p1 $0xA8, s2;
	s11 =	simm.s32 @!p1 $0x6700  }
0x1e6: {  	v9 =	vld [tilespmem:$0x1FFF0];
	[tilespmem:s11], [sflag:$0x1] =	stream.indirect.gather @!p1 [hbm4b:s4+s10], $0x40, s2, s10, $0xb8  }
0x1e7: {  	s0 =	sshra.s32 @!p0 s0, $0x2;
	s2 =	simm.s32 @!p0 $0x32;
	s10 =	simm.s32 @!p0 $0x7380  }
0x1e8: {  	[tilespmem:s10], [sflag:$0x2] =	stream.indirect.gather @!p0 [hbm4b:s4+s2], $0x40, s0, s2, $0xb8;
	[tilespmem:$0xAE90] =	vst v63  }
0x1e9: {  	s11 =	simm.s32 @!p0 $0x8000;
	s10 =	sadd.s32 @!p0 $0x38, s0  }
0x1ea: {  	[tilespmem:s11], [sflag:$0x2] =	stream.indirect.gather @!p0 [hbm4b:s4+s2], $0x40, s10, s2, $0xb8;
	[tilespmem:$0xAE90] =	vst v63  }
0x1eb: {  	v27 =	vor.u32 $0x1, v9;
	s10 =	sadd.s32 @!p0 $0x70, s0;
	s11 =	simm.s32 @!p0 $0x8C80  }
0x1ec: {  	v1 =	vor.u32 $0x2, v9;
	[tilespmem:s11], [sflag:$0x2] =	stream.indirect.gather @!p0 [hbm4b:s4+s2], $0x40, s10, s2, $0xb8;
	[tilespmem:$0xAE90] =	vst v63  }
0x1ed: {  	v2 =	vor.u32 $0x3, v9;
	s0 =	sadd.s32 @!p0 $0xA8, s0;
	s10 =	simm.s32 @!p0 $0x9900  }
0x1ee: {  	v3 =	vor.u32 $0x4, v9;
	[tilespmem:s10], [sflag:$0x2] =	stream.indirect.gather @!p0 [hbm4b:s4+s2], $0x40, s0, s2, $0xb8;
	[tilespmem:$0xAE90] =	vst v63  }
0x1ef: {  	v4 =	vor.u32 $0x5, v9;
	v26 =	vld [tilespmem:$0xAD80];
	[tilespmem:v9+s29+$0x0] =	vst.idx.msk $0xffff, v25  }
0x1f0: {  	[tilespmem:v27+s29+$0x0] =	vst.idx.msk $0xffff, v24  }
0x1f1: {  	[tilespmem:v1+s29+$0x0] =	vst.idx.msk $0xffff, v23  }
0x1f2: {  	[tilespmem:v2+s29+$0x0] =	vst.idx.msk $0xffff, v22  }
0x1f3: {  	[tilespmem:v3+s29+$0x0] =	vst.idx.msk $0xffff, v21  }
0x1f4: {  	[tilespmem:v4+s29+$0x0] =	vst.idx.msk $0xffff, v20  }
0x1f5: {  	v5 =	vld [tilespmem:$0xAD90];
	_ =	sdelay $0x1  }
0x1f6: {  	v6 =	vld [tilespmem:$0xADA0];
	_ =	sdelay $0x1  }
0x1f7: {  	v7 =	vld [tilespmem:$0xADB0]  }
0x1f8: {  	v5 =	vadd.f32 v5, v26  }
0x1f9: {  	v8 =	vld [tilespmem:$0xADC0]  }
0x1fa: {  	v5 =	vadd.f32 v6, v5  }
0x1fb: {  	v55 =	vld [tilespmem:$0xADD0]  }
0x1fc: {  	v5 =	vadd.f32 v7, v5  }
0x1fd: {  	v56 =	vld [tilespmem:$0xADE0]  }
0x1fe: {  	v5 =	vadd.f32 v8, v5  }
0x1ff: {  	v57 =	vld [tilespmem:$0xADF0]  }
0x200: {  	v5 =	vadd.f32 v55, v5  }
0x201: {  	v58 =	vld [tilespmem:$0xAE00]  }
0x202: {  	v5 =	vadd.f32 v56, v5  }
0x203: {  	v59 =	vld [tilespmem:$0xAE10]  }
0x204: {  	v5 =	vadd.f32 v57, v5  }
0x205: {  	v60 =	vld [tilespmem:$0xAE20]  }
0x206: {  	v5 =	vadd.f32 v58, v5  }
0x207: {  	v61 =	vld [tilespmem:$0xAE30]  }
0x208: {  	v5 =	vadd.f32 v59, v5  }
0x209: {  	v62 =	vld [tilespmem:$0xAE40]  }
0x20a: {  	v5 =	vadd.f32 v60, v5  }
0x20b: {  	v63 =	vld [tilespmem:$0xAE50]  }
0x20c: {  	v5 =	vadd.f32 v61, v5  }
0x20d: {  	v20 =	vld [tilespmem:$0xAE60]  }
0x20e: {  	v5 =	vadd.f32 v62, v5  }
0x20f: {  	v21 =	vld [tilespmem:$0xAE70]  }
0x210: {  	v5 =	vadd.f32 v63, v5  }
0x211: {  	v22 =	vld [tilespmem:$0xAE80]  }
0x212: {  	v5 =	vadd.f32 v20, v5;
	_ =	sdelay $0x1  }
0x213: {  	v5 =	vadd.f32 v21, v5;
	_ =	sdelay $0x1  }
0x214: {  	s15 =	sshll.u32 s1, $0x6;
	v5 =	vadd.f32 v22, v5  }
0x215: {  	s0 =	sand.u32 $0x3FFFFFC0, s15  }
0x216: {  	[tilespmem:s0+$0xA580] =	vst v5  }
0x217: {  	[tilespmem:v9+s29+$0x0] =	vst.idx.msk $0xffff, v19  }
0x218: {  	[tilespmem:v27+s29+$0x0] =	vst.idx.msk $0xffff, v18  }
0x219: {  	[tilespmem:v1+s29+$0x0] =	vst.idx.msk $0xffff, v17  }
0x21a: {  	[tilespmem:v2+s29+$0x0] =	vst.idx.msk $0xffff, v41  }
0x21b: {  	[tilespmem:v3+s29+$0x0] =	vst.idx.msk $0xffff, v38  }
0x21c: {  	[tilespmem:v4+s29+$0x0] =	vst.idx.msk $0xffff, v37  }
0x21d: {  	v5 =	vld [tilespmem:$0xAD90];
	_ =	sdelay $0x1  }
0x21e: {  	v23 =	vld [tilespmem:$0xADA0];
	_ =	sdelay $0x1  }
0x21f: {  	v24 =	vld [tilespmem:$0xADB0]  }
0x220: {  	v5 =	vadd.f32 v5, v26  }
0x221: {  	v25 =	vld [tilespmem:$0xADC0]  }
0x222: {  	v5 =	vadd.f32 v23, v5  }
0x223: {  	v28 =	vld [tilespmem:$0xADD0]  }
0x224: {  	v5 =	vadd.f32 v24, v5  }
0x225: {  	v29 =	vld [tilespmem:$0xADE0]  }
0x226: {  	v5 =	vadd.f32 v25, v5  }
0x227: {  	v32 =	vld [tilespmem:$0xADF0]  }
0x228: {  	v5 =	vadd.f32 v28, v5  }
0x229: {  	v33 =	vld [tilespmem:$0xAE00]  }
0x22a: {  	v5 =	vadd.f32 v29, v5  }
0x22b: {  	v37 =	vld [tilespmem:$0xAE10]  }
0x22c: {  	v5 =	vadd.f32 v32, v5  }
0x22d: {  	v38 =	vld [tilespmem:$0xAE20]  }
0x22e: {  	v5 =	vadd.f32 v33, v5  }
0x22f: {  	v39 =	vld [tilespmem:$0xAE30]  }
0x230: {  	v5 =	vadd.f32 v37, v5  }
0x231: {  	v40 =	vld [tilespmem:$0xAE40]  }
0x232: {  	v5 =	vadd.f32 v38, v5  }
0x233: {  	v41 =	vld [tilespmem:$0xAE50]  }
0x234: {  	v5 =	vadd.f32 v39, v5  }
0x235: {  	v42 =	vld [tilespmem:$0xAE60]  }
0x236: {  	v5 =	vadd.f32 v40, v5  }
0x237: {  	v43 =	vld [tilespmem:$0xAE70]  }
0x238: {  	v5 =	vadd.f32 v41, v5  }
0x239: {  	v44 =	vld [tilespmem:$0xAE80]  }
0x23a: {  	v5 =	vadd.f32 v42, v5;
	_ =	sdelay $0x1  }
0x23b: {  	v5 =	vadd.f32 v43, v5;
	_ =	sdelay $0x1  }
0x23c: {  	v5 =	vadd.f32 v44, v5;
	_ =	sdelay $0x1  }
0x23d: {  	[tilespmem:s0+$0xA590] =	vst v5  }
0x23e: {  	[tilespmem:v9+s29+$0x0] =	vst.idx.msk $0xffff, v36  }
0x23f: {  	[tilespmem:v27+s29+$0x0] =	vst.idx.msk $0xffff, v35  }
0x240: {  	[tilespmem:v1+s29+$0x0] =	vst.idx.msk $0xffff, v34  }
0x241: {  	[tilespmem:v2+s29+$0x0] =	vst.idx.msk $0xffff, v31  }
0x242: {  	[tilespmem:v3+s29+$0x0] =	vst.idx.msk $0xffff, v30  }
0x243: {  	[tilespmem:v4+s29+$0x0] =	vst.idx.msk $0xffff, v16  }
0x244: {  	v5 =	vld [tilespmem:$0xAD90];
	_ =	sdelay $0x1  }
0x245: {  	v45 =	vld [tilespmem:$0xADA0];
	_ =	sdelay $0x1  }
0x246: {  	v46 =	vld [tilespmem:$0xADB0]  }
0x247: {  	v5 =	vadd.f32 v5, v26  }
0x248: {  	v47 =	vld [tilespmem:$0xADC0]  }
0x249: {  	v5 =	vadd.f32 v45, v5  }
0x24a: {  	v48 =	vld [tilespmem:$0xADD0]  }
0x24b: {  	v5 =	vadd.f32 v46, v5  }
0x24c: {  	v49 =	vld [tilespmem:$0xADE0]  }
0x24d: {  	v5 =	vadd.f32 v47, v5  }
0x24e: {  	v50 =	vld [tilespmem:$0xADF0]  }
0x24f: {  	v5 =	vadd.f32 v48, v5  }
0x250: {  	v51 =	vld [tilespmem:$0xAE00]  }
0x251: {  	v5 =	vadd.f32 v49, v5  }
0x252: {  	v52 =	vld [tilespmem:$0xAE10]  }
0x253: {  	v5 =	vadd.f32 v50, v5  }
0x254: {  	v53 =	vld [tilespmem:$0xAE20]  }
0x255: {  	v5 =	vadd.f32 v51, v5  }
0x256: {  	v54 =	vld [tilespmem:$0xAE30]  }
0x257: {  	v5 =	vadd.f32 v52, v5  }
0x258: {  	v55 =	vld [tilespmem:$0xAE40]  }
0x259: {  	v5 =	vadd.f32 v53, v5  }
0x25a: {  	v56 =	vld [tilespmem:$0xAE50]  }
0x25b: {  	v5 =	vadd.f32 v54, v5  }
0x25c: {  	v57 =	vld [tilespmem:$0xAE60]  }
0x25d: {  	v5 =	vadd.f32 v55, v5  }
0x25e: {  	v58 =	vld [tilespmem:$0xAE70]  }
0x25f: {  	v5 =	vadd.f32 v56, v5  }
0x260: {  	v59 =	vld [tilespmem:$0xAE80]  }
0x261: {  	v5 =	vadd.f32 v57, v5;
	_ =	sdelay $0x1  }
0x262: {  	v5 =	vadd.f32 v58, v5;
	_ =	sdelay $0x1  }
0x263: {  	v5 =	vadd.f32 v59, v5;
	_ =	sdelay $0x1  }
0x264: {  	[tilespmem:s0+$0xA5A0] =	vst v5  }
0x265: {  	[tilespmem:v9+s29+$0x0] =	vst.idx.msk $0xffff, v15  }
0x266: {  	[tilespmem:v27+s29+$0x0] =	vst.idx.msk $0xffff, v14  }
0x267: {  	[tilespmem:v1+s29+$0x0] =	vst.idx.msk $0xffff, v13  }
0x268: {  	[tilespmem:v2+s29+$0x0] =	vst.idx.msk $0xffff, v12  }
0x269: {  	[tilespmem:v3+s29+$0x0] =	vst.idx.msk $0xffff, v11  }
0x26a: {  	[tilespmem:v4+s29+$0x0] =	vst.idx.msk $0xffff, v10  }
0x26b: {  	v1 =	vld [tilespmem:$0xAD90];
	_ =	sdelay $0x1  }
0x26c: {  	v2 =	vld [tilespmem:$0xADA0];
	_ =	sdelay $0x1  }
0x26d: {  	v3 =	vld [tilespmem:$0xADB0]  }
0x26e: {  	v1 =	vadd.f32 v1, v26  }
0x26f: {  	v4 =	vld [tilespmem:$0xADC0]  }
0x270: {  	v1 =	vadd.f32 v2, v1  }
0x271: {  	v2 =	vld [tilespmem:$0xADD0]  }
0x272: {  	v1 =	vadd.f32 v3, v1  }
0x273: {  	v3 =	vld [tilespmem:$0xADE0]  }
0x274: {  	v1 =	vadd.f32 v4, v1  }
0x275: {  	v60 =	vld [tilespmem:$0xADF0]  }
0x276: {  	v1 =	vadd.f32 v2, v1  }
0x277: {  	v2 =	vld [tilespmem:$0xAE00]  }
0x278: {  	v1 =	vadd.f32 v3, v1  }
0x279: {  	v3 =	vld [tilespmem:$0xAE10]  }
0x27a: {  	v1 =	vadd.f32 v60, v1  }
0x27b: {  	v61 =	vld [tilespmem:$0xAE20]  }
0x27c: {  	v1 =	vadd.f32 v2, v1  }
0x27d: {  	v2 =	vld [tilespmem:$0xAE30]  }
0x27e: {  	v1 =	vadd.f32 v3, v1  }
0x27f: {  	v3 =	vld [tilespmem:$0xAE40]  }
0x280: {  	v1 =	vadd.f32 v61, v1  }
0x281: {  	v62 =	vld [tilespmem:$0xAE50]  }
0x282: {  	v1 =	vadd.f32 v2, v1  }
0x283: {  	v2 =	vld [tilespmem:$0xAE60]  }
0x284: {  	v1 =	vadd.f32 v3, v1  }
0x285: {  	v3 =	vld [tilespmem:$0xAE70]  }
0x286: {  	v1 =	vadd.f32 v62, v1  }
0x287: {  	v63 =	vld [tilespmem:$0xAE80]  }
0x288: {  	s1 =	sadd.s32 $0x1, s1;
	v1 =	vadd.f32 v2, v1  }
0x289: {  	p0 =	sne.s32 s1, $0x20  }
.Ltmp1:
0x28a: {  	v1 =	vadd.f32 v3, v1;
	(pc) =	sbr.rel @p0 .LBB2_2-.Ltmp1, $3  }
0x28b: {  	_ = 	snop  }
0x28c: {  	v1 =	vadd.f32 v63, v1;
	_ =	sdelay $0x1  }
0x28d: {  	[tilespmem:s0+$0xA5B0] =	vst v1  }
0x28e: {  	s31 =	sadd.s32 $0x1, s31  }
0x28f: {  	p0 =	sne.s32 s31, s8  }
.Ltmp2:
0x290: {  	_ = 	snop;
	(pc) =	sbr.rel @p0 .LBB2_1-.Ltmp2, $4  }
0x291: {  	[hbm4b:s7+s3] =	stream.linear.scatter [tilespmem:s30], [sflag:$0x3], $0x800, $0x38;
	[tilespmem:$0xAE90] =	vst v63  }
0x292: {  	_ =	swait.ge [sflag:s9], $0x800  }
0x293: {  	[sflag:s9] =	ssyncset.done $0x0  }
0x294: {  	[sflag:s9] =	ssyncadd.s32 $0xFFFFF800  }
0x295: {  	_ =	sfence.sel $0x180000  }
0x296: {  	[bflag:$0x0] =	sbarrier.arrive $0xFFFF  }
0x297: {  	_ =	strace $0x90000047  }
0x298: {  	s0 =	stileid.u32;
	[bflag:$0x2] =	sbarrier.arrive $0xFFFF  }
0x299: {  	p0 =	sne.s32 s0, $0x0;
	s0 =	rddreg [dreg:$0x2]  }
0x29a: {  	s0 =	sadd.s32 @!p0 $0x100000, s0  }
0x29b: {  	[sflag:s0] =	ssyncadd.tile.s32 @!p0 $0x1;
	_ =	shalt  }
.Lfunc_end2:
_tile_overlayer_lowered:
.L_overlay_start_2:
0x29c: {  	(tag) =	ssettag $0x2  }
0x29d: {  	s0 =	rddreg [dreg:$0x0];
	s2 =	stileid.u32  }
0x29e: {  	s1 =	rddreg [dreg:$0x1];
	p0 =	sne.s32 s2, $0x0  }
0x29f: {  	s3 =	rddreg [dreg:$0x2];
	[bflag:$0x3] =	sbarrier.arrive $0xFFFF;
	s2 =	simm.s32 @!p0 $0x1C03  }
0x2a0: {  	[timem:s3], [sflag:s2] =	dma.local @!p0 [hbm:s0], s1  }
0x2a1: {  	s0 =	simm.s32 @!p0 $0x3  }
0x2a2: {  	_ =	swait.ge @!p0 [sflag:s0], s1  }
0x2a3: {  	s1 =	ssub.s32 @!p0 $0x0, s1;
	[sflag:s0] =	ssyncset.done @!p0 $0x0  }
0x2a4: {  	[sflag:s0] =	ssyncadd.s32 @!p0 s1  }
0x2a5: {  	[bflag:$0x3] =	sbarrier.arrive $0xFFFF  }
0x2a6: {  	_ =	shalt  }

</sc_bundles>
